<compile_context>
chip_gen: v7x
topology: tpu7x:2x2x1
jax: 0.10.2.dev20260603
libtpu: 0.0.44.dev20260713+nightly
codegen_flags: <defaults>
</compile_context>

<pallas_src>
import functools

import jax
import jax.numpy as jnp
from jax import lax
from jax.experimental import pallas as pl
from jax.experimental.pallas import tpu as pltpu
from jax.experimental.pallas import tpu_sc as plsc

N = 10000
E = 320000
D = 128
L = 16
CE = 64
NCHUNK = E // CE
NC = 2
NS = 16
NW = NC * NS
NP = 10240
RPT = NP // NS
PUB = 624
NEG_SLOPE = 0.2


def _mm_body(x_ref, ws_ref, wd_ref, hs_ref, hd_ref):
    xb = x_ref[...]
    hs_ref[...] = jnp.dot(xb, ws_ref[...], preferred_element_type=jnp.float32)
    hd_ref[...] = jnp.dot(xb, wd_ref[...], preferred_element_type=jnp.float32)


def _project(x, W_src, W_dst):
    bm = 1000
    return pl.pallas_call(
        _mm_body,
        grid=(N // bm,),
        in_specs=[
            pl.BlockSpec((bm, D), lambda i: (i, 0)),
            pl.BlockSpec((D, D), lambda i: (0, 0)),
            pl.BlockSpec((D, D), lambda i: (0, 0)),
        ],
        out_specs=[
            pl.BlockSpec((bm, D), lambda i: (i, 0)),
            pl.BlockSpec((bm, D), lambda i: (i, 0)),
        ],
        out_shape=[
            jax.ShapeDtypeStruct((N, D), jnp.float32),
            jax.ShapeDtypeStruct((N, D), jnp.float32),
        ],
    )(x, W_src, W_dst)


def _sc_edge_kernel(hs_hbm, hd_hbm, src_hbm, dst_hbm, att_hbm,
                    out_hbm, den_hbm,
                    sidx0, sidx1, didx0, didx1, hsb0, hsb1, hdb0, hdb1,
                    attb, den, S, semg0, semg1, sems0, sems1):
    cid = lax.axis_index("c")
    sid = lax.axis_index("s")
    wid = sid * NC + cid
    sidx = (sidx0, sidx1)
    didx = (didx0, didx1)
    hsb = (hsb0, hsb1)
    hdb = (hdb0, hdb1)
    semg = (semg0, semg1)
    sems = (sems0, sems1)

    pltpu.sync_copy(att_hbm, attb)
    attv = [attb[pl.ds(j * L, L)] for j in range(D // L)]

    def _zden(r, _):
        den[pl.ds(r * L, L)] = jnp.zeros((L,), jnp.float32)
        return 0
    lax.fori_loop(0, NP // L, _zden, 0)

    def _zrow(r, _):
        for j in range(D // L):
            hsb0[r, pl.ds(j * L, L)] = jnp.zeros((L,), jnp.float32)
        return 0
    lax.fori_loop(0, CE, _zrow, 0)
    row0 = pl.multiple_of(sid * RPT, CE)
    for i in range(RPT // CE):
        pltpu.sync_copy(hsb0, S.at[pl.ds(row0 + i * CE, CE)])
    plsc.subcore_barrier()

    zero16 = jnp.zeros((L,), jnp.float32)
    lane_iota = lax.iota(jnp.int32, L)
    lane0 = lane_iota == 0

    def _make_edge(b):
        def _edge(c):
            hsv = []
            acc = zero16
            for j in range(D // L):
                hs_j = hsb[b][c, pl.ds(j * L, L)]
                hd_j = hdb[b][c, pl.ds(j * L, L)]
                hsv.append(hs_j)
                v = hs_j + hd_j
                lrelu = jnp.maximum(v, NEG_SLOPE * v)
                acc = acc + lrelu * attv[j]
            for k in (8, 4, 2, 1):
                perm = lane_iota ^ k
                acc = acc + jnp.take_along_axis(
                    acc, perm, axis=0, mode="promise_in_bounds")
            exv = jnp.exp(acc)
            for j in range(D // L):
                hsb[b][c, pl.ds(j * L, L)] = hsv[j] * exv
            dvec = plsc.load_gather(
                didx[b], [jnp.full((L,), 0, jnp.int32) + c])
            plsc.addupdate_scatter(den, [dvec], exv, mask=lane0)
        return _edge

    nch = (NCHUNK - wid + NW - 1) // NW

    def _prefetch(b, t):
        base = (wid + t * NW) * CE
        pltpu.sync_copy(src_hbm.at[pl.ds(base, CE)], sidx[b])
        pltpu.sync_copy(dst_hbm.at[pl.ds(base, CE)], didx[b])
        pltpu.async_copy(hs_hbm.at[sidx[b]], hsb[b], semg[b])
        pltpu.async_copy(hd_hbm.at[didx[b]], hdb[b], semg[b])

    _prefetch(0, jnp.int32(0))

    npairs = (nch + 1) // 2

    def _pair(p, _):
        for b in (0, 1):
            t = p * 2 + b
            nb = 1 - b

            @pl.when(t < nch)
            def _do():
                @pl.when(t + 1 < nch)
                def _pref():
                    @pl.when(t >= 1)
                    def _wsc():
                        pltpu.make_async_copy(
                            hsb[nb], S.at[didx[nb]], sems[nb]).wait()
                    _prefetch(nb, t + 1)

                pltpu.make_async_copy(
                    hs_hbm.at[sidx[b]], hsb[b], semg[b]).wait()
                pltpu.make_async_copy(
                    hd_hbm.at[didx[b]], hdb[b], semg[b]).wait()
                plsc.parallel_loop(0, CE, unroll=3)(_make_edge(b))
                pltpu.async_copy(hsb[b], S.at[didx[b]], sems[b], add=True)
        return 0

    lax.fori_loop(0, npairs, _pair, 0)
    for b in (0, 1):
        pltpu.make_async_copy(hsb[b], S.at[didx[b]], sems[b]).wait()
    plsc.subcore_barrier()

    @pl.when(sid < NS - 1)
    def _pub_main():
        b = pl.multiple_of(sid * PUB, 8)
        pltpu.sync_copy(S.at[pl.ds(b, PUB)], out_hbm.at[cid, pl.ds(b, PUB)])

    @pl.when(sid == NS - 1)
    def _pub_last():
        b = (NS - 1) * PUB
        nlast = N - b
        pltpu.sync_copy(S.at[pl.ds(b, nlast)], out_hbm.at[cid, pl.ds(b, nlast)])

    pltpu.sync_copy(den, den_hbm.at[cid, sid])


def _sc_edge(hs, hd, src, dst, att):
    mesh = plsc.VectorSubcoreMesh(core_axis_name="c", subcore_axis_name="s")
    f = functools.partial(
        pl.kernel,
        out_type=(
            jax.ShapeDtypeStruct((NC, N, D), jnp.float32),
            jax.ShapeDtypeStruct((NC, NS, NP), jnp.float32),
        ),
        mesh=mesh,
        compiler_params=pltpu.CompilerParams(needs_layout_passes=False),
        scratch_types=[
            pltpu.VMEM((CE,), jnp.int32),
            pltpu.VMEM((CE,), jnp.int32),
            pltpu.VMEM((CE,), jnp.int32),
            pltpu.VMEM((CE,), jnp.int32),
            pltpu.VMEM((CE, D), jnp.float32),
            pltpu.VMEM((CE, D), jnp.float32),
            pltpu.VMEM((CE, D), jnp.float32),
            pltpu.VMEM((CE, D), jnp.float32),
            pltpu.VMEM((D,), jnp.float32),
            pltpu.VMEM((NP,), jnp.float32),
            pltpu.VMEM_SHARED((NP, D), jnp.float32),
            pltpu.SemaphoreType.DMA,
            pltpu.SemaphoreType.DMA,
            pltpu.SemaphoreType.DMA,
            pltpu.SemaphoreType.DMA,
        ],
    )(_sc_edge_kernel)
    return f(hs, hd, src, dst, att)


def _combine_body(s_ref, d_ref, b_ref, o_ref):
    s = s_ref[...]
    tot = s[0] + s[1]
    ones = jnp.ones((NW, D), jnp.float32)
    den = jnp.dot(d_ref[...], ones, preferred_element_type=jnp.float32)
    o_ref[...] = tot / (den + 1e-16) + b_ref[...]


def _combine(Sext, den_t, bias2d):
    bm = 1000
    return pl.pallas_call(
        _combine_body,
        grid=(N // bm,),
        in_specs=[
            pl.BlockSpec((NC, bm, D), lambda i: (0, i, 0)),
            pl.BlockSpec((bm, NW), lambda i: (i, 0)),
            pl.BlockSpec((1, D), lambda i: (0, 0)),
        ],
        out_specs=pl.BlockSpec((bm, D), lambda i: (i, 0)),
        out_shape=jax.ShapeDtypeStruct((N, D), jnp.float32),
    )(Sext, den_t, bias2d)


def kernel(x, edge_index, W_src, W_dst, att, bias):
    hs, hd = _project(x, W_src, W_dst)
    src = edge_index[0]
    dst = edge_index[1]
    Sext, den = _sc_edge(hs, hd, src, dst, att)
    den_t = den.reshape(NW, NP)[:, :N].T
    return _combine(Sext, den_t, bias.reshape(1, D))

# --- scband reference (transcript-rebuilt; emitter-appended) ---
"""Pipeline reference for scband-lrpgatv2-conv-19035295056437 (READ-ONLY COPY).

The authoritative reference and input builder live on the scoring server;
editing this copy changes nothing except your own understanding.
"""

import jax, jax.numpy as jnp
import numpy as np

N = 10000
E = 320000
D = 128


def setup_inputs(seed: int = 0) -> dict:
    key = jax.random.key(seed)
    k1, k2, k3, k4, k5 = jax.random.split(key, 5)
    x = jax.random.normal(k1, (N, D), dtype=jnp.float32)
    edge_index = jax.random.randint(k2, (2, E), 0, N, dtype=jnp.int32)
    scale = 1.0 / np.sqrt(D)
    W_src = jax.random.normal(k3, (D, D), dtype=jnp.float32) * scale
    W_dst = jax.random.normal(k4, (D, D), dtype=jnp.float32) * scale
    att = jax.random.normal(k5, (D,), dtype=jnp.float32) * scale
    bias = jnp.zeros((D,), dtype=jnp.float32)
    return {"x": x, "edge_index": edge_index, "W_src": W_src, "W_dst": W_dst, "att": att, "bias": bias}


def reference(x, edge_index, W_src, W_dst, att, bias):
    # GATv2Conv forward (heads=1), as wrapped by LRPGATv2Conv.
    # The LRP autograd_fn is identity on the forward pass; it only modifies
    # the backward relevance propagation, so forward math is the plain module.
    src = edge_index[0]
    dst = edge_index[1]
    h_src = x @ W_src                                   # [N, D]
    h_dst = x @ W_dst                                   # [N, D]
    # GATv2 attention: score = att . LeakyReLU(h_src[j] + h_dst[i])
    z = jax.nn.leaky_relu(h_src[src] + h_dst[dst], negative_slope=0.2)  # [E, D] gather
    e = z @ att                                         # [E]
    # segment softmax over incoming edges of each dst node
    m = jax.ops.segment_max(e, dst, num_segments=N)
    m = jnp.where(jnp.isfinite(m), m, 0.0)
    ex = jnp.exp(e - m[dst])
    denom = jax.ops.segment_sum(ex, dst, num_segments=N)
    alpha = ex / (denom[dst] + 1e-16)                   # [E]
    # weighted scatter-add of source features to dst nodes
    out = jax.ops.segment_sum(alpha[:, None] * h_src[src], dst, num_segments=N)  # [N, D]
    return out + bias

if __name__ == "__main__":
    import jax
    _d = setup_inputs()
    print(jax.jit(kernel)(*tuple(_d.values())))

</pallas_src>

<mosaic_0001>
#map = affine_map<(d0, d1) -> (0, 0)>
#map1 = affine_map<(d0, d1) -> (0)>
#map2 = affine_map<(d0, d1) -> (0, 0, 0)>
module attributes {stable_mosaic.version = 14 : i64} {
  func.func @_sc_edge_kernel(%arg0: i32, %arg1: i32, %arg2: memref<10000x128xf32, #tpu.memory_space<hbm>>, %arg3: memref<10000x128xf32, #tpu.memory_space<hbm>>, %arg4: memref<320000xi32, #tpu.memory_space<hbm>>, %arg5: memref<320000xi32, #tpu.memory_space<hbm>>, %arg6: memref<128xf32, #tpu.memory_space<hbm>>, %arg7: memref<2x10000x128xf32, #tpu.memory_space<hbm>>, %arg8: memref<2x16x10240xf32, #tpu.memory_space<hbm>>, %arg9: memref<64xi32, #tpu.memory_space<vmem>>, %arg10: memref<64xi32, #tpu.memory_space<vmem>>, %arg11: memref<64xi32, #tpu.memory_space<vmem>>, %arg12: memref<64xi32, #tpu.memory_space<vmem>>, %arg13: memref<64x128xf32, #tpu.memory_space<vmem>>, %arg14: memref<64x128xf32, #tpu.memory_space<vmem>>, %arg15: memref<64x128xf32, #tpu.memory_space<vmem>>, %arg16: memref<64x128xf32, #tpu.memory_space<vmem>>, %arg17: memref<128xf32, #tpu.memory_space<vmem>>, %arg18: memref<10240xf32, #tpu.memory_space<vmem>>, %arg19: memref<10240x128xf32, #tpu.memory_space<vmem_shared>>, %arg20: memref<!tpu.dma_semaphore, #tpu.memory_space<semaphore_mem>>, %arg21: memref<!tpu.dma_semaphore, #tpu.memory_space<semaphore_mem>>, %arg22: memref<!tpu.dma_semaphore, #tpu.memory_space<semaphore_mem>>, %arg23: memref<!tpu.dma_semaphore, #tpu.memory_space<semaphore_mem>>) attributes {dimension_semantics = [#tpu.dimension_semantics<core_parallel>, #tpu.dimension_semantics<subcore_parallel>], iteration_bounds = array<i64: 2, 16>, scalar_prefetch = 0 : i64, scratch_operands = 15 : i64, tpu.core_type = #tpu.core_type<sc_vector_subcore>, window_params = [{transform_indices = #map}, {transform_indices = #map}, {transform_indices = #map1}, {transform_indices = #map1}, {transform_indices = #map1}, {transform_indices = #map2}, {transform_indices = #map2}]} {
    %mul3A = arith.constant 2 : i32
    %mul3A_0 = arith.muli %arg1, %mul3A : i32
    %add3A = arith.addi %mul3A_0, %arg0 : i32
    "tpu.region"() ({
      %run_scoped3A = tpu.sem_alloc : memref<!tpu.dma_semaphore, #tpu.memory_space<semaphore_mem>>
      tpu.enqueue_dma source(%arg6 : memref<128xf32, #tpu.memory_space<hbm>>) target(%arg17 : memref<128xf32, #tpu.memory_space<vmem>>) target_semaphore(%run_scoped3A : memref<!tpu.dma_semaphore, #tpu.memory_space<semaphore_mem>>)
      tpu.wait_dma2 semaphore(%run_scoped3A : memref<!tpu.dma_semaphore, #tpu.memory_space<semaphore_mem>>) src(%arg6 : memref<128xf32, #tpu.memory_space<hbm>>) dst(%arg17 : memref<128xf32, #tpu.memory_space<vmem>>)
      tpu.yield
    }) : () -> ()
    %get3A = arith.constant 0 : index
    %get3A_1 = tpu.vector_load %arg17[%get3A] {strides = array<i32>} : memref<128xf32, #tpu.memory_space<vmem>>, vector<16xf32>,
    %get3A_2 = arith.constant 16 : index
    %get3A_3 = tpu.vector_load %arg17[%get3A_2] {strides = array<i32>} : memref<128xf32, #tpu.memory_space<vmem>>, vector<16xf32>,
    %get3A_4 = arith.constant 32 : index
    %get3A_5 = tpu.vector_load %arg17[%get3A_4] {strides = array<i32>} : memref<128xf32, #tpu.memory_space<vmem>>, vector<16xf32>,
    %get3A_6 = arith.constant 48 : index
    %get3A_7 = tpu.vector_load %arg17[%get3A_6] {strides = array<i32>} : memref<128xf32, #tpu.memory_space<vmem>>, vector<16xf32>,
    %get3A_8 = arith.constant 64 : index
    %get3A_9 = tpu.vector_load %arg17[%get3A_8] {strides = array<i32>} : memref<128xf32, #tpu.memory_space<vmem>>, vector<16xf32>,
    %get3A_10 = arith.constant 80 : index
    %get3A_11 = tpu.vector_load %arg17[%get3A_10] {strides = array<i32>} : memref<128xf32, #tpu.memory_space<vmem>>, vector<16xf32>,
    %get3A_12 = arith.constant 96 : index
    %get3A_13 = tpu.vector_load %arg17[%get3A_12] {strides = array<i32>} : memref<128xf32, #tpu.memory_space<vmem>>, vector<16xf32>,
    %get3A_14 = arith.constant 112 : index
    %get3A_15 = tpu.vector_load %arg17[%get3A_14] {strides = array<i32>} : memref<128xf32, #tpu.memory_space<vmem>>, vector<16xf32>,
    %scan3A = arith.constant 0 : i32
    %scan3A_16 = arith.constant 0 : i32
    %scan3A_17 = arith.constant 640 : i32
    %scan3A_18 = arith.addi %scan3A_16, %scan3A_17 : i32
    %scan3A_19 = arith.constant 1 : i32
    %scan3A_20 = scf.for %scan3A_137 = %scan3A_16 to %scan3A_18 step %scan3A_19 iter_args(%scan3A_138 = %scan3A) -> (i32)  : i32 {
      %broadcast_in_dim3A_139 = arith.constant 0.000000e+00 : f32
      %broadcast_in_dim3A_140 = vector.broadcast %broadcast_in_dim3A_139 : f32 to vector<16xf32>
      %mul3A_141 = arith.constant 16 : i32
      %mul3A_142 = arith.muli %scan3A_137, %mul3A_141 : i32
      %swap3A = arith.index_cast %mul3A_142 : i32 to index
      %swap3A_143 = tpu.vector_load %arg18[%swap3A] {strides = array<i32>} : memref<10240xf32, #tpu.memory_space<vmem>>, vector<16xf32>,
      tpu.vector_store %arg18[%swap3A], %broadcast_in_dim3A_140 {strides = array<i32>} : memref<10240xf32, #tpu.memory_space<vmem>>, vector<16xf32>,
      %scan3A_144 = arith.constant 0 : i32
      scf.yield %scan3A_144 : i32
    }
    %scan3A_21 = arith.constant 640 : i32
    %scan3A_22 = arith.constant 0 : i32
    %scan3A_23 = arith.constant 0 : i32
    %scan3A_24 = arith.constant 64 : i32
    %scan3A_25 = arith.addi %scan3A_23, %scan3A_24 : i32
    %scan3A_26 = arith.constant 1 : i32
    %scan3A_27 = scf.for %scan3A_137 = %scan3A_23 to %scan3A_25 step %scan3A_26 iter_args(%scan3A_138 = %scan3A_22) -> (i32)  : i32 {
      %broadcast_in_dim3A_139 = arith.constant 0.000000e+00 : f32
      %broadcast_in_dim3A_140 = vector.broadcast %broadcast_in_dim3A_139 : f32 to vector<16xf32>
      %swap3A = arith.index_cast %scan3A_137 : i32 to index
      %swap3A_141 = arith.constant 0 : index
      %swap3A_142 = tpu.vector_load %arg13[%swap3A, %swap3A_141] {strides = array<i32>} : memref<64x128xf32, #tpu.memory_space<vmem>>, vector<16xf32>,
      tpu.vector_store %arg13[%swap3A, %swap3A_141], %broadcast_in_dim3A_140 {strides = array<i32>} : memref<64x128xf32, #tpu.memory_space<vmem>>, vector<16xf32>,
      %broadcast_in_dim3A_143 = arith.constant 0.000000e+00 : f32
      %broadcast_in_dim3A_144 = vector.broadcast %broadcast_in_dim3A_143 : f32 to vector<16xf32>
      %swap3A_145 = arith.index_cast %scan3A_137 : i32 to index
      %swap3A_146 = arith.constant 16 : index
      %swap3A_147 = tpu.vector_load %arg13[%swap3A_145, %swap3A_146] {strides = array<i32>} : memref<64x128xf32, #tpu.memory_space<vmem>>, vector<16xf32>,
      tpu.vector_store %arg13[%swap3A_145, %swap3A_146], %broadcast_in_dim3A_144 {strides = array<i32>} : memref<64x128xf32, #tpu.memory_space<vmem>>, vector<16xf32>,
      %broadcast_in_dim3A_148 = arith.constant 0.000000e+00 : f32
      %broadcast_in_dim3A_149 = vector.broadcast %broadcast_in_dim3A_148 : f32 to vector<16xf32>
      %swap3A_150 = arith.index_cast %scan3A_137 : i32 to index
      %swap3A_151 = arith.constant 32 : index
      %swap3A_152 = tpu.vector_load %arg13[%swap3A_150, %swap3A_151] {strides = array<i32>} : memref<64x128xf32, #tpu.memory_space<vmem>>, vector<16xf32>,
      tpu.vector_store %arg13[%swap3A_150, %swap3A_151], %broadcast_in_dim3A_149 {strides = array<i32>} : memref<64x128xf32, #tpu.memory_space<vmem>>, vector<16xf32>,
      %broadcast_in_dim3A_153 = arith.constant 0.000000e+00 : f32
      %broadcast_in_dim3A_154 = vector.broadcast %broadcast_in_dim3A_153 : f32 to vector<16xf32>
      %swap3A_155 = arith.index_cast %scan3A_137 : i32 to index
      %swap3A_156 = arith.constant 48 : index
      %swap3A_157 = tpu.vector_load %arg13[%swap3A_155, %swap3A_156] {strides = array<i32>} : memref<64x128xf32, #tpu.memory_space<vmem>>, vector<16xf32>,
      tpu.vector_store %arg13[%swap3A_155, %swap3A_156], %broadcast_in_dim3A_154 {strides = array<i32>} : memref<64x128xf32, #tpu.memory_space<vmem>>, vector<16xf32>,
      %broadcast_in_dim3A_158 = arith.constant 0.000000e+00 : f32
      %broadcast_in_dim3A_159 = vector.broadcast %broadcast_in_dim3A_158 : f32 to vector<16xf32>
      %swap3A_160 = arith.index_cast %scan3A_137 : i32 to index
      %swap3A_161 = arith.constant 64 : index
      %swap3A_162 = tpu.vector_load %arg13[%swap3A_160, %swap3A_161] {strides = array<i32>} : memref<64x128xf32, #tpu.memory_space<vmem>>, vector<16xf32>,
      tpu.vector_store %arg13[%swap3A_160, %swap3A_161], %broadcast_in_dim3A_159 {strides = array<i32>} : memref<64x128xf32, #tpu.memory_space<vmem>>, vector<16xf32>,
      %broadcast_in_dim3A_163 = arith.constant 0.000000e+00 : f32
      %broadcast_in_dim3A_164 = vector.broadcast %broadcast_in_dim3A_163 : f32 to vector<16xf32>
      %swap3A_165 = arith.index_cast %scan3A_137 : i32 to index
      %swap3A_166 = arith.constant 80 : index
      %swap3A_167 = tpu.vector_load %arg13[%swap3A_165, %swap3A_166] {strides = array<i32>} : memref<64x128xf32, #tpu.memory_space<vmem>>, vector<16xf32>,
      tpu.vector_store %arg13[%swap3A_165, %swap3A_166], %broadcast_in_dim3A_164 {strides = array<i32>} : memref<64x128xf32, #tpu.memory_space<vmem>>, vector<16xf32>,
      %broadcast_in_dim3A_168 = arith.constant 0.000000e+00 : f32
      %broadcast_in_dim3A_169 = vector.broadcast %broadcast_in_dim3A_168 : f32 to vector<16xf32>
      %swap3A_170 = arith.index_cast %scan3A_137 : i32 to index
      %swap3A_171 = arith.constant 96 : index
      %swap3A_172 = tpu.vector_load %arg13[%swap3A_170, %swap3A_171] {strides = array<i32>} : memref<64x128xf32, #tpu.memory_space<vmem>>, vector<16xf32>,
      tpu.vector_store %arg13[%swap3A_170, %swap3A_171], %broadcast_in_dim3A_169 {strides = array<i32>} : memref<64x128xf32, #tpu.memory_space<vmem>>, vector<16xf32>,
      %broadcast_in_dim3A_173 = arith.constant 0.000000e+00 : f32
      %broadcast_in_dim3A_174 = vector.broadcast %broadcast_in_dim3A_173 : f32 to vector<16xf32>
      %swap3A_175 = arith.index_cast %scan3A_137 : i32 to index
      %swap3A_176 = arith.constant 112 : index
      %swap3A_177 = tpu.vector_load %arg13[%swap3A_175, %swap3A_176] {strides = array<i32>} : memref<64x128xf32, #tpu.memory_space<vmem>>, vector<16xf32>,
      tpu.vector_store %arg13[%swap3A_175, %swap3A_176], %broadcast_in_dim3A_174 {strides = array<i32>} : memref<64x128xf32, #tpu.memory_space<vmem>>, vector<16xf32>,
      %scan3A_178 = arith.constant 0 : i32
      scf.yield %scan3A_178 : i32
    }
    %scan3A_28 = arith.constant 64 : i32
    %mul3A_29 = arith.constant 640 : i32
    %mul3A_30 = arith.muli %arg1, %mul3A_29 : i32
    %multiple_of3A = tpu.assume_multiple %mul3A_30, 64 : i32
    %add3A_31 = arith.constant 0 : i32
    %add3A_32 = arith.addi %multiple_of3A, %add3A_31 : i32
    "tpu.region"() ({
      %run_scoped3A = tpu.sem_alloc : memref<!tpu.dma_semaphore, #tpu.memory_space<semaphore_mem>>
      %dma_start3A_137 = arith.constant 0 : i32
      %dma_start3A_138 = tpu.memref_slice %arg19[%add3A_32, %dma_start3A_137] : memref<10240x128xf32, #tpu.memory_space<vmem_shared>> -> memref<64x128xf32, #tpu.memory_space<vmem_shared>>
      %dma_start3A_139 = arith.constant 0 : i32
      %dma_start3A_140 = tpu.memref_slice %arg19[%add3A_32, %dma_start3A_139] : memref<10240x128xf32, #tpu.memory_space<vmem_shared>> -> memref<64x128xf32, #tpu.memory_space<vmem_shared>>
      tpu.enqueue_dma source(%arg13 : memref<64x128xf32, #tpu.memory_space<vmem>>) target(%dma_start3A_140 : memref<64x128xf32, #tpu.memory_space<vmem_shared>>) target_semaphore(%run_scoped3A : memref<!tpu.dma_semaphore, #tpu.memory_space<semaphore_mem>>)
      %dma_wait3A_141 = arith.constant 0 : i32
      %dma_wait3A_142 = tpu.memref_slice %arg19[%add3A_32, %dma_wait3A_141] : memref<10240x128xf32, #tpu.memory_space<vmem_shared>> -> memref<64x128xf32, #tpu.memory_space<vmem_shared>>
      %dma_wait3A_143 = arith.constant 0 : i32
      %dma_wait3A_144 = tpu.memref_slice %arg19[%add3A_32, %dma_wait3A_143] : memref<10240x128xf32, #tpu.memory_space<vmem_shared>> -> memref<64x128xf32, #tpu.memory_space<vmem_shared>>
      tpu.wait_dma2 semaphore(%run_scoped3A : memref<!tpu.dma_semaphore, #tpu.memory_space<semaphore_mem>>) src(%arg13 : memref<64x128xf32, #tpu.memory_space<vmem>>) dst(%dma_wait3A_144 : memref<64x128xf32, #tpu.memory_space<vmem_shared>>)
      tpu.yield
    }) : () -> ()
    %add3A_33 = arith.constant 64 : i32
    %add3A_34 = arith.addi %multiple_of3A, %add3A_33 : i32
    "tpu.region"() ({
      %run_scoped3A = tpu.sem_alloc : memref<!tpu.dma_semaphore, #tpu.memory_space<semaphore_mem>>
      %dma_start3A_137 = arith.constant 0 : i32
      %dma_start3A_138 = tpu.memref_slice %arg19[%add3A_34, %dma_start3A_137] : memref<10240x128xf32, #tpu.memory_space<vmem_shared>> -> memref<64x128xf32, #tpu.memory_space<vmem_shared>>
      %dma_start3A_139 = arith.constant 0 : i32
      %dma_start3A_140 = tpu.memref_slice %arg19[%add3A_34, %dma_start3A_139] : memref<10240x128xf32, #tpu.memory_space<vmem_shared>> -> memref<64x128xf32, #tpu.memory_space<vmem_shared>>
      tpu.enqueue_dma source(%arg13 : memref<64x128xf32, #tpu.memory_space<vmem>>) target(%dma_start3A_140 : memref<64x128xf32, #tpu.memory_space<vmem_shared>>) target_semaphore(%run_scoped3A : memref<!tpu.dma_semaphore, #tpu.memory_space<semaphore_mem>>)
      %dma_wait3A_141 = arith.constant 0 : i32
      %dma_wait3A_142 = tpu.memref_slice %arg19[%add3A_34, %dma_wait3A_141] : memref<10240x128xf32, #tpu.memory_space<vmem_shared>> -> memref<64x128xf32, #tpu.memory_space<vmem_shared>>
      %dma_wait3A_143 = arith.constant 0 : i32
      %dma_wait3A_144 = tpu.memref_slice %arg19[%add3A_34, %dma_wait3A_143] : memref<10240x128xf32, #tpu.memory_space<vmem_shared>> -> memref<64x128xf32, #tpu.memory_space<vmem_shared>>
      tpu.wait_dma2 semaphore(%run_scoped3A : memref<!tpu.dma_semaphore, #tpu.memory_space<semaphore_mem>>) src(%arg13 : memref<64x128xf32, #tpu.memory_space<vmem>>) dst(%dma_wait3A_144 : memref<64x128xf32, #tpu.memory_space<vmem_shared>>)
      tpu.yield
    }) : () -> ()
    %add3A_35 = arith.constant 128 : i32
    %add3A_36 = arith.addi %multiple_of3A, %add3A_35 : i32
    "tpu.region"() ({
      %run_scoped3A = tpu.sem_alloc : memref<!tpu.dma_semaphore, #tpu.memory_space<semaphore_mem>>
      %dma_start3A_137 = arith.constant 0 : i32
      %dma_start3A_138 = tpu.memref_slice %arg19[%add3A_36, %dma_start3A_137] : memref<10240x128xf32, #tpu.memory_space<vmem_shared>> -> memref<64x128xf32, #tpu.memory_space<vmem_shared>>
      %dma_start3A_139 = arith.constant 0 : i32
      %dma_start3A_140 = tpu.memref_slice %arg19[%add3A_36, %dma_start3A_139] : memref<10240x128xf32, #tpu.memory_space<vmem_shared>> -> memref<64x128xf32, #tpu.memory_space<vmem_shared>>
      tpu.enqueue_dma source(%arg13 : memref<64x128xf32, #tpu.memory_space<vmem>>) target(%dma_start3A_140 : memref<64x128xf32, #tpu.memory_space<vmem_shared>>) target_semaphore(%run_scoped3A : memref<!tpu.dma_semaphore, #tpu.memory_space<semaphore_mem>>)
      %dma_wait3A_141 = arith.constant 0 : i32
      %dma_wait3A_142 = tpu.memref_slice %arg19[%add3A_36, %dma_wait3A_141] : memref<10240x128xf32, #tpu.memory_space<vmem_shared>> -> memref<64x128xf32, #tpu.memory_space<vmem_shared>>
      %dma_wait3A_143 = arith.constant 0 : i32
      %dma_wait3A_144 = tpu.memref_slice %arg19[%add3A_36, %dma_wait3A_143] : memref<10240x128xf32, #tpu.memory_space<vmem_shared>> -> memref<64x128xf32, #tpu.memory_space<vmem_shared>>
      tpu.wait_dma2 semaphore(%run_scoped3A : memref<!tpu.dma_semaphore, #tpu.memory_space<semaphore_mem>>) src(%arg13 : memref<64x128xf32, #tpu.memory_space<vmem>>) dst(%dma_wait3A_144 : memref<64x128xf32, #tpu.memory_space<vmem_shared>>)
      tpu.yield
    }) : () -> ()
    %add3A_37 = arith.constant 192 : i32
    %add3A_38 = arith.addi %multiple_of3A, %add3A_37 : i32
    "tpu.region"() ({
      %run_scoped3A = tpu.sem_alloc : memref<!tpu.dma_semaphore, #tpu.memory_space<semaphore_mem>>
      %dma_start3A_137 = arith.constant 0 : i32
      %dma_start3A_138 = tpu.memref_slice %arg19[%add3A_38, %dma_start3A_137] : memref<10240x128xf32, #tpu.memory_space<vmem_shared>> -> memref<64x128xf32, #tpu.memory_space<vmem_shared>>
      %dma_start3A_139 = arith.constant 0 : i32
      %dma_start3A_140 = tpu.memref_slice %arg19[%add3A_38, %dma_start3A_139] : memref<10240x128xf32, #tpu.memory_space<vmem_shared>> -> memref<64x128xf32, #tpu.memory_space<vmem_shared>>
      tpu.enqueue_dma source(%arg13 : memref<64x128xf32, #tpu.memory_space<vmem>>) target(%dma_start3A_140 : memref<64x128xf32, #tpu.memory_space<vmem_shared>>) target_semaphore(%run_scoped3A : memref<!tpu.dma_semaphore, #tpu.memory_space<semaphore_mem>>)
      %dma_wait3A_141 = arith.constant 0 : i32
      %dma_wait3A_142 = tpu.memref_slice %arg19[%add3A_38, %dma_wait3A_141] : memref<10240x128xf32, #tpu.memory_space<vmem_shared>> -> memref<64x128xf32, #tpu.memory_space<vmem_shared>>
      %dma_wait3A_143 = arith.constant 0 : i32
      %dma_wait3A_144 = tpu.memref_slice %arg19[%add3A_38, %dma_wait3A_143] : memref<10240x128xf32, #tpu.memory_space<vmem_shared>> -> memref<64x128xf32, #tpu.memory_space<vmem_shared>>
      tpu.wait_dma2 semaphore(%run_scoped3A : memref<!tpu.dma_semaphore, #tpu.memory_space<semaphore_mem>>) src(%arg13 : memref<64x128xf32, #tpu.memory_space<vmem>>) dst(%dma_wait3A_144 : memref<64x128xf32, #tpu.memory_space<vmem_shared>>)
      tpu.yield
    }) : () -> ()
    %add3A_39 = arith.constant 256 : i32
    %add3A_40 = arith.addi %multiple_of3A, %add3A_39 : i32
    "tpu.region"() ({
      %run_scoped3A = tpu.sem_alloc : memref<!tpu.dma_semaphore, #tpu.memory_space<semaphore_mem>>
      %dma_start3A_137 = arith.constant 0 : i32
      %dma_start3A_138 = tpu.memref_slice %arg19[%add3A_40, %dma_start3A_137] : memref<10240x128xf32, #tpu.memory_space<vmem_shared>> -> memref<64x128xf32, #tpu.memory_space<vmem_shared>>
      %dma_start3A_139 = arith.constant 0 : i32
      %dma_start3A_140 = tpu.memref_slice %arg19[%add3A_40, %dma_start3A_139] : memref<10240x128xf32, #tpu.memory_space<vmem_shared>> -> memref<64x128xf32, #tpu.memory_space<vmem_shared>>
      tpu.enqueue_dma source(%arg13 : memref<64x128xf32, #tpu.memory_space<vmem>>) target(%dma_start3A_140 : memref<64x128xf32, #tpu.memory_space<vmem_shared>>) target_semaphore(%run_scoped3A : memref<!tpu.dma_semaphore, #tpu.memory_space<semaphore_mem>>)
      %dma_wait3A_141 = arith.constant 0 : i32
      %dma_wait3A_142 = tpu.memref_slice %arg19[%add3A_40, %dma_wait3A_141] : memref<10240x128xf32, #tpu.memory_space<vmem_shared>> -> memref<64x128xf32, #tpu.memory_space<vmem_shared>>
      %dma_wait3A_143 = arith.constant 0 : i32
      %dma_wait3A_144 = tpu.memref_slice %arg19[%add3A_40, %dma_wait3A_143] : memref<10240x128xf32, #tpu.memory_space<vmem_shared>> -> memref<64x128xf32, #tpu.memory_space<vmem_shared>>
      tpu.wait_dma2 semaphore(%run_scoped3A : memref<!tpu.dma_semaphore, #tpu.memory_space<semaphore_mem>>) src(%arg13 : memref<64x128xf32, #tpu.memory_space<vmem>>) dst(%dma_wait3A_144 : memref<64x128xf32, #tpu.memory_space<vmem_shared>>)
      tpu.yield
    }) : () -> ()
    %add3A_41 = arith.constant 320 : i32
    %add3A_42 = arith.addi %multiple_of3A, %add3A_41 : i32
    "tpu.region"() ({
      %run_scoped3A = tpu.sem_alloc : memref<!tpu.dma_semaphore, #tpu.memory_space<semaphore_mem>>
      %dma_start3A_137 = arith.constant 0 : i32
      %dma_start3A_138 = tpu.memref_slice %arg19[%add3A_42, %dma_start3A_137] : memref<10240x128xf32, #tpu.memory_space<vmem_shared>> -> memref<64x128xf32, #tpu.memory_space<vmem_shared>>
      %dma_start3A_139 = arith.constant 0 : i32
      %dma_start3A_140 = tpu.memref_slice %arg19[%add3A_42, %dma_start3A_139] : memref<10240x128xf32, #tpu.memory_space<vmem_shared>> -> memref<64x128xf32, #tpu.memory_space<vmem_shared>>
      tpu.enqueue_dma source(%arg13 : memref<64x128xf32, #tpu.memory_space<vmem>>) target(%dma_start3A_140 : memref<64x128xf32, #tpu.memory_space<vmem_shared>>) target_semaphore(%run_scoped3A : memref<!tpu.dma_semaphore, #tpu.memory_space<semaphore_mem>>)
      %dma_wait3A_141 = arith.constant 0 : i32
      %dma_wait3A_142 = tpu.memref_slice %arg19[%add3A_42, %dma_wait3A_141] : memref<10240x128xf32, #tpu.memory_space<vmem_shared>> -> memref<64x128xf32, #tpu.memory_space<vmem_shared>>
      %dma_wait3A_143 = arith.constant 0 : i32
      %dma_wait3A_144 = tpu.memref_slice %arg19[%add3A_42, %dma_wait3A_143] : memref<10240x128xf32, #tpu.memory_space<vmem_shared>> -> memref<64x128xf32, #tpu.memory_space<vmem_shared>>
      tpu.wait_dma2 semaphore(%run_scoped3A : memref<!tpu.dma_semaphore, #tpu.memory_space<semaphore_mem>>) src(%arg13 : memref<64x128xf32, #tpu.memory_space<vmem>>) dst(%dma_wait3A_144 : memref<64x128xf32, #tpu.memory_space<vmem_shared>>)
      tpu.yield
    }) : () -> ()
    %add3A_43 = arith.constant 384 : i32
    %add3A_44 = arith.addi %multiple_of3A, %add3A_43 : i32
    "tpu.region"() ({
      %run_scoped3A = tpu.sem_alloc : memref<!tpu.dma_semaphore, #tpu.memory_space<semaphore_mem>>
      %dma_start3A_137 = arith.constant 0 : i32
      %dma_start3A_138 = tpu.memref_slice %arg19[%add3A_44, %dma_start3A_137] : memref<10240x128xf32, #tpu.memory_space<vmem_shared>> -> memref<64x128xf32, #tpu.memory_space<vmem_shared>>
      %dma_start3A_139 = arith.constant 0 : i32
      %dma_start3A_140 = tpu.memref_slice %arg19[%add3A_44, %dma_start3A_139] : memref<10240x128xf32, #tpu.memory_space<vmem_shared>> -> memref<64x128xf32, #tpu.memory_space<vmem_shared>>
      tpu.enqueue_dma source(%arg13 : memref<64x128xf32, #tpu.memory_space<vmem>>) target(%dma_start3A_140 : memref<64x128xf32, #tpu.memory_space<vmem_shared>>) target_semaphore(%run_scoped3A : memref<!tpu.dma_semaphore, #tpu.memory_space<semaphore_mem>>)
      %dma_wait3A_141 = arith.constant 0 : i32
      %dma_wait3A_142 = tpu.memref_slice %arg19[%add3A_44, %dma_wait3A_141] : memref<10240x128xf32, #tpu.memory_space<vmem_shared>> -> memref<64x128xf32, #tpu.memory_space<vmem_shared>>
      %dma_wait3A_143 = arith.constant 0 : i32
      %dma_wait3A_144 = tpu.memref_slice %arg19[%add3A_44, %dma_wait3A_143] : memref<10240x128xf32, #tpu.memory_space<vmem_shared>> -> memref<64x128xf32, #tpu.memory_space<vmem_shared>>
      tpu.wait_dma2 semaphore(%run_scoped3A : memref<!tpu.dma_semaphore, #tpu.memory_space<semaphore_mem>>) src(%arg13 : memref<64x128xf32, #tpu.memory_space<vmem>>) dst(%dma_wait3A_144 : memref<64x128xf32, #tpu.memory_space<vmem_shared>>)
      tpu.yield
    }) : () -> ()
    %add3A_45 = arith.constant 448 : i32
    %add3A_46 = arith.addi %multiple_of3A, %add3A_45 : i32
    "tpu.region"() ({
      %run_scoped3A = tpu.sem_alloc : memref<!tpu.dma_semaphore, #tpu.memory_space<semaphore_mem>>
      %dma_start3A_137 = arith.constant 0 : i32
      %dma_start3A_138 = tpu.memref_slice %arg19[%add3A_46, %dma_start3A_137] : memref<10240x128xf32, #tpu.memory_space<vmem_shared>> -> memref<64x128xf32, #tpu.memory_space<vmem_shared>>
      %dma_start3A_139 = arith.constant 0 : i32
      %dma_start3A_140 = tpu.memref_slice %arg19[%add3A_46, %dma_start3A_139] : memref<10240x128xf32, #tpu.memory_space<vmem_shared>> -> memref<64x128xf32, #tpu.memory_space<vmem_shared>>
      tpu.enqueue_dma source(%arg13 : memref<64x128xf32, #tpu.memory_space<vmem>>) target(%dma_start3A_140 : memref<64x128xf32, #tpu.memory_space<vmem_shared>>) target_semaphore(%run_scoped3A : memref<!tpu.dma_semaphore, #tpu.memory_space<semaphore_mem>>)
      %dma_wait3A_141 = arith.constant 0 : i32
      %dma_wait3A_142 = tpu.memref_slice %arg19[%add3A_46, %dma_wait3A_141] : memref<10240x128xf32, #tpu.memory_space<vmem_shared>> -> memref<64x128xf32, #tpu.memory_space<vmem_shared>>
      %dma_wait3A_143 = arith.constant 0 : i32
      %dma_wait3A_144 = tpu.memref_slice %arg19[%add3A_46, %dma_wait3A_143] : memref<10240x128xf32, #tpu.memory_space<vmem_shared>> -> memref<64x128xf32, #tpu.memory_space<vmem_shared>>
      tpu.wait_dma2 semaphore(%run_scoped3A : memref<!tpu.dma_semaphore, #tpu.memory_space<semaphore_mem>>) src(%arg13 : memref<64x128xf32, #tpu.memory_space<vmem>>) dst(%dma_wait3A_144 : memref<64x128xf32, #tpu.memory_space<vmem_shared>>)
      tpu.yield
    }) : () -> ()
    %add3A_47 = arith.constant 512 : i32
    %add3A_48 = arith.addi %multiple_of3A, %add3A_47 : i32
    "tpu.region"() ({
      %run_scoped3A = tpu.sem_alloc : memref<!tpu.dma_semaphore, #tpu.memory_space<semaphore_mem>>
      %dma_start3A_137 = arith.constant 0 : i32
      %dma_start3A_138 = tpu.memref_slice %arg19[%add3A_48, %dma_start3A_137] : memref<10240x128xf32, #tpu.memory_space<vmem_shared>> -> memref<64x128xf32, #tpu.memory_space<vmem_shared>>
      %dma_start3A_139 = arith.constant 0 : i32
      %dma_start3A_140 = tpu.memref_slice %arg19[%add3A_48, %dma_start3A_139] : memref<10240x128xf32, #tpu.memory_space<vmem_shared>> -> memref<64x128xf32, #tpu.memory_space<vmem_shared>>
      tpu.enqueue_dma source(%arg13 : memref<64x128xf32, #tpu.memory_space<vmem>>) target(%dma_start3A_140 : memref<64x128xf32, #tpu.memory_space<vmem_shared>>) target_semaphore(%run_scoped3A : memref<!tpu.dma_semaphore, #tpu.memory_space<semaphore_mem>>)
      %dma_wait3A_141 = arith.constant 0 : i32
      %dma_wait3A_142 = tpu.memref_slice %arg19[%add3A_48, %dma_wait3A_141] : memref<10240x128xf32, #tpu.memory_space<vmem_shared>> -> memref<64x128xf32, #tpu.memory_space<vmem_shared>>
      %dma_wait3A_143 = arith.constant 0 : i32
      %dma_wait3A_144 = tpu.memref_slice %arg19[%add3A_48, %dma_wait3A_143] : memref<10240x128xf32, #tpu.memory_space<vmem_shared>> -> memref<64x128xf32, #tpu.memory_space<vmem_shared>>
      tpu.wait_dma2 semaphore(%run_scoped3A : memref<!tpu.dma_semaphore, #tpu.memory_space<semaphore_mem>>) src(%arg13 : memref<64x128xf32, #tpu.memory_space<vmem>>) dst(%dma_wait3A_144 : memref<64x128xf32, #tpu.memory_space<vmem_shared>>)
      tpu.yield
    }) : () -> ()
    %add3A_49 = arith.constant 576 : i32
    %add3A_50 = arith.addi %multiple_of3A, %add3A_49 : i32
    "tpu.region"() ({
      %run_scoped3A = tpu.sem_alloc : memref<!tpu.dma_semaphore, #tpu.memory_space<semaphore_mem>>
      %dma_start3A_137 = arith.constant 0 : i32
      %dma_start3A_138 = tpu.memref_slice %arg19[%add3A_50, %dma_start3A_137] : memref<10240x128xf32, #tpu.memory_space<vmem_shared>> -> memref<64x128xf32, #tpu.memory_space<vmem_shared>>
      %dma_start3A_139 = arith.constant 0 : i32
      %dma_start3A_140 = tpu.memref_slice %arg19[%add3A_50, %dma_start3A_139] : memref<10240x128xf32, #tpu.memory_space<vmem_shared>> -> memref<64x128xf32, #tpu.memory_space<vmem_shared>>
      tpu.enqueue_dma source(%arg13 : memref<64x128xf32, #tpu.memory_space<vmem>>) target(%dma_start3A_140 : memref<64x128xf32, #tpu.memory_space<vmem_shared>>) target_semaphore(%run_scoped3A : memref<!tpu.dma_semaphore, #tpu.memory_space<semaphore_mem>>)
      %dma_wait3A_141 = arith.constant 0 : i32
      %dma_wait3A_142 = tpu.memref_slice %arg19[%add3A_50, %dma_wait3A_141] : memref<10240x128xf32, #tpu.memory_space<vmem_shared>> -> memref<64x128xf32, #tpu.memory_space<vmem_shared>>
      %dma_wait3A_143 = arith.constant 0 : i32
      %dma_wait3A_144 = tpu.memref_slice %arg19[%add3A_50, %dma_wait3A_143] : memref<10240x128xf32, #tpu.memory_space<vmem_shared>> -> memref<64x128xf32, #tpu.memory_space<vmem_shared>>
      tpu.wait_dma2 semaphore(%run_scoped3A : memref<!tpu.dma_semaphore, #tpu.memory_space<semaphore_mem>>) src(%arg13 : memref<64x128xf32, #tpu.memory_space<vmem>>) dst(%dma_wait3A_144 : memref<64x128xf32, #tpu.memory_space<vmem_shared>>)
      tpu.yield
    }) : () -> ()
    %barrier3A = arith.constant 0 : index
    tpu.barrier barrier_id(%barrier3A)
    %broadcast_in_dim3A = arith.constant 0.000000e+00 : f32
    %broadcast_in_dim3A_51 = vector.broadcast %broadcast_in_dim3A : f32 to vector<16xf32>
    %iota3A = tpu.iota {dimensions = array<i32: 0>} : vector<16xi32>
    %eq3A = arith.constant 0 : i32
    %eq3A_52 = vector.broadcast %eq3A : i32 to vector<16xi32>
    %eq3A_53 = arith.cmpi eq, %iota3A, %eq3A_52 : vector<16xi32>
    %sub3A = arith.constant 5000 : i32
    %sub3A_54 = arith.subi %sub3A, %add3A : i32
    %add3A_55 = arith.constant 32 : i32
    %add3A_56 = arith.addi %sub3A_54, %add3A_55 : i32
    %sub3A_57 = arith.constant 1 : i32
    %sub3A_58 = arith.subi %add3A_56, %sub3A_57 : i32
    %jit3A = arith.constant 32 : i32
    %div3A = arith.divsi %sub3A_58, %jit3A : i32
    %sign3A = arith.constant 0 : i32
    %sign3A_59 = arith.cmpi sgt, %sub3A_58, %sign3A : i32
    %sign3A_60 = arith.extui %sign3A_59 : i1 to i32
    %sign3A_61 = arith.constant 0 : i32
    %sign3A_62 = arith.cmpi slt, %sub3A_58, %sign3A_61 : i32
    %sign3A_63 = arith.extui %sign3A_62 : i1 to i32
    %sign3A_64 = arith.subi %sign3A_60, %sign3A_63 : i32
    %sign3A_65 = arith.constant 0 : i32
    %sign3A_66 = arith.cmpi sgt, %jit3A, %sign3A_65 : i32
    %sign3A_67 = arith.extui %sign3A_66 : i1 to i32
    %sign3A_68 = arith.constant 0 : i32
    %sign3A_69 = arith.cmpi slt, %jit3A, %sign3A_68 : i32
    %sign3A_70 = arith.extui %sign3A_69 : i1 to i32
    %sign3A_71 = arith.subi %sign3A_67, %sign3A_70 : i32
    %ne3A = arith.cmpi ne, %sign3A_64, %sign3A_71 : i32
    %rem3A = arith.remsi %sub3A_58, %jit3A : i32
    %ne3A_72 = arith.constant 0 : i32
    %ne3A_73 = arith.cmpi ne, %rem3A, %ne3A_72 : i32
    %and3A = arith.andi %ne3A, %ne3A_73 : i1
    %sub3A_74 = arith.constant 1 : i32
    %sub3A_75 = arith.subi %div3A, %sub3A_74 : i32
    %select_n3A = arith.select %and3A, %sub3A_75, %div3A : i32
    %mul3A_76 = arith.constant 0 : i32
    %mul3A_77 = arith.constant 32 : i32
    %mul3A_78 = arith.muli %mul3A_76, %mul3A_77 : i32
    %add3A_79 = arith.addi %add3A, %mul3A_78 : i32
    %mul3A_80 = arith.constant 64 : i32
    %mul3A_81 = arith.muli %add3A_79, %mul3A_80 : i32
    "tpu.region"() ({
      %run_scoped3A = tpu.sem_alloc : memref<!tpu.dma_semaphore, #tpu.memory_space<semaphore_mem>>
      %dma_start3A_137 = tpu.memref_slice %arg4[%mul3A_81] : memref<320000xi32, #tpu.memory_space<hbm>> -> memref<64xi32, #tpu.memory_space<hbm>>
      %dma_start3A_138 = tpu.memref_slice %arg4[%mul3A_81] : memref<320000xi32, #tpu.memory_space<hbm>> -> memref<64xi32, #tpu.memory_space<hbm>>
      tpu.enqueue_dma source(%dma_start3A_138 : memref<64xi32, #tpu.memory_space<hbm>>) target(%arg9 : memref<64xi32, #tpu.memory_space<vmem>>) target_semaphore(%run_scoped3A : memref<!tpu.dma_semaphore, #tpu.memory_space<semaphore_mem>>)
      %dma_wait3A_139 = tpu.memref_slice %arg4[%mul3A_81] : memref<320000xi32, #tpu.memory_space<hbm>> -> memref<64xi32, #tpu.memory_space<hbm>>
      %dma_wait3A_140 = tpu.memref_slice %arg4[%mul3A_81] : memref<320000xi32, #tpu.memory_space<hbm>> -> memref<64xi32, #tpu.memory_space<hbm>>
      tpu.wait_dma2 semaphore(%run_scoped3A : memref<!tpu.dma_semaphore, #tpu.memory_space<semaphore_mem>>) src(%dma_wait3A_140 : memref<64xi32, #tpu.memory_space<hbm>>) dst(%arg9 : memref<64xi32, #tpu.memory_space<vmem>>)
      tpu.yield
    }) : () -> ()
    "tpu.region"() ({
      %run_scoped3A = tpu.sem_alloc : memref<!tpu.dma_semaphore, #tpu.memory_space<semaphore_mem>>
      %dma_start3A_137 = tpu.memref_slice %arg5[%mul3A_81] : memref<320000xi32, #tpu.memory_space<hbm>> -> memref<64xi32, #tpu.memory_space<hbm>>
      %dma_start3A_138 = tpu.memref_slice %arg5[%mul3A_81] : memref<320000xi32, #tpu.memory_space<hbm>> -> memref<64xi32, #tpu.memory_space<hbm>>
      tpu.enqueue_dma source(%dma_start3A_138 : memref<64xi32, #tpu.memory_space<hbm>>) target(%arg11 : memref<64xi32, #tpu.memory_space<vmem>>) target_semaphore(%run_scoped3A : memref<!tpu.dma_semaphore, #tpu.memory_space<semaphore_mem>>)
      %dma_wait3A_139 = tpu.memref_slice %arg5[%mul3A_81] : memref<320000xi32, #tpu.memory_space<hbm>> -> memref<64xi32, #tpu.memory_space<hbm>>
      %dma_wait3A_140 = tpu.memref_slice %arg5[%mul3A_81] : memref<320000xi32, #tpu.memory_space<hbm>> -> memref<64xi32, #tpu.memory_space<hbm>>
      tpu.wait_dma2 semaphore(%run_scoped3A : memref<!tpu.dma_semaphore, #tpu.memory_space<semaphore_mem>>) src(%dma_wait3A_140 : memref<64xi32, #tpu.memory_space<hbm>>) dst(%arg11 : memref<64xi32, #tpu.memory_space<vmem>>)
      tpu.yield
    }) : () -> ()
    %dma_start3A = arith.constant 0 : i32
    %dma_start3A_82 = arith.constant 0 : i32
    %dma_start3A_83 = tpu.memref_slice %arg2[%dma_start3A, %dma_start3A_82] : memref<10000x128xf32, #tpu.memory_space<hbm>> -> memref<10000x128xf32, #tpu.memory_space<hbm>>
    tpu.enqueue_indirect_dma source(%dma_start3A_83 : memref<10000x128xf32, #tpu.memory_space<hbm>>) target(%arg13 : memref<64x128xf32, #tpu.memory_space<vmem>>) offsets(%arg9 : memref<64xi32, #tpu.memory_space<vmem>>) semaphore(%arg20 : memref<!tpu.dma_semaphore, #tpu.memory_space<semaphore_mem>>)
    %dma_start3A_84 = arith.constant 0 : i32
    %dma_start3A_85 = arith.constant 0 : i32
    %dma_start3A_86 = tpu.memref_slice %arg3[%dma_start3A_84, %dma_start3A_85] : memref<10000x128xf32, #tpu.memory_space<hbm>> -> memref<10000x128xf32, #tpu.memory_space<hbm>>
    tpu.enqueue_indirect_dma source(%dma_start3A_86 : memref<10000x128xf32, #tpu.memory_space<hbm>>) target(%arg15 : memref<64x128xf32, #tpu.memory_space<vmem>>) offsets(%arg11 : memref<64xi32, #tpu.memory_space<vmem>>) semaphore(%arg20 : memref<!tpu.dma_semaphore, #tpu.memory_space<semaphore_mem>>)
    %add3A_87 = arith.constant 1 : i32
    %add3A_88 = arith.addi %select_n3A, %add3A_87 : i32
    %jit3A_89 = arith.constant 2 : i32
    %div3A_90 = arith.divsi %add3A_88, %jit3A_89 : i32
    %sign3A_91 = arith.constant 0 : i32
    %sign3A_92 = arith.cmpi sgt, %add3A_88, %sign3A_91 : i32
    %sign3A_93 = arith.extui %sign3A_92 : i1 to i32
    %sign3A_94 = arith.constant 0 : i32
    %sign3A_95 = arith.cmpi slt, %add3A_88, %sign3A_94 : i32
    %sign3A_96 = arith.extui %sign3A_95 : i1 to i32
    %sign3A_97 = arith.subi %sign3A_93, %sign3A_96 : i32
    %sign3A_98 = arith.constant 0 : i32
    %sign3A_99 = arith.cmpi sgt, %jit3A_89, %sign3A_98 : i32
    %sign3A_100 = arith.extui %sign3A_99 : i1 to i32
    %sign3A_101 = arith.constant 0 : i32
    %sign3A_102 = arith.cmpi slt, %jit3A_89, %sign3A_101 : i32
    %sign3A_103 = arith.extui %sign3A_102 : i1 to i32
    %sign3A_104 = arith.subi %sign3A_100, %sign3A_103 : i32
    %ne3A_105 = arith.cmpi ne, %sign3A_97, %sign3A_104 : i32
    %rem3A_106 = arith.remsi %add3A_88, %jit3A_89 : i32
    %ne3A_107 = arith.constant 0 : i32
    %ne3A_108 = arith.cmpi ne, %rem3A_106, %ne3A_107 : i32
    %and3A_109 = arith.andi %ne3A_105, %ne3A_108 : i1
    %sub3A_110 = arith.constant 1 : i32
    %sub3A_111 = arith.subi %div3A_90, %sub3A_110 : i32
    %select_n3A_112 = arith.select %and3A_109, %sub3A_111, %div3A_90 : i32
    %while3A = arith.constant 0 : i32
    %while3A_113 = arith.constant 0 : i32
    %while3A_114 = arith.subi %select_n3A_112, %while3A : i32
    %while3A_115 = arith.addi %while3A, %while3A_114 : i32
    %while3A_116 = arith.constant 1 : i32
    %while3A_117 = arith.divsi %while3A_114, %while3A_116 : i32
    %while3A_118 = arith.muli %while3A_117, %while3A_116 : i32
    %while3A_119 = arith.addi %while3A, %while3A_118 : i32
    %while3A_120 = arith.constant 1 : i32
    %while3A_121 = scf.for %while3A_137 = %while3A to %while3A_119 step %while3A_120 iter_args(%while3A_138 = %while3A_113) -> (i32)  : i32 {
      %mul3A_139 = arith.constant 2 : i32
      %mul3A_140 = arith.muli %while3A_137, %mul3A_139 : i32
      %add3A_141 = arith.constant 0 : i32
      %add3A_142 = arith.addi %mul3A_140, %add3A_141 : i32
      %lt3A_143 = arith.cmpi slt, %add3A_142, %select_n3A : i32
      %convert_element_type3A_144 = arith.extui %lt3A_143 : i1 to i32
      %cond3A_145 = arith.constant 0 : i32
      %cond3A_146 = arith.cmpi ne, %convert_element_type3A_144, %cond3A_145 : i32
      scf.if %cond3A_146 {
        %add3A_156 = arith.constant 1 : i32
        %add3A_157 = arith.addi %add3A_142, %add3A_156 : i32
        %lt3A_158 = arith.cmpi slt, %add3A_157, %select_n3A : i32
        %convert_element_type3A_159 = arith.extui %lt3A_158 : i1 to i32
        %cond3A_160 = arith.constant 0 : i32
        %cond3A_161 = arith.cmpi ne, %convert_element_type3A_159, %cond3A_160 : i32
        scf.if %cond3A_161 {
          %ge3A = arith.constant 1 : i32
          %ge3A_173 = arith.cmpi sge, %add3A_142, %ge3A : i32
          %convert_element_type3A_174 = arith.extui %ge3A_173 : i1 to i32
          %cond3A_175 = arith.constant 0 : i32
          %cond3A_176 = arith.cmpi ne, %convert_element_type3A_174, %cond3A_175 : i32
          scf.if %cond3A_176 {
            %dma_wait3A_190 = arith.constant 0 : i32
            %dma_wait3A_191 = arith.constant 0 : i32
            %dma_wait3A_192 = tpu.memref_slice %arg19[%dma_wait3A_190, %dma_wait3A_191] : memref<10240x128xf32, #tpu.memory_space<vmem_shared>> -> memref<10240x128xf32, #tpu.memory_space<vmem_shared>>
            tpu.wait_indirect_dma semaphore(%arg23 : memref<!tpu.dma_semaphore, #tpu.memory_space<semaphore_mem>>) src(%arg14 : memref<64x128xf32, #tpu.memory_space<vmem>>) dst(%dma_wait3A_192 : memref<10240x128xf32, #tpu.memory_space<vmem_shared>>)
          } else {
          }
          %add3A_177 = arith.constant 1 : i32
          %add3A_178 = arith.addi %add3A_142, %add3A_177 : i32
          %mul3A_179 = arith.constant 32 : i32
          %mul3A_180 = arith.muli %add3A_178, %mul3A_179 : i32
          %add3A_181 = arith.addi %add3A, %mul3A_180 : i32
          %mul3A_182 = arith.constant 64 : i32
          %mul3A_183 = arith.muli %add3A_181, %mul3A_182 : i32
          "tpu.region"() ({
            %run_scoped3A = tpu.sem_alloc : memref<!tpu.dma_semaphore, #tpu.memory_space<semaphore_mem>>
            %dma_start3A_190 = tpu.memref_slice %arg4[%mul3A_183] : memref<320000xi32, #tpu.memory_space<hbm>> -> memref<64xi32, #tpu.memory_space<hbm>>
            %dma_start3A_191 = tpu.memref_slice %arg4[%mul3A_183] : memref<320000xi32, #tpu.memory_space<hbm>> -> memref<64xi32, #tpu.memory_space<hbm>>
            tpu.enqueue_dma source(%dma_start3A_191 : memref<64xi32, #tpu.memory_space<hbm>>) target(%arg10 : memref<64xi32, #tpu.memory_space<vmem>>) target_semaphore(%run_scoped3A : memref<!tpu.dma_semaphore, #tpu.memory_space<semaphore_mem>>)
            %dma_wait3A_192 = tpu.memref_slice %arg4[%mul3A_183] : memref<320000xi32, #tpu.memory_space<hbm>> -> memref<64xi32, #tpu.memory_space<hbm>>
            %dma_wait3A_193 = tpu.memref_slice %arg4[%mul3A_183] : memref<320000xi32, #tpu.memory_space<hbm>> -> memref<64xi32, #tpu.memory_space<hbm>>
            tpu.wait_dma2 semaphore(%run_scoped3A : memref<!tpu.dma_semaphore, #tpu.memory_space<semaphore_mem>>) src(%dma_wait3A_193 : memref<64xi32, #tpu.memory_space<hbm>>) dst(%arg10 : memref<64xi32, #tpu.memory_space<vmem>>)
            tpu.yield
          }) : () -> ()
          "tpu.region"() ({
            %run_scoped3A = tpu.sem_alloc : memref<!tpu.dma_semaphore, #tpu.memory_space<semaphore_mem>>
            %dma_start3A_190 = tpu.memref_slice %arg5[%mul3A_183] : memref<320000xi32, #tpu.memory_space<hbm>> -> memref<64xi32, #tpu.memory_space<hbm>>
            %dma_start3A_191 = tpu.memref_slice %arg5[%mul3A_183] : memref<320000xi32, #tpu.memory_space<hbm>> -> memref<64xi32, #tpu.memory_space<hbm>>
            tpu.enqueue_dma source(%dma_start3A_191 : memref<64xi32, #tpu.memory_space<hbm>>) target(%arg12 : memref<64xi32, #tpu.memory_space<vmem>>) target_semaphore(%run_scoped3A : memref<!tpu.dma_semaphore, #tpu.memory_space<semaphore_mem>>)
            %dma_wait3A_192 = tpu.memref_slice %arg5[%mul3A_183] : memref<320000xi32, #tpu.memory_space<hbm>> -> memref<64xi32, #tpu.memory_space<hbm>>
            %dma_wait3A_193 = tpu.memref_slice %arg5[%mul3A_183] : memref<320000xi32, #tpu.memory_space<hbm>> -> memref<64xi32, #tpu.memory_space<hbm>>
            tpu.wait_dma2 semaphore(%run_scoped3A : memref<!tpu.dma_semaphore, #tpu.memory_space<semaphore_mem>>) src(%dma_wait3A_193 : memref<64xi32, #tpu.memory_space<hbm>>) dst(%arg12 : memref<64xi32, #tpu.memory_space<vmem>>)
            tpu.yield
          }) : () -> ()
          %dma_start3A_184 = arith.constant 0 : i32
          %dma_start3A_185 = arith.constant 0 : i32
          %dma_start3A_186 = tpu.memref_slice %arg2[%dma_start3A_184, %dma_start3A_185] : memref<10000x128xf32, #tpu.memory_space<hbm>> -> memref<10000x128xf32, #tpu.memory_space<hbm>>
          tpu.enqueue_indirect_dma source(%dma_start3A_186 : memref<10000x128xf32, #tpu.memory_space<hbm>>) target(%arg14 : memref<64x128xf32, #tpu.memory_space<vmem>>) offsets(%arg10 : memref<64xi32, #tpu.memory_space<vmem>>) semaphore(%arg21 : memref<!tpu.dma_semaphore, #tpu.memory_space<semaphore_mem>>)
          %dma_start3A_187 = arith.constant 0 : i32
          %dma_start3A_188 = arith.constant 0 : i32
          %dma_start3A_189 = tpu.memref_slice %arg3[%dma_start3A_187, %dma_start3A_188] : memref<10000x128xf32, #tpu.memory_space<hbm>> -> memref<10000x128xf32, #tpu.memory_space<hbm>>
          tpu.enqueue_indirect_dma source(%dma_start3A_189 : memref<10000x128xf32, #tpu.memory_space<hbm>>) target(%arg16 : memref<64x128xf32, #tpu.memory_space<vmem>>) offsets(%arg12 : memref<64xi32, #tpu.memory_space<vmem>>) semaphore(%arg21 : memref<!tpu.dma_semaphore, #tpu.memory_space<semaphore_mem>>)
        } else {
        }
        %dma_wait3A_162 = arith.constant 0 : i32
        %dma_wait3A_163 = arith.constant 0 : i32
        %dma_wait3A_164 = tpu.memref_slice %arg2[%dma_wait3A_162, %dma_wait3A_163] : memref<10000x128xf32, #tpu.memory_space<hbm>> -> memref<10000x128xf32, #tpu.memory_space<hbm>>
        tpu.wait_indirect_dma semaphore(%arg20 : memref<!tpu.dma_semaphore, #tpu.memory_space<semaphore_mem>>) src(%dma_wait3A_164 : memref<10000x128xf32, #tpu.memory_space<hbm>>) dst(%arg13 : memref<64x128xf32, #tpu.memory_space<vmem>>)
        %dma_wait3A_165 = arith.constant 0 : i32
        %dma_wait3A_166 = arith.constant 0 : i32
        %dma_wait3A_167 = tpu.memref_slice %arg3[%dma_wait3A_165, %dma_wait3A_166] : memref<10000x128xf32, #tpu.memory_space<hbm>> -> memref<10000x128xf32, #tpu.memory_space<hbm>>
        tpu.wait_indirect_dma semaphore(%arg20 : memref<!tpu.dma_semaphore, #tpu.memory_space<semaphore_mem>>) src(%dma_wait3A_167 : memref<10000x128xf32, #tpu.memory_space<hbm>>) dst(%arg15 : memref<64x128xf32, #tpu.memory_space<vmem>>)
        %parallel_loop3A = arith.constant 0 : i32
        %parallel_loop3A_168 = arith.constant 64 : i32
        %parallel_loop3A_169 = arith.constant 1 : i32
        scf.for %parallel_loop3A_173 = %parallel_loop3A to %parallel_loop3A_168 step %parallel_loop3A_169  : i32 {
          %parallel_loop3A_174 = arith.index_cast %parallel_loop3A_173 : i32 to index
          %parallel_loop3A_175 = arith.constant 0 : index
          %parallel_loop3A_176 = tpu.vector_load %arg13[%parallel_loop3A_174, %parallel_loop3A_175] {strides = array<i32>} : memref<64x128xf32, #tpu.memory_space<vmem>>, vector<16xf32>,
          %parallel_loop3A_177 = arith.index_cast %parallel_loop3A_173 : i32 to index
          %parallel_loop3A_178 = arith.constant 0 : index
          %parallel_loop3A_179 = tpu.vector_load %arg15[%parallel_loop3A_177, %parallel_loop3A_178] {strides = array<i32>} : memref<64x128xf32, #tpu.memory_space<vmem>>, vector<16xf32>,
          %parallel_loop3A_180 = arith.addf %parallel_loop3A_176, %parallel_loop3A_179 : vector<16xf32>
          %parallel_loop3A_181 = arith.constant 2.000000e-01 : f32
          %parallel_loop3A_182 = vector.broadcast %parallel_loop3A_181 : f32 to vector<16xf32>
          %parallel_loop3A_183 = arith.mulf %parallel_loop3A_182, %parallel_loop3A_180 : vector<16xf32>
          %parallel_loop3A_184 = arith.maximumf %parallel_loop3A_180, %parallel_loop3A_183 : vector<16xf32>
          %parallel_loop3A_185 = arith.mulf %parallel_loop3A_184, %get3A_1 : vector<16xf32>
          %parallel_loop3A_186 = arith.addf %broadcast_in_dim3A_51, %parallel_loop3A_185 : vector<16xf32>
          %parallel_loop3A_187 = arith.index_cast %parallel_loop3A_173 : i32 to index
          %parallel_loop3A_188 = arith.constant 16 : index
          %parallel_loop3A_189 = tpu.vector_load %arg13[%parallel_loop3A_187, %parallel_loop3A_188] {strides = array<i32>} : memref<64x128xf32, #tpu.memory_space<vmem>>, vector<16xf32>,
          %parallel_loop3A_190 = arith.index_cast %parallel_loop3A_173 : i32 to index
          %parallel_loop3A_191 = arith.constant 16 : index
          %parallel_loop3A_192 = tpu.vector_load %arg15[%parallel_loop3A_190, %parallel_loop3A_191] {strides = array<i32>} : memref<64x128xf32, #tpu.memory_space<vmem>>, vector<16xf32>,
          %parallel_loop3A_193 = arith.addf %parallel_loop3A_189, %parallel_loop3A_192 : vector<16xf32>
          %parallel_loop3A_194 = arith.constant 2.000000e-01 : f32
          %parallel_loop3A_195 = vector.broadcast %parallel_loop3A_194 : f32 to vector<16xf32>
          %parallel_loop3A_196 = arith.mulf %parallel_loop3A_195, %parallel_loop3A_193 : vector<16xf32>
          %parallel_loop3A_197 = arith.maximumf %parallel_loop3A_193, %parallel_loop3A_196 : vector<16xf32>
          %parallel_loop3A_198 = arith.mulf %parallel_loop3A_197, %get3A_3 : vector<16xf32>
          %parallel_loop3A_199 = arith.addf %parallel_loop3A_186, %parallel_loop3A_198 : vector<16xf32>
          %parallel_loop3A_200 = arith.index_cast %parallel_loop3A_173 : i32 to index
          %parallel_loop3A_201 = arith.constant 32 : index
          %parallel_loop3A_202 = tpu.vector_load %arg13[%parallel_loop3A_200, %parallel_loop3A_201] {strides = array<i32>} : memref<64x128xf32, #tpu.memory_space<vmem>>, vector<16xf32>,
          %parallel_loop3A_203 = arith.index_cast %parallel_loop3A_173 : i32 to index
          %parallel_loop3A_204 = arith.constant 32 : index
          %parallel_loop3A_205 = tpu.vector_load %arg15[%parallel_loop3A_203, %parallel_loop3A_204] {strides = array<i32>} : memref<64x128xf32, #tpu.memory_space<vmem>>, vector<16xf32>,
          %parallel_loop3A_206 = arith.addf %parallel_loop3A_202, %parallel_loop3A_205 : vector<16xf32>
          %parallel_loop3A_207 = arith.constant 2.000000e-01 : f32
          %parallel_loop3A_208 = vector.broadcast %parallel_loop3A_207 : f32 to vector<16xf32>
          %parallel_loop3A_209 = arith.mulf %parallel_loop3A_208, %parallel_loop3A_206 : vector<16xf32>
          %parallel_loop3A_210 = arith.maximumf %parallel_loop3A_206, %parallel_loop3A_209 : vector<16xf32>
          %parallel_loop3A_211 = arith.mulf %parallel_loop3A_210, %get3A_5 : vector<16xf32>
          %parallel_loop3A_212 = arith.addf %parallel_loop3A_199, %parallel_loop3A_211 : vector<16xf32>
          %parallel_loop3A_213 = arith.index_cast %parallel_loop3A_173 : i32 to index
          %parallel_loop3A_214 = arith.constant 48 : index
          %parallel_loop3A_215 = tpu.vector_load %arg13[%parallel_loop3A_213, %parallel_loop3A_214] {strides = array<i32>} : memref<64x128xf32, #tpu.memory_space<vmem>>, vector<16xf32>,
          %parallel_loop3A_216 = arith.index_cast %parallel_loop3A_173 : i32 to index
          %parallel_loop3A_217 = arith.constant 48 : index
          %parallel_loop3A_218 = tpu.vector_load %arg15[%parallel_loop3A_216, %parallel_loop3A_217] {strides = array<i32>} : memref<64x128xf32, #tpu.memory_space<vmem>>, vector<16xf32>,
          %parallel_loop3A_219 = arith.addf %parallel_loop3A_215, %parallel_loop3A_218 : vector<16xf32>
          %parallel_loop3A_220 = arith.constant 2.000000e-01 : f32
          %parallel_loop3A_221 = vector.broadcast %parallel_loop3A_220 : f32 to vector<16xf32>
          %parallel_loop3A_222 = arith.mulf %parallel_loop3A_221, %parallel_loop3A_219 : vector<16xf32>
          %parallel_loop3A_223 = arith.maximumf %parallel_loop3A_219, %parallel_loop3A_222 : vector<16xf32>
          %parallel_loop3A_224 = arith.mulf %parallel_loop3A_223, %get3A_7 : vector<16xf32>
          %parallel_loop3A_225 = arith.addf %parallel_loop3A_212, %parallel_loop3A_224 : vector<16xf32>
          %parallel_loop3A_226 = arith.index_cast %parallel_loop3A_173 : i32 to index
          %parallel_loop3A_227 = arith.constant 64 : index
          %parallel_loop3A_228 = tpu.vector_load %arg13[%parallel_loop3A_226, %parallel_loop3A_227] {strides = array<i32>} : memref<64x128xf32, #tpu.memory_space<vmem>>, vector<16xf32>,
          %parallel_loop3A_229 = arith.index_cast %parallel_loop3A_173 : i32 to index
          %parallel_loop3A_230 = arith.constant 64 : index
          %parallel_loop3A_231 = tpu.vector_load %arg15[%parallel_loop3A_229, %parallel_loop3A_230] {strides = array<i32>} : memref<64x128xf32, #tpu.memory_space<vmem>>, vector<16xf32>,
          %parallel_loop3A_232 = arith.addf %parallel_loop3A_228, %parallel_loop3A_231 : vector<16xf32>
          %parallel_loop3A_233 = arith.constant 2.000000e-01 : f32
          %parallel_loop3A_234 = vector.broadcast %parallel_loop3A_233 : f32 to vector<16xf32>
          %parallel_loop3A_235 = arith.mulf %parallel_loop3A_234, %parallel_loop3A_232 : vector<16xf32>
          %parallel_loop3A_236 = arith.maximumf %parallel_loop3A_232, %parallel_loop3A_235 : vector<16xf32>
          %parallel_loop3A_237 = arith.mulf %parallel_loop3A_236, %get3A_9 : vector<16xf32>
          %parallel_loop3A_238 = arith.addf %parallel_loop3A_225, %parallel_loop3A_237 : vector<16xf32>
          %parallel_loop3A_239 = arith.index_cast %parallel_loop3A_173 : i32 to index
          %parallel_loop3A_240 = arith.constant 80 : index
          %parallel_loop3A_241 = tpu.vector_load %arg13[%parallel_loop3A_239, %parallel_loop3A_240] {strides = array<i32>} : memref<64x128xf32, #tpu.memory_space<vmem>>, vector<16xf32>,
          %parallel_loop3A_242 = arith.index_cast %parallel_loop3A_173 : i32 to index
          %parallel_loop3A_243 = arith.constant 80 : index
          %parallel_loop3A_244 = tpu.vector_load %arg15[%parallel_loop3A_242, %parallel_loop3A_243] {strides = array<i32>} : memref<64x128xf32, #tpu.memory_space<vmem>>, vector<16xf32>,
          %parallel_loop3A_245 = arith.addf %parallel_loop3A_241, %parallel_loop3A_244 : vector<16xf32>
          %parallel_loop3A_246 = arith.constant 2.000000e-01 : f32
          %parallel_loop3A_247 = vector.broadcast %parallel_loop3A_246 : f32 to vector<16xf32>
          %parallel_loop3A_248 = arith.mulf %parallel_loop3A_247, %parallel_loop3A_245 : vector<16xf32>
          %parallel_loop3A_249 = arith.maximumf %parallel_loop3A_245, %parallel_loop3A_248 : vector<16xf32>
          %parallel_loop3A_250 = arith.mulf %parallel_loop3A_249, %get3A_11 : vector<16xf32>
          %parallel_loop3A_251 = arith.addf %parallel_loop3A_238, %parallel_loop3A_250 : vector<16xf32>
          %parallel_loop3A_252 = arith.index_cast %parallel_loop3A_173 : i32 to index
          %parallel_loop3A_253 = arith.constant 96 : index
          %parallel_loop3A_254 = tpu.vector_load %arg13[%parallel_loop3A_252, %parallel_loop3A_253] {strides = array<i32>} : memref<64x128xf32, #tpu.memory_space<vmem>>, vector<16xf32>,
          %parallel_loop3A_255 = arith.index_cast %parallel_loop3A_173 : i32 to index
          %parallel_loop3A_256 = arith.constant 96 : index
          %parallel_loop3A_257 = tpu.vector_load %arg15[%parallel_loop3A_255, %parallel_loop3A_256] {strides = array<i32>} : memref<64x128xf32, #tpu.memory_space<vmem>>, vector<16xf32>,
          %parallel_loop3A_258 = arith.addf %parallel_loop3A_254, %parallel_loop3A_257 : vector<16xf32>
          %parallel_loop3A_259 = arith.constant 2.000000e-01 : f32
          %parallel_loop3A_260 = vector.broadcast %parallel_loop3A_259 : f32 to vector<16xf32>
          %parallel_loop3A_261 = arith.mulf %parallel_loop3A_260, %parallel_loop3A_258 : vector<16xf32>
          %parallel_loop3A_262 = arith.maximumf %parallel_loop3A_258, %parallel_loop3A_261 : vector<16xf32>
          %parallel_loop3A_263 = arith.mulf %parallel_loop3A_262, %get3A_13 : vector<16xf32>
          %parallel_loop3A_264 = arith.addf %parallel_loop3A_251, %parallel_loop3A_263 : vector<16xf32>
          %parallel_loop3A_265 = arith.index_cast %parallel_loop3A_173 : i32 to index
          %parallel_loop3A_266 = arith.constant 112 : index
          %parallel_loop3A_267 = tpu.vector_load %arg13[%parallel_loop3A_265, %parallel_loop3A_266] {strides = array<i32>} : memref<64x128xf32, #tpu.memory_space<vmem>>, vector<16xf32>,
          %parallel_loop3A_268 = arith.index_cast %parallel_loop3A_173 : i32 to index
          %parallel_loop3A_269 = arith.constant 112 : index
          %parallel_loop3A_270 = tpu.vector_load %arg15[%parallel_loop3A_268, %parallel_loop3A_269] {strides = array<i32>} : memref<64x128xf32, #tpu.memory_space<vmem>>, vector<16xf32>,
          %parallel_loop3A_271 = arith.addf %parallel_loop3A_267, %parallel_loop3A_270 : vector<16xf32>
          %parallel_loop3A_272 = arith.constant 2.000000e-01 : f32
          %parallel_loop3A_273 = vector.broadcast %parallel_loop3A_272 : f32 to vector<16xf32>
          %parallel_loop3A_274 = arith.mulf %parallel_loop3A_273, %parallel_loop3A_271 : vector<16xf32>
          %parallel_loop3A_275 = arith.maximumf %parallel_loop3A_271, %parallel_loop3A_274 : vector<16xf32>
          %parallel_loop3A_276 = arith.mulf %parallel_loop3A_275, %get3A_15 : vector<16xf32>
          %parallel_loop3A_277 = arith.addf %parallel_loop3A_264, %parallel_loop3A_276 : vector<16xf32>
          %parallel_loop3A_278 = arith.constant 8 : i32
          %parallel_loop3A_279 = vector.broadcast %parallel_loop3A_278 : i32 to vector<16xi32>
          %parallel_loop3A_280 = arith.xori %iota3A, %parallel_loop3A_279 : vector<16xi32>
          %parallel_loop3A_281 = vector.shape_cast %parallel_loop3A_280 : vector<16xi32> to vector<16x1xi32>
          %parallel_loop3A_282 = vector.shape_cast %parallel_loop3A_281 : vector<16x1xi32> to vector<16xi32>
          %parallel_loop3A_283 = tpu.dynamic_gather %parallel_loop3A_277[%parallel_loop3A_282] in [0] : vector<16xf32>, vector<16xi32> -> vector<16xf32>
          %parallel_loop3A_284 = arith.addf %parallel_loop3A_277, %parallel_loop3A_283 : vector<16xf32>
          %parallel_loop3A_285 = arith.constant 4 : i32
          %parallel_loop3A_286 = vector.broadcast %parallel_loop3A_285 : i32 to vector<16xi32>
          %parallel_loop3A_287 = arith.xori %iota3A, %parallel_loop3A_286 : vector<16xi32>
          %parallel_loop3A_288 = vector.shape_cast %parallel_loop3A_287 : vector<16xi32> to vector<16x1xi32>
          %parallel_loop3A_289 = vector.shape_cast %parallel_loop3A_288 : vector<16x1xi32> to vector<16xi32>
          %parallel_loop3A_290 = tpu.dynamic_gather %parallel_loop3A_284[%parallel_loop3A_289] in [0] : vector<16xf32>, vector<16xi32> -> vector<16xf32>
          %parallel_loop3A_291 = arith.addf %parallel_loop3A_284, %parallel_loop3A_290 : vector<16xf32>
          %parallel_loop3A_292 = arith.constant 2 : i32
          %parallel_loop3A_293 = vector.broadcast %parallel_loop3A_292 : i32 to vector<16xi32>
          %parallel_loop3A_294 = arith.xori %iota3A, %parallel_loop3A_293 : vector<16xi32>
          %parallel_loop3A_295 = vector.shape_cast %parallel_loop3A_294 : vector<16xi32> to vector<16x1xi32>
          %parallel_loop3A_296 = vector.shape_cast %parallel_loop3A_295 : vector<16x1xi32> to vector<16xi32>
          %parallel_loop3A_297 = tpu.dynamic_gather %parallel_loop3A_291[%parallel_loop3A_296] in [0] : vector<16xf32>, vector<16xi32> -> vector<16xf32>
          %parallel_loop3A_298 = arith.addf %parallel_loop3A_291, %parallel_loop3A_297 : vector<16xf32>
          %parallel_loop3A_299 = arith.constant 1 : i32
          %parallel_loop3A_300 = vector.broadcast %parallel_loop3A_299 : i32 to vector<16xi32>
          %parallel_loop3A_301 = arith.xori %iota3A, %parallel_loop3A_300 : vector<16xi32>
          %parallel_loop3A_302 = vector.shape_cast %parallel_loop3A_301 : vector<16xi32> to vector<16x1xi32>
          %parallel_loop3A_303 = vector.shape_cast %parallel_loop3A_302 : vector<16x1xi32> to vector<16xi32>
          %parallel_loop3A_304 = tpu.dynamic_gather %parallel_loop3A_298[%parallel_loop3A_303] in [0] : vector<16xf32>, vector<16xi32> -> vector<16xf32>
          %parallel_loop3A_305 = arith.addf %parallel_loop3A_298, %parallel_loop3A_304 : vector<16xf32>
          %parallel_loop3A_306 = math.exp %parallel_loop3A_305 : vector<16xf32>
          %parallel_loop3A_307 = arith.mulf %parallel_loop3A_176, %parallel_loop3A_306 : vector<16xf32>
          %parallel_loop3A_308 = arith.index_cast %parallel_loop3A_173 : i32 to index
          %parallel_loop3A_309 = arith.constant 0 : index
          %parallel_loop3A_310 = tpu.vector_load %arg13[%parallel_loop3A_308, %parallel_loop3A_309] {strides = array<i32>} : memref<64x128xf32, #tpu.memory_space<vmem>>, vector<16xf32>,
          tpu.vector_store %arg13[%parallel_loop3A_308, %parallel_loop3A_309], %parallel_loop3A_307 {strides = array<i32>} : memref<64x128xf32, #tpu.memory_space<vmem>>, vector<16xf32>,
          %parallel_loop3A_311 = arith.mulf %parallel_loop3A_189, %parallel_loop3A_306 : vector<16xf32>
          %parallel_loop3A_312 = arith.index_cast %parallel_loop3A_173 : i32 to index
          %parallel_loop3A_313 = arith.constant 16 : index
          %parallel_loop3A_314 = tpu.vector_load %arg13[%parallel_loop3A_312, %parallel_loop3A_313] {strides = array<i32>} : memref<64x128xf32, #tpu.memory_space<vmem>>, vector<16xf32>,
          tpu.vector_store %arg13[%parallel_loop3A_312, %parallel_loop3A_313], %parallel_loop3A_311 {strides = array<i32>} : memref<64x128xf32, #tpu.memory_space<vmem>>, vector<16xf32>,
          %parallel_loop3A_315 = arith.mulf %parallel_loop3A_202, %parallel_loop3A_306 : vector<16xf32>
          %parallel_loop3A_316 = arith.index_cast %parallel_loop3A_173 : i32 to index
          %parallel_loop3A_317 = arith.constant 32 : index
          %parallel_loop3A_318 = tpu.vector_load %arg13[%parallel_loop3A_316, %parallel_loop3A_317] {strides = array<i32>} : memref<64x128xf32, #tpu.memory_space<vmem>>, vector<16xf32>,
          tpu.vector_store %arg13[%parallel_loop3A_316, %parallel_loop3A_317], %parallel_loop3A_315 {strides = array<i32>} : memref<64x128xf32, #tpu.memory_space<vmem>>, vector<16xf32>,
          %parallel_loop3A_319 = arith.mulf %parallel_loop3A_215, %parallel_loop3A_306 : vector<16xf32>
          %parallel_loop3A_320 = arith.index_cast %parallel_loop3A_173 : i32 to index
          %parallel_loop3A_321 = arith.constant 48 : index
          %parallel_loop3A_322 = tpu.vector_load %arg13[%parallel_loop3A_320, %parallel_loop3A_321] {strides = array<i32>} : memref<64x128xf32, #tpu.memory_space<vmem>>, vector<16xf32>,
          tpu.vector_store %arg13[%parallel_loop3A_320, %parallel_loop3A_321], %parallel_loop3A_319 {strides = array<i32>} : memref<64x128xf32, #tpu.memory_space<vmem>>, vector<16xf32>,
          %parallel_loop3A_323 = arith.mulf %parallel_loop3A_228, %parallel_loop3A_306 : vector<16xf32>
          %parallel_loop3A_324 = arith.index_cast %parallel_loop3A_173 : i32 to index
          %parallel_loop3A_325 = arith.constant 64 : index
          %parallel_loop3A_326 = tpu.vector_load %arg13[%parallel_loop3A_324, %parallel_loop3A_325] {strides = array<i32>} : memref<64x128xf32, #tpu.memory_space<vmem>>, vector<16xf32>,
          tpu.vector_store %arg13[%parallel_loop3A_324, %parallel_loop3A_325], %parallel_loop3A_323 {strides = array<i32>} : memref<64x128xf32, #tpu.memory_space<vmem>>, vector<16xf32>,
          %parallel_loop3A_327 = arith.mulf %parallel_loop3A_241, %parallel_loop3A_306 : vector<16xf32>
          %parallel_loop3A_328 = arith.index_cast %parallel_loop3A_173 : i32 to index
          %parallel_loop3A_329 = arith.constant 80 : index
          %parallel_loop3A_330 = tpu.vector_load %arg13[%parallel_loop3A_328, %parallel_loop3A_329] {strides = array<i32>} : memref<64x128xf32, #tpu.memory_space<vmem>>, vector<16xf32>,
          tpu.vector_store %arg13[%parallel_loop3A_328, %parallel_loop3A_329], %parallel_loop3A_327 {strides = array<i32>} : memref<64x128xf32, #tpu.memory_space<vmem>>, vector<16xf32>,
          %parallel_loop3A_331 = arith.mulf %parallel_loop3A_254, %parallel_loop3A_306 : vector<16xf32>
          %parallel_loop3A_332 = arith.index_cast %parallel_loop3A_173 : i32 to index
          %parallel_loop3A_333 = arith.constant 96 : index
          %parallel_loop3A_334 = tpu.vector_load %arg13[%parallel_loop3A_332, %parallel_loop3A_333] {strides = array<i32>} : memref<64x128xf32, #tpu.memory_space<vmem>>, vector<16xf32>,
          tpu.vector_store %arg13[%parallel_loop3A_332, %parallel_loop3A_333], %parallel_loop3A_331 {strides = array<i32>} : memref<64x128xf32, #tpu.memory_space<vmem>>, vector<16xf32>,
          %parallel_loop3A_335 = arith.mulf %parallel_loop3A_267, %parallel_loop3A_306 : vector<16xf32>
          %parallel_loop3A_336 = arith.index_cast %parallel_loop3A_173 : i32 to index
          %parallel_loop3A_337 = arith.constant 112 : index
          %parallel_loop3A_338 = tpu.vector_load %arg13[%parallel_loop3A_336, %parallel_loop3A_337] {strides = array<i32>} : memref<64x128xf32, #tpu.memory_space<vmem>>, vector<16xf32>,
          tpu.vector_store %arg13[%parallel_loop3A_336, %parallel_loop3A_337], %parallel_loop3A_335 {strides = array<i32>} : memref<64x128xf32, #tpu.memory_space<vmem>>, vector<16xf32>,
          %parallel_loop3A_339 = arith.constant 0 : i32
          %parallel_loop3A_340 = vector.broadcast %parallel_loop3A_339 : i32 to vector<16xi32>
          %parallel_loop3A_341 = vector.broadcast %parallel_loop3A_173 : i32 to vector<16xi32>
          %parallel_loop3A_342 = arith.addi %parallel_loop3A_340, %parallel_loop3A_341 : vector<16xi32>
          %parallel_loop3A_343 = tpu.vector_load_idx %arg11[%parallel_loop3A_342] : memref<64xi32, #tpu.memory_space<vmem>>[vector<16xi32>], vector<16xi32>,
          tpu.vector_store_idx %arg18[%parallel_loop3A_343], %parallel_loop3A_306 masked %eq3A_53 {add = true} : memref<10240xf32, #tpu.memory_space<vmem>>[vector<16xi32>], vector<16xf32>, vector<16xi1>
        } {sc.loop_unroll_factor = 3 : i64, sc.parallel_access}
        %dma_start3A_170 = arith.constant 0 : i32
        %dma_start3A_171 = arith.constant 0 : i32
        %dma_start3A_172 = tpu.memref_slice %arg19[%dma_start3A_170, %dma_start3A_171] : memref<10240x128xf32, #tpu.memory_space<vmem_shared>> -> memref<10240x128xf32, #tpu.memory_space<vmem_shared>>
        tpu.enqueue_indirect_dma source(%arg13 : memref<64x128xf32, #tpu.memory_space<vmem>>) target(%dma_start3A_172 : memref<10240x128xf32, #tpu.memory_space<vmem_shared>>) offsets(%arg11 : memref<64xi32, #tpu.memory_space<vmem>>) semaphore(%arg22 : memref<!tpu.dma_semaphore, #tpu.memory_space<semaphore_mem>>) {add = true}
      } else {
      }
      %mul3A_147 = arith.constant 2 : i32
      %mul3A_148 = arith.muli %while3A_137, %mul3A_147 : i32
      %add3A_149 = arith.constant 1 : i32
      %add3A_150 = arith.addi %mul3A_148, %add3A_149 : i32
      %lt3A_151 = arith.cmpi slt, %add3A_150, %select_n3A : i32
      %convert_element_type3A_152 = arith.extui %lt3A_151 : i1 to i32
      %cond3A_153 = arith.constant 0 : i32
      %cond3A_154 = arith.cmpi ne, %convert_element_type3A_152, %cond3A_153 : i32
      scf.if %cond3A_154 {
        %add3A_156 = arith.constant 1 : i32
        %add3A_157 = arith.addi %add3A_150, %add3A_156 : i32
        %lt3A_158 = arith.cmpi slt, %add3A_157, %select_n3A : i32
        %convert_element_type3A_159 = arith.extui %lt3A_158 : i1 to i32
        %cond3A_160 = arith.constant 0 : i32
        %cond3A_161 = arith.cmpi ne, %convert_element_type3A_159, %cond3A_160 : i32
        scf.if %cond3A_161 {
          %ge3A = arith.constant 1 : i32
          %ge3A_173 = arith.cmpi sge, %add3A_150, %ge3A : i32
          %convert_element_type3A_174 = arith.extui %ge3A_173 : i1 to i32
          %cond3A_175 = arith.constant 0 : i32
          %cond3A_176 = arith.cmpi ne, %convert_element_type3A_174, %cond3A_175 : i32
          scf.if %cond3A_176 {
            %dma_wait3A_190 = arith.constant 0 : i32
            %dma_wait3A_191 = arith.constant 0 : i32
            %dma_wait3A_192 = tpu.memref_slice %arg19[%dma_wait3A_190, %dma_wait3A_191] : memref<10240x128xf32, #tpu.memory_space<vmem_shared>> -> memref<10240x128xf32, #tpu.memory_space<vmem_shared>>
            tpu.wait_indirect_dma semaphore(%arg22 : memref<!tpu.dma_semaphore, #tpu.memory_space<semaphore_mem>>) src(%arg13 : memref<64x128xf32, #tpu.memory_space<vmem>>) dst(%dma_wait3A_192 : memref<10240x128xf32, #tpu.memory_space<vmem_shared>>)
          } else {
          }
          %add3A_177 = arith.constant 1 : i32
          %add3A_178 = arith.addi %add3A_150, %add3A_177 : i32
          %mul3A_179 = arith.constant 32 : i32
          %mul3A_180 = arith.muli %add3A_178, %mul3A_179 : i32
          %add3A_181 = arith.addi %add3A, %mul3A_180 : i32
          %mul3A_182 = arith.constant 64 : i32
          %mul3A_183 = arith.muli %add3A_181, %mul3A_182 : i32
          "tpu.region"() ({
            %run_scoped3A = tpu.sem_alloc : memref<!tpu.dma_semaphore, #tpu.memory_space<semaphore_mem>>
            %dma_start3A_190 = tpu.memref_slice %arg4[%mul3A_183] : memref<320000xi32, #tpu.memory_space<hbm>> -> memref<64xi32, #tpu.memory_space<hbm>>
            %dma_start3A_191 = tpu.memref_slice %arg4[%mul3A_183] : memref<320000xi32, #tpu.memory_space<hbm>> -> memref<64xi32, #tpu.memory_space<hbm>>
            tpu.enqueue_dma source(%dma_start3A_191 : memref<64xi32, #tpu.memory_space<hbm>>) target(%arg9 : memref<64xi32, #tpu.memory_space<vmem>>) target_semaphore(%run_scoped3A : memref<!tpu.dma_semaphore, #tpu.memory_space<semaphore_mem>>)
            %dma_wait3A_192 = tpu.memref_slice %arg4[%mul3A_183] : memref<320000xi32, #tpu.memory_space<hbm>> -> memref<64xi32, #tpu.memory_space<hbm>>
            %dma_wait3A_193 = tpu.memref_slice %arg4[%mul3A_183] : memref<320000xi32, #tpu.memory_space<hbm>> -> memref<64xi32, #tpu.memory_space<hbm>>
            tpu.wait_dma2 semaphore(%run_scoped3A : memref<!tpu.dma_semaphore, #tpu.memory_space<semaphore_mem>>) src(%dma_wait3A_193 : memref<64xi32, #tpu.memory_space<hbm>>) dst(%arg9 : memref<64xi32, #tpu.memory_space<vmem>>)
            tpu.yield
          }) : () -> ()
          "tpu.region"() ({
            %run_scoped3A = tpu.sem_alloc : memref<!tpu.dma_semaphore, #tpu.memory_space<semaphore_mem>>
            %dma_start3A_190 = tpu.memref_slice %arg5[%mul3A_183] : memref<320000xi32, #tpu.memory_space<hbm>> -> memref<64xi32, #tpu.memory_space<hbm>>
            %dma_start3A_191 = tpu.memref_slice %arg5[%mul3A_183] : memref<320000xi32, #tpu.memory_space<hbm>> -> memref<64xi32, #tpu.memory_space<hbm>>
            tpu.enqueue_dma source(%dma_start3A_191 : memref<64xi32, #tpu.memory_space<hbm>>) target(%arg11 : memref<64xi32, #tpu.memory_space<vmem>>) target_semaphore(%run_scoped3A : memref<!tpu.dma_semaphore, #tpu.memory_space<semaphore_mem>>)
            %dma_wait3A_192 = tpu.memref_slice %arg5[%mul3A_183] : memref<320000xi32, #tpu.memory_space<hbm>> -> memref<64xi32, #tpu.memory_space<hbm>>
            %dma_wait3A_193 = tpu.memref_slice %arg5[%mul3A_183] : memref<320000xi32, #tpu.memory_space<hbm>> -> memref<64xi32, #tpu.memory_space<hbm>>
            tpu.wait_dma2 semaphore(%run_scoped3A : memref<!tpu.dma_semaphore, #tpu.memory_space<semaphore_mem>>) src(%dma_wait3A_193 : memref<64xi32, #tpu.memory_space<hbm>>) dst(%arg11 : memref<64xi32, #tpu.memory_space<vmem>>)
            tpu.yield
          }) : () -> ()
          %dma_start3A_184 = arith.constant 0 : i32
          %dma_start3A_185 = arith.constant 0 : i32
          %dma_start3A_186 = tpu.memref_slice %arg2[%dma_start3A_184, %dma_start3A_185] : memref<10000x128xf32, #tpu.memory_space<hbm>> -> memref<10000x128xf32, #tpu.memory_space<hbm>>
          tpu.enqueue_indirect_dma source(%dma_start3A_186 : memref<10000x128xf32, #tpu.memory_space<hbm>>) target(%arg13 : memref<64x128xf32, #tpu.memory_space<vmem>>) offsets(%arg9 : memref<64xi32, #tpu.memory_space<vmem>>) semaphore(%arg20 : memref<!tpu.dma_semaphore, #tpu.memory_space<semaphore_mem>>)
          %dma_start3A_187 = arith.constant 0 : i32
          %dma_start3A_188 = arith.constant 0 : i32
          %dma_start3A_189 = tpu.memref_slice %arg3[%dma_start3A_187, %dma_start3A_188] : memref<10000x128xf32, #tpu.memory_space<hbm>> -> memref<10000x128xf32, #tpu.memory_space<hbm>>
          tpu.enqueue_indirect_dma source(%dma_start3A_189 : memref<10000x128xf32, #tpu.memory_space<hbm>>) target(%arg15 : memref<64x128xf32, #tpu.memory_space<vmem>>) offsets(%arg11 : memref<64xi32, #tpu.memory_space<vmem>>) semaphore(%arg20 : memref<!tpu.dma_semaphore, #tpu.memory_space<semaphore_mem>>)
        } else {
        }
        %dma_wait3A_162 = arith.constant 0 : i32
        %dma_wait3A_163 = arith.constant 0 : i32
        %dma_wait3A_164 = tpu.memref_slice %arg2[%dma_wait3A_162, %dma_wait3A_163] : memref<10000x128xf32, #tpu.memory_space<hbm>> -> memref<10000x128xf32, #tpu.memory_space<hbm>>
        tpu.wait_indirect_dma semaphore(%arg21 : memref<!tpu.dma_semaphore, #tpu.memory_space<semaphore_mem>>) src(%dma_wait3A_164 : memref<10000x128xf32, #tpu.memory_space<hbm>>) dst(%arg14 : memref<64x128xf32, #tpu.memory_space<vmem>>)
        %dma_wait3A_165 = arith.constant 0 : i32
        %dma_wait3A_166 = arith.constant 0 : i32
        %dma_wait3A_167 = tpu.memref_slice %arg3[%dma_wait3A_165, %dma_wait3A_166] : memref<10000x128xf32, #tpu.memory_space<hbm>> -> memref<10000x128xf32, #tpu.memory_space<hbm>>
        tpu.wait_indirect_dma semaphore(%arg21 : memref<!tpu.dma_semaphore, #tpu.memory_space<semaphore_mem>>) src(%dma_wait3A_167 : memref<10000x128xf32, #tpu.memory_space<hbm>>) dst(%arg16 : memref<64x128xf32, #tpu.memory_space<vmem>>)
        %parallel_loop3A = arith.constant 0 : i32
        %parallel_loop3A_168 = arith.constant 64 : i32
        %parallel_loop3A_169 = arith.constant 1 : i32
        scf.for %parallel_loop3A_173 = %parallel_loop3A to %parallel_loop3A_168 step %parallel_loop3A_169  : i32 {
          %parallel_loop3A_174 = arith.index_cast %parallel_loop3A_173 : i32 to index
          %parallel_loop3A_175 = arith.constant 0 : index
          %parallel_loop3A_176 = tpu.vector_load %arg14[%parallel_loop3A_174, %parallel_loop3A_175] {strides = array<i32>} : memref<64x128xf32, #tpu.memory_space<vmem>>, vector<16xf32>,
          %parallel_loop3A_177 = arith.index_cast %parallel_loop3A_173 : i32 to index
          %parallel_loop3A_178 = arith.constant 0 : index
          %parallel_loop3A_179 = tpu.vector_load %arg16[%parallel_loop3A_177, %parallel_loop3A_178] {strides = array<i32>} : memref<64x128xf32, #tpu.memory_space<vmem>>, vector<16xf32>,
          %parallel_loop3A_180 = arith.addf %parallel_loop3A_176, %parallel_loop3A_179 : vector<16xf32>
          %parallel_loop3A_181 = arith.constant 2.000000e-01 : f32
          %parallel_loop3A_182 = vector.broadcast %parallel_loop3A_181 : f32 to vector<16xf32>
          %parallel_loop3A_183 = arith.mulf %parallel_loop3A_182, %parallel_loop3A_180 : vector<16xf32>
          %parallel_loop3A_184 = arith.maximumf %parallel_loop3A_180, %parallel_loop3A_183 : vector<16xf32>
          %parallel_loop3A_185 = arith.mulf %parallel_loop3A_184, %get3A_1 : vector<16xf32>
          %parallel_loop3A_186 = arith.addf %broadcast_in_dim3A_51, %parallel_loop3A_185 : vector<16xf32>
          %parallel_loop3A_187 = arith.index_cast %parallel_loop3A_173 : i32 to index
          %parallel_loop3A_188 = arith.constant 16 : index
          %parallel_loop3A_189 = tpu.vector_load %arg14[%parallel_loop3A_187, %parallel_loop3A_188] {strides = array<i32>} : memref<64x128xf32, #tpu.memory_space<vmem>>, vector<16xf32>,
          %parallel_loop3A_190 = arith.index_cast %parallel_loop3A_173 : i32 to index
          %parallel_loop3A_191 = arith.constant 16 : index
          %parallel_loop3A_192 = tpu.vector_load %arg16[%parallel_loop3A_190, %parallel_loop3A_191] {strides = array<i32>} : memref<64x128xf32, #tpu.memory_space<vmem>>, vector<16xf32>,
          %parallel_loop3A_193 = arith.addf %parallel_loop3A_189, %parallel_loop3A_192 : vector<16xf32>
          %parallel_loop3A_194 = arith.constant 2.000000e-01 : f32
          %parallel_loop3A_195 = vector.broadcast %parallel_loop3A_194 : f32 to vector<16xf32>
          %parallel_loop3A_196 = arith.mulf %parallel_loop3A_195, %parallel_loop3A_193 : vector<16xf32>
          %parallel_loop3A_197 = arith.maximumf %parallel_loop3A_193, %parallel_loop3A_196 : vector<16xf32>
          %parallel_loop3A_198 = arith.mulf %parallel_loop3A_197, %get3A_3 : vector<16xf32>
          %parallel_loop3A_199 = arith.addf %parallel_loop3A_186, %parallel_loop3A_198 : vector<16xf32>
          %parallel_loop3A_200 = arith.index_cast %parallel_loop3A_173 : i32 to index
          %parallel_loop3A_201 = arith.constant 32 : index
          %parallel_loop3A_202 = tpu.vector_load %arg14[%parallel_loop3A_200, %parallel_loop3A_201] {strides = array<i32>} : memref<64x128xf32, #tpu.memory_space<vmem>>, vector<16xf32>,
          %parallel_loop3A_203 = arith.index_cast %parallel_loop3A_173 : i32 to index
          %parallel_loop3A_204 = arith.constant 32 : index
          %parallel_loop3A_205 = tpu.vector_load %arg16[%parallel_loop3A_203, %parallel_loop3A_204] {strides = array<i32>} : memref<64x128xf32, #tpu.memory_space<vmem>>, vector<16xf32>,
          %parallel_loop3A_206 = arith.addf %parallel_loop3A_202, %parallel_loop3A_205 : vector<16xf32>
          %parallel_loop3A_207 = arith.constant 2.000000e-01 : f32
          %parallel_loop3A_208 = vector.broadcast %parallel_loop3A_207 : f32 to vector<16xf32>
          %parallel_loop3A_209 = arith.mulf %parallel_loop3A_208, %parallel_loop3A_206 : vector<16xf32>
          %parallel_loop3A_210 = arith.maximumf %parallel_loop3A_206, %parallel_loop3A_209 : vector<16xf32>
          %parallel_loop3A_211 = arith.mulf %parallel_loop3A_210, %get3A_5 : vector<16xf32>
          %parallel_loop3A_212 = arith.addf %parallel_loop3A_199, %parallel_loop3A_211 : vector<16xf32>
          %parallel_loop3A_213 = arith.index_cast %parallel_loop3A_173 : i32 to index
          %parallel_loop3A_214 = arith.constant 48 : index
          %parallel_loop3A_215 = tpu.vector_load %arg14[%parallel_loop3A_213, %parallel_loop3A_214] {strides = array<i32>} : memref<64x128xf32, #tpu.memory_space<vmem>>, vector<16xf32>,
          %parallel_loop3A_216 = arith.index_cast %parallel_loop3A_173 : i32 to index
          %parallel_loop3A_217 = arith.constant 48 : index
          %parallel_loop3A_218 = tpu.vector_load %arg16[%parallel_loop3A_216, %parallel_loop3A_217] {strides = array<i32>} : memref<64x128xf32, #tpu.memory_space<vmem>>, vector<16xf32>,
          %parallel_loop3A_219 = arith.addf %parallel_loop3A_215, %parallel_loop3A_218 : vector<16xf32>
          %parallel_loop3A_220 = arith.constant 2.000000e-01 : f32
          %parallel_loop3A_221 = vector.broadcast %parallel_loop3A_220 : f32 to vector<16xf32>
          %parallel_loop3A_222 = arith.mulf %parallel_loop3A_221, %parallel_loop3A_219 : vector<16xf32>
          %parallel_loop3A_223 = arith.maximumf %parallel_loop3A_219, %parallel_loop3A_222 : vector<16xf32>
          %parallel_loop3A_224 = arith.mulf %parallel_loop3A_223, %get3A_7 : vector<16xf32>
          %parallel_loop3A_225 = arith.addf %parallel_loop3A_212, %parallel_loop3A_224 : vector<16xf32>
          %parallel_loop3A_226 = arith.index_cast %parallel_loop3A_173 : i32 to index
          %parallel_loop3A_227 = arith.constant 64 : index
          %parallel_loop3A_228 = tpu.vector_load %arg14[%parallel_loop3A_226, %parallel_loop3A_227] {strides = array<i32>} : memref<64x128xf32, #tpu.memory_space<vmem>>, vector<16xf32>,
          %parallel_loop3A_229 = arith.index_cast %parallel_loop3A_173 : i32 to index
          %parallel_loop3A_230 = arith.constant 64 : index
          %parallel_loop3A_231 = tpu.vector_load %arg16[%parallel_loop3A_229, %parallel_loop3A_230] {strides = array<i32>} : memref<64x128xf32, #tpu.memory_space<vmem>>, vector<16xf32>,
          %parallel_loop3A_232 = arith.addf %parallel_loop3A_228, %parallel_loop3A_231 : vector<16xf32>
          %parallel_loop3A_233 = arith.constant 2.000000e-01 : f32
          %parallel_loop3A_234 = vector.broadcast %parallel_loop3A_233 : f32 to vector<16xf32>
          %parallel_loop3A_235 = arith.mulf %parallel_loop3A_234, %parallel_loop3A_232 : vector<16xf32>
          %parallel_loop3A_236 = arith.maximumf %parallel_loop3A_232, %parallel_loop3A_235 : vector<16xf32>
          %parallel_loop3A_237 = arith.mulf %parallel_loop3A_236, %get3A_9 : vector<16xf32>
          %parallel_loop3A_238 = arith.addf %parallel_loop3A_225, %parallel_loop3A_237 : vector<16xf32>
          %parallel_loop3A_239 = arith.index_cast %parallel_loop3A_173 : i32 to index
          %parallel_loop3A_240 = arith.constant 80 : index
          %parallel_loop3A_241 = tpu.vector_load %arg14[%parallel_loop3A_239, %parallel_loop3A_240] {strides = array<i32>} : memref<64x128xf32, #tpu.memory_space<vmem>>, vector<16xf32>,
          %parallel_loop3A_242 = arith.index_cast %parallel_loop3A_173 : i32 to index
          %parallel_loop3A_243 = arith.constant 80 : index
          %parallel_loop3A_244 = tpu.vector_load %arg16[%parallel_loop3A_242, %parallel_loop3A_243] {strides = array<i32>} : memref<64x128xf32, #tpu.memory_space<vmem>>, vector<16xf32>,
          %parallel_loop3A_245 = arith.addf %parallel_loop3A_241, %parallel_loop3A_244 : vector<16xf32>
          %parallel_loop3A_246 = arith.constant 2.000000e-01 : f32
          %parallel_loop3A_247 = vector.broadcast %parallel_loop3A_246 : f32 to vector<16xf32>
          %parallel_loop3A_248 = arith.mulf %parallel_loop3A_247, %parallel_loop3A_245 : vector<16xf32>
          %parallel_loop3A_249 = arith.maximumf %parallel_loop3A_245, %parallel_loop3A_248 : vector<16xf32>
          %parallel_loop3A_250 = arith.mulf %parallel_loop3A_249, %get3A_11 : vector<16xf32>
          %parallel_loop3A_251 = arith.addf %parallel_loop3A_238, %parallel_loop3A_250 : vector<16xf32>
          %parallel_loop3A_252 = arith.index_cast %parallel_loop3A_173 : i32 to index
          %parallel_loop3A_253 = arith.constant 96 : index
          %parallel_loop3A_254 = tpu.vector_load %arg14[%parallel_loop3A_252, %parallel_loop3A_253] {strides = array<i32>} : memref<64x128xf32, #tpu.memory_space<vmem>>, vector<16xf32>,
          %parallel_loop3A_255 = arith.index_cast %parallel_loop3A_173 : i32 to index
          %parallel_loop3A_256 = arith.constant 96 : index
          %parallel_loop3A_257 = tpu.vector_load %arg16[%parallel_loop3A_255, %parallel_loop3A_256] {strides = array<i32>} : memref<64x128xf32, #tpu.memory_space<vmem>>, vector<16xf32>,
          %parallel_loop3A_258 = arith.addf %parallel_loop3A_254, %parallel_loop3A_257 : vector<16xf32>
          %parallel_loop3A_259 = arith.constant 2.000000e-01 : f32
          %parallel_loop3A_260 = vector.broadcast %parallel_loop3A_259 : f32 to vector<16xf32>
          %parallel_loop3A_261 = arith.mulf %parallel_loop3A_260, %parallel_loop3A_258 : vector<16xf32>
          %parallel_loop3A_262 = arith.maximumf %parallel_loop3A_258, %parallel_loop3A_261 : vector<16xf32>
          %parallel_loop3A_263 = arith.mulf %parallel_loop3A_262, %get3A_13 : vector<16xf32>
          %parallel_loop3A_264 = arith.addf %parallel_loop3A_251, %parallel_loop3A_263 : vector<16xf32>
          %parallel_loop3A_265 = arith.index_cast %parallel_loop3A_173 : i32 to index
          %parallel_loop3A_266 = arith.constant 112 : index
          %parallel_loop3A_267 = tpu.vector_load %arg14[%parallel_loop3A_265, %parallel_loop3A_266] {strides = array<i32>} : memref<64x128xf32, #tpu.memory_space<vmem>>, vector<16xf32>,
          %parallel_loop3A_268 = arith.index_cast %parallel_loop3A_173 : i32 to index
          %parallel_loop3A_269 = arith.constant 112 : index
          %parallel_loop3A_270 = tpu.vector_load %arg16[%parallel_loop3A_268, %parallel_loop3A_269] {strides = array<i32>} : memref<64x128xf32, #tpu.memory_space<vmem>>, vector<16xf32>,
          %parallel_loop3A_271 = arith.addf %parallel_loop3A_267, %parallel_loop3A_270 : vector<16xf32>
          %parallel_loop3A_272 = arith.constant 2.000000e-01 : f32
          %parallel_loop3A_273 = vector.broadcast %parallel_loop3A_272 : f32 to vector<16xf32>
          %parallel_loop3A_274 = arith.mulf %parallel_loop3A_273, %parallel_loop3A_271 : vector<16xf32>
          %parallel_loop3A_275 = arith.maximumf %parallel_loop3A_271, %parallel_loop3A_274 : vector<16xf32>
          %parallel_loop3A_276 = arith.mulf %parallel_loop3A_275, %get3A_15 : vector<16xf32>
          %parallel_loop3A_277 = arith.addf %parallel_loop3A_264, %parallel_loop3A_276 : vector<16xf32>
          %parallel_loop3A_278 = arith.constant 8 : i32
          %parallel_loop3A_279 = vector.broadcast %parallel_loop3A_278 : i32 to vector<16xi32>
          %parallel_loop3A_280 = arith.xori %iota3A, %parallel_loop3A_279 : vector<16xi32>
          %parallel_loop3A_281 = vector.shape_cast %parallel_loop3A_280 : vector<16xi32> to vector<16x1xi32>
          %parallel_loop3A_282 = vector.shape_cast %parallel_loop3A_281 : vector<16x1xi32> to vector<16xi32>
          %parallel_loop3A_283 = tpu.dynamic_gather %parallel_loop3A_277[%parallel_loop3A_282] in [0] : vector<16xf32>, vector<16xi32> -> vector<16xf32>
          %parallel_loop3A_284 = arith.addf %parallel_loop3A_277, %parallel_loop3A_283 : vector<16xf32>
          %parallel_loop3A_285 = arith.constant 4 : i32
          %parallel_loop3A_286 = vector.broadcast %parallel_loop3A_285 : i32 to vector<16xi32>
          %parallel_loop3A_287 = arith.xori %iota3A, %parallel_loop3A_286 : vector<16xi32>
          %parallel_loop3A_288 = vector.shape_cast %parallel_loop3A_287 : vector<16xi32> to vector<16x1xi32>
          %parallel_loop3A_289 = vector.shape_cast %parallel_loop3A_288 : vector<16x1xi32> to vector<16xi32>
          %parallel_loop3A_290 = tpu.dynamic_gather %parallel_loop3A_284[%parallel_loop3A_289] in [0] : vector<16xf32>, vector<16xi32> -> vector<16xf32>
          %parallel_loop3A_291 = arith.addf %parallel_loop3A_284, %parallel_loop3A_290 : vector<16xf32>
          %parallel_loop3A_292 = arith.constant 2 : i32
          %parallel_loop3A_293 = vector.broadcast %parallel_loop3A_292 : i32 to vector<16xi32>
          %parallel_loop3A_294 = arith.xori %iota3A, %parallel_loop3A_293 : vector<16xi32>
          %parallel_loop3A_295 = vector.shape_cast %parallel_loop3A_294 : vector<16xi32> to vector<16x1xi32>
          %parallel_loop3A_296 = vector.shape_cast %parallel_loop3A_295 : vector<16x1xi32> to vector<16xi32>
          %parallel_loop3A_297 = tpu.dynamic_gather %parallel_loop3A_291[%parallel_loop3A_296] in [0] : vector<16xf32>, vector<16xi32> -> vector<16xf32>
          %parallel_loop3A_298 = arith.addf %parallel_loop3A_291, %parallel_loop3A_297 : vector<16xf32>
          %parallel_loop3A_299 = arith.constant 1 : i32
          %parallel_loop3A_300 = vector.broadcast %parallel_loop3A_299 : i32 to vector<16xi32>
          %parallel_loop3A_301 = arith.xori %iota3A, %parallel_loop3A_300 : vector<16xi32>
          %parallel_loop3A_302 = vector.shape_cast %parallel_loop3A_301 : vector<16xi32> to vector<16x1xi32>
          %parallel_loop3A_303 = vector.shape_cast %parallel_loop3A_302 : vector<16x1xi32> to vector<16xi32>
          %parallel_loop3A_304 = tpu.dynamic_gather %parallel_loop3A_298[%parallel_loop3A_303] in [0] : vector<16xf32>, vector<16xi32> -> vector<16xf32>
          %parallel_loop3A_305 = arith.addf %parallel_loop3A_298, %parallel_loop3A_304 : vector<16xf32>
          %parallel_loop3A_306 = math.exp %parallel_loop3A_305 : vector<16xf32>
          %parallel_loop3A_307 = arith.mulf %parallel_loop3A_176, %parallel_loop3A_306 : vector<16xf32>
          %parallel_loop3A_308 = arith.index_cast %parallel_loop3A_173 : i32 to index
          %parallel_loop3A_309 = arith.constant 0 : index
          %parallel_loop3A_310 = tpu.vector_load %arg14[%parallel_loop3A_308, %parallel_loop3A_309] {strides = array<i32>} : memref<64x128xf32, #tpu.memory_space<vmem>>, vector<16xf32>,
          tpu.vector_store %arg14[%parallel_loop3A_308, %parallel_loop3A_309], %parallel_loop3A_307 {strides = array<i32>} : memref<64x128xf32, #tpu.memory_space<vmem>>, vector<16xf32>,
          %parallel_loop3A_311 = arith.mulf %parallel_loop3A_189, %parallel_loop3A_306 : vector<16xf32>
          %parallel_loop3A_312 = arith.index_cast %parallel_loop3A_173 : i32 to index
          %parallel_loop3A_313 = arith.constant 16 : index
          %parallel_loop3A_314 = tpu.vector_load %arg14[%parallel_loop3A_312, %parallel_loop3A_313] {strides = array<i32>} : memref<64x128xf32, #tpu.memory_space<vmem>>, vector<16xf32>,
          tpu.vector_store %arg14[%parallel_loop3A_312, %parallel_loop3A_313], %parallel_loop3A_311 {strides = array<i32>} : memref<64x128xf32, #tpu.memory_space<vmem>>, vector<16xf32>,
          %parallel_loop3A_315 = arith.mulf %parallel_loop3A_202, %parallel_loop3A_306 : vector<16xf32>
          %parallel_loop3A_316 = arith.index_cast %parallel_loop3A_173 : i32 to index
          %parallel_loop3A_317 = arith.constant 32 : index
          %parallel_loop3A_318 = tpu.vector_load %arg14[%parallel_loop3A_316, %parallel_loop3A_317] {strides = array<i32>} : memref<64x128xf32, #tpu.memory_space<vmem>>, vector<16xf32>,
          tpu.vector_store %arg14[%parallel_loop3A_316, %parallel_loop3A_317], %parallel_loop3A_315 {strides = array<i32>} : memref<64x128xf32, #tpu.memory_space<vmem>>, vector<16xf32>,
          %parallel_loop3A_319 = arith.mulf %parallel_loop3A_215, %parallel_loop3A_306 : vector<16xf32>
          %parallel_loop3A_320 = arith.index_cast %parallel_loop3A_173 : i32 to index
          %parallel_loop3A_321 = arith.constant 48 : index
          %parallel_loop3A_322 = tpu.vector_load %arg14[%parallel_loop3A_320, %parallel_loop3A_321] {strides = array<i32>} : memref<64x128xf32, #tpu.memory_space<vmem>>, vector<16xf32>,
          tpu.vector_store %arg14[%parallel_loop3A_320, %parallel_loop3A_321], %parallel_loop3A_319 {strides = array<i32>} : memref<64x128xf32, #tpu.memory_space<vmem>>, vector<16xf32>,
          %parallel_loop3A_323 = arith.mulf %parallel_loop3A_228, %parallel_loop3A_306 : vector<16xf32>
          %parallel_loop3A_324 = arith.index_cast %parallel_loop3A_173 : i32 to index
          %parallel_loop3A_325 = arith.constant 64 : index
          %parallel_loop3A_326 = tpu.vector_load %arg14[%parallel_loop3A_324, %parallel_loop3A_325] {strides = array<i32>} : memref<64x128xf32, #tpu.memory_space<vmem>>, vector<16xf32>,
          tpu.vector_store %arg14[%parallel_loop3A_324, %parallel_loop3A_325], %parallel_loop3A_323 {strides = array<i32>} : memref<64x128xf32, #tpu.memory_space<vmem>>, vector<16xf32>,
          %parallel_loop3A_327 = arith.mulf %parallel_loop3A_241, %parallel_loop3A_306 : vector<16xf32>
          %parallel_loop3A_328 = arith.index_cast %parallel_loop3A_173 : i32 to index
          %parallel_loop3A_329 = arith.constant 80 : index
          %parallel_loop3A_330 = tpu.vector_load %arg14[%parallel_loop3A_328, %parallel_loop3A_329] {strides = array<i32>} : memref<64x128xf32, #tpu.memory_space<vmem>>, vector<16xf32>,
          tpu.vector_store %arg14[%parallel_loop3A_328, %parallel_loop3A_329], %parallel_loop3A_327 {strides = array<i32>} : memref<64x128xf32, #tpu.memory_space<vmem>>, vector<16xf32>,
          %parallel_loop3A_331 = arith.mulf %parallel_loop3A_254, %parallel_loop3A_306 : vector<16xf32>
          %parallel_loop3A_332 = arith.index_cast %parallel_loop3A_173 : i32 to index
          %parallel_loop3A_333 = arith.constant 96 : index
          %parallel_loop3A_334 = tpu.vector_load %arg14[%parallel_loop3A_332, %parallel_loop3A_333] {strides = array<i32>} : memref<64x128xf32, #tpu.memory_space<vmem>>, vector<16xf32>,
          tpu.vector_store %arg14[%parallel_loop3A_332, %parallel_loop3A_333], %parallel_loop3A_331 {strides = array<i32>} : memref<64x128xf32, #tpu.memory_space<vmem>>, vector<16xf32>,
          %parallel_loop3A_335 = arith.mulf %parallel_loop3A_267, %parallel_loop3A_306 : vector<16xf32>
          %parallel_loop3A_336 = arith.index_cast %parallel_loop3A_173 : i32 to index
          %parallel_loop3A_337 = arith.constant 112 : index
          %parallel_loop3A_338 = tpu.vector_load %arg14[%parallel_loop3A_336, %parallel_loop3A_337] {strides = array<i32>} : memref<64x128xf32, #tpu.memory_space<vmem>>, vector<16xf32>,
          tpu.vector_store %arg14[%parallel_loop3A_336, %parallel_loop3A_337], %parallel_loop3A_335 {strides = array<i32>} : memref<64x128xf32, #tpu.memory_space<vmem>>, vector<16xf32>,
          %parallel_loop3A_339 = arith.constant 0 : i32
          %parallel_loop3A_340 = vector.broadcast %parallel_loop3A_339 : i32 to vector<16xi32>
          %parallel_loop3A_341 = vector.broadcast %parallel_loop3A_173 : i32 to vector<16xi32>
          %parallel_loop3A_342 = arith.addi %parallel_loop3A_340, %parallel_loop3A_341 : vector<16xi32>
          %parallel_loop3A_343 = tpu.vector_load_idx %arg12[%parallel_loop3A_342] : memref<64xi32, #tpu.memory_space<vmem>>[vector<16xi32>], vector<16xi32>,
          tpu.vector_store_idx %arg18[%parallel_loop3A_343], %parallel_loop3A_306 masked %eq3A_53 {add = true} : memref<10240xf32, #tpu.memory_space<vmem>>[vector<16xi32>], vector<16xf32>, vector<16xi1>
        } {sc.loop_unroll_factor = 3 : i64, sc.parallel_access}
        %dma_start3A_170 = arith.constant 0 : i32
        %dma_start3A_171 = arith.constant 0 : i32
        %dma_start3A_172 = tpu.memref_slice %arg19[%dma_start3A_170, %dma_start3A_171] : memref<10240x128xf32, #tpu.memory_space<vmem_shared>> -> memref<10240x128xf32, #tpu.memory_space<vmem_shared>>
        tpu.enqueue_indirect_dma source(%arg14 : memref<64x128xf32, #tpu.memory_space<vmem>>) target(%dma_start3A_172 : memref<10240x128xf32, #tpu.memory_space<vmem_shared>>) offsets(%arg12 : memref<64xi32, #tpu.memory_space<vmem>>) semaphore(%arg23 : memref<!tpu.dma_semaphore, #tpu.memory_space<semaphore_mem>>) {add = true}
      } else {
      }
      %while3A_155 = arith.constant 0 : i32
      scf.yield %while3A_155 : i32
    }
    %while3A_122 = arith.constant 1 : i32
    %while3A_123 = scf.for %while3A_137 = %while3A_119 to %while3A_115 step %while3A_122 iter_args(%while3A_138 = %while3A_121) -> (i32)  : i32 {
      %mul3A_139 = arith.constant 2 : i32
      %mul3A_140 = arith.muli %while3A_137, %mul3A_139 : i32
      %add3A_141 = arith.constant 0 : i32
      %add3A_142 = arith.addi %mul3A_140, %add3A_141 : i32
      %lt3A_143 = arith.cmpi slt, %add3A_142, %select_n3A : i32
      %convert_element_type3A_144 = arith.extui %lt3A_143 : i1 to i32
      %cond3A_145 = arith.constant 0 : i32
      %cond3A_146 = arith.cmpi ne, %convert_element_type3A_144, %cond3A_145 : i32
      scf.if %cond3A_146 {
        %add3A_156 = arith.constant 1 : i32
        %add3A_157 = arith.addi %add3A_142, %add3A_156 : i32
        %lt3A_158 = arith.cmpi slt, %add3A_157, %select_n3A : i32
        %convert_element_type3A_159 = arith.extui %lt3A_158 : i1 to i32
        %cond3A_160 = arith.constant 0 : i32
        %cond3A_161 = arith.cmpi ne, %convert_element_type3A_159, %cond3A_160 : i32
        scf.if %cond3A_161 {
          %ge3A = arith.constant 1 : i32
          %ge3A_173 = arith.cmpi sge, %add3A_142, %ge3A : i32
          %convert_element_type3A_174 = arith.extui %ge3A_173 : i1 to i32
          %cond3A_175 = arith.constant 0 : i32
          %cond3A_176 = arith.cmpi ne, %convert_element_type3A_174, %cond3A_175 : i32
          scf.if %cond3A_176 {
            %dma_wait3A_190 = arith.constant 0 : i32
            %dma_wait3A_191 = arith.constant 0 : i32
            %dma_wait3A_192 = tpu.memref_slice %arg19[%dma_wait3A_190, %dma_wait3A_191] : memref<10240x128xf32, #tpu.memory_space<vmem_shared>> -> memref<10240x128xf32, #tpu.memory_space<vmem_shared>>
            tpu.wait_indirect_dma semaphore(%arg23 : memref<!tpu.dma_semaphore, #tpu.memory_space<semaphore_mem>>) src(%arg14 : memref<64x128xf32, #tpu.memory_space<vmem>>) dst(%dma_wait3A_192 : memref<10240x128xf32, #tpu.memory_space<vmem_shared>>)
          } else {
          }
          %add3A_177 = arith.constant 1 : i32
          %add3A_178 = arith.addi %add3A_142, %add3A_177 : i32
          %mul3A_179 = arith.constant 32 : i32
          %mul3A_180 = arith.muli %add3A_178, %mul3A_179 : i32
          %add3A_181 = arith.addi %add3A, %mul3A_180 : i32
          %mul3A_182 = arith.constant 64 : i32
          %mul3A_183 = arith.muli %add3A_181, %mul3A_182 : i32
          "tpu.region"() ({
            %run_scoped3A = tpu.sem_alloc : memref<!tpu.dma_semaphore, #tpu.memory_space<semaphore_mem>>
            %dma_start3A_190 = tpu.memref_slice %arg4[%mul3A_183] : memref<320000xi32, #tpu.memory_space<hbm>> -> memref<64xi32, #tpu.memory_space<hbm>>
            %dma_start3A_191 = tpu.memref_slice %arg4[%mul3A_183] : memref<320000xi32, #tpu.memory_space<hbm>> -> memref<64xi32, #tpu.memory_space<hbm>>
            tpu.enqueue_dma source(%dma_start3A_191 : memref<64xi32, #tpu.memory_space<hbm>>) target(%arg10 : memref<64xi32, #tpu.memory_space<vmem>>) target_semaphore(%run_scoped3A : memref<!tpu.dma_semaphore, #tpu.memory_space<semaphore_mem>>)
            %dma_wait3A_192 = tpu.memref_slice %arg4[%mul3A_183] : memref<320000xi32, #tpu.memory_space<hbm>> -> memref<64xi32, #tpu.memory_space<hbm>>
            %dma_wait3A_193 = tpu.memref_slice %arg4[%mul3A_183] : memref<320000xi32, #tpu.memory_space<hbm>> -> memref<64xi32, #tpu.memory_space<hbm>>
            tpu.wait_dma2 semaphore(%run_scoped3A : memref<!tpu.dma_semaphore, #tpu.memory_space<semaphore_mem>>) src(%dma_wait3A_193 : memref<64xi32, #tpu.memory_space<hbm>>) dst(%arg10 : memref<64xi32, #tpu.memory_space<vmem>>)
            tpu.yield
          }) : () -> ()
          "tpu.region"() ({
            %run_scoped3A = tpu.sem_alloc : memref<!tpu.dma_semaphore, #tpu.memory_space<semaphore_mem>>
            %dma_start3A_190 = tpu.memref_slice %arg5[%mul3A_183] : memref<320000xi32, #tpu.memory_space<hbm>> -> memref<64xi32, #tpu.memory_space<hbm>>
            %dma_start3A_191 = tpu.memref_slice %arg5[%mul3A_183] : memref<320000xi32, #tpu.memory_space<hbm>> -> memref<64xi32, #tpu.memory_space<hbm>>
            tpu.enqueue_dma source(%dma_start3A_191 : memref<64xi32, #tpu.memory_space<hbm>>) target(%arg12 : memref<64xi32, #tpu.memory_space<vmem>>) target_semaphore(%run_scoped3A : memref<!tpu.dma_semaphore, #tpu.memory_space<semaphore_mem>>)
            %dma_wait3A_192 = tpu.memref_slice %arg5[%mul3A_183] : memref<320000xi32, #tpu.memory_space<hbm>> -> memref<64xi32, #tpu.memory_space<hbm>>
            %dma_wait3A_193 = tpu.memref_slice %arg5[%mul3A_183] : memref<320000xi32, #tpu.memory_space<hbm>> -> memref<64xi32, #tpu.memory_space<hbm>>
            tpu.wait_dma2 semaphore(%run_scoped3A : memref<!tpu.dma_semaphore, #tpu.memory_space<semaphore_mem>>) src(%dma_wait3A_193 : memref<64xi32, #tpu.memory_space<hbm>>) dst(%arg12 : memref<64xi32, #tpu.memory_space<vmem>>)
            tpu.yield
          }) : () -> ()
          %dma_start3A_184 = arith.constant 0 : i32
          %dma_start3A_185 = arith.constant 0 : i32
          %dma_start3A_186 = tpu.memref_slice %arg2[%dma_start3A_184, %dma_start3A_185] : memref<10000x128xf32, #tpu.memory_space<hbm>> -> memref<10000x128xf32, #tpu.memory_space<hbm>>
          tpu.enqueue_indirect_dma source(%dma_start3A_186 : memref<10000x128xf32, #tpu.memory_space<hbm>>) target(%arg14 : memref<64x128xf32, #tpu.memory_space<vmem>>) offsets(%arg10 : memref<64xi32, #tpu.memory_space<vmem>>) semaphore(%arg21 : memref<!tpu.dma_semaphore, #tpu.memory_space<semaphore_mem>>)
          %dma_start3A_187 = arith.constant 0 : i32
          %dma_start3A_188 = arith.constant 0 : i32
          %dma_start3A_189 = tpu.memref_slice %arg3[%dma_start3A_187, %dma_start3A_188] : memref<10000x128xf32, #tpu.memory_space<hbm>> -> memref<10000x128xf32, #tpu.memory_space<hbm>>
          tpu.enqueue_indirect_dma source(%dma_start3A_189 : memref<10000x128xf32, #tpu.memory_space<hbm>>) target(%arg16 : memref<64x128xf32, #tpu.memory_space<vmem>>) offsets(%arg12 : memref<64xi32, #tpu.memory_space<vmem>>) semaphore(%arg21 : memref<!tpu.dma_semaphore, #tpu.memory_space<semaphore_mem>>)
        } else {
        }
        %dma_wait3A_162 = arith.constant 0 : i32
        %dma_wait3A_163 = arith.constant 0 : i32
        %dma_wait3A_164 = tpu.memref_slice %arg2[%dma_wait3A_162, %dma_wait3A_163] : memref<10000x128xf32, #tpu.memory_space<hbm>> -> memref<10000x128xf32, #tpu.memory_space<hbm>>
        tpu.wait_indirect_dma semaphore(%arg20 : memref<!tpu.dma_semaphore, #tpu.memory_space<semaphore_mem>>) src(%dma_wait3A_164 : memref<10000x128xf32, #tpu.memory_space<hbm>>) dst(%arg13 : memref<64x128xf32, #tpu.memory_space<vmem>>)
        %dma_wait3A_165 = arith.constant 0 : i32
        %dma_wait3A_166 = arith.constant 0 : i32
        %dma_wait3A_167 = tpu.memref_slice %arg3[%dma_wait3A_165, %dma_wait3A_166] : memref<10000x128xf32, #tpu.memory_space<hbm>> -> memref<10000x128xf32, #tpu.memory_space<hbm>>
        tpu.wait_indirect_dma semaphore(%arg20 : memref<!tpu.dma_semaphore, #tpu.memory_space<semaphore_mem>>) src(%dma_wait3A_167 : memref<10000x128xf32, #tpu.memory_space<hbm>>) dst(%arg15 : memref<64x128xf32, #tpu.memory_space<vmem>>)
        %parallel_loop3A = arith.constant 0 : i32
        %parallel_loop3A_168 = arith.constant 64 : i32
        %parallel_loop3A_169 = arith.constant 1 : i32
        scf.for %parallel_loop3A_173 = %parallel_loop3A to %parallel_loop3A_168 step %parallel_loop3A_169  : i32 {
          %parallel_loop3A_174 = arith.index_cast %parallel_loop3A_173 : i32 to index
          %parallel_loop3A_175 = arith.constant 0 : index
          %parallel_loop3A_176 = tpu.vector_load %arg13[%parallel_loop3A_174, %parallel_loop3A_175] {strides = array<i32>} : memref<64x128xf32, #tpu.memory_space<vmem>>, vector<16xf32>,
          %parallel_loop3A_177 = arith.index_cast %parallel_loop3A_173 : i32 to index
          %parallel_loop3A_178 = arith.constant 0 : index
          %parallel_loop3A_179 = tpu.vector_load %arg15[%parallel_loop3A_177, %parallel_loop3A_178] {strides = array<i32>} : memref<64x128xf32, #tpu.memory_space<vmem>>, vector<16xf32>,
          %parallel_loop3A_180 = arith.addf %parallel_loop3A_176, %parallel_loop3A_179 : vector<16xf32>
          %parallel_loop3A_181 = arith.constant 2.000000e-01 : f32
          %parallel_loop3A_182 = vector.broadcast %parallel_loop3A_181 : f32 to vector<16xf32>
          %parallel_loop3A_183 = arith.mulf %parallel_loop3A_182, %parallel_loop3A_180 : vector<16xf32>
          %parallel_loop3A_184 = arith.maximumf %parallel_loop3A_180, %parallel_loop3A_183 : vector<16xf32>
          %parallel_loop3A_185 = arith.mulf %parallel_loop3A_184, %get3A_1 : vector<16xf32>
          %parallel_loop3A_186 = arith.addf %broadcast_in_dim3A_51, %parallel_loop3A_185 : vector<16xf32>
          %parallel_loop3A_187 = arith.index_cast %parallel_loop3A_173 : i32 to index
          %parallel_loop3A_188 = arith.constant 16 : index
          %parallel_loop3A_189 = tpu.vector_load %arg13[%parallel_loop3A_187, %parallel_loop3A_188] {strides = array<i32>} : memref<64x128xf32, #tpu.memory_space<vmem>>, vector<16xf32>,
          %parallel_loop3A_190 = arith.index_cast %parallel_loop3A_173 : i32 to index
          %parallel_loop3A_191 = arith.constant 16 : index
          %parallel_loop3A_192 = tpu.vector_load %arg15[%parallel_loop3A_190, %parallel_loop3A_191] {strides = array<i32>} : memref<64x128xf32, #tpu.memory_space<vmem>>, vector<16xf32>,
          %parallel_loop3A_193 = arith.addf %parallel_loop3A_189, %parallel_loop3A_192 : vector<16xf32>
          %parallel_loop3A_194 = arith.constant 2.000000e-01 : f32
          %parallel_loop3A_195 = vector.broadcast %parallel_loop3A_194 : f32 to vector<16xf32>
          %parallel_loop3A_196 = arith.mulf %parallel_loop3A_195, %parallel_loop3A_193 : vector<16xf32>
          %parallel_loop3A_197 = arith.maximumf %parallel_loop3A_193, %parallel_loop3A_196 : vector<16xf32>
          %parallel_loop3A_198 = arith.mulf %parallel_loop3A_197, %get3A_3 : vector<16xf32>
          %parallel_loop3A_199 = arith.addf %parallel_loop3A_186, %parallel_loop3A_198 : vector<16xf32>
          %parallel_loop3A_200 = arith.index_cast %parallel_loop3A_173 : i32 to index
          %parallel_loop3A_201 = arith.constant 32 : index
          %parallel_loop3A_202 = tpu.vector_load %arg13[%parallel_loop3A_200, %parallel_loop3A_201] {strides = array<i32>} : memref<64x128xf32, #tpu.memory_space<vmem>>, vector<16xf32>,
          %parallel_loop3A_203 = arith.index_cast %parallel_loop3A_173 : i32 to index
          %parallel_loop3A_204 = arith.constant 32 : index
          %parallel_loop3A_205 = tpu.vector_load %arg15[%parallel_loop3A_203, %parallel_loop3A_204] {strides = array<i32>} : memref<64x128xf32, #tpu.memory_space<vmem>>, vector<16xf32>,
          %parallel_loop3A_206 = arith.addf %parallel_loop3A_202, %parallel_loop3A_205 : vector<16xf32>
          %parallel_loop3A_207 = arith.constant 2.000000e-01 : f32
          %parallel_loop3A_208 = vector.broadcast %parallel_loop3A_207 : f32 to vector<16xf32>
          %parallel_loop3A_209 = arith.mulf %parallel_loop3A_208, %parallel_loop3A_206 : vector<16xf32>
          %parallel_loop3A_210 = arith.maximumf %parallel_loop3A_206, %parallel_loop3A_209 : vector<16xf32>
          %parallel_loop3A_211 = arith.mulf %parallel_loop3A_210, %get3A_5 : vector<16xf32>
          %parallel_loop3A_212 = arith.addf %parallel_loop3A_199, %parallel_loop3A_211 : vector<16xf32>
          %parallel_loop3A_213 = arith.index_cast %parallel_loop3A_173 : i32 to index
          %parallel_loop3A_214 = arith.constant 48 : index
          %parallel_loop3A_215 = tpu.vector_load %arg13[%parallel_loop3A_213, %parallel_loop3A_214] {strides = array<i32>} : memref<64x128xf32, #tpu.memory_space<vmem>>, vector<16xf32>,
          %parallel_loop3A_216 = arith.index_cast %parallel_loop3A_173 : i32 to index
          %parallel_loop3A_217 = arith.constant 48 : index
          %parallel_loop3A_218 = tpu.vector_load %arg15[%parallel_loop3A_216, %parallel_loop3A_217] {strides = array<i32>} : memref<64x128xf32, #tpu.memory_space<vmem>>, vector<16xf32>,
          %parallel_loop3A_219 = arith.addf %parallel_loop3A_215, %parallel_loop3A_218 : vector<16xf32>
          %parallel_loop3A_220 = arith.constant 2.000000e-01 : f32
          %parallel_loop3A_221 = vector.broadcast %parallel_loop3A_220 : f32 to vector<16xf32>
          %parallel_loop3A_222 = arith.mulf %parallel_loop3A_221, %parallel_loop3A_219 : vector<16xf32>
          %parallel_loop3A_223 = arith.maximumf %parallel_loop3A_219, %parallel_loop3A_222 : vector<16xf32>
          %parallel_loop3A_224 = arith.mulf %parallel_loop3A_223, %get3A_7 : vector<16xf32>
          %parallel_loop3A_225 = arith.addf %parallel_loop3A_212, %parallel_loop3A_224 : vector<16xf32>
          %parallel_loop3A_226 = arith.index_cast %parallel_loop3A_173 : i32 to index
          %parallel_loop3A_227 = arith.constant 64 : index
          %parallel_loop3A_228 = tpu.vector_load %arg13[%parallel_loop3A_226, %parallel_loop3A_227] {strides = array<i32>} : memref<64x128xf32, #tpu.memory_space<vmem>>, vector<16xf32>,
          %parallel_loop3A_229 = arith.index_cast %parallel_loop3A_173 : i32 to index
          %parallel_loop3A_230 = arith.constant 64 : index
          %parallel_loop3A_231 = tpu.vector_load %arg15[%parallel_loop3A_229, %parallel_loop3A_230] {strides = array<i32>} : memref<64x128xf32, #tpu.memory_space<vmem>>, vector<16xf32>,
          %parallel_loop3A_232 = arith.addf %parallel_loop3A_228, %parallel_loop3A_231 : vector<16xf32>
          %parallel_loop3A_233 = arith.constant 2.000000e-01 : f32
          %parallel_loop3A_234 = vector.broadcast %parallel_loop3A_233 : f32 to vector<16xf32>
          %parallel_loop3A_235 = arith.mulf %parallel_loop3A_234, %parallel_loop3A_232 : vector<16xf32>
          %parallel_loop3A_236 = arith.maximumf %parallel_loop3A_232, %parallel_loop3A_235 : vector<16xf32>
          %parallel_loop3A_237 = arith.mulf %parallel_loop3A_236, %get3A_9 : vector<16xf32>
          %parallel_loop3A_238 = arith.addf %parallel_loop3A_225, %parallel_loop3A_237 : vector<16xf32>
          %parallel_loop3A_239 = arith.index_cast %parallel_loop3A_173 : i32 to index
          %parallel_loop3A_240 = arith.constant 80 : index
          %parallel_loop3A_241 = tpu.vector_load %arg13[%parallel_loop3A_239, %parallel_loop3A_240] {strides = array<i32>} : memref<64x128xf32, #tpu.memory_space<vmem>>, vector<16xf32>,
          %parallel_loop3A_242 = arith.index_cast %parallel_loop3A_173 : i32 to index
          %parallel_loop3A_243 = arith.constant 80 : index
          %parallel_loop3A_244 = tpu.vector_load %arg15[%parallel_loop3A_242, %parallel_loop3A_243] {strides = array<i32>} : memref<64x128xf32, #tpu.memory_space<vmem>>, vector<16xf32>,
          %parallel_loop3A_245 = arith.addf %parallel_loop3A_241, %parallel_loop3A_244 : vector<16xf32>
          %parallel_loop3A_246 = arith.constant 2.000000e-01 : f32
          %parallel_loop3A_247 = vector.broadcast %parallel_loop3A_246 : f32 to vector<16xf32>
          %parallel_loop3A_248 = arith.mulf %parallel_loop3A_247, %parallel_loop3A_245 : vector<16xf32>
          %parallel_loop3A_249 = arith.maximumf %parallel_loop3A_245, %parallel_loop3A_248 : vector<16xf32>
          %parallel_loop3A_250 = arith.mulf %parallel_loop3A_249, %get3A_11 : vector<16xf32>
          %parallel_loop3A_251 = arith.addf %parallel_loop3A_238, %parallel_loop3A_250 : vector<16xf32>
          %parallel_loop3A_252 = arith.index_cast %parallel_loop3A_173 : i32 to index
          %parallel_loop3A_253 = arith.constant 96 : index
          %parallel_loop3A_254 = tpu.vector_load %arg13[%parallel_loop3A_252, %parallel_loop3A_253] {strides = array<i32>} : memref<64x128xf32, #tpu.memory_space<vmem>>, vector<16xf32>,
          %parallel_loop3A_255 = arith.index_cast %parallel_loop3A_173 : i32 to index
          %parallel_loop3A_256 = arith.constant 96 : index
          %parallel_loop3A_257 = tpu.vector_load %arg15[%parallel_loop3A_255, %parallel_loop3A_256] {strides = array<i32>} : memref<64x128xf32, #tpu.memory_space<vmem>>, vector<16xf32>,
          %parallel_loop3A_258 = arith.addf %parallel_loop3A_254, %parallel_loop3A_257 : vector<16xf32>
          %parallel_loop3A_259 = arith.constant 2.000000e-01 : f32
          %parallel_loop3A_260 = vector.broadcast %parallel_loop3A_259 : f32 to vector<16xf32>
          %parallel_loop3A_261 = arith.mulf %parallel_loop3A_260, %parallel_loop3A_258 : vector<16xf32>
          %parallel_loop3A_262 = arith.maximumf %parallel_loop3A_258, %parallel_loop3A_261 : vector<16xf32>
          %parallel_loop3A_263 = arith.mulf %parallel_loop3A_262, %get3A_13 : vector<16xf32>
          %parallel_loop3A_264 = arith.addf %parallel_loop3A_251, %parallel_loop3A_263 : vector<16xf32>
          %parallel_loop3A_265 = arith.index_cast %parallel_loop3A_173 : i32 to index
          %parallel_loop3A_266 = arith.constant 112 : index
          %parallel_loop3A_267 = tpu.vector_load %arg13[%parallel_loop3A_265, %parallel_loop3A_266] {strides = array<i32>} : memref<64x128xf32, #tpu.memory_space<vmem>>, vector<16xf32>,
          %parallel_loop3A_268 = arith.index_cast %parallel_loop3A_173 : i32 to index
          %parallel_loop3A_269 = arith.constant 112 : index
          %parallel_loop3A_270 = tpu.vector_load %arg15[%parallel_loop3A_268, %parallel_loop3A_269] {strides = array<i32>} : memref<64x128xf32, #tpu.memory_space<vmem>>, vector<16xf32>,
          %parallel_loop3A_271 = arith.addf %parallel_loop3A_267, %parallel_loop3A_270 : vector<16xf32>
          %parallel_loop3A_272 = arith.constant 2.000000e-01 : f32
          %parallel_loop3A_273 = vector.broadcast %parallel_loop3A_272 : f32 to vector<16xf32>
          %parallel_loop3A_274 = arith.mulf %parallel_loop3A_273, %parallel_loop3A_271 : vector<16xf32>
          %parallel_loop3A_275 = arith.maximumf %parallel_loop3A_271, %parallel_loop3A_274 : vector<16xf32>
          %parallel_loop3A_276 = arith.mulf %parallel_loop3A_275, %get3A_15 : vector<16xf32>
          %parallel_loop3A_277 = arith.addf %parallel_loop3A_264, %parallel_loop3A_276 : vector<16xf32>
          %parallel_loop3A_278 = arith.constant 8 : i32
          %parallel_loop3A_279 = vector.broadcast %parallel_loop3A_278 : i32 to vector<16xi32>
          %parallel_loop3A_280 = arith.xori %iota3A, %parallel_loop3A_279 : vector<16xi32>
          %parallel_loop3A_281 = vector.shape_cast %parallel_loop3A_280 : vector<16xi32> to vector<16x1xi32>
          %parallel_loop3A_282 = vector.shape_cast %parallel_loop3A_281 : vector<16x1xi32> to vector<16xi32>
          %parallel_loop3A_283 = tpu.dynamic_gather %parallel_loop3A_277[%parallel_loop3A_282] in [0] : vector<16xf32>, vector<16xi32> -> vector<16xf32>
          %parallel_loop3A_284 = arith.addf %parallel_loop3A_277, %parallel_loop3A_283 : vector<16xf32>
          %parallel_loop3A_285 = arith.constant 4 : i32
          %parallel_loop3A_286 = vector.broadcast %parallel_loop3A_285 : i32 to vector<16xi32>
          %parallel_loop3A_287 = arith.xori %iota3A, %parallel_loop3A_286 : vector<16xi32>
          %parallel_loop3A_288 = vector.shape_cast %parallel_loop3A_287 : vector<16xi32> to vector<16x1xi32>
          %parallel_loop3A_289 = vector.shape_cast %parallel_loop3A_288 : vector<16x1xi32> to vector<16xi32>
          %parallel_loop3A_290 = tpu.dynamic_gather %parallel_loop3A_284[%parallel_loop3A_289] in [0] : vector<16xf32>, vector<16xi32> -> vector<16xf32>
          %parallel_loop3A_291 = arith.addf %parallel_loop3A_284, %parallel_loop3A_290 : vector<16xf32>
          %parallel_loop3A_292 = arith.constant 2 : i32
          %parallel_loop3A_293 = vector.broadcast %parallel_loop3A_292 : i32 to vector<16xi32>
          %parallel_loop3A_294 = arith.xori %iota3A, %parallel_loop3A_293 : vector<16xi32>
          %parallel_loop3A_295 = vector.shape_cast %parallel_loop3A_294 : vector<16xi32> to vector<16x1xi32>
          %parallel_loop3A_296 = vector.shape_cast %parallel_loop3A_295 : vector<16x1xi32> to vector<16xi32>
          %parallel_loop3A_297 = tpu.dynamic_gather %parallel_loop3A_291[%parallel_loop3A_296] in [0] : vector<16xf32>, vector<16xi32> -> vector<16xf32>
          %parallel_loop3A_298 = arith.addf %parallel_loop3A_291, %parallel_loop3A_297 : vector<16xf32>
          %parallel_loop3A_299 = arith.constant 1 : i32
          %parallel_loop3A_300 = vector.broadcast %parallel_loop3A_299 : i32 to vector<16xi32>
          %parallel_loop3A_301 = arith.xori %iota3A, %parallel_loop3A_300 : vector<16xi32>
          %parallel_loop3A_302 = vector.shape_cast %parallel_loop3A_301 : vector<16xi32> to vector<16x1xi32>
          %parallel_loop3A_303 = vector.shape_cast %parallel_loop3A_302 : vector<16x1xi32> to vector<16xi32>
          %parallel_loop3A_304 = tpu.dynamic_gather %parallel_loop3A_298[%parallel_loop3A_303] in [0] : vector<16xf32>, vector<16xi32> -> vector<16xf32>
          %parallel_loop3A_305 = arith.addf %parallel_loop3A_298, %parallel_loop3A_304 : vector<16xf32>
          %parallel_loop3A_306 = math.exp %parallel_loop3A_305 : vector<16xf32>
          %parallel_loop3A_307 = arith.mulf %parallel_loop3A_176, %parallel_loop3A_306 : vector<16xf32>
          %parallel_loop3A_308 = arith.index_cast %parallel_loop3A_173 : i32 to index
          %parallel_loop3A_309 = arith.constant 0 : index
          %parallel_loop3A_310 = tpu.vector_load %arg13[%parallel_loop3A_308, %parallel_loop3A_309] {strides = array<i32>} : memref<64x128xf32, #tpu.memory_space<vmem>>, vector<16xf32>,
          tpu.vector_store %arg13[%parallel_loop3A_308, %parallel_loop3A_309], %parallel_loop3A_307 {strides = array<i32>} : memref<64x128xf32, #tpu.memory_space<vmem>>, vector<16xf32>,
          %parallel_loop3A_311 = arith.mulf %parallel_loop3A_189, %parallel_loop3A_306 : vector<16xf32>
          %parallel_loop3A_312 = arith.index_cast %parallel_loop3A_173 : i32 to index
          %parallel_loop3A_313 = arith.constant 16 : index
          %parallel_loop3A_314 = tpu.vector_load %arg13[%parallel_loop3A_312, %parallel_loop3A_313] {strides = array<i32>} : memref<64x128xf32, #tpu.memory_space<vmem>>, vector<16xf32>,
          tpu.vector_store %arg13[%parallel_loop3A_312, %parallel_loop3A_313], %parallel_loop3A_311 {strides = array<i32>} : memref<64x128xf32, #tpu.memory_space<vmem>>, vector<16xf32>,
          %parallel_loop3A_315 = arith.mulf %parallel_loop3A_202, %parallel_loop3A_306 : vector<16xf32>
          %parallel_loop3A_316 = arith.index_cast %parallel_loop3A_173 : i32 to index
          %parallel_loop3A_317 = arith.constant 32 : index
          %parallel_loop3A_318 = tpu.vector_load %arg13[%parallel_loop3A_316, %parallel_loop3A_317] {strides = array<i32>} : memref<64x128xf32, #tpu.memory_space<vmem>>, vector<16xf32>,
          tpu.vector_store %arg13[%parallel_loop3A_316, %parallel_loop3A_317], %parallel_loop3A_315 {strides = array<i32>} : memref<64x128xf32, #tpu.memory_space<vmem>>, vector<16xf32>,
          %parallel_loop3A_319 = arith.mulf %parallel_loop3A_215, %parallel_loop3A_306 : vector<16xf32>
          %parallel_loop3A_320 = arith.index_cast %parallel_loop3A_173 : i32 to index
          %parallel_loop3A_321 = arith.constant 48 : index
          %parallel_loop3A_322 = tpu.vector_load %arg13[%parallel_loop3A_320, %parallel_loop3A_321] {strides = array<i32>} : memref<64x128xf32, #tpu.memory_space<vmem>>, vector<16xf32>,
          tpu.vector_store %arg13[%parallel_loop3A_320, %parallel_loop3A_321], %parallel_loop3A_319 {strides = array<i32>} : memref<64x128xf32, #tpu.memory_space<vmem>>, vector<16xf32>,
          %parallel_loop3A_323 = arith.mulf %parallel_loop3A_228, %parallel_loop3A_306 : vector<16xf32>
          %parallel_loop3A_324 = arith.index_cast %parallel_loop3A_173 : i32 to index
          %parallel_loop3A_325 = arith.constant 64 : index
          %parallel_loop3A_326 = tpu.vector_load %arg13[%parallel_loop3A_324, %parallel_loop3A_325] {strides = array<i32>} : memref<64x128xf32, #tpu.memory_space<vmem>>, vector<16xf32>,
          tpu.vector_store %arg13[%parallel_loop3A_324, %parallel_loop3A_325], %parallel_loop3A_323 {strides = array<i32>} : memref<64x128xf32, #tpu.memory_space<vmem>>, vector<16xf32>,
          %parallel_loop3A_327 = arith.mulf %parallel_loop3A_241, %parallel_loop3A_306 : vector<16xf32>
          %parallel_loop3A_328 = arith.index_cast %parallel_loop3A_173 : i32 to index
          %parallel_loop3A_329 = arith.constant 80 : index
          %parallel_loop3A_330 = tpu.vector_load %arg13[%parallel_loop3A_328, %parallel_loop3A_329] {strides = array<i32>} : memref<64x128xf32, #tpu.memory_space<vmem>>, vector<16xf32>,
          tpu.vector_store %arg13[%parallel_loop3A_328, %parallel_loop3A_329], %parallel_loop3A_327 {strides = array<i32>} : memref<64x128xf32, #tpu.memory_space<vmem>>, vector<16xf32>,
          %parallel_loop3A_331 = arith.mulf %parallel_loop3A_254, %parallel_loop3A_306 : vector<16xf32>
          %parallel_loop3A_332 = arith.index_cast %parallel_loop3A_173 : i32 to index
          %parallel_loop3A_333 = arith.constant 96 : index
          %parallel_loop3A_334 = tpu.vector_load %arg13[%parallel_loop3A_332, %parallel_loop3A_333] {strides = array<i32>} : memref<64x128xf32, #tpu.memory_space<vmem>>, vector<16xf32>,
          tpu.vector_store %arg13[%parallel_loop3A_332, %parallel_loop3A_333], %parallel_loop3A_331 {strides = array<i32>} : memref<64x128xf32, #tpu.memory_space<vmem>>, vector<16xf32>,
          %parallel_loop3A_335 = arith.mulf %parallel_loop3A_267, %parallel_loop3A_306 : vector<16xf32>
          %parallel_loop3A_336 = arith.index_cast %parallel_loop3A_173 : i32 to index
          %parallel_loop3A_337 = arith.constant 112 : index
          %parallel_loop3A_338 = tpu.vector_load %arg13[%parallel_loop3A_336, %parallel_loop3A_337] {strides = array<i32>} : memref<64x128xf32, #tpu.memory_space<vmem>>, vector<16xf32>,
          tpu.vector_store %arg13[%parallel_loop3A_336, %parallel_loop3A_337], %parallel_loop3A_335 {strides = array<i32>} : memref<64x128xf32, #tpu.memory_space<vmem>>, vector<16xf32>,
          %parallel_loop3A_339 = arith.constant 0 : i32
          %parallel_loop3A_340 = vector.broadcast %parallel_loop3A_339 : i32 to vector<16xi32>
          %parallel_loop3A_341 = vector.broadcast %parallel_loop3A_173 : i32 to vector<16xi32>
          %parallel_loop3A_342 = arith.addi %parallel_loop3A_340, %parallel_loop3A_341 : vector<16xi32>
          %parallel_loop3A_343 = tpu.vector_load_idx %arg11[%parallel_loop3A_342] : memref<64xi32, #tpu.memory_space<vmem>>[vector<16xi32>], vector<16xi32>,
          tpu.vector_store_idx %arg18[%parallel_loop3A_343], %parallel_loop3A_306 masked %eq3A_53 {add = true} : memref<10240xf32, #tpu.memory_space<vmem>>[vector<16xi32>], vector<16xf32>, vector<16xi1>
        } {sc.loop_unroll_factor = 3 : i64, sc.parallel_access}
        %dma_start3A_170 = arith.constant 0 : i32
        %dma_start3A_171 = arith.constant 0 : i32
        %dma_start3A_172 = tpu.memref_slice %arg19[%dma_start3A_170, %dma_start3A_171] : memref<10240x128xf32, #tpu.memory_space<vmem_shared>> -> memref<10240x128xf32, #tpu.memory_space<vmem_shared>>
        tpu.enqueue_indirect_dma source(%arg13 : memref<64x128xf32, #tpu.memory_space<vmem>>) target(%dma_start3A_172 : memref<10240x128xf32, #tpu.memory_space<vmem_shared>>) offsets(%arg11 : memref<64xi32, #tpu.memory_space<vmem>>) semaphore(%arg22 : memref<!tpu.dma_semaphore, #tpu.memory_space<semaphore_mem>>) {add = true}
      } else {
      }
      %mul3A_147 = arith.constant 2 : i32
      %mul3A_148 = arith.muli %while3A_137, %mul3A_147 : i32
      %add3A_149 = arith.constant 1 : i32
      %add3A_150 = arith.addi %mul3A_148, %add3A_149 : i32
      %lt3A_151 = arith.cmpi slt, %add3A_150, %select_n3A : i32
      %convert_element_type3A_152 = arith.extui %lt3A_151 : i1 to i32
      %cond3A_153 = arith.constant 0 : i32
      %cond3A_154 = arith.cmpi ne, %convert_element_type3A_152, %cond3A_153 : i32
      scf.if %cond3A_154 {
        %add3A_156 = arith.constant 1 : i32
        %add3A_157 = arith.addi %add3A_150, %add3A_156 : i32
        %lt3A_158 = arith.cmpi slt, %add3A_157, %select_n3A : i32
        %convert_element_type3A_159 = arith.extui %lt3A_158 : i1 to i32
        %cond3A_160 = arith.constant 0 : i32
        %cond3A_161 = arith.cmpi ne, %convert_element_type3A_159, %cond3A_160 : i32
        scf.if %cond3A_161 {
          %ge3A = arith.constant 1 : i32
          %ge3A_173 = arith.cmpi sge, %add3A_150, %ge3A : i32
          %convert_element_type3A_174 = arith.extui %ge3A_173 : i1 to i32
          %cond3A_175 = arith.constant 0 : i32
          %cond3A_176 = arith.cmpi ne, %convert_element_type3A_174, %cond3A_175 : i32
          scf.if %cond3A_176 {
            %dma_wait3A_190 = arith.constant 0 : i32
            %dma_wait3A_191 = arith.constant 0 : i32
            %dma_wait3A_192 = tpu.memref_slice %arg19[%dma_wait3A_190, %dma_wait3A_191] : memref<10240x128xf32, #tpu.memory_space<vmem_shared>> -> memref<10240x128xf32, #tpu.memory_space<vmem_shared>>
            tpu.wait_indirect_dma semaphore(%arg22 : memref<!tpu.dma_semaphore, #tpu.memory_space<semaphore_mem>>) src(%arg13 : memref<64x128xf32, #tpu.memory_space<vmem>>) dst(%dma_wait3A_192 : memref<10240x128xf32, #tpu.memory_space<vmem_shared>>)
          } else {
          }
          %add3A_177 = arith.constant 1 : i32
          %add3A_178 = arith.addi %add3A_150, %add3A_177 : i32
          %mul3A_179 = arith.constant 32 : i32
          %mul3A_180 = arith.muli %add3A_178, %mul3A_179 : i32
          %add3A_181 = arith.addi %add3A, %mul3A_180 : i32
          %mul3A_182 = arith.constant 64 : i32
          %mul3A_183 = arith.muli %add3A_181, %mul3A_182 : i32
          "tpu.region"() ({
            %run_scoped3A = tpu.sem_alloc : memref<!tpu.dma_semaphore, #tpu.memory_space<semaphore_mem>>
            %dma_start3A_190 = tpu.memref_slice %arg4[%mul3A_183] : memref<320000xi32, #tpu.memory_space<hbm>> -> memref<64xi32, #tpu.memory_space<hbm>>
            %dma_start3A_191 = tpu.memref_slice %arg4[%mul3A_183] : memref<320000xi32, #tpu.memory_space<hbm>> -> memref<64xi32, #tpu.memory_space<hbm>>
            tpu.enqueue_dma source(%dma_start3A_191 : memref<64xi32, #tpu.memory_space<hbm>>) target(%arg9 : memref<64xi32, #tpu.memory_space<vmem>>) target_semaphore(%run_scoped3A : memref<!tpu.dma_semaphore, #tpu.memory_space<semaphore_mem>>)
            %dma_wait3A_192 = tpu.memref_slice %arg4[%mul3A_183] : memref<320000xi32, #tpu.memory_space<hbm>> -> memref<64xi32, #tpu.memory_space<hbm>>
            %dma_wait3A_193 = tpu.memref_slice %arg4[%mul3A_183] : memref<320000xi32, #tpu.memory_space<hbm>> -> memref<64xi32, #tpu.memory_space<hbm>>
            tpu.wait_dma2 semaphore(%run_scoped3A : memref<!tpu.dma_semaphore, #tpu.memory_space<semaphore_mem>>) src(%dma_wait3A_193 : memref<64xi32, #tpu.memory_space<hbm>>) dst(%arg9 : memref<64xi32, #tpu.memory_space<vmem>>)
            tpu.yield
          }) : () -> ()
          "tpu.region"() ({
            %run_scoped3A = tpu.sem_alloc : memref<!tpu.dma_semaphore, #tpu.memory_space<semaphore_mem>>
            %dma_start3A_190 = tpu.memref_slice %arg5[%mul3A_183] : memref<320000xi32, #tpu.memory_space<hbm>> -> memref<64xi32, #tpu.memory_space<hbm>>
            %dma_start3A_191 = tpu.memref_slice %arg5[%mul3A_183] : memref<320000xi32, #tpu.memory_space<hbm>> -> memref<64xi32, #tpu.memory_space<hbm>>
            tpu.enqueue_dma source(%dma_start3A_191 : memref<64xi32, #tpu.memory_space<hbm>>) target(%arg11 : memref<64xi32, #tpu.memory_space<vmem>>) target_semaphore(%run_scoped3A : memref<!tpu.dma_semaphore, #tpu.memory_space<semaphore_mem>>)
            %dma_wait3A_192 = tpu.memref_slice %arg5[%mul3A_183] : memref<320000xi32, #tpu.memory_space<hbm>> -> memref<64xi32, #tpu.memory_space<hbm>>
            %dma_wait3A_193 = tpu.memref_slice %arg5[%mul3A_183] : memref<320000xi32, #tpu.memory_space<hbm>> -> memref<64xi32, #tpu.memory_space<hbm>>
            tpu.wait_dma2 semaphore(%run_scoped3A : memref<!tpu.dma_semaphore, #tpu.memory_space<semaphore_mem>>) src(%dma_wait3A_193 : memref<64xi32, #tpu.memory_space<hbm>>) dst(%arg11 : memref<64xi32, #tpu.memory_space<vmem>>)
            tpu.yield
          }) : () -> ()
          %dma_start3A_184 = arith.constant 0 : i32
          %dma_start3A_185 = arith.constant 0 : i32
          %dma_start3A_186 = tpu.memref_slice %arg2[%dma_start3A_184, %dma_start3A_185] : memref<10000x128xf32, #tpu.memory_space<hbm>> -> memref<10000x128xf32, #tpu.memory_space<hbm>>
          tpu.enqueue_indirect_dma source(%dma_start3A_186 : memref<10000x128xf32, #tpu.memory_space<hbm>>) target(%arg13 : memref<64x128xf32, #tpu.memory_space<vmem>>) offsets(%arg9 : memref<64xi32, #tpu.memory_space<vmem>>) semaphore(%arg20 : memref<!tpu.dma_semaphore, #tpu.memory_space<semaphore_mem>>)
          %dma_start3A_187 = arith.constant 0 : i32
          %dma_start3A_188 = arith.constant 0 : i32
          %dma_start3A_189 = tpu.memref_slice %arg3[%dma_start3A_187, %dma_start3A_188] : memref<10000x128xf32, #tpu.memory_space<hbm>> -> memref<10000x128xf32, #tpu.memory_space<hbm>>
          tpu.enqueue_indirect_dma source(%dma_start3A_189 : memref<10000x128xf32, #tpu.memory_space<hbm>>) target(%arg15 : memref<64x128xf32, #tpu.memory_space<vmem>>) offsets(%arg11 : memref<64xi32, #tpu.memory_space<vmem>>) semaphore(%arg20 : memref<!tpu.dma_semaphore, #tpu.memory_space<semaphore_mem>>)
        } else {
        }
        %dma_wait3A_162 = arith.constant 0 : i32
        %dma_wait3A_163 = arith.constant 0 : i32
        %dma_wait3A_164 = tpu.memref_slice %arg2[%dma_wait3A_162, %dma_wait3A_163] : memref<10000x128xf32, #tpu.memory_space<hbm>> -> memref<10000x128xf32, #tpu.memory_space<hbm>>
        tpu.wait_indirect_dma semaphore(%arg21 : memref<!tpu.dma_semaphore, #tpu.memory_space<semaphore_mem>>) src(%dma_wait3A_164 : memref<10000x128xf32, #tpu.memory_space<hbm>>) dst(%arg14 : memref<64x128xf32, #tpu.memory_space<vmem>>)
        %dma_wait3A_165 = arith.constant 0 : i32
        %dma_wait3A_166 = arith.constant 0 : i32
        %dma_wait3A_167 = tpu.memref_slice %arg3[%dma_wait3A_165, %dma_wait3A_166] : memref<10000x128xf32, #tpu.memory_space<hbm>> -> memref<10000x128xf32, #tpu.memory_space<hbm>>
        tpu.wait_indirect_dma semaphore(%arg21 : memref<!tpu.dma_semaphore, #tpu.memory_space<semaphore_mem>>) src(%dma_wait3A_167 : memref<10000x128xf32, #tpu.memory_space<hbm>>) dst(%arg16 : memref<64x128xf32, #tpu.memory_space<vmem>>)
        %parallel_loop3A = arith.constant 0 : i32
        %parallel_loop3A_168 = arith.constant 64 : i32
        %parallel_loop3A_169 = arith.constant 1 : i32
        scf.for %parallel_loop3A_173 = %parallel_loop3A to %parallel_loop3A_168 step %parallel_loop3A_169  : i32 {
          %parallel_loop3A_174 = arith.index_cast %parallel_loop3A_173 : i32 to index
          %parallel_loop3A_175 = arith.constant 0 : index
          %parallel_loop3A_176 = tpu.vector_load %arg14[%parallel_loop3A_174, %parallel_loop3A_175] {strides = array<i32>} : memref<64x128xf32, #tpu.memory_space<vmem>>, vector<16xf32>,
          %parallel_loop3A_177 = arith.index_cast %parallel_loop3A_173 : i32 to index
          %parallel_loop3A_178 = arith.constant 0 : index
          %parallel_loop3A_179 = tpu.vector_load %arg16[%parallel_loop3A_177, %parallel_loop3A_178] {strides = array<i32>} : memref<64x128xf32, #tpu.memory_space<vmem>>, vector<16xf32>,
          %parallel_loop3A_180 = arith.addf %parallel_loop3A_176, %parallel_loop3A_179 : vector<16xf32>
          %parallel_loop3A_181 = arith.constant 2.000000e-01 : f32
          %parallel_loop3A_182 = vector.broadcast %parallel_loop3A_181 : f32 to vector<16xf32>
          %parallel_loop3A_183 = arith.mulf %parallel_loop3A_182, %parallel_loop3A_180 : vector<16xf32>
          %parallel_loop3A_184 = arith.maximumf %parallel_loop3A_180, %parallel_loop3A_183 : vector<16xf32>
          %parallel_loop3A_185 = arith.mulf %parallel_loop3A_184, %get3A_1 : vector<16xf32>
          %parallel_loop3A_186 = arith.addf %broadcast_in_dim3A_51, %parallel_loop3A_185 : vector<16xf32>
          %parallel_loop3A_187 = arith.index_cast %parallel_loop3A_173 : i32 to index
          %parallel_loop3A_188 = arith.constant 16 : index
          %parallel_loop3A_189 = tpu.vector_load %arg14[%parallel_loop3A_187, %parallel_loop3A_188] {strides = array<i32>} : memref<64x128xf32, #tpu.memory_space<vmem>>, vector<16xf32>,
          %parallel_loop3A_190 = arith.index_cast %parallel_loop3A_173 : i32 to index
          %parallel_loop3A_191 = arith.constant 16 : index
          %parallel_loop3A_192 = tpu.vector_load %arg16[%parallel_loop3A_190, %parallel_loop3A_191] {strides = array<i32>} : memref<64x128xf32, #tpu.memory_space<vmem>>, vector<16xf32>,
          %parallel_loop3A_193 = arith.addf %parallel_loop3A_189, %parallel_loop3A_192 : vector<16xf32>
          %parallel_loop3A_194 = arith.constant 2.000000e-01 : f32
          %parallel_loop3A_195 = vector.broadcast %parallel_loop3A_194 : f32 to vector<16xf32>
          %parallel_loop3A_196 = arith.mulf %parallel_loop3A_195, %parallel_loop3A_193 : vector<16xf32>
          %parallel_loop3A_197 = arith.maximumf %parallel_loop3A_193, %parallel_loop3A_196 : vector<16xf32>
          %parallel_loop3A_198 = arith.mulf %parallel_loop3A_197, %get3A_3 : vector<16xf32>
          %parallel_loop3A_199 = arith.addf %parallel_loop3A_186, %parallel_loop3A_198 : vector<16xf32>
          %parallel_loop3A_200 = arith.index_cast %parallel_loop3A_173 : i32 to index
          %parallel_loop3A_201 = arith.constant 32 : index
          %parallel_loop3A_202 = tpu.vector_load %arg14[%parallel_loop3A_200, %parallel_loop3A_201] {strides = array<i32>} : memref<64x128xf32, #tpu.memory_space<vmem>>, vector<16xf32>,
          %parallel_loop3A_203 = arith.index_cast %parallel_loop3A_173 : i32 to index
          %parallel_loop3A_204 = arith.constant 32 : index
          %parallel_loop3A_205 = tpu.vector_load %arg16[%parallel_loop3A_203, %parallel_loop3A_204] {strides = array<i32>} : memref<64x128xf32, #tpu.memory_space<vmem>>, vector<16xf32>,
          %parallel_loop3A_206 = arith.addf %parallel_loop3A_202, %parallel_loop3A_205 : vector<16xf32>
          %parallel_loop3A_207 = arith.constant 2.000000e-01 : f32
          %parallel_loop3A_208 = vector.broadcast %parallel_loop3A_207 : f32 to vector<16xf32>
          %parallel_loop3A_209 = arith.mulf %parallel_loop3A_208, %parallel_loop3A_206 : vector<16xf32>
          %parallel_loop3A_210 = arith.maximumf %parallel_loop3A_206, %parallel_loop3A_209 : vector<16xf32>
          %parallel_loop3A_211 = arith.mulf %parallel_loop3A_210, %get3A_5 : vector<16xf32>
          %parallel_loop3A_212 = arith.addf %parallel_loop3A_199, %parallel_loop3A_211 : vector<16xf32>
          %parallel_loop3A_213 = arith.index_cast %parallel_loop3A_173 : i32 to index
          %parallel_loop3A_214 = arith.constant 48 : index
          %parallel_loop3A_215 = tpu.vector_load %arg14[%parallel_loop3A_213, %parallel_loop3A_214] {strides = array<i32>} : memref<64x128xf32, #tpu.memory_space<vmem>>, vector<16xf32>,
          %parallel_loop3A_216 = arith.index_cast %parallel_loop3A_173 : i32 to index
          %parallel_loop3A_217 = arith.constant 48 : index
          %parallel_loop3A_218 = tpu.vector_load %arg16[%parallel_loop3A_216, %parallel_loop3A_217] {strides = array<i32>} : memref<64x128xf32, #tpu.memory_space<vmem>>, vector<16xf32>,
          %parallel_loop3A_219 = arith.addf %parallel_loop3A_215, %parallel_loop3A_218 : vector<16xf32>
          %parallel_loop3A_220 = arith.constant 2.000000e-01 : f32
          %parallel_loop3A_221 = vector.broadcast %parallel_loop3A_220 : f32 to vector<16xf32>
          %parallel_loop3A_222 = arith.mulf %parallel_loop3A_221, %parallel_loop3A_219 : vector<16xf32>
          %parallel_loop3A_223 = arith.maximumf %parallel_loop3A_219, %parallel_loop3A_222 : vector<16xf32>
          %parallel_loop3A_224 = arith.mulf %parallel_loop3A_223, %get3A_7 : vector<16xf32>
          %parallel_loop3A_225 = arith.addf %parallel_loop3A_212, %parallel_loop3A_224 : vector<16xf32>
          %parallel_loop3A_226 = arith.index_cast %parallel_loop3A_173 : i32 to index
          %parallel_loop3A_227 = arith.constant 64 : index
          %parallel_loop3A_228 = tpu.vector_load %arg14[%parallel_loop3A_226, %parallel_loop3A_227] {strides = array<i32>} : memref<64x128xf32, #tpu.memory_space<vmem>>, vector<16xf32>,
          %parallel_loop3A_229 = arith.index_cast %parallel_loop3A_173 : i32 to index
          %parallel_loop3A_230 = arith.constant 64 : index
          %parallel_loop3A_231 = tpu.vector_load %arg16[%parallel_loop3A_229, %parallel_loop3A_230] {strides = array<i32>} : memref<64x128xf32, #tpu.memory_space<vmem>>, vector<16xf32>,
          %parallel_loop3A_232 = arith.addf %parallel_loop3A_228, %parallel_loop3A_231 : vector<16xf32>
          %parallel_loop3A_233 = arith.constant 2.000000e-01 : f32
          %parallel_loop3A_234 = vector.broadcast %parallel_loop3A_233 : f32 to vector<16xf32>
          %parallel_loop3A_235 = arith.mulf %parallel_loop3A_234, %parallel_loop3A_232 : vector<16xf32>
          %parallel_loop3A_236 = arith.maximumf %parallel_loop3A_232, %parallel_loop3A_235 : vector<16xf32>
          %parallel_loop3A_237 = arith.mulf %parallel_loop3A_236, %get3A_9 : vector<16xf32>
          %parallel_loop3A_238 = arith.addf %parallel_loop3A_225, %parallel_loop3A_237 : vector<16xf32>
          %parallel_loop3A_239 = arith.index_cast %parallel_loop3A_173 : i32 to index
          %parallel_loop3A_240 = arith.constant 80 : index
          %parallel_loop3A_241 = tpu.vector_load %arg14[%parallel_loop3A_239, %parallel_loop3A_240] {strides = array<i32>} : memref<64x128xf32, #tpu.memory_space<vmem>>, vector<16xf32>,
          %parallel_loop3A_242 = arith.index_cast %parallel_loop3A_173 : i32 to index
          %parallel_loop3A_243 = arith.constant 80 : index
          %parallel_loop3A_244 = tpu.vector_load %arg16[%parallel_loop3A_242, %parallel_loop3A_243] {strides = array<i32>} : memref<64x128xf32, #tpu.memory_space<vmem>>, vector<16xf32>,
          %parallel_loop3A_245 = arith.addf %parallel_loop3A_241, %parallel_loop3A_244 : vector<16xf32>
          %parallel_loop3A_246 = arith.constant 2.000000e-01 : f32
          %parallel_loop3A_247 = vector.broadcast %parallel_loop3A_246 : f32 to vector<16xf32>
          %parallel_loop3A_248 = arith.mulf %parallel_loop3A_247, %parallel_loop3A_245 : vector<16xf32>
          %parallel_loop3A_249 = arith.maximumf %parallel_loop3A_245, %parallel_loop3A_248 : vector<16xf32>
          %parallel_loop3A_250 = arith.mulf %parallel_loop3A_249, %get3A_11 : vector<16xf32>
          %parallel_loop3A_251 = arith.addf %parallel_loop3A_238, %parallel_loop3A_250 : vector<16xf32>
          %parallel_loop3A_252 = arith.index_cast %parallel_loop3A_173 : i32 to index
          %parallel_loop3A_253 = arith.constant 96 : index
          %parallel_loop3A_254 = tpu.vector_load %arg14[%parallel_loop3A_252, %parallel_loop3A_253] {strides = array<i32>} : memref<64x128xf32, #tpu.memory_space<vmem>>, vector<16xf32>,
          %parallel_loop3A_255 = arith.index_cast %parallel_loop3A_173 : i32 to index
          %parallel_loop3A_256 = arith.constant 96 : index
          %parallel_loop3A_257 = tpu.vector_load %arg16[%parallel_loop3A_255, %parallel_loop3A_256] {strides = array<i32>} : memref<64x128xf32, #tpu.memory_space<vmem>>, vector<16xf32>,
          %parallel_loop3A_258 = arith.addf %parallel_loop3A_254, %parallel_loop3A_257 : vector<16xf32>
          %parallel_loop3A_259 = arith.constant 2.000000e-01 : f32
          %parallel_loop3A_260 = vector.broadcast %parallel_loop3A_259 : f32 to vector<16xf32>
          %parallel_loop3A_261 = arith.mulf %parallel_loop3A_260, %parallel_loop3A_258 : vector<16xf32>
          %parallel_loop3A_262 = arith.maximumf %parallel_loop3A_258, %parallel_loop3A_261 : vector<16xf32>
          %parallel_loop3A_263 = arith.mulf %parallel_loop3A_262, %get3A_13 : vector<16xf32>
          %parallel_loop3A_264 = arith.addf %parallel_loop3A_251, %parallel_loop3A_263 : vector<16xf32>
          %parallel_loop3A_265 = arith.index_cast %parallel_loop3A_173 : i32 to index
          %parallel_loop3A_266 = arith.constant 112 : index
          %parallel_loop3A_267 = tpu.vector_load %arg14[%parallel_loop3A_265, %parallel_loop3A_266] {strides = array<i32>} : memref<64x128xf32, #tpu.memory_space<vmem>>, vector<16xf32>,
          %parallel_loop3A_268 = arith.index_cast %parallel_loop3A_173 : i32 to index
          %parallel_loop3A_269 = arith.constant 112 : index
          %parallel_loop3A_270 = tpu.vector_load %arg16[%parallel_loop3A_268, %parallel_loop3A_269] {strides = array<i32>} : memref<64x128xf32, #tpu.memory_space<vmem>>, vector<16xf32>,
          %parallel_loop3A_271 = arith.addf %parallel_loop3A_267, %parallel_loop3A_270 : vector<16xf32>
          %parallel_loop3A_272 = arith.constant 2.000000e-01 : f32
          %parallel_loop3A_273 = vector.broadcast %parallel_loop3A_272 : f32 to vector<16xf32>
          %parallel_loop3A_274 = arith.mulf %parallel_loop3A_273, %parallel_loop3A_271 : vector<16xf32>
          %parallel_loop3A_275 = arith.maximumf %parallel_loop3A_271, %parallel_loop3A_274 : vector<16xf32>
          %parallel_loop3A_276 = arith.mulf %parallel_loop3A_275, %get3A_15 : vector<16xf32>
          %parallel_loop3A_277 = arith.addf %parallel_loop3A_264, %parallel_loop3A_276 : vector<16xf32>
          %parallel_loop3A_278 = arith.constant 8 : i32
          %parallel_loop3A_279 = vector.broadcast %parallel_loop3A_278 : i32 to vector<16xi32>
          %parallel_loop3A_280 = arith.xori %iota3A, %parallel_loop3A_279 : vector<16xi32>
          %parallel_loop3A_281 = vector.shape_cast %parallel_loop3A_280 : vector<16xi32> to vector<16x1xi32>
          %parallel_loop3A_282 = vector.shape_cast %parallel_loop3A_281 : vector<16x1xi32> to vector<16xi32>
          %parallel_loop3A_283 = tpu.dynamic_gather %parallel_loop3A_277[%parallel_loop3A_282] in [0] : vector<16xf32>, vector<16xi32> -> vector<16xf32>
          %parallel_loop3A_284 = arith.addf %parallel_loop3A_277, %parallel_loop3A_283 : vector<16xf32>
          %parallel_loop3A_285 = arith.constant 4 : i32
          %parallel_loop3A_286 = vector.broadcast %parallel_loop3A_285 : i32 to vector<16xi32>
          %parallel_loop3A_287 = arith.xori %iota3A, %parallel_loop3A_286 : vector<16xi32>
          %parallel_loop3A_288 = vector.shape_cast %parallel_loop3A_287 : vector<16xi32> to vector<16x1xi32>
          %parallel_loop3A_289 = vector.shape_cast %parallel_loop3A_288 : vector<16x1xi32> to vector<16xi32>
          %parallel_loop3A_290 = tpu.dynamic_gather %parallel_loop3A_284[%parallel_loop3A_289] in [0] : vector<16xf32>, vector<16xi32> -> vector<16xf32>
          %parallel_loop3A_291 = arith.addf %parallel_loop3A_284, %parallel_loop3A_290 : vector<16xf32>
          %parallel_loop3A_292 = arith.constant 2 : i32
          %parallel_loop3A_293 = vector.broadcast %parallel_loop3A_292 : i32 to vector<16xi32>
          %parallel_loop3A_294 = arith.xori %iota3A, %parallel_loop3A_293 : vector<16xi32>
          %parallel_loop3A_295 = vector.shape_cast %parallel_loop3A_294 : vector<16xi32> to vector<16x1xi32>
          %parallel_loop3A_296 = vector.shape_cast %parallel_loop3A_295 : vector<16x1xi32> to vector<16xi32>
          %parallel_loop3A_297 = tpu.dynamic_gather %parallel_loop3A_291[%parallel_loop3A_296] in [0] : vector<16xf32>, vector<16xi32> -> vector<16xf32>
          %parallel_loop3A_298 = arith.addf %parallel_loop3A_291, %parallel_loop3A_297 : vector<16xf32>
          %parallel_loop3A_299 = arith.constant 1 : i32
          %parallel_loop3A_300 = vector.broadcast %parallel_loop3A_299 : i32 to vector<16xi32>
          %parallel_loop3A_301 = arith.xori %iota3A, %parallel_loop3A_300 : vector<16xi32>
          %parallel_loop3A_302 = vector.shape_cast %parallel_loop3A_301 : vector<16xi32> to vector<16x1xi32>
          %parallel_loop3A_303 = vector.shape_cast %parallel_loop3A_302 : vector<16x1xi32> to vector<16xi32>
          %parallel_loop3A_304 = tpu.dynamic_gather %parallel_loop3A_298[%parallel_loop3A_303] in [0] : vector<16xf32>, vector<16xi32> -> vector<16xf32>
          %parallel_loop3A_305 = arith.addf %parallel_loop3A_298, %parallel_loop3A_304 : vector<16xf32>
          %parallel_loop3A_306 = math.exp %parallel_loop3A_305 : vector<16xf32>
          %parallel_loop3A_307 = arith.mulf %parallel_loop3A_176, %parallel_loop3A_306 : vector<16xf32>
          %parallel_loop3A_308 = arith.index_cast %parallel_loop3A_173 : i32 to index
          %parallel_loop3A_309 = arith.constant 0 : index
          %parallel_loop3A_310 = tpu.vector_load %arg14[%parallel_loop3A_308, %parallel_loop3A_309] {strides = array<i32>} : memref<64x128xf32, #tpu.memory_space<vmem>>, vector<16xf32>,
          tpu.vector_store %arg14[%parallel_loop3A_308, %parallel_loop3A_309], %parallel_loop3A_307 {strides = array<i32>} : memref<64x128xf32, #tpu.memory_space<vmem>>, vector<16xf32>,
          %parallel_loop3A_311 = arith.mulf %parallel_loop3A_189, %parallel_loop3A_306 : vector<16xf32>
          %parallel_loop3A_312 = arith.index_cast %parallel_loop3A_173 : i32 to index
          %parallel_loop3A_313 = arith.constant 16 : index
          %parallel_loop3A_314 = tpu.vector_load %arg14[%parallel_loop3A_312, %parallel_loop3A_313] {strides = array<i32>} : memref<64x128xf32, #tpu.memory_space<vmem>>, vector<16xf32>,
          tpu.vector_store %arg14[%parallel_loop3A_312, %parallel_loop3A_313], %parallel_loop3A_311 {strides = array<i32>} : memref<64x128xf32, #tpu.memory_space<vmem>>, vector<16xf32>,
          %parallel_loop3A_315 = arith.mulf %parallel_loop3A_202, %parallel_loop3A_306 : vector<16xf32>
          %parallel_loop3A_316 = arith.index_cast %parallel_loop3A_173 : i32 to index
          %parallel_loop3A_317 = arith.constant 32 : index
          %parallel_loop3A_318 = tpu.vector_load %arg14[%parallel_loop3A_316, %parallel_loop3A_317] {strides = array<i32>} : memref<64x128xf32, #tpu.memory_space<vmem>>, vector<16xf32>,
          tpu.vector_store %arg14[%parallel_loop3A_316, %parallel_loop3A_317], %parallel_loop3A_315 {strides = array<i32>} : memref<64x128xf32, #tpu.memory_space<vmem>>, vector<16xf32>,
          %parallel_loop3A_319 = arith.mulf %parallel_loop3A_215, %parallel_loop3A_306 : vector<16xf32>
          %parallel_loop3A_320 = arith.index_cast %parallel_loop3A_173 : i32 to index
          %parallel_loop3A_321 = arith.constant 48 : index
          %parallel_loop3A_322 = tpu.vector_load %arg14[%parallel_loop3A_320, %parallel_loop3A_321] {strides = array<i32>} : memref<64x128xf32, #tpu.memory_space<vmem>>, vector<16xf32>,
          tpu.vector_store %arg14[%parallel_loop3A_320, %parallel_loop3A_321], %parallel_loop3A_319 {strides = array<i32>} : memref<64x128xf32, #tpu.memory_space<vmem>>, vector<16xf32>,
          %parallel_loop3A_323 = arith.mulf %parallel_loop3A_228, %parallel_loop3A_306 : vector<16xf32>
          %parallel_loop3A_324 = arith.index_cast %parallel_loop3A_173 : i32 to index
          %parallel_loop3A_325 = arith.constant 64 : index
          %parallel_loop3A_326 = tpu.vector_load %arg14[%parallel_loop3A_324, %parallel_loop3A_325] {strides = array<i32>} : memref<64x128xf32, #tpu.memory_space<vmem>>, vector<16xf32>,
          tpu.vector_store %arg14[%parallel_loop3A_324, %parallel_loop3A_325], %parallel_loop3A_323 {strides = array<i32>} : memref<64x128xf32, #tpu.memory_space<vmem>>, vector<16xf32>,
          %parallel_loop3A_327 = arith.mulf %parallel_loop3A_241, %parallel_loop3A_306 : vector<16xf32>
          %parallel_loop3A_328 = arith.index_cast %parallel_loop3A_173 : i32 to index
          %parallel_loop3A_329 = arith.constant 80 : index
          %parallel_loop3A_330 = tpu.vector_load %arg14[%parallel_loop3A_328, %parallel_loop3A_329] {strides = array<i32>} : memref<64x128xf32, #tpu.memory_space<vmem>>, vector<16xf32>,
          tpu.vector_store %arg14[%parallel_loop3A_328, %parallel_loop3A_329], %parallel_loop3A_327 {strides = array<i32>} : memref<64x128xf32, #tpu.memory_space<vmem>>, vector<16xf32>,
          %parallel_loop3A_331 = arith.mulf %parallel_loop3A_254, %parallel_loop3A_306 : vector<16xf32>
          %parallel_loop3A_332 = arith.index_cast %parallel_loop3A_173 : i32 to index
          %parallel_loop3A_333 = arith.constant 96 : index
          %parallel_loop3A_334 = tpu.vector_load %arg14[%parallel_loop3A_332, %parallel_loop3A_333] {strides = array<i32>} : memref<64x128xf32, #tpu.memory_space<vmem>>, vector<16xf32>,
          tpu.vector_store %arg14[%parallel_loop3A_332, %parallel_loop3A_333], %parallel_loop3A_331 {strides = array<i32>} : memref<64x128xf32, #tpu.memory_space<vmem>>, vector<16xf32>,
          %parallel_loop3A_335 = arith.mulf %parallel_loop3A_267, %parallel_loop3A_306 : vector<16xf32>
          %parallel_loop3A_336 = arith.index_cast %parallel_loop3A_173 : i32 to index
          %parallel_loop3A_337 = arith.constant 112 : index
          %parallel_loop3A_338 = tpu.vector_load %arg14[%parallel_loop3A_336, %parallel_loop3A_337] {strides = array<i32>} : memref<64x128xf32, #tpu.memory_space<vmem>>, vector<16xf32>,
          tpu.vector_store %arg14[%parallel_loop3A_336, %parallel_loop3A_337], %parallel_loop3A_335 {strides = array<i32>} : memref<64x128xf32, #tpu.memory_space<vmem>>, vector<16xf32>,
          %parallel_loop3A_339 = arith.constant 0 : i32
          %parallel_loop3A_340 = vector.broadcast %parallel_loop3A_339 : i32 to vector<16xi32>
          %parallel_loop3A_341 = vector.broadcast %parallel_loop3A_173 : i32 to vector<16xi32>
          %parallel_loop3A_342 = arith.addi %parallel_loop3A_340, %parallel_loop3A_341 : vector<16xi32>
          %parallel_loop3A_343 = tpu.vector_load_idx %arg12[%parallel_loop3A_342] : memref<64xi32, #tpu.memory_space<vmem>>[vector<16xi32>], vector<16xi32>,
          tpu.vector_store_idx %arg18[%parallel_loop3A_343], %parallel_loop3A_306 masked %eq3A_53 {add = true} : memref<10240xf32, #tpu.memory_space<vmem>>[vector<16xi32>], vector<16xf32>, vector<16xi1>
        } {sc.loop_unroll_factor = 3 : i64, sc.parallel_access}
        %dma_start3A_170 = arith.constant 0 : i32
        %dma_start3A_171 = arith.constant 0 : i32
        %dma_start3A_172 = tpu.memref_slice %arg19[%dma_start3A_170, %dma_start3A_171] : memref<10240x128xf32, #tpu.memory_space<vmem_shared>> -> memref<10240x128xf32, #tpu.memory_space<vmem_shared>>
        tpu.enqueue_indirect_dma source(%arg14 : memref<64x128xf32, #tpu.memory_space<vmem>>) target(%dma_start3A_172 : memref<10240x128xf32, #tpu.memory_space<vmem_shared>>) offsets(%arg12 : memref<64xi32, #tpu.memory_space<vmem>>) semaphore(%arg23 : memref<!tpu.dma_semaphore, #tpu.memory_space<semaphore_mem>>) {add = true}
      } else {
      }
      %while3A_155 = arith.constant 0 : i32
      scf.yield %while3A_155 : i32
    }
    %dma_wait3A = arith.constant 0 : i32
    %dma_wait3A_124 = arith.constant 0 : i32
    %dma_wait3A_125 = tpu.memref_slice %arg19[%dma_wait3A, %dma_wait3A_124] : memref<10240x128xf32, #tpu.memory_space<vmem_shared>> -> memref<10240x128xf32, #tpu.memory_space<vmem_shared>>
    tpu.wait_indirect_dma semaphore(%arg22 : memref<!tpu.dma_semaphore, #tpu.memory_space<semaphore_mem>>) src(%arg13 : memref<64x128xf32, #tpu.memory_space<vmem>>) dst(%dma_wait3A_125 : memref<10240x128xf32, #tpu.memory_space<vmem_shared>>)
    %dma_wait3A_126 = arith.constant 0 : i32
    %dma_wait3A_127 = arith.constant 0 : i32
    %dma_wait3A_128 = tpu.memref_slice %arg19[%dma_wait3A_126, %dma_wait3A_127] : memref<10240x128xf32, #tpu.memory_space<vmem_shared>> -> memref<10240x128xf32, #tpu.memory_space<vmem_shared>>
    tpu.wait_indirect_dma semaphore(%arg23 : memref<!tpu.dma_semaphore, #tpu.memory_space<semaphore_mem>>) src(%arg14 : memref<64x128xf32, #tpu.memory_space<vmem>>) dst(%dma_wait3A_128 : memref<10240x128xf32, #tpu.memory_space<vmem_shared>>)
    %barrier3A_129 = arith.constant 0 : index
    tpu.barrier barrier_id(%barrier3A_129)
    %lt3A = arith.constant 15 : i32
    %lt3A_130 = arith.cmpi slt, %arg1, %lt3A : i32
    %convert_element_type3A = arith.extui %lt3A_130 : i1 to i32
    %cond3A = arith.constant 0 : i32
    %cond3A_131 = arith.cmpi ne, %convert_element_type3A, %cond3A : i32
    scf.if %cond3A_131 {
      %mul3A_137 = arith.constant 624 : i32
      %mul3A_138 = arith.muli %arg1, %mul3A_137 : i32
      %multiple_of3A_139 = tpu.assume_multiple %mul3A_138, 8 : i32
      "tpu.region"() ({
        %run_scoped3A = tpu.sem_alloc : memref<!tpu.dma_semaphore, #tpu.memory_space<semaphore_mem>>
        %dma_start3A_140 = arith.constant 0 : i32
        %dma_start3A_141 = tpu.memref_slice %arg7[%arg0, %multiple_of3A_139, %dma_start3A_140] : memref<2x10000x128xf32, #tpu.memory_space<hbm>> -> memref<1x624x128xf32, #tpu.memory_space<hbm>>
        %dma_start3A_142 = tpu.memref_squeeze %dma_start3A_141 : memref<1x624x128xf32, #tpu.memory_space<hbm>> -> memref<624x128xf32, #tpu.memory_space<hbm>>
        %dma_start3A_143 = arith.constant 0 : i32
        %dma_start3A_144 = tpu.memref_slice %arg19[%multiple_of3A_139, %dma_start3A_143] : memref<10240x128xf32, #tpu.memory_space<vmem_shared>> -> memref<624x128xf32, #tpu.memory_space<vmem_shared>>
        tpu.enqueue_dma source(%dma_start3A_144 : memref<624x128xf32, #tpu.memory_space<vmem_shared>>) target(%dma_start3A_142 : memref<624x128xf32, #tpu.memory_space<hbm>>) target_semaphore(%run_scoped3A : memref<!tpu.dma_semaphore, #tpu.memory_space<semaphore_mem>>)
        %dma_wait3A_145 = arith.constant 0 : i32
        %dma_wait3A_146 = tpu.memref_slice %arg7[%arg0, %multiple_of3A_139, %dma_wait3A_145] : memref<2x10000x128xf32, #tpu.memory_space<hbm>> -> memref<1x624x128xf32, #tpu.memory_space<hbm>>
        %dma_wait3A_147 = tpu.memref_squeeze %dma_wait3A_146 : memref<1x624x128xf32, #tpu.memory_space<hbm>> -> memref<624x128xf32, #tpu.memory_space<hbm>>
        %dma_wait3A_148 = arith.constant 0 : i32
        %dma_wait3A_149 = tpu.memref_slice %arg19[%multiple_of3A_139, %dma_wait3A_148] : memref<10240x128xf32, #tpu.memory_space<vmem_shared>> -> memref<624x128xf32, #tpu.memory_space<vmem_shared>>
        tpu.wait_dma2 semaphore(%run_scoped3A : memref<!tpu.dma_semaphore, #tpu.memory_space<semaphore_mem>>) src(%dma_wait3A_149 : memref<624x128xf32, #tpu.memory_space<vmem_shared>>) dst(%dma_wait3A_147 : memref<624x128xf32, #tpu.memory_space<hbm>>)
        tpu.yield
      }) : () -> ()
    } else {
    }
    %eq3A_132 = arith.constant 15 : i32
    %eq3A_133 = arith.cmpi eq, %arg1, %eq3A_132 : i32
    %convert_element_type3A_134 = arith.extui %eq3A_133 : i1 to i32
    %cond3A_135 = arith.constant 0 : i32
    %cond3A_136 = arith.cmpi ne, %convert_element_type3A_134, %cond3A_135 : i32
    scf.if %cond3A_136 {
      "tpu.region"() ({
        %run_scoped3A = tpu.sem_alloc : memref<!tpu.dma_semaphore, #tpu.memory_space<semaphore_mem>>
        %dma_start3A_137 = arith.constant 9360 : i32
        %dma_start3A_138 = arith.constant 0 : i32
        %dma_start3A_139 = tpu.memref_slice %arg7[%arg0, %dma_start3A_137, %dma_start3A_138] : memref<2x10000x128xf32, #tpu.memory_space<hbm>> -> memref<1x640x128xf32, #tpu.memory_space<hbm>>
        %dma_start3A_140 = tpu.memref_squeeze %dma_start3A_139 : memref<1x640x128xf32, #tpu.memory_space<hbm>> -> memref<640x128xf32, #tpu.memory_space<hbm>>
        %dma_start3A_141 = arith.constant 9360 : i32
        %dma_start3A_142 = arith.constant 0 : i32
        %dma_start3A_143 = tpu.memref_slice %arg19[%dma_start3A_141, %dma_start3A_142] : memref<10240x128xf32, #tpu.memory_space<vmem_shared>> -> memref<640x128xf32, #tpu.memory_space<vmem_shared>>
        tpu.enqueue_dma source(%dma_start3A_143 : memref<640x128xf32, #tpu.memory_space<vmem_shared>>) target(%dma_start3A_140 : memref<640x128xf32, #tpu.memory_space<hbm>>) target_semaphore(%run_scoped3A : memref<!tpu.dma_semaphore, #tpu.memory_space<semaphore_mem>>)
        %dma_wait3A_144 = arith.constant 9360 : i32
        %dma_wait3A_145 = arith.constant 0 : i32
        %dma_wait3A_146 = tpu.memref_slice %arg7[%arg0, %dma_wait3A_144, %dma_wait3A_145] : memref<2x10000x128xf32, #tpu.memory_space<hbm>> -> memref<1x640x128xf32, #tpu.memory_space<hbm>>
        %dma_wait3A_147 = tpu.memref_squeeze %dma_wait3A_146 : memref<1x640x128xf32, #tpu.memory_space<hbm>> -> memref<640x128xf32, #tpu.memory_space<hbm>>
        %dma_wait3A_148 = arith.constant 9360 : i32
        %dma_wait3A_149 = arith.constant 0 : i32
        %dma_wait3A_150 = tpu.memref_slice %arg19[%dma_wait3A_148, %dma_wait3A_149] : memref<10240x128xf32, #tpu.memory_space<vmem_shared>> -> memref<640x128xf32, #tpu.memory_space<vmem_shared>>
        tpu.wait_dma2 semaphore(%run_scoped3A : memref<!tpu.dma_semaphore, #tpu.memory_space<semaphore_mem>>) src(%dma_wait3A_150 : memref<640x128xf32, #tpu.memory_space<vmem_shared>>) dst(%dma_wait3A_147 : memref<640x128xf32, #tpu.memory_space<hbm>>)
        tpu.yield
      }) : () -> ()
    } else {
    }
    "tpu.region"() ({
      %run_scoped3A = tpu.sem_alloc : memref<!tpu.dma_semaphore, #tpu.memory_space<semaphore_mem>>
      %dma_start3A_137 = arith.constant 0 : i32
      %dma_start3A_138 = tpu.memref_slice %arg8[%arg0, %arg1, %dma_start3A_137] : memref<2x16x10240xf32, #tpu.memory_space<hbm>> -> memref<1x1x10240xf32, #tpu.memory_space<hbm>>
      %dma_start3A_139 = tpu.memref_squeeze %dma_start3A_138 : memref<1x1x10240xf32, #tpu.memory_space<hbm>> -> memref<10240xf32, #tpu.memory_space<hbm>>
      %dma_start3A_140 = arith.constant 0 : i32
      %dma_start3A_141 = tpu.memref_slice %arg8[%arg0, %arg1, %dma_start3A_140] : memref<2x16x10240xf32, #tpu.memory_space<hbm>> -> memref<1x1x10240xf32, #tpu.memory_space<hbm>>
      %dma_start3A_142 = tpu.memref_squeeze %dma_start3A_141 : memref<1x1x10240xf32, #tpu.memory_space<hbm>> -> memref<10240xf32, #tpu.memory_space<hbm>>
      tpu.enqueue_dma source(%arg18 : memref<10240xf32, #tpu.memory_space<vmem>>) target(%dma_start3A_142 : memref<10240xf32, #tpu.memory_space<hbm>>) target_semaphore(%run_scoped3A : memref<!tpu.dma_semaphore, #tpu.memory_space<semaphore_mem>>)
      %dma_wait3A_143 = arith.constant 0 : i32
      %dma_wait3A_144 = tpu.memref_slice %arg8[%arg0, %arg1, %dma_wait3A_143] : memref<2x16x10240xf32, #tpu.memory_space<hbm>> -> memref<1x1x10240xf32, #tpu.memory_space<hbm>>
      %dma_wait3A_145 = tpu.memref_squeeze %dma_wait3A_144 : memref<1x1x10240xf32, #tpu.memory_space<hbm>> -> memref<10240xf32, #tpu.memory_space<hbm>>
      %dma_wait3A_146 = arith.constant 0 : i32
      %dma_wait3A_147 = tpu.memref_slice %arg8[%arg0, %arg1, %dma_wait3A_146] : memref<2x16x10240xf32, #tpu.memory_space<hbm>> -> memref<1x1x10240xf32, #tpu.memory_space<hbm>>
      %dma_wait3A_148 = tpu.memref_squeeze %dma_wait3A_147 : memref<1x1x10240xf32, #tpu.memory_space<hbm>> -> memref<10240xf32, #tpu.memory_space<hbm>>
      tpu.wait_dma2 semaphore(%run_scoped3A : memref<!tpu.dma_semaphore, #tpu.memory_space<semaphore_mem>>) src(%arg18 : memref<10240xf32, #tpu.memory_space<vmem>>) dst(%dma_wait3A_148 : memref<10240xf32, #tpu.memory_space<hbm>>)
      tpu.yield
    }) : () -> ()
    return
  }
}

module attributes {stable_mosaic.version = 14 : i64} {
  func.func @_mm_body(%arg0: i32, %arg1: memref<1000x128xf32, #tpu.memory_space<vmem>>, %arg2: memref<128x128xf32, #tpu.memory_space<vmem>>, %arg3: memref<128x128xf32, #tpu.memory_space<vmem>>, %arg4: memref<1000x128xf32, #tpu.memory_space<vmem>>, %arg5: memref<1000x128xf32, #tpu.memory_space<vmem>>) attributes {dimension_semantics = [#tpu.dimension_semantics<arbitrary>], iteration_bounds = array<i64: 10>, scalar_prefetch = 0 : i64, scratch_operands = 0 : i64, tpu.core_type = #tpu.core_type<tc>, window_params = [{transform_indices = @transform_0, window_bounds = array<i64: 1000, 128>}, {pipeline_mode = #tpu.pipeline_mode<synchronous>, transform_indices = @transform_1, window_bounds = array<i64: 128, 128>}, {pipeline_mode = #tpu.pipeline_mode<synchronous>, transform_indices = @transform_2, window_bounds = array<i64: 128, 128>}, {transform_indices = @transform_3, window_bounds = array<i64: 1000, 128>}, {transform_indices = @transform_4, window_bounds = array<i64: 1000, 128>}]} {
    %get3A = arith.constant 0 : index
    %get3A_0 = arith.constant 0 : index
    %get3A_1 = vector.load %arg1[%get3A, %get3A_0] : memref<1000x128xf32, #tpu.memory_space<vmem>>, vector<1000x128xf32>
    %get3A_2 = arith.constant 0 : index
    %get3A_3 = arith.constant 0 : index
    %get3A_4 = vector.load %arg2[%get3A_2, %get3A_3] : memref<128x128xf32, #tpu.memory_space<vmem>>, vector<128x128xf32>
    %dot_general3A = arith.constant dense<0.000000e+00> : vector<1000x128xf32>
    %dot_general3A_5 = tpu.matmul %get3A_1, %get3A_4, %dot_general3A {dimension_numbers = #tpu.dot_dimension_numbers<[1], [0], [0], [1], [0, 0, 1, 1], [], []>, transpose_lhs_hint = false} : vector<1000x128xf32>, vector<128x128xf32>, vector<1000x128xf32> -> vector<1000x128xf32>
    %swap3A = arith.constant 0 : index
    %swap3A_6 = arith.constant 0 : index
    %swap3A_7 = vector.load %arg4[%swap3A, %swap3A_6] : memref<1000x128xf32, #tpu.memory_space<vmem>>, vector<1000x128xf32>
    tpu.vector_store %arg4[%swap3A, %swap3A_6], %dot_general3A_5 {strides = array<i32>} : memref<1000x128xf32, #tpu.memory_space<vmem>>, vector<1000x128xf32>,
    %get3A_8 = arith.constant 0 : index
    %get3A_9 = arith.constant 0 : index
    %get3A_10 = vector.load %arg3[%get3A_8, %get3A_9] : memref<128x128xf32, #tpu.memory_space<vmem>>, vector<128x128xf32>
    %dot_general3A_11 = arith.constant dense<0.000000e+00> : vector<1000x128xf32>
    %dot_general3A_12 = tpu.matmul %get3A_1, %get3A_10, %dot_general3A_11 {dimension_numbers = #tpu.dot_dimension_numbers<[1], [0], [0], [1], [0, 0, 1, 1], [], []>, transpose_lhs_hint = false} : vector<1000x128xf32>, vector<128x128xf32>, vector<1000x128xf32> -> vector<1000x128xf32>
    %swap3A_13 = arith.constant 0 : index
    %swap3A_14 = arith.constant 0 : index
    %swap3A_15 = vector.load %arg5[%swap3A_13, %swap3A_14] : memref<1000x128xf32, #tpu.memory_space<vmem>>, vector<1000x128xf32>
    tpu.vector_store %arg5[%swap3A_13, %swap3A_14], %dot_general3A_12 {strides = array<i32>} : memref<1000x128xf32, #tpu.memory_space<vmem>>, vector<1000x128xf32>,
    return
  }
  func.func @transform_0(%arg0: i32) -> (i32, i32) {
    %c0_i32 = arith.constant 0 : i32
    %c0_i32_0 = arith.constant 0 : i32
    return %arg0, %c0_i32 : i32, i32
  }
  func.func @transform_1(%arg0: i32) -> (i32, i32) {
    %c0_i32 = arith.constant 0 : i32
    %c0_i32_0 = arith.constant 0 : i32
    %c0_i32_1 = arith.constant 0 : i32
    return %c0_i32, %c0_i32_0 : i32, i32
  }
  func.func @transform_2(%arg0: i32) -> (i32, i32) {
    %c0_i32 = arith.constant 0 : i32
    %c0_i32_0 = arith.constant 0 : i32
    %c0_i32_1 = arith.constant 0 : i32
    return %c0_i32, %c0_i32_0 : i32, i32
  }
  func.func @transform_3(%arg0: i32) -> (i32, i32) {
    %c0_i32 = arith.constant 0 : i32
    %c0_i32_0 = arith.constant 0 : i32
    return %arg0, %c0_i32 : i32, i32
  }
  func.func @transform_4(%arg0: i32) -> (i32, i32) {
    %c0_i32 = arith.constant 0 : i32
    %c0_i32_0 = arith.constant 0 : i32
    return %arg0, %c0_i32 : i32, i32
  }
}

module attributes {stable_mosaic.version = 14 : i64} {
  func.func @_combine_body(%arg0: i32, %arg1: memref<2x1000x128xf32, #tpu.memory_space<vmem>>, %arg2: memref<1000x32xf32, #tpu.memory_space<vmem>>, %arg3: memref<1x128xf32, #tpu.memory_space<vmem>>, %arg4: memref<1000x128xf32, #tpu.memory_space<vmem>>) attributes {dimension_semantics = [#tpu.dimension_semantics<arbitrary>], iteration_bounds = array<i64: 10>, scalar_prefetch = 0 : i64, scratch_operands = 0 : i64, tpu.core_type = #tpu.core_type<tc>, window_params = [{transform_indices = @transform_0, window_bounds = array<i64: 2, 1000, 128>}, {transform_indices = @transform_1, window_bounds = array<i64: 1000, 32>}, {pipeline_mode = #tpu.pipeline_mode<synchronous>, transform_indices = @transform_2, window_bounds = array<i64: 1, 128>}, {transform_indices = @transform_3, window_bounds = array<i64: 1000, 128>}]} {
    %get3A = arith.constant 0 : index
    %get3A_0 = arith.constant 0 : index
    %get3A_1 = arith.constant 0 : index
    %get3A_2 = vector.load %arg1[%get3A, %get3A_0, %get3A_1] : memref<2x1000x128xf32, #tpu.memory_space<vmem>>, vector<2x1000x128xf32>
    %slice3A = vector.extract_strided_slice %get3A_2 {offsets = [0, 0, 0], sizes = [1, 1000, 128], strides = [1, 1, 1]} : vector<2x1000x128xf32> to vector<1x1000x128xf32>
    %squeeze3A = vector.shape_cast %slice3A : vector<1x1000x128xf32> to vector<1000x128xf32>
    %slice3A_3 = vector.extract_strided_slice %get3A_2 {offsets = [1, 0, 0], sizes = [1, 1000, 128], strides = [1, 1, 1]} : vector<2x1000x128xf32> to vector<1x1000x128xf32>
    %squeeze3A_4 = vector.shape_cast %slice3A_3 : vector<1x1000x128xf32> to vector<1000x128xf32>
    %add3A = arith.addf %squeeze3A, %squeeze3A_4 : vector<1000x128xf32>
    %broadcast_in_dim3A = arith.constant 1.000000e+00 : f32
    %broadcast_in_dim3A_5 = vector.broadcast %broadcast_in_dim3A : f32 to vector<32x128xf32>
    %get3A_6 = arith.constant 0 : index
    %get3A_7 = arith.constant 0 : index
    %get3A_8 = vector.load %arg2[%get3A_6, %get3A_7] : memref<1000x32xf32, #tpu.memory_space<vmem>>, vector<1000x32xf32>
    %dot_general3A = arith.constant dense<0.000000e+00> : vector<1000x128xf32>
    %dot_general3A_9 = tpu.matmul %get3A_8, %broadcast_in_dim3A_5, %dot_general3A {dimension_numbers = #tpu.dot_dimension_numbers<[1], [0], [0], [1], [0, 0, 1, 1], [], []>, transpose_lhs_hint = false} : vector<1000x32xf32>, vector<32x128xf32>, vector<1000x128xf32> -> vector<1000x128xf32>
    %add3A_10 = arith.constant 1.000000e-16 : f32
    %add3A_11 = vector.broadcast %add3A_10 : f32 to vector<1000x128xf32>
    %add3A_12 = arith.addf %dot_general3A_9, %add3A_11 : vector<1000x128xf32>
    %div3A = arith.divf %add3A, %add3A_12 : vector<1000x128xf32>
    %get3A_13 = arith.constant 0 : index
    %get3A_14 = arith.constant 0 : index
    %get3A_15 = vector.load %arg3[%get3A_13, %get3A_14] : memref<1x128xf32, #tpu.memory_space<vmem>>, vector<1x128xf32>
    %add3A_16 = vector.broadcast %get3A_15 : vector<1x128xf32> to vector<1000x128xf32>
    %add3A_17 = arith.addf %div3A, %add3A_16 : vector<1000x128xf32>
    %swap3A = arith.constant 0 : index
    %swap3A_18 = arith.constant 0 : index
    %swap3A_19 = vector.load %arg4[%swap3A, %swap3A_18] : memref<1000x128xf32, #tpu.memory_space<vmem>>, vector<1000x128xf32>
    tpu.vector_store %arg4[%swap3A, %swap3A_18], %add3A_17 {strides = array<i32>} : memref<1000x128xf32, #tpu.memory_space<vmem>>, vector<1000x128xf32>,
    return
  }
  func.func @transform_0(%arg0: i32) -> (i32, i32, i32) {
    %c0_i32 = arith.constant 0 : i32
    %c0_i32_0 = arith.constant 0 : i32
    %c0_i32_1 = arith.constant 0 : i32
    return %c0_i32, %arg0, %c0_i32_0 : i32, i32, i32
  }
  func.func @transform_1(%arg0: i32) -> (i32, i32) {
    %c0_i32 = arith.constant 0 : i32
    %c0_i32_0 = arith.constant 0 : i32
    return %arg0, %c0_i32 : i32, i32
  }
  func.func @transform_2(%arg0: i32) -> (i32, i32) {
    %c0_i32 = arith.constant 0 : i32
    %c0_i32_0 = arith.constant 0 : i32
    %c0_i32_1 = arith.constant 0 : i32
    return %c0_i32, %c0_i32_0 : i32, i32
  }
  func.func @transform_3(%arg0: i32) -> (i32, i32) {
    %c0_i32 = arith.constant 0 : i32
    %c0_i32_0 = arith.constant 0 : i32
    return %arg0, %c0_i32 : i32, i32
  }
}

</mosaic_0001>

<sc_bundles>
// kernel: kernel.5.cloned.1.call-start
scs
__scs_entry_jumppad:
0x0: {  	(pc) =	sbr.rel $0x88, $3  }
0x1: {  	(tag) =	ssettag $0x0;
	lr =	simm.s32 $0x1  }
0x2: {  	[smem:$0x3F9B] =	sst lr;
	_ =	strace $0xD0000000  }
0x3: {  	_ = 	snop  }
0x4: {  	_ = 	snop  }
0x5: {  	_ = 	snop  }
0x6: {  	_ = 	snop  }
0x7: {  	_ = 	snop  }
__scs_overlays_trampoline_lowered:
0x8: {  	[smem:$0x3FAA] =	sst s0  }
0x9: {  	[smem:$0x3FAB] =	sst s1  }
0xa: {  	[smem:$0x3FAC] =	sst s2  }
0xb: {  	[smem:$0x3FAD] =	sst s3  }
0xc: {  	[smem:$0x3FAE] =	sst s4  }
0xd: {  	[smem:$0x3FAF] =	sst s5  }
0xe: {  	[smem:$0x3FB0] =	sst s6  }
0xf: {  	[smem:$0x3FB1] =	sst s7  }
0x10: {  	[smem:$0x3FB2] =	sst s8  }
0x11: {  	[smem:$0x3FB3] =	sst s9;
	s0 =	simm.s32 @!p0 $0x0  }
0x12: {  	s1 =	sld [smem:$0x3F99];
	s0 =	simm.s32 @p0 $0x1  }
0x13: {  	[smem:$0x3FB4] =	sst s0;
	s0 =	simm.s32 @!p1 $0x0  }
0x14: {  	s2 =	sld [smem:$0x3F98];
	s0 =	simm.s32 @p1 $0x1  }
0x15: {  	[smem:$0x3FB5] =	sst s0;
	s0 =	simm.s32 @!p2 $0x0  }
0x16: {  	s3 =	sld [smem:$0x3FDB];
	s0 =	simm.s32 @p2 $0x1  }
0x17: {  	s4 =	simm.s32 $0x1BF5;
	[smem:$0x3FB7] =	sst s0  }
0x18: {  	s0 =	sld [smem:$0x3F9A];
	_ =	swait.ge [sflag:s4], $0x0  }
0x19: {  	s7 =	sld [smem:$0x3F9B]  }
0x1a: {  	s8 =	sadd.s32 $0xFFFFE003, lr  }
0x1b: {  	s9 =	sadd.s32 $0xFFFFFEF7, lr;
	s5 =	simm.s32 $0xFFFFFFFF;
	p2 =	slt.u32 s8, $0xFFFFF086  }
0x1c: {  	p1 =	slt.u32 s9, $0xF7A;
	s5 =	simm.s32 @!p2 $0x0  }
0x1d: {  	s5 =	simm.s32 @p1 $0x1;
	p0 =	seq.s32 s7, s2  }
0x1e: {  	s7 =	smul.u32 @!p0 $0xF7A, s2;
	p2 =	seq.s32 @!p0 s5, $0x0  }
0x1f: {  	s9 =	smul.u32 $0xF7A, s1;
	s8 =	simm.s32 @!p0 $0x1BF5;
	p2 =	por !p2, p0  }
0x20: {  	[sflag:s8] =	ssyncset.s32 @!p0 $0xFFFFF086;
	s6 =	sadd.s32 @!p0 s3, s7;
	s7 =	simm.s32 @!p0 $0x108  }
0x21: {  	s3 =	sadd.s32 s3, s9;
	s6 =	sadd.s32 @!p0 $0x88, s6;
	s7 =	simm.s32 @p2 $0x1082  }
0x22: {  	[simem:s7], [sflag:s8] =	dma.local @!p0 [hbm:s6], $0xF7A  }
0x23: {  	s9 =	sor.u32 $0xD0000000, s2;
	s6 =	simm.s32 $0x108;
	_ =	swait.ge @!p0 [sflag:s8], $0x0  }
0x24: {  	s3 =	sadd.s32 $0x88, s3;
	s6 =	simm.s32 @!p1 $0x1082;
	[sflag:s4] =	ssyncset.s32 $0xFFFFF086  }
0x25: {  	[simem:s6], [sflag:s4] =	dma.local [hbm:s3], $0xF7A  }
0x26: {  	[smem:$0x3F9B] =	sst s1;
	(tag) =	ssettag s2;
	_ =	strace s9  }
0x27: {  	s1 =	sld [smem:$0x3FAB]  }
0x28: {  	s2 =	sld [smem:$0x3FAC]  }
0x29: {  	s4 =	sld [smem:$0x3FAE]  }
0x2a: {  	p0 =	seq.s32 s5, $0x0;
	s5 =	sld [smem:$0x3FAF]  }
0x2b: {  	s6 =	sld [smem:$0x3FB0]  }
0x2c: {  	s7 =	sld [smem:$0x3FB1]  }
0x2d: {  	s3 =	simm.s32 $0x108;
	s8 =	sld [smem:$0x3FB2]  }
0x2e: {  	s3 =	simm.s32 @!p0 $0x1082;
	s9 =	sld [smem:$0x3FB3]  }
0x2f: {  	lr =	sadd.s32 s0, s3;
	s0 =	sld [smem:$0x3FAA]  }
0x30: {  	s3 =	sld [smem:$0x3FAD]  }
0x31: {  	[smem:$0x3FB6] =	sst s10  }
0x32: {  	s10 =	sld [smem:$0x3FB4];
	_ =	sdelay $0x3  }
0x33: {  	p0 =	seq.s32 s10, $0x1;
	s10 =	sld [smem:$0x3FB6];
	_ =	sdelay $0x3  }
0x34: {  	[smem:$0x3FB6] =	sst s10  }
0x35: {  	s10 =	sld [smem:$0x3FB5];
	_ =	sdelay $0x3  }
0x36: {  	p1 =	seq.s32 s10, $0x1;
	s10 =	sld [smem:$0x3FB6];
	_ =	sdelay $0x3  }
0x37: {  	[smem:$0x3FB6] =	sst s10  }
0x38: {  	s10 =	sld [smem:$0x3FB7]  }
0x39: {  	_ = 	snop;
	(pc) =	sbr.ind lr, $3  }
0x3a: {  	_ = 	snop  }
0x3b: {  	_ = 	snop  }
0x3c: {  	p2 =	seq.s32 s10, $0x1;
	s10 =	sld [smem:$0x3FB6]  }
0x3d: {  	_ =	shalt  }
0x3e: {  	_ =	shalt  }
0x3f: {  	_ =	shalt  }
0x40: {  	_ =	shalt  }
0x41: {  	_ =	shalt  }
0x42: {  	_ =	shalt  }
0x43: {  	_ =	shalt  }
0x44: {  	_ =	shalt  }
0x45: {  	_ =	shalt  }
0x46: {  	_ =	shalt  }
0x47: {  	_ =	shalt  }
0x48: {  	_ =	shalt  }
0x49: {  	_ =	shalt  }
0x4a: {  	_ =	shalt  }
0x4b: {  	_ =	shalt  }
0x4c: {  	_ =	shalt  }
0x4d: {  	_ =	shalt  }
0x4e: {  	_ =	shalt  }
0x4f: {  	_ =	shalt  }
0x50: {  	_ =	shalt  }
0x51: {  	_ =	shalt  }
0x52: {  	_ =	shalt  }
0x53: {  	_ =	shalt  }
0x54: {  	_ =	shalt  }
0x55: {  	_ =	shalt  }
0x56: {  	_ =	shalt  }
0x57: {  	_ =	shalt  }
0x58: {  	_ =	shalt  }
0x59: {  	_ =	shalt  }
0x5a: {  	_ =	shalt  }
0x5b: {  	_ =	shalt  }
0x5c: {  	_ =	shalt  }
0x5d: {  	_ =	shalt  }
0x5e: {  	_ =	shalt  }
0x5f: {  	_ =	shalt  }
0x60: {  	_ =	shalt  }
0x61: {  	_ =	shalt  }
0x62: {  	_ =	shalt  }
0x63: {  	_ =	shalt  }
0x64: {  	_ =	shalt  }
0x65: {  	_ =	shalt  }
0x66: {  	_ =	shalt  }
0x67: {  	_ =	shalt  }
0x68: {  	_ =	shalt  }
0x69: {  	_ =	shalt  }
0x6a: {  	_ =	shalt  }
0x6b: {  	_ =	shalt  }
0x6c: {  	_ =	shalt  }
0x6d: {  	_ =	shalt  }
0x6e: {  	_ =	shalt  }
0x6f: {  	_ =	shalt  }
0x70: {  	_ =	shalt  }
0x71: {  	_ =	shalt  }
0x72: {  	_ =	shalt  }
0x73: {  	_ =	shalt  }
0x74: {  	_ =	shalt  }
0x75: {  	_ =	shalt  }
0x76: {  	_ =	shalt  }
0x77: {  	_ =	shalt  }
0x78: {  	_ =	shalt  }
0x79: {  	_ =	shalt  }
0x7a: {  	_ =	shalt  }
0x7b: {  	_ =	shalt  }
0x7c: {  	_ =	shalt  }
0x7d: {  	_ =	shalt  }
0x7e: {  	_ =	shalt  }
0x7f: {  	_ =	shalt  }
0x80: {  	_ =	shalt  }
0x81: {  	_ =	shalt  }
0x82: {  	_ =	shalt  }
0x83: {  	_ =	shalt  }
0x84: {  	_ =	shalt  }
0x85: {  	_ =	shalt  }
0x86: {  	_ =	shalt  }
0x87: {  	_ =	shalt  }
.Lfunc_end0:
.L_simem_size_0:
called_computation_lowered:
.L_overlay_start_0:
0x88: {  	s2 =	sld [smem:$0x3FD9]  }
0x89: {  	s3 =	sld [smem:$0x3FFE];
	_ =	sdelay $0x1  }
0x8a: {  	s1 =	srdreg.scid  }
0x8b: {  	s0 =	sand.u32 $0x1, s1  }
0x8c: {  	s17 =	sshll.u32 s0, $0xA;
	s2 =	sadd.s32 s3, s2  }
0x8d: {  	s2 =	sadd.s32 s2, s17  }
0x8e: {  	[smem:$0x3FC2] =	sst s2  }
0x8f: {  	_ = 	snop  }
0x90: {  	s2 =	sld [smem:$0x3FC5]  }
0x91: {  	s18 =	sld [smem:$0x3FD0];
	(tm) =	ssettm $0x1  }
0x92: {  	s4 =	sld [smem:$0x3FFB];
	_ =	sdelay $0x3  }
0x93: {  	_ =	strace s4  }
0x94: {  	s4 =	sld [smem:$0x3FFC];
	_ =	sdelay $0x3  }
0x95: {  	_ =	strace s4  }
0x96: {  	s4 =	sld [smem:$0x3FFD];
	_ =	sdelay $0x3  }
0x97: {  	_ =	strace s4  }
0x98: {  	_ =	strace $0x8FFFFFFF  }
0x99: {  	s19 =	sld [smem:$0x3FDB];
	_ =	sdelay $0x1  }
0x9a: {  	s5 =	simm.s32 $_scs_section_size  }
0x9b: {  	s6 =	simm.s32 $_size__tile_overlayer_lowered;
	s7 =	simm.s32 $_tile_overlayer_lowered  }
0x9c: {  	s22 =	simm.s32 $0x1BFF;
	s21 =	sshll.u32 s7, $0x1;
	s4 =	sadd.s32 s5, s19  }
0x9d: {  	s8 =	simm.s32 $0x0;
	s20 =	sshll.u32 s6, $0x1;
	s6 =	sadd.s32 s21, s4  }
0x9e: {  	[timem:s8], [sflag:s22] =	dma.local [hbm:s6], s20  }
0x9f: {  	_ =	swait.ge [sflag:s22], s20  }
0xa0: {  	s5 =	ssub.s32 $0x0, s20;
	[sflag:s22] =	ssyncset.done $0x0  }
0xa1: {  	[sflag:s22] =	ssyncadd.s32 s5;
	_ =	sdelay $0x1  }
0xa2: {  	s23 =	simm.s32 $0x1B8B  }
0xa3: {  	_ =	swait.ge [sflag:s23], $0x1  }
0xa4: {  	[sflag:s23] =	ssyncset.done $0x0  }
0xa5: {  	s25 =	simm.s32 $0x1B8E;
	s24 =	sld [smem:$0x3FFE];
	[sflag:s23] =	ssyncadd.s32 $0xFFFFFFFF  }
0xa6: {  	s26 =	simm.s32 $execute0_lowered;
	[smem:$0x3FD2] =	sst s25  }
0xa7: {  	s6 =	sshll.u32 s26, $0x1;
	_ =	strace $0x80000046;
	[dreg:$0x1] =	wrdreg $0xFFFFFFFF  }
0xa8: {  	s28 =	simm.s32 $_size_execute0_lowered;
	s4 =	sadd.s32 s4, s6;
	[dreg:$0x0] =	wrdreg $0x0  }
0xa9: {  	s6 =	sshll.u32 s28, $0x1;
	[dreg:$0x2] =	wrdreg s4  }
0xaa: {  	[dreg:$0x3] =	wrdreg s6  }
0xab: {  	[dreg:$0x4] =	wrdreg $0xC0  }
0xac: {  	_ =	task [dreg:s8], $0x5FFFF  }
0xad: {  	[dreg:$0x1] =	wrdreg $0xFFFFFFFF  }
0xae: {  	[dreg:$0x0] =	wrdreg $0x60  }
0xaf: {  	[dreg:$0x2] =	wrdreg s18  }
0xb0: {  	[dreg:$0x3] =	wrdreg s24  }
0xb1: {  	[dreg:$0x4] =	wrdreg s2  }
0xb2: {  	[dreg:$0x5] =	wrdreg $0xAA800  }
0xb3: {  	[dreg:$0x6] =	wrdreg $0x9  }
0xb4: {  	_ =	task.clear_ibuf [dreg:s8], $0x7FFFF;
	_ =	strace $0x90000046  }
0xb5: {  	s29 =	simm.s32 $0x9;
	_ =	strace $0x80000048  }
0xb6: {  	_ =	swait.ge [sflag:s29], $0x1  }
0xb7: {  	[sflag:s29] =	ssyncadd.s32 $0xFFFFFFFF  }
0xb8: {  	_ =	strace $0x90000048  }
0xb9: {  	_ =	sfence  }
0xba: {  	s30 =	sld [smem:$0x0];
	_ =	sdelay $0x2  }
0xbb: {  	s31 =	sshll.u32 s1, $0xD;
	s1 =	sshrl.u32 s1, $0x2  }
0xbc: {  	s3 =	sand.u32 $0x4000, s31;
	s1 =	sadd.s32 s1, s30  }
0xbd: {  	s0 =	sor.u32 s3, s0;
	s1 =	sshll.u32 s1, $0x11  }
0xbe: {  	s0 =	sor.u32 s1, s0  }
0xbf: {  	s0 =	sadd.s32 $0x8F2B, s0  }
0xc0: {  	[sflag:s0] =	ssyncadd.remote.s32 $0x1  }
0xc1: {  	_ =	sfence.sel $0xFFFF  }
0xc2: {  	[dreg:$0x0] =	wrdreg $0xFFFFFFFF;
	(pc) =	sbr.abs _section_cstart, $3  }
0xc3: {  	[dreg:$0x1] =	wrdreg $0xFFFFFFFF  }
0xc4: {  	_ =	task.clear_ibuf [dreg:s8], $0x2FFFF;
	_ =	strace $0x9FFFFFFF  }
0xc5: {  	(tm) =	ssettm $0x7FFFFFFF  }
tec
execute0_lowered:
.L_overlay_start_1:
0x0: {  	(tag) =	ssettag $0x1  }
0x1: {  	s1 =	rddreg [dreg:$0x0]  }
0x2: {  	s0 =	rddreg [dreg:$0x1];
	s2 =	srdreg.scid  }
0x3: {  	s13 =	stileid.u32;
	s4 =	rddreg [dreg:$0x3]  }
0x4: {  	s6 =	simm.s32 $0x0;
	s2 =	sand.u32 $0x1, s2;
	s5 =	sshrl.u32 s13, $0x3  }
0x5: {  	[smem:$0x7FF] =	sst s6;
	s25 =	sshll.u32 s13, $0x7;
	s28 =	smul.u32 $0x50000, s13  }
0x6: {  	s6 =	sadd.s32 $0x14C00, s0;
	s7 =	sadd.s32 $0xAE00, s0;
	s22 =	smul.u32 $0x4E000, s13  }
0x7: {  	s8 =	sadd.s32 $0x1000, s0;
	s9 =	sadd.s32 $0x45E00, s0;
	s3 =	smul.u32 $0x28000, s2  }
0x8: {  	s11 =	sshll.u32 s13, $0x1;
	p0 =	seq.s32 s13, $0xF;
	s5 =	smul.u32 $0x14000, s5  }
0x9: {  	_ =	strace $0x80000047;
	s26 =	sand.u32 $0x380, s25;
	s29 =	ssub.s32 $0x2, s2  }
0xa: {  	s30 =	sor.u32 s2, s11;
	s2 =	smul.u32 $0x138800, s2;
	s10 =	sshrl.u32 s29, $0x1  }
0xb: {  	s18 =	ssub.s32 $0x13A7, s30;
	s11 =	sshll.u32 s30, $0x3;
	s23 =	sshrl.u32 s22, $0x2  }
0xc: {  	s3 =	sadd.s32 s3, s5;
	s5 =	sshrl.u32 s28, $0x2;
	s19 =	sadd.s32 s7, s11  }
0xd: {  	s20 =	sadd.s32 s8, s11;
	s11 =	simm.s32 $0x8280;
	[dreg:$0xb] =	wrdreg s19  }
0xe: {  	s3 =	sor.u32 s26, s3;
	s14 =	sadd.s32 s5, s4;
	[dreg:$0xc] =	wrdreg s20  }
0xf: {  	s19 =	simm.s32 $0x0;
	s5 =	sadd.s32 $0x2000, s14;
	[dreg:$0x5] =	wrdreg s14  }
0x10: {  	s3 =	sshrl.u32 s3, $0x3;
	s12 =	sadd.s32 $0x4000, s14;
	[dreg:$0x6] =	wrdreg s5  }
0x11: {  	v0 =	vimm.s32 $0xFEDCBA98;
	v1 =	vimm.s32 $0x76543210;
	s15 =	sadd.s32 $0x6000, s14;
	s16 =	sadd.s32 $0x8000, s14;
	[dreg:$0x7] =	wrdreg s12  }
0x12: {  	v2 =	vimm.s32 $0xBA98FEDC;
	v3 =	vimm.s32 $0x32107654;
	s17 =	sadd.s32 $0xA000, s14;
	s26 =	sadd.s32 $0xC000, s14;
	[dreg:$0x8] =	wrdreg s15  }
0x13: {  	v4 =	vimm.s32 $0xDCFE98BA;
	v5 =	vimm.s32 $0x54761032;
	s28 =	sadd.s32 $0xE000, s14;
	s0 =	sadd.s32 s3, s0;
	[dreg:$0x9] =	wrdreg s16  }
0x14: {  	v6 =	vimm.s32 $0xEFCDAB89;
	v7 =	vimm.s32 $0x67452301;
	v0 =	vunpack.c.l.s4.s8 v0;
	s3 =	ssub.s32 s29, s10;
	[dreg:$0xa] =	wrdreg s17;
	s12 =	smul.u32 $0x13800, s13  }
0x15: {  	v1 =	vunpack.c.l.s4.s8 v1;
	v2 =	vunpack.c.l.s4.s8 v2;
	v3 =	vunpack.c.l.s4.s8 v3;
	s15 =	sshrl.u32 s18, $0x5;
	s18 =	sshll.u32 s30, $0x6;
	[dreg:$0x13] =	wrdreg s26  }
0x16: {  	v4 =	vunpack.c.l.s4.s8 v4;
	v5 =	vunpack.c.l.s4.s8 v5;
	v6 =	vunpack.c.l.s4.s8 v6;
	[dreg:$0x14] =	wrdreg s28;
	s29 =	sadd.s32 $0x10000, s14;
	s30 =	sadd.s32 $0x12000, s14  }
0x17: {  	v7 =	vunpack.c.l.s4.s8 v7;
	v2 =	vunpack.c.0.s8.s32 v2;
	v3 =	vunpack.c.0.s8.s32 v3;
	s10 =	simm.s32 $0x1;
	s13 =	simm.s32 $0x180;
	s14 =	simm.s32 $0x2200  }
0x18: {  	v0 =	vunpack.c.0.s8.s32 v0;
	v4 =	vunpack.c.0.s8.s32 v4;
	v5 =	vunpack.c.0.s8.s32 v5;
	s17 =	simm.s32 $0x4;
	s24 =	sadd.s32 $0x1, s15;
	[dreg:$0x15] =	wrdreg s29  }
0x19: {  	v6 =	vunpack.c.0.s8.s32 v6;
	v7 =	vunpack.c.0.s8.s32 v7;
	v2 =	vcombine.low v3, v2;
	s0 =	sadd.s32 $0x3BE00, s0;
	s25 =	smax.u32 s3, $0x1;
	[dreg:$0x16] =	wrdreg s30  }
0x1a: {  	v1 =	vunpack.c.0.s8.s32 v1;
	v63 =	vcombine.low v5, v4;
	s31 =	sadd.s32 $0xFFFFFFFF, s15;
	s3 =	simm.s32 $0x5;
	s21 =	sadd.s32 s12, s2  }
0x1b: {  	v0 =	vand.u32 $0xF, v0;
	v4 =	vcombine.low v7, v6;
	[tilespmem:$0x1FFA0] =	vst v2;
	s2 =	sshrl.u32 s2, $0x3;
	[dreg:$0xf] =	wrdreg s0;
	s22 =	sshrl.u32 s24, $0x1  }
0x1c: {  	v0 =	vcombine.low v0, v1;
	[tilespmem:$0x1FFB0] =	vst v63;
	[dreg:$0x10] =	wrdreg s25;
	s12 =	simm.s32 $0x2;
	s2 =	sadd.s32 s9, s2  }
.Ltmp0:
0x1d: {  	[tilespmem:$0x1FFC0] =	vst v4;
	s5 =	sshrl.u32 s21, $0x3;
	s2 =	sadd.s32 $0x24900, s2;
	(pc) =	sbr.rel .LBB2_1-.Ltmp0, $4  }
0x1e: {  	v38 =	vand.u32 $0xF, v2;
	[tilespmem:$0x1FF90] =	vst v0;
	s5 =	sadd.s32 s9, s5;
	[dreg:$0xd] =	wrdreg s2;
	s2 =	sadd.s32 $0x124800, s4  }
0x1f: {  	v53 =	vand.u32 $0xF, v63;
	[tilespmem:$0x1FFD0] =	vst v38;
	[dreg:$0xe] =	wrdreg s5;
	s5 =	sadd.s32 s23, s4;
	s0 =	sshrl.u32 @p0 s2, $0x3  }
0x20: {  	v51 =	vand.u32 $0xF, v4;
	[tilespmem:$0x1FFE0] =	vst v53;
	s2 =	simm.s32 $0x200;
	[dreg:$0x11] =	wrdreg s0;
	s0 =	sshrl.u32 @!p0 s5, $0x3  }
0x21: {  	v6 =	vimm.f32 $0.0e+00;
	[tilespmem:$0x1FFF0] =	vst v51;
	s5 =	simm.s32 $0x100;
	[dreg:$0x12] =	wrdreg s0;
	s0 =	simm.s32 $0x40  }
.LBB2_15:
0x22: {  	s9 =	simm.s32 $0x3  }
0x23: {  	_ =	swait.ge [sflag:s9], $0x2000  }
0x24: {  	[sflag:s9] =	ssyncset.done $0x0  }
0x25: {  	[sflag:s9] =	ssyncadd.s32 $0xFFFFE000  }
0x26: {  	_ =	swait.ge [sflag:s17], $0x2000  }
0x27: {  	[sflag:s17] =	ssyncset.done $0x0  }
0x28: {  	[sflag:s17] =	ssyncadd.s32 $0xFFFFE000  }
0x29: {  	[bflag:$0x0] =	sbarrier.arrive $0xFFFF  }
0x2a: {  	s16 =	rddreg [dreg:$0xd]  }
0x2b: {  	s9 =	simm.s32 @p0 $0x1FC5;
	s20 =	rddreg [dreg:$0x11]  }
0x2c: {  	[hbm:s16], [sflag:s9] =	dma.local @p0 [spmem:s20], $0x2800  }
0x2d: {  	s9 =	simm.s32 @p0 $0x5  }
0x2e: {  	s16 =	stileid.u32;
	_ =	swait.ge @p0 [sflag:s9], $0x2800  }
0x2f: {  	s16 =	sshll.u32 @!p0 s16, $0x6;
	[sflag:s9] =	ssyncset.done @p0 $0x0;
	s20 =	rddreg [dreg:$0x12]  }
0x30: {  	[sflag:s9] =	ssyncadd.s32 @p0 $0xFFFFD800;
	s9 =	sor.u32 @!p0 $0x1C05, s16;
	s16 =	rddreg [dreg:$0xe]  }
0x31: {  	[hbm:s16], [sflag:s9] =	dma.local @!p0 [spmem:s20], $0x2700  }
0x32: {  	s9 =	simm.s32 @!p0 $0x5  }
0x33: {  	_ =	swait.ge @!p0 [sflag:s9], $0x2700  }
0x34: {  	s28 =	simm.s32 $0x80;
	[sflag:s9] =	ssyncset.done @!p0 $0x0  }
0x35: {  	s29 =	simm.s32 $0x400;
	s26 =	rddreg [dreg:$0xf];
	[sflag:s9] =	ssyncadd.s32 @!p0 $0xFFFFD900  }
0x36: {  	[hbm4b:s26+s28] =	stream.strided.scatter [tilespmem:s11], [sflag:$0x5], $0x2800, s29, s28, $0x38;
	[tilespmem:$0x1EA80] =	vst v63  }
0x37: {  	_ =	swait.ge [sflag:s3], $0x2800  }
0x38: {  	s19 =	sadd.s32 $0x1, s19;
	s30 =	rddreg [dreg:$0x10]  }
0x39: {  	p1 =	sne.s32 s19, s30  }
.Ltmp1:
0x3a: {  	_ = 	snop;
	(pc) =	sbr.rel @!p1 .LBB2_16-.Ltmp1, $3  }
0x3b: {  	_ =	sdelay $0x1  }
0x3c: {  	[sflag:s3] =	ssyncset.done $0x0  }
0x3d: {  	[sflag:s3] =	ssyncadd.s32 $0xFFFFD800  }
.LBB2_1:
0x3e: {  	s9 =	rddreg [dreg:$0x2];
	s16 =	simm.s32 $0x0;
	s20 =	simm.s32 $0x8200  }
0x3f: {  	[tilespmem:s20], [sflag:$0x5] =	stream.linear.gather [hbm4b:s9+s16], $0x80, $0x38;
	[tilespmem:$0x1EA80] =	vst v63  }
0x40: {  	_ =	swait.ge [sflag:s3], $0x80  }
0x41: {  	[sflag:s3] =	ssyncset.done $0x0  }
0x42: {  	[sflag:s3] =	ssyncadd.s32 $0xFFFFFF80  }
0x43: {  	v57 =	vld [tilespmem:$0x8200]  }
0x44: {  	v35 =	vld [tilespmem:$0x8210]  }
0x45: {  	v59 =	vld [tilespmem:$0x8220]  }
0x46: {  	v58 =	vld [tilespmem:$0x8230]  }
0x47: {  	v46 =	vld [tilespmem:$0x8240]  }
0x48: {  	v32 =	vld [tilespmem:$0x8250]  }
0x49: {  	v34 =	vld [tilespmem:$0x8260]  }
0x4a: {  	s9 =	simm.s32 $0x0;
	v5 =	vld [tilespmem:$0x8270]  }
.LBB2_2:
0x4b: {  	p1 =	sne.s32 s9, $0x9FC0  }
.Ltmp2:
0x4c: {  	_ = 	snop;
	(pc) =	sbr.rel @p1 .LBB2_2-.Ltmp2, $3  }
0x4d: {  	_ =	sdelay $0x1  }
0x4e: {  	s20 =	sshra.s32 s9, $0x2  }
0x4f: {  	s9 =	sadd.s32 $0x40, s9;
	[tilespmem:s20+$0x8280] =	vst v6  }
0x50: {  	s9 =	simm.s32 $0x0;
	s20 =	simm.s32 $0x200  }
.LBB2_4:
0x51: {  	p1 =	sne.s32 s20, $0x7E00;
	[tilespmem:s9+$0x270] =	vst v6  }
0x52: {  	[tilespmem:s9+$0x200] =	vst v6  }
0x53: {  	[tilespmem:s9+$0x210] =	vst v6  }
.Ltmp3:
0x54: {  	[tilespmem:s9+$0x220] =	vst v6;
	(pc) =	sbr.rel @p1 .LBB2_4-.Ltmp3, $4  }
0x55: {  	[tilespmem:s9+$0x230] =	vst v6  }
0x56: {  	[tilespmem:s9+$0x240] =	vst v6  }
0x57: {  	[tilespmem:s9+$0x250] =	vst v6  }
0x58: {  	[tilespmem:s9+$0x260] =	vst v6;
	s9 =	sshra.s32 s20, $0x2;
	s20 =	sadd.s32 $0x200, s20  }
0x59: {  	[tilespmem:s9+$0x270] =	vst v6  }
0x5a: {  	[tilespmem:s9+$0x200] =	vst v6  }
0x5b: {  	[tilespmem:s9+$0x210] =	vst v6  }
0x5c: {  	[tilespmem:s9+$0x220] =	vst v6  }
0x5d: {  	[tilespmem:s9+$0x230] =	vst v6  }
0x5e: {  	[tilespmem:s9+$0x240] =	vst v6  }
0x5f: {  	[tilespmem:s9+$0x250] =	vst v6  }
0x60: {  	[tilespmem:s9+$0x260] =	vst v6;
	s28 =	rddreg [dreg:$0x5]  }
0x61: {  	[spmem:s28] =	stream.linear.scatter [tilespmem:s2], [sflag:$0x5], $0x2000, $0x38;
	[tilespmem:$0x1EA80] =	vst v63  }
0x62: {  	_ =	swait.ge [sflag:s3], $0x2000  }
0x63: {  	[sflag:s3] =	ssyncset.done $0x0  }
0x64: {  	s29 =	rddreg [dreg:$0x6];
	[sflag:s3] =	ssyncadd.s32 $0xFFFFE000  }
0x65: {  	[spmem:s29] =	stream.linear.scatter [tilespmem:s2], [sflag:$0x5], $0x2000, $0x38;
	[tilespmem:$0x1EA80] =	vst v63  }
0x66: {  	_ =	swait.ge [sflag:s3], $0x2000  }
0x67: {  	[sflag:s3] =	ssyncset.done $0x0  }
0x68: {  	s30 =	rddreg [dreg:$0x7];
	[sflag:s3] =	ssyncadd.s32 $0xFFFFE000  }
0x69: {  	[spmem:s30] =	stream.linear.scatter [tilespmem:s2], [sflag:$0x5], $0x2000, $0x38;
	[tilespmem:$0x1EA80] =	vst v63  }
0x6a: {  	_ =	swait.ge [sflag:s3], $0x2000  }
0x6b: {  	[sflag:s3] =	ssyncset.done $0x0  }
0x6c: {  	s16 =	rddreg [dreg:$0x8];
	[sflag:s3] =	ssyncadd.s32 $0xFFFFE000  }
0x6d: {  	[spmem:s16] =	stream.linear.scatter [tilespmem:s2], [sflag:$0x5], $0x2000, $0x38;
	[tilespmem:$0x1EA80] =	vst v63  }
0x6e: {  	_ =	swait.ge [sflag:s3], $0x2000  }
0x6f: {  	[sflag:s3] =	ssyncset.done $0x0  }
0x70: {  	s20 =	rddreg [dreg:$0x9];
	[sflag:s3] =	ssyncadd.s32 $0xFFFFE000  }
0x71: {  	[spmem:s20] =	stream.linear.scatter [tilespmem:s2], [sflag:$0x5], $0x2000, $0x38;
	[tilespmem:$0x1EA80] =	vst v63  }
0x72: {  	_ =	swait.ge [sflag:s3], $0x2000  }
0x73: {  	[sflag:s3] =	ssyncset.done $0x0  }
0x74: {  	s21 =	rddreg [dreg:$0xa];
	[sflag:s3] =	ssyncadd.s32 $0xFFFFE000  }
0x75: {  	[spmem:s21] =	stream.linear.scatter [tilespmem:s2], [sflag:$0x5], $0x2000, $0x38;
	[tilespmem:$0x1EA80] =	vst v63  }
0x76: {  	_ =	swait.ge [sflag:s3], $0x2000  }
0x77: {  	[sflag:s3] =	ssyncset.done $0x0  }
0x78: {  	s23 =	rddreg [dreg:$0x13];
	[sflag:s3] =	ssyncadd.s32 $0xFFFFE000  }
0x79: {  	[spmem:s23] =	stream.linear.scatter [tilespmem:s2], [sflag:$0x5], $0x2000, $0x38;
	[tilespmem:$0x1EA80] =	vst v63  }
0x7a: {  	_ =	swait.ge [sflag:s3], $0x2000  }
0x7b: {  	[sflag:s3] =	ssyncset.done $0x0  }
0x7c: {  	s24 =	rddreg [dreg:$0x14];
	[sflag:s3] =	ssyncadd.s32 $0xFFFFE000  }
0x7d: {  	[spmem:s24] =	stream.linear.scatter [tilespmem:s2], [sflag:$0x5], $0x2000, $0x38;
	[tilespmem:$0x1EA80] =	vst v63  }
0x7e: {  	_ =	swait.ge [sflag:s3], $0x2000  }
0x7f: {  	[sflag:s3] =	ssyncset.done $0x0  }
0x80: {  	s25 =	rddreg [dreg:$0x15];
	[sflag:s3] =	ssyncadd.s32 $0xFFFFE000  }
0x81: {  	[spmem:s25] =	stream.linear.scatter [tilespmem:s2], [sflag:$0x5], $0x2000, $0x38;
	[tilespmem:$0x1EA80] =	vst v63  }
0x82: {  	_ =	swait.ge [sflag:s3], $0x2000  }
0x83: {  	[sflag:s3] =	ssyncset.done $0x0  }
0x84: {  	s26 =	rddreg [dreg:$0x16];
	[sflag:s3] =	ssyncadd.s32 $0xFFFFE000  }
0x85: {  	[spmem:s26] =	stream.linear.scatter [tilespmem:s2], [sflag:$0x5], $0x2000, $0x38;
	[tilespmem:$0x1EA80] =	vst v63  }
0x86: {  	_ =	swait.ge [sflag:s3], $0x2000  }
0x87: {  	[sflag:s3] =	ssyncset.done $0x0  }
0x88: {  	[sflag:s3] =	ssyncadd.s32 $0xFFFFE000  }
0x89: {  	[bflag:$0x0] =	sbarrier.arrive $0xFFFF  }
0x8a: {  	s20 =	simm.s32 $0x0;
	s28 =	rddreg [dreg:$0xb]  }
0x8b: {  	[tilespmem:s20], [sflag:$0x5] =	stream.linear.gather [hbm4b:s28+s20], $0x40, $0x38;
	[tilespmem:$0x1EA80] =	vst v63  }
0x8c: {  	_ =	swait.ge [sflag:s3], $0x40  }
0x8d: {  	[sflag:s3] =	ssyncset.done $0x0  }
0x8e: {  	s29 =	rddreg [dreg:$0xc];
	[sflag:s3] =	ssyncadd.s32 $0xFFFFFFC0  }
0x8f: {  	[tilespmem:s5], [sflag:$0x5] =	stream.linear.gather [hbm4b:s29+s20], $0x40, $0x38;
	[tilespmem:$0x1EA80] =	vst v63  }
0x90: {  	_ =	swait.ge [sflag:s3], $0x40  }
0x91: {  	[tilespmem:$0x1FF10] =	vst v5  }
0x92: {  	[tilespmem:$0x1FF20] =	vst v57  }
0x93: {  	[tilespmem:$0x1FF30] =	vst v35  }
0x94: {  	[tilespmem:$0x1FF40] =	vst v59  }
0x95: {  	[tilespmem:$0x1FF50] =	vst v58  }
.Ltmp4:
0x96: {  	[sflag:s3] =	ssyncset.done $0x0;
	[tilespmem:$0x1FF60] =	vst v46;
	(pc) =	sbr.rel .LBB2_6-.Ltmp4, $4  }
0x97: {  	[tilespmem:$0x1FF70] =	vst v32;
	[sflag:s3] =	ssyncadd.s32 $0xFFFFFFC0  }
0x98: {  	[tilespmem:s2], [sflag:$0x1] =	stream.indirect.gather [hbm4b:s1+s0], $0x80, s20, s0, $0xb8;
	[tilespmem:$0x1EA80] =	vst v63  }
0x99: {  	s30 =	simm.s32 $0x4200;
	[tilespmem:$0x1FF80] =	vst v34  }
0x9a: {  	[tilespmem:s30], [sflag:$0x1] =	stream.indirect.gather [hbm4b:s6+s0], $0x80, s5, s0, $0xb8;
	[tilespmem:$0x1EA80] =	vst v63  }
.LBB2_14:
0x9b: {  	s20 =	sadd.s32 $0x1, s20  }
0x9c: {  	p1 =	sne.s32 s20, s22  }
.Ltmp5:
0x9d: {  	_ = 	snop;
	(pc) =	sbr.rel @!p1 .LBB2_15-.Ltmp5, $1  }
0x9e: {  	_ =	sdelay $0x3  }
.LBB2_6:
0x9f: {  	s21 =	sshll.u32 s20, $0x1  }
0xa0: {  	p1 =	sge.u32 s21, s15  }
.Ltmp6:
0xa1: {  	_ = 	snop;
	(pc) =	sbr.rel @p1 .LBB2_10-.Ltmp6, $1  }
0xa2: {  	_ =	sdelay $0x3  }
0xa3: {  	s9 =	sor.u32 $0x1, s21  }
0xa4: {  	p1 =	sge.u32 s9, s15  }
0xa5: {  	p2 =	seq.s32 @!p1 s20, $0x0  }
0xa6: {  	p2 =	por p2, p1  }
0xa7: {  	s9 =	sshll.u32 @!p1 s9, $0xB;
	s23 =	simm.s32 @!p2 $0x4  }
0xa8: {  	s9 =	sor.u32 @!p1 s18, s9;
	_ =	swait.ge @!p2 [sflag:s23], $0x2000  }
0xa9: {  	s24 =	simm.s32 @!p1 $0x0;
	s9 =	sshrl.u32 @!p1 s9, $0x3;
	[sflag:s23] =	ssyncset.done @!p2 $0x0  }
0xaa: {  	s25 =	simm.s32 @!p1 $0x80;
	[sflag:s23] =	ssyncadd.s32 @!p2 $0xFFFFE000;
	s23 =	sadd.s32 @!p1 s7, s9  }
0xab: {  	[tilespmem:s25], [sflag:$0x5] =	stream.linear.gather @!p1 [hbm4b:s23+s24], $0x40, $0x38;
	[tilespmem:$0x1EA80] =	vst v63  }
0xac: {  	s23 =	simm.s32 @!p1 $0x5  }
0xad: {  	_ =	swait.ge @!p1 [sflag:s23], $0x40  }
0xae: {  	[sflag:s23] =	ssyncset.done @!p1 $0x0  }
0xaf: {  	s26 =	simm.s32 @!p1 $0x180;
	s9 =	sadd.s32 @!p1 s8, s9;
	[sflag:s23] =	ssyncadd.s32 @!p1 $0xFFFFFFC0  }
0xb0: {  	[tilespmem:s26], [sflag:$0x5] =	stream.linear.gather @!p1 [hbm4b:s9+s24], $0x40, $0x38;
	[tilespmem:$0x1EA80] =	vst v63  }
0xb1: {  	_ =	swait.ge @!p1 [sflag:s23], $0x40  }
0xb2: {  	[sflag:s23] =	ssyncset.done @!p1 $0x0  }
0xb3: {  	s9 =	simm.s32 @!p1 $0x40;
	[sflag:s23] =	ssyncadd.s32 @!p1 $0xFFFFFFC0;
	s23 =	simm.s32 @!p1 $0x2200  }
0xb4: {  	[tilespmem:s23], [sflag:$0x2] =	stream.indirect.gather @!p1 [hbm4b:s1+s9], $0x80, s25, s9, $0xb8;
	[tilespmem:$0x1EA80] =	vst v63  }
0xb5: {  	s23 =	simm.s32 @!p1 $0x6200  }
0xb6: {  	[tilespmem:s23], [sflag:$0x2] =	stream.indirect.gather @!p1 [hbm4b:s6+s9], $0x80, s26, s9, $0xb8;
	[tilespmem:$0x1EA80] =	vst v63  }
0xb7: {  	_ =	swait.ge [sflag:s10], $0x2000  }
0xb8: {  	[sflag:s10] =	ssyncset.done $0x0  }
0xb9: {  	[sflag:s10] =	ssyncadd.s32 $0xFFFFE000  }
0xba: {  	_ =	swait.ge [sflag:s10], $0x2000  }
0xbb: {  	[sflag:s10] =	ssyncset.done $0x0  }
0xbc: {  	s25 =	simm.s32 $0x2C0;
	[sflag:s10] =	ssyncadd.s32 $0xFFFFE000  }
0xbd: {  	v18 =	vld [tilespmem:s25+$0xB0]  }
0xbe: {  	s26 =	simm.s32 $0x42C0;
	v27 =	vld [tilespmem:s25+$0x40]  }
0xbf: {  	v0 =	vld [tilespmem:s26+$0x40]  }
0xc0: {  	v2 =	vld [tilespmem:s25+$0x50]  }
0xc1: {  	v8 =	vld [tilespmem:s26+$0x50]  }
0xc2: {  	v19 =	vld [tilespmem:s25+$0x60]  }
0xc3: {  	v17 =	vld [tilespmem:s26+$0x60]  }
0xc4: {  	v1 =	vld [tilespmem:s25+$0x70]  }
0xc5: {  	v20 =	vld [tilespmem:s26+$0x70]  }
0xc6: {  	v21 =	vld [tilespmem:s25+$0x80]  }
0xc7: {  	v23 =	vld [tilespmem:s26+$0x80]  }
0xc8: {  	v29 =	vld [tilespmem:s25+$0x90]  }
0xc9: {  	v7 =	vld [tilespmem:s25+$0xFFFFFFC0]  }
0xca: {  	v24 =	vld [tilespmem:s26+$0x90];
	v0 =	vadd.f32 v0, v27  }
0xcb: {  	v33 =	vld [tilespmem:s25+$0xA0]  }
0xcc: {  	v25 =	vld [tilespmem:s26+$0xA0];
	v8 =	vadd.f32 v8, v2;
	v22 =	vmul.f32 $2.000000030e-01, v0  }
0xcd: {  	v26 =	vld [tilespmem:s26+$0xB0]  }
0xce: {  	v28 =	vld [tilespmem:s26+$0xFFFFFF40];
	v17 =	vadd.f32 v17, v19;
	[tilespmem:$0x1FDF0] =	vst v7;
	v0 =	vmax.f32 v0, v22;
	v22 =	vmul.f32 $2.000000030e-01, v8  }
0xcf: {  	v12 =	vld [tilespmem:s25+$0xFFFFFF50]  }
0xd0: {  	v20 =	vadd.f32 v20, v1;
	v8 =	vmax.f32 v8, v22;
	v22 =	vmul.f32 $2.000000030e-01, v17;
	_ =	sdelay $0x1  }
0xd1: {  	v17 =	vmax.f32 v17, v22;
	v22 =	vmul.f32 $2.000000030e-01, v20  }
0xd2: {  	v39 =	vld [tilespmem:s25+$0xFFFFFF40];
	v0 =	vmul.f32 v0, v57  }
0xd3: {  	v41 =	vmax.f32 v20, v22;
	v22 =	vadd.f32 v24, v29;
	v24 =	vld [tilespmem:s26+$0xFFFFFFC0];
	[tilespmem:$0x1FDB0] =	vst v12  }
0xd4: {  	v0 =	vadd.f32 $0.0e+00, v0;
	v8 =	vmul.f32 v8, v35;
	v10 =	vld [tilespmem:s25+$0xFFFFFFD0]  }
0xd5: {  	v23 =	vadd.f32 v23, v21  }
0xd6: {  	v0 =	vadd.f32 v8, v0;
	v8 =	vmul.f32 v17, v59  }
0xd7: {  	v20 =	vmul.f32 $2.000000030e-01, v23  }
0xd8: {  	v0 =	vadd.f32 v8, v0;
	v8 =	vmul.f32 v41, v58  }
0xd9: {  	v25 =	vadd.f32 v25, v33;
	v30 =	vld [tilespmem:s26+$0xFFFFFF50];
	v42 =	vmax.f32 v23, v20;
	v23 =	vmul.f32 $2.000000030e-01, v22;
	[tilespmem:$0x1FE00] =	vst v10  }
0xda: {  	v0 =	vadd.f32 v8, v0;
	v8 =	vmul.f32 v42, v46;
	v11 =	vld [tilespmem:s25+$0xFFFFFFE0]  }
0xdb: {  	v26 =	vadd.f32 v26, v18;
	v22 =	vmax.f32 v22, v23;
	v23 =	vmul.f32 $2.000000030e-01, v25  }
0xdc: {  	v0 =	vadd.f32 v8, v0;
	v8 =	vmul.f32 v22, v32  }
0xdd: {  	v22 =	vmax.f32 v25, v23;
	v23 =	vmul.f32 $2.000000030e-01, v26;
	v25 =	vld [tilespmem:s26+$0xFFFFFFD0]  }
0xde: {  	v0 =	vadd.f32 v8, v0;
	v8 =	vmul.f32 v22, v34;
	v22 =	vld [tilespmem:s25+$0xFFFFFF60]  }
0xdf: {  	v23 =	vmax.f32 v26, v23;
	v26 =	vld [tilespmem:s26+$0xFFFFFF60];
	[tilespmem:$0x1FE10] =	vst v11  }
0xe0: {  	v28 =	vadd.f32 v28, v39;
	v13 =	vld [tilespmem:s25+$0xFFFFFFF0]  }
0xe1: {  	v30 =	vadd.f32 v30, v12  }
0xe2: {  	v12 =	vld [tilespmem:$0x1FF90];
	v0 =	vadd.f32 v8, v0;
	v8 =	vmul.f32 v23, v5;
	v23 =	vmul.f32 $2.000000030e-01, v28  }
0xe3: {  	v43 =	vld [tilespmem:s26+$0xFFFFFFE0]  }
0xe4: {  	v24 =	vadd.f32 v24, v7;
	v0 =	vadd.f32 v8, v0;
	v8 =	vmax.f32 v28, v23;
	v23 =	vld [tilespmem:s25+$0xFFFFFF70]  }
0xe5: {  	v28 =	vld [tilespmem:s26+$0xFFFFFF70];
	[tilespmem:$0x1FE20] =	vst v13  }
0xe6: {  	v31 =	vmul.f32 $2.000000030e-01, v24;
	v15 =	vld [tilespmem:s25+$0x0];
	_ =	sdelay $0x1  }
0xe7: {  	v24 =	vmax.f32 v24, v31;
	v31 =	vmul.f32 $2.000000030e-01, v30  }
0xe8: {  	v44 =	vperm.xlane v0, v12;
	v37 =	vld [tilespmem:s26+$0xFFFFFFF0]  }
0xe9: {  	v3 =	vmov v35;
	v45 =	vmul.f32 v24, v57;
	v30 =	vmax.f32 v30, v31;
	v24 =	vld [tilespmem:s25+$0xFFFFFF80]  }
0xea: {  	v25 =	vadd.f32 v25, v10;
	v8 =	vmul.f32 v8, v57;
	v0 =	vadd.f32 v0, v44;
	v47 =	vld [tilespmem:s26+$0xFFFFFF80];
	[tilespmem:$0x1FE30] =	vst v15  }
0xeb: {  	v30 =	vmul.f32 v30, v3;
	v26 =	vadd.f32 v26, v22;
	v16 =	vld [tilespmem:s25+$0x10]  }
0xec: {  	v36 =	vmul.f32 $2.000000030e-01, v25;
	v8 =	vadd.f32 $0.0e+00, v8;
	v48 =	vperm.xlane v0, v38  }
0xed: {  	v31 =	vmul.f32 $2.000000030e-01, v26  }
0xee: {  	v25 =	vmax.f32 v25, v36;
	v8 =	vadd.f32 v30, v8;
	v0 =	vadd.f32 v0, v48;
	v30 =	vld [tilespmem:s26+$0x0]  }
0xef: {  	v9 =	vmov v32;
	v49 =	vmul.f32 v25, v3;
	v32 =	vadd.f32 v43, v11;
	v25 =	vld [tilespmem:s25+$0xFFFFFF90]  }
0xf0: {  	v26 =	vmax.f32 v26, v31;
	v28 =	vadd.f32 v28, v23;
	v54 =	vperm.xlane v0, v53;
	v52 =	vld [tilespmem:s26+$0xFFFFFF90];
	[tilespmem:$0x1FE40] =	vst v16  }
0xf1: {  	v35 =	vadd.f32 $0.0e+00, v45;
	v26 =	vmul.f32 v26, v59;
	v40 =	vmul.f32 $2.000000030e-01, v32;
	v63 =	vld [tilespmem:s25+$0x20]  }
0xf2: {  	v31 =	vmul.f32 $2.000000030e-01, v28;
	v0 =	vadd.f32 v0, v54;
	v42 =	vld [tilespmem:s26+$0x10]  }
0xf3: {  	v35 =	vadd.f32 v49, v35;
	v8 =	vadd.f32 v26, v8;
	v32 =	vmax.f32 v32, v40;
	v61 =	vld [tilespmem:s25+$0xFFFFFFA0]  }
0xf4: {  	v26 =	vmax.f32 v28, v31;
	v50 =	vadd.f32 v37, v13;
	v60 =	vperm.xlane v0, v51;
	v56 =	vld [tilespmem:s26+$0xFFFFFFA0]  }
0xf5: {  	v10 =	vmovc v34;
	v32 =	vmul.f32 v32, v59;
	v55 =	vmul.f32 v26, v58;
	v34 =	vadd.f32 v47, v24;
	v26 =	vld [tilespmem:s25+$0xFFFFFFB0]  }
0xf6: {  	v41 =	vmul.f32 $2.000000030e-01, v50;
	v0 =	vadd.f32 v0, v60;
	v62 =	vld [tilespmem:s26+$0xFFFFFFB0];
	[tilespmem:$0x1FE50] =	vst v63  }
0xf7: {  	v32 =	vadd.f32 v32, v35;
	v28 =	vmul.f32 $2.000000030e-01, v34;
	v48 =	vld [tilespmem:s25+$0x30]  }
0xf8: {  	v31 =	vmax.f32 v50, v41;
	v0 =	vmul.f32 $1.442695020e+00, v0;
	v30 =	vadd.f32 v30, v15  }
0xf9: {  	v8 =	vadd.f32 v55, v8;
	v31 =	vmul.f32 v31, v58;
	v37 =	vadd.f32 v52, v25  }
0xfa: {  	v28 =	vmax.f32 v34, v28;
	(erf) = vpow2.f32 v0;
	v43 =	vmul.f32 $2.000000030e-01, v30  }
0xfb: {  	v11 =	vmovc v38;
	v28 =	vmul.f32 v28, v46;
	v31 =	vadd.f32 v31, v32;
	v38 =	vmul.f32 $2.000000030e-01, v37;
	v45 =	vld [tilespmem:s26+$0x20]  }
0xfc: {  	v30 =	vmax.f32 v30, v43;
	v42 =	vadd.f32 v42, v16;
	v47 =	vadd.f32 v56, v61;
	[tilespmem:$0x1FE60] =	vst v48  }
0xfd: {  	v8 =	vadd.f32 v28, v8;
	v30 =	vmul.f32 v30, v46;
	v36 =	vadd.f32 v62, v26;
	v28 =	vld [tilespmem:s26+$0x30]  }
0xfe: {  	v34 =	vmax.f32 v37, v38;
	v49 =	vmul.f32 $2.000000030e-01, v42;
	v50 =	vmul.f32 $2.000000030e-01, v47  }
0xff: {  	v15 =	vmovc v51;
	v34 =	vmul.f32 v34, v9;
	v30 =	vadd.f32 v30, v31;
	v51 =	vmul.f32 $2.000000030e-01, v36  }
0x100: {  	v0 =	vmax.f32 v42, v49;
	v32 =	vmax.f32 v47, v50;
	v35 =	vadd.f32 v45, v63  }
0x101: {  	v8 =	vadd.f32 v34, v8;
	v31 =	vmul.f32 v32, v10;
	v0 =	vmul.f32 v0, v9  }
0x102: {  	s23 =	simm.s32 $0x440;
	v54 =	vmax.f32 v36, v51;
	v52 =	vmul.f32 $2.000000030e-01, v35;
	v28 =	vadd.f32 v28, v48  }
0x103: {  	v42 =	vpop (erf);
	v8 =	vadd.f32 v31, v8;
	v31 =	vmul.f32 v54, v5;
	v56 =	vadd.f32 v0, v30;
	v30 =	vld [tilespmem:s23+$0xB0]  }
0x104: {  	s16 =	simm.s32 $0x4440;
	v50 =	vmul.f32 v42, v27;
	v20 =	vld [tilespmem:s23+$0x40];
	v32 =	vmax.f32 v35, v52;
	v55 =	vmul.f32 $2.000000030e-01, v28  }
0x105: {  	v27 =	vmul.f32 v42, v19;
	v63 =	vld [tilespmem:s16+$0x40];
	v31 =	vadd.f32 v31, v8;
	v32 =	vmul.f32 v32, v10  }
0x106: {  	v19 =	vmul.f32 v42, v21;
	v21 =	vmul.f32 v42, v33;
	v54 =	vld [tilespmem:s16+$0x60];
	v8 =	vmax.f32 v28, v55  }
0x107: {  	v33 =	vld [tilespmem:s23+$0x80];
	v62 =	vperm.xlane v31, v12;
	v28 =	vadd.f32 v32, v56;
	v60 =	vmul.f32 v8, v5  }
0x108: {  	v0 =	vld [tilespmem:s23+$0xFFFFFFC0]  }
0x109: {  	v34 =	vadd.f32 v31, v62;
	v31 =	vld [tilespmem:s23+$0x60];
	v28 =	vadd.f32 v60, v28  }
0x10a: {  	v52 =	vld [tilespmem:s16+$0x50]  }
0x10b: {  	v48 =	vld [tilespmem:s16+$0x80];
	v44 =	vperm.xlane v28, v12  }
0x10c: {  	v35 =	vadd.f32 v63, v20;
	v63 =	vld [tilespmem:s16+$0x90]  }
0x10d: {  	v37 =	vmul.f32 v42, v2;
	v8 =	vld [tilespmem:s23+$0x50];
	v28 =	vadd.f32 v28, v44  }
0x10e: {  	v7 =	vmovc v46;
	v45 =	vperm.xlane v34, v11;
	v32 =	vld [tilespmem:s23+$0x70];
	v56 =	vmul.f32 $2.000000030e-01, v35;
	v46 =	vadd.f32 v54, v31  }
0x10f: {  	v2 =	vmul.f32 v42, v29;
	v55 =	vld [tilespmem:s16+$0x70];
	v60 =	vperm.xlane v28, v11  }
0x110: {  	v29 =	vadd.f32 v34, v45;
	v34 =	vld [tilespmem:s23+$0x90];
	v35 =	vmax.f32 v35, v56;
	v16 =	vmul.f32 $2.000000030e-01, v46  }
0x111: {  	v62 =	vmul.f32 v35, v57;
	v35 =	vld [tilespmem:s23+$0xA0];
	v28 =	vadd.f32 v28, v60  }
0x112: {  	v43 =	vadd.f32 v52, v8;
	v52 =	vld [tilespmem:s16+$0xA0];
	v46 =	vmax.f32 v46, v16  }
0x113: {  	v60 =	vmul.f32 v46, v59;
	v46 =	vld [tilespmem:s16+$0xFFFFFF40];
	v38 =	vperm.xlane v28, v53  }
0x114: {  	v13 =	vmov v53;
	v47 =	vperm.xlane v29, v53;
	v53 =	vld [tilespmem:s16+$0xB0];
	[tilespmem:$0x1FEB0] =	vst v0  }
0x115: {  	v28 =	vadd.f32 v28, v38;
	v38 =	vld [tilespmem:s23+$0xFFFFFF40];
	_ =	sdelay $0x4  }
0x116: {  	v29 =	vadd.f32 v29, v47;
	v47 =	vadd.f32 v63, v34;
	v63 =	vld [tilespmem:s16+$0xFFFFFFC0];
	[tilespmem:$0x1FE70] =	vst v38  }
0x117: {  	v16 =	vld [tilespmem:s23+$0xFFFFFF50];
	_ =	sdelay $0x4  }
0x118: {  	[tilespmem:$0x1FE80] =	vst v16  }
0x119: {  	v36 =	vmul.f32 v42, v1;
	v1 =	vld [tilespmem:s23+$0xFFFFFFD0];
	_ =	sdelay $0x2  }
0x11a: {  	v44 =	vadd.f32 v55, v32;
	v55 =	vperm.xlane v28, v15;
	_ =	sdelay $0x1  }
0x11b: {  	v28 =	vadd.f32 v28, v55;
	v55 =	vld [tilespmem:s16+$0xFFFFFF50];
	[tilespmem:$0x1FEC0] =	vst v1  }
0x11c: {  	v49 =	vmul.f32 $2.000000030e-01, v43;
	v40 =	vld [tilespmem:s23+$0xFFFFFF60];
	_ =	sdelay $0x1  }
0x11d: {  	v43 =	vmax.f32 v43, v49  }
0x11e: {  	v45 =	vadd.f32 $0.0e+00, v62;
	v54 =	vperm.xlane v29, v15;
	v43 =	vmul.f32 v43, v3  }
0x11f: {  	v14 =	vmov v57;
	v48 =	vadd.f32 v48, v33;
	v57 =	vmul.f32 $2.000000030e-01, v44  }
0x120: {  	v29 =	vadd.f32 v29, v54;
	v43 =	vadd.f32 v43, v45;
	v54 =	vld [tilespmem:s16+$0xFFFFFFD0];
	[tilespmem:$0x1FE90] =	vst v40  }
0x121: {  	v62 =	vmul.f32 $2.000000030e-01, v48;
	v44 =	vmax.f32 v44, v57;
	v51 =	vadd.f32 v63, v0;
	v0 =	vld [tilespmem:s23+$0xFFFFFFE0]  }
0x122: {  	v44 =	vmul.f32 v44, v58;
	v43 =	vadd.f32 v60, v43  }
0x123: {  	v4 =	vmovc v59;
	v6 =	vmovc v58;
	v57 =	vmax.f32 v48, v62;
	v59 =	vmul.f32 $2.000000030e-01, v47;
	v58 =	vadd.f32 v52, v35  }
0x124: {  	v60 =	vmul.f32 v57, v7;
	v43 =	vadd.f32 v44, v43  }
0x125: {  	v47 =	vmax.f32 v47, v59;
	v62 =	vmul.f32 $2.000000030e-01, v58  }
0x126: {  	v47 =	vmul.f32 v47, v9;
	v44 =	vadd.f32 v60, v43;
	v60 =	vld [tilespmem:s16+$0xFFFFFF60];
	[tilespmem:$0x1FED0] =	vst v0  }
0x127: {  	v49 =	vmax.f32 v58, v62;
	v41 =	vld [tilespmem:s23+$0xFFFFFF70]  }
0x128: {  	v63 =	vmul.f32 v49, v10;
	v38 =	vadd.f32 v46, v38;
	v44 =	vadd.f32 v47, v44;
	_ =	sdelay $0x1  }
0x129: {  	v44 =	vadd.f32 v63, v44;
	v63 =	vmul.f32 $2.000000030e-01, v38;
	_ =	sdelay $0x1  }
0x12a: {  	v55 =	vadd.f32 v55, v16;
	v16 =	vmax.f32 v38, v63;
	v58 =	vld [tilespmem:s16+$0xFFFFFFE0];
	[tilespmem:$0x1FEA0] =	vst v41  }
0x12b: {  	v53 =	vadd.f32 v53, v30;
	v38 =	vmul.f32 v16, v14;
	v16 =	vld [tilespmem:s23+$0xFFFFFFF0];
	_ =	sdelay $0x1  }
0x12c: {  	v29 =	vmul.f32 $1.442695020e+00, v29;
	v56 =	vmul.f32 $2.000000030e-01, v53;
	_ =	sdelay $0x1  }
0x12d: {  	(erf) = vpow2.f32 v29;
	v28 =	vmul.f32 $1.442695020e+00, v28;
	v53 =	vmax.f32 v53, v56  }
0x12e: {  	v29 =	vmul.f32 $2.000000030e-01, v51;
	v62 =	vmul.f32 v53, v5;
	v49 =	vld [tilespmem:s16+$0xFFFFFF70];
	[tilespmem:$0x1FEE0] =	vst v16  }
0x12f: {  	v57 =	vadd.f32 v60, v40;
	v40 =	vld [tilespmem:s23+$0x0]  }
0x130: {  	(erf) = vpow2.f32 v28;
	v28 =	vmax.f32 v51, v29;
	v29 =	vadd.f32 v62, v44;
	v59 =	vld [tilespmem:s16+$0xFFFFFFF0];
	_ =	sdelay $0x1  }
0x131: {  	v18 =	vmul.f32 v42, v18;
	v43 =	vperm.xlane v29, v12  }
0x132: {  	v28 =	vmul.f32 v28, v14;
	v51 =	vadd.f32 v54, v1;
	v45 =	vmul.f32 $2.000000030e-01, v57;
	v54 =	vld [tilespmem:s23+$0xFFFFFF80]  }
0x133: {  	v29 =	vadd.f32 v29, v43;
	v47 =	vmul.f32 $2.000000030e-01, v55;
	v46 =	vadd.f32 v58, v0;
	v58 =	vld [tilespmem:s16+$0xFFFFFF80];
	[tilespmem:$0x1FEF0] =	vst v40  }
0x134: {  	v60 =	vmul.f32 $2.000000030e-01, v51;
	v57 =	vmax.f32 v57, v45;
	v45 =	vadd.f32 v59, v16;
	v16 =	vld [tilespmem:s23+$0x10]  }
0x135: {  	v28 =	vadd.f32 $0.0e+00, v28;
	v63 =	vperm.xlane v29, v11;
	v47 =	vmax.f32 v55, v47  }
0x136: {  	v62 =	vadd.f32 $0.0e+00, v38;
	v47 =	vmul.f32 v47, v3;
	v51 =	vmax.f32 v51, v60  }
0x137: {  	v29 =	vadd.f32 v29, v63;
	v51 =	vmul.f32 v51, v3;
	v0 =	vadd.f32 v49, v41;
	v1 =	vld [tilespmem:s16+$0x0]  }
0x138: {  	s26 =	simm.s32 $0x2;
	v60 =	vadd.f32 v47, v62;
	v57 =	vmul.f32 v57, v4;
	v41 =	vmul.f32 $2.000000030e-01, v46;
	v55 =	vld [tilespmem:s23+$0xFFFFFF90];
	[tilespmem:s25+$0x40] =	vst v50  }
0x139: {  	v17 =	vmov s26;
	v28 =	vadd.f32 v51, v28;
	v43 =	vmul.f32 $2.000000030e-01, v0;
	v44 =	vld [tilespmem:s16+$0xFFFFFF90];
	[tilespmem:$0x1FF00] =	vst v16  }
0x13a: {  	v57 =	vadd.f32 v57, v60;
	v56 =	vmax.f32 v46, v41;
	v46 =	vperm.xlane v29, v13;
	[tilespmem:s25+$0x50] =	vst v37;
	v52 =	vld [tilespmem:s16+$0x10]  }
0x13b: {  	v49 =	vmul.f32 v56, v4;
	v0 =	vmax.f32 v0, v43;
	v47 =	vadd.f32 v58, v54;
	[tilespmem:s25+$0x60] =	vst v27;
	v56 =	vld [tilespmem:s23+$0xFFFFFFA0]  }
0x13c: {  	v29 =	vadd.f32 v29, v46;
	v0 =	vmul.f32 v0, v6;
	v1 =	vadd.f32 v1, v40;
	[tilespmem:s25+$0x70] =	vst v36;
	v40 =	vld [tilespmem:s16+$0xFFFFFFA0]  }
0x13d: {  	v28 =	vadd.f32 v49, v28;
	v53 =	vmul.f32 $2.000000030e-01, v47;
	v41 =	vld [tilespmem:s23+$0x20];
	[tilespmem:s25+$0x90] =	vst v2  }
0x13e: {  	v0 =	vadd.f32 v0, v57;
	v27 =	vmul.f32 $2.000000030e-01, v45;
	v2 =	vperm.xlane v29, v15;
	v57 =	vld [tilespmem:s23+$0xFFFFFFB0];
	[tilespmem:s25+$0xB0] =	vst v18;
	v18 =	vpop (erf)  }
0x13f: {  	v43 =	vadd.f32 v44, v55;
	[tilespmem:s25+$0x80] =	vst v19;
	v46 =	vld [tilespmem:s16+$0xFFFFFFB0];
	v44 =	vmul.f32 $2.000000030e-01, v1;
	v51 =	vmul.f32 v18, v39  }
0x140: {  	[tilespmem:s25+$0xA0] =	vst v21;
	v48 =	vmul.f32 v18, v22;
	v27 =	vmax.f32 v45, v27;
	v45 =	vld [tilespmem:s16+$0x20];
	v2 =	vadd.f32 v29, v2  }
0x141: {  	v17 =	vld.idx.msk [tilespmem:v17+s5+$0x0], $0xffff;
	v29 =	vmul.f32 $2.000000030e-01, v43;
	v21 =	vmul.f32 v27, v6;
	v27 =	vmax.f32 v47, v53  }
0x142: {  	v1 =	vmax.f32 v1, v44;
	v27 =	vmul.f32 v27, v7;
	v2 =	vmul.f32 $1.442695020e+00, v2  }
0x143: {  	v58 =	vld [tilespmem:s23+$0x30];
	v1 =	vmul.f32 v1, v7;
	v47 =	vadd.f32 v52, v16;
	v21 =	vadd.f32 v21, v28  }
0x144: {  	v28 =	vadd.f32 v40, v56;
	v0 =	vadd.f32 v27, v0;
	v27 =	vmax.f32 v43, v29  }
0x145: {  	v29 =	vld [tilespmem:s16+$0x30];
	(erf) = vpow2.f32 v2;
	v59 =	vmul.f32 $2.000000030e-01, v47;
	v60 =	vadd.f32 v45, v41  }
0x146: {  	v36 =	vadd.f32 v46, v57;
	v2 =	vmul.f32 $2.000000030e-01, v28;
	v27 =	vmul.f32 v27, v9  }
0x147: {  	v52 =	vmul.f32 v18, v23;
	[tilespmem:$0x1FD90] =	vst v41;
	v1 =	vadd.f32 v1, v21;
	v62 =	vmul.f32 $2.000000030e-01, v60  }
0x148: {  	[tilespmem:$0x1FDA0] =	vst v58;
	v37 =	vmax.f32 v47, v59;
	v2 =	vmax.f32 v28, v2;
	v0 =	vadd.f32 v27, v0  }
0x149: {  	s9 =	simm.s32 $0x45C0;
	v27 =	vmul.f32 $2.000000030e-01, v36;
	[tilespmem:v17+s11+$0x0] =	vst.idx.add.f32.msk $0x1, v42;
	v2 =	vmul.f32 v2, v10;
	v28 =	vmax.f32 v60, v62  }
0x14a: {  	v23 =	vld [tilespmem:s9+$0x40];
	v37 =	vmul.f32 v37, v9;
	v29 =	vadd.f32 v29, v58;
	v28 =	vmul.f32 v28, v10  }
0x14b: {  	s24 =	simm.s32 $0x5C0;
	v49 =	vmul.f32 v18, v61;
	v42 =	vld [tilespmem:$0x1FDB0];
	v27 =	vmax.f32 v36, v27;
	v0 =	vadd.f32 v2, v0  }
0x14c: {  	v61 =	vld [tilespmem:s24+$0x60];
	v63 =	vmul.f32 v27, v5;
	v1 =	vadd.f32 v37, v1;
	v2 =	vmul.f32 $2.000000030e-01, v29  }
0x14d: {  	v53 =	vmul.f32 v18, v24;
	v16 =	vpop (erf);
	v41 =	vld [tilespmem:s9+$0x60];
	v45 =	vmul.f32 v18, v26  }
0x14e: {  	v59 =	vld [tilespmem:s24+$0x40];
	v0 =	vadd.f32 v63, v0;
	v1 =	vadd.f32 v28, v1;
	v2 =	vmax.f32 v29, v2;
	v28 =	vpop (erf)  }
0x14f: {  	v58 =	vld [tilespmem:s24+$0xB0];
	v2 =	vmul.f32 v2, v5;
	v20 =	vmul.f32 v28, v20  }
0x150: {  	v60 =	vld [tilespmem:s24+$0x50];
	v46 =	vmul.f32 v18, v42;
	v22 =	vperm.xlane v0, v12  }
0x151: {  	v62 =	vld [tilespmem:s24+$0x70];
	v42 =	vmul.f32 v18, v25;
	v8 =	vmul.f32 v28, v8;
	v24 =	vadd.f32 v2, v1;
	[tilespmem:s23+$0x40] =	vst v20  }
0x152: {  	v25 =	vmul.f32 v28, v31;
	v31 =	vmul.f32 v28, v32;
	v0 =	vadd.f32 v0, v22;
	v1 =	vld [tilespmem:s9+$0x50];
	[tilespmem:$0x1FDC0] =	vst v18  }
0x153: {  	v23 =	vadd.f32 v23, v59;
	v33 =	vmul.f32 v28, v33;
	v43 =	vperm.xlane v24, v12;
	v32 =	vld [tilespmem:s9+$0x70]  }
0x154: {  	v26 =	vmul.f32 v28, v35;
	v17 =	vperm.xlane v0, v11;
	v63 =	vld [tilespmem:s24+$0x80]  }
0x155: {  	v20 =	vmul.f32 v28, v34;
	[tilespmem:s23+$0x50] =	vst v8;
	v8 =	vmul.f32 $2.000000030e-01, v23;
	v35 =	vld [tilespmem:s9+$0x80];
	v24 =	vadd.f32 v24, v43  }
0x156: {  	[tilespmem:s23+$0x60] =	vst v25;
	v25 =	vmul.f32 v28, v30;
	v44 =	vld [tilespmem:s24+$0xA0];
	v0 =	vadd.f32 v0, v17;
	v17 =	vadd.f32 v41, v61  }
0x157: {  	[tilespmem:s23+$0x70] =	vst v31;
	v18 =	vld [tilespmem:s9+$0xA0];
	v1 =	vadd.f32 v1, v60;
	v23 =	vmax.f32 v23, v8;
	v31 =	vperm.xlane v24, v11  }
0x158: {  	[tilespmem:s23+$0x90] =	vst v20;
	v38 =	vld [tilespmem:s9+$0xB0];
	v34 =	vperm.xlane v0, v13;
	v23 =	vmul.f32 v23, v14  }
0x159: {  	s16 =	simm.s32 $0x5;
	v47 =	vld [tilespmem:s24+$0x90];
	[tilespmem:s23+$0xA0] =	vst v26;
	v26 =	vmul.f32 $2.000000030e-01, v17;
	v43 =	vmul.f32 $2.000000030e-01, v1;
	v20 =	vadd.f32 v24, v31  }
0x15a: {  	v30 =	vmov s16;
	v31 =	vadd.f32 v0, v34;
	v24 =	vld [tilespmem:s9+$0x90];
	v32 =	vadd.f32 v32, v62  }
0x15b: {  	v23 =	vadd.f32 $0.0e+00, v23;
	v26 =	vmax.f32 v17, v26;
	v0 =	vmax.f32 v1, v43  }
0x15c: {  	[tilespmem:s23+$0x80] =	vst v33;
	v35 =	vadd.f32 v35, v63;
	v33 =	vadd.f32 v18, v44;
	v0 =	vmul.f32 v0, v3  }
0x15d: {  	[tilespmem:s23+$0xB0] =	vst v25;
	v8 =	vld [tilespmem:s24+$0xFFFFFFC0];
	v50 =	vadd.f32 v38, v58;
	v25 =	vperm.xlane v20, v13;
	v19 =	vmul.f32 $2.000000030e-01, v32  }
0x15e: {  	v18 =	vld [tilespmem:s24+$0xFFFFFF50];
	v39 =	vperm.xlane v31, v15;
	v1 =	vadd.f32 v0, v23;
	v23 =	vmul.f32 v26, v4  }
0x15f: {  	v40 =	vmul.f32 $2.000000030e-01, v35;
	v26 =	vld [tilespmem:s9+$0xFFFFFF40];
	v32 =	vmax.f32 v32, v19;
	v0 =	vadd.f32 v24, v47  }
0x160: {  	v25 =	vadd.f32 v20, v25;
	v19 =	vld [tilespmem:s24+$0xFFFFFF40];
	v2 =	vadd.f32 v23, v1;
	v23 =	vmul.f32 v32, v6  }
0x161: {  	v34 =	vmax.f32 v35, v40;
	v31 =	vadd.f32 v31, v39;
	v32 =	vld [tilespmem:s9+$0xFFFFFFC0];
	v41 =	vmul.f32 $2.000000030e-01, v0  }
0x162: {  	v39 =	vld [tilespmem:s9+$0xFFFFFF50];
	v34 =	vmul.f32 v34, v7;
	v1 =	vperm.xlane v25, v15;
	v2 =	vadd.f32 v23, v2  }
0x163: {  	v17 =	vld [tilespmem:s24+$0xFFFFFFD0];
	v43 =	vmul.f32 $2.000000030e-01, v33;
	v31 =	vmul.f32 $1.442695020e+00, v31;
	v0 =	vmax.f32 v0, v41  }
0x164: {  	v35 =	vld [tilespmem:s9+$0xFFFFFFD0];
	v1 =	vadd.f32 v25, v1;
	v34 =	vadd.f32 v34, v2;
	v0 =	vmul.f32 v0, v9  }
0x165: {  	v30 =	vld.idx.msk [tilespmem:v30+s5+$0x0], $0xffff;
	v25 =	vmax.f32 v33, v43;
	v41 =	vmul.f32 $2.000000030e-01, v50;
	v26 =	vadd.f32 v26, v19  }
0x166: {  	v43 =	vmul.f32 v25, v10;
	v32 =	vadd.f32 v32, v8;
	v0 =	vadd.f32 v0, v34  }
0x167: {  	v39 =	vadd.f32 v39, v18;
	v2 =	vmul.f32 $1.442695020e+00, v1;
	v33 =	vmax.f32 v50, v41  }
0x168: {  	v25 =	vld [tilespmem:s24+$0xFFFFFF60];
	[tilespmem:$0x1FDD0] =	vst v8;
	v33 =	vmul.f32 v33, v5;
	v1 =	vadd.f32 v43, v0;
	v0 =	vmul.f32 $2.000000030e-01, v32  }
0x169: {  	(erf) = vpow2.f32 v31;
	v22 =	vmovc v19;
	v35 =	vadd.f32 v35, v17;
	v31 =	vld [tilespmem:s24+$0xFFFFFFE0];
	v19 =	vmul.f32 $2.000000030e-01, v26  }
0x16a: {  	v29 =	vld [tilespmem:s9+$0xFFFFFFE0];
	v43 =	vmul.f32 $2.000000030e-01, v39;
	v1 =	vadd.f32 v33, v1;
	v0 =	vmax.f32 v32, v0  }
0x16b: {  	v50 =	vld [tilespmem:s9+$0xFFFFFF60];
	v8 =	vmul.f32 v0, v14;
	v0 =	vmul.f32 $2.000000030e-01, v35  }
0x16c: {  	(erf) = vpow2.f32 v2;
	v41 =	vmax.f32 v26, v19;
	v26 =	vld [tilespmem:s24+$0xFFFFFF70];
	[tilespmem:$0x1FDE0] =	vst v17;
	v2 =	vperm.xlane v1, v12  }
0x16d: {  	[tilespmem:v30+s11+$0x0] =	vst.idx.add.f32.msk $0x1, v28;
	v34 =	vmax.f32 v39, v43;
	v0 =	vmax.f32 v35, v0  }
0x16e: {  	v30 =	vmul.f32 v34, v3;
	v1 =	vadd.f32 v1, v2;
	v2 =	vmul.f32 v0, v3;
	v3 =	vld [tilespmem:$0x1FDF0]  }
0x16f: {  	v19 =	vld [tilespmem:s9+$0xFFFFFFF0]  }
0x170: {  	v33 =	vld [tilespmem:s24+$0xFFFFFFF0]  }
0x171: {  	v17 =	vmul.f32 v41, v14;
	v29 =	vadd.f32 v29, v31;
	v34 =	vld [tilespmem:s24+$0x0];
	v41 =	vperm.xlane v1, v11  }
0x172: {  	v14 =	vld [tilespmem:s9+$0x0];
	[tilespmem:s25+$0xFFFFFF40] =	vst v51  }
0x173: {  	v0 =	vmul.f32 $2.000000030e-01, v29;
	v1 =	vadd.f32 v1, v41;
	v41 =	vmul.f32 v16, v3;
	v3 =	vld [tilespmem:$0x1FE00]  }
0x174: {  	v8 =	vadd.f32 $0.0e+00, v8  }
0x175: {  	v0 =	vmax.f32 v29, v0  }
0x176: {  	v2 =	vadd.f32 v2, v8;
	v0 =	vmul.f32 v0, v4  }
0x177: {  	v39 =	vadd.f32 v19, v33  }
0x178: {  	v19 =	vadd.f32 v0, v2;
	v0 =	vadd.f32 v14, v34;
	v14 =	vmul.f32 v16, v3;
	v3 =	vld [tilespmem:$0x1FE10]  }
0x179: {  	v50 =	vadd.f32 v50, v25;
	_ =	sdelay $0x1  }
0x17a: {  	v24 =	vmov v18;
	v18 =	vadd.f32 $0.0e+00, v17;
	v40 =	vmul.f32 $2.000000030e-01, v50;
	[tilespmem:s25+$0xFFFFFF50] =	vst v46  }
0x17b: {  	[tilespmem:s25+$0xFFFFFF60] =	vst v48  }
0x17c: {  	v36 =	vadd.f32 v30, v18;
	v30 =	vmax.f32 v50, v40;
	v40 =	vmul.f32 v16, v3;
	v3 =	vld [tilespmem:$0x1FE20]  }
0x17d: {  	v27 =	vld [tilespmem:s9+$0xFFFFFF70];
	_ =	sdelay $0x2  }
0x17e: {  	v28 =	vld [tilespmem:s24+$0xFFFFFF80]  }
0x17f: {  	v48 =	vmul.f32 v16, v3;
	v3 =	vld [tilespmem:$0x1FE30];
	[tilespmem:s25+$0xFFFFFF70] =	vst v52  }
0x180: {  	v43 =	vld [tilespmem:s9+$0xFFFFFF80];
	v27 =	vadd.f32 v27, v26;
	[tilespmem:s25+$0xFFFFFF80] =	vst v53  }
0x181: {  	[tilespmem:s25+$0xFFFFFF90] =	vst v42  }
0x182: {  	v17 =	vmul.f32 $2.000000030e-01, v27;
	[tilespmem:s25+$0xFFFFFFA0] =	vst v49  }
0x183: {  	[tilespmem:s25+$0xFFFFFFB0] =	vst v45  }
0x184: {  	v50 =	vmul.f32 v30, v4;
	v27 =	vmax.f32 v27, v17;
	v17 =	vmul.f32 v16, v3;
	v3 =	vld [tilespmem:$0x1FE40]  }
0x185: {  	v32 =	vld [tilespmem:s24+$0xFFFFFFA0];
	v37 =	vadd.f32 v43, v28  }
0x186: {  	v35 =	vld [tilespmem:s24+$0x10];
	v29 =	vadd.f32 v50, v36;
	v27 =	vmul.f32 v27, v6;
	v8 =	vperm.xlane v1, v13  }
0x187: {  	v50 =	vld [tilespmem:s9+$0x10];
	v2 =	vmul.f32 $2.000000030e-01, v37;
	[tilespmem:s25+$0xFFFFFFC0] =	vst v41  }
0x188: {  	v27 =	vadd.f32 v27, v29;
	v29 =	vld [tilespmem:s9+$0xFFFFFFA0];
	v1 =	vadd.f32 v1, v8;
	[tilespmem:s25+$0xFFFFFFD0] =	vst v14  }
0x189: {  	v8 =	vmax.f32 v37, v2;
	v2 =	vmul.f32 $2.000000030e-01, v0;
	v52 =	vmul.f32 v16, v3;
	v3 =	vld [tilespmem:$0x1FE50]  }
0x18a: {  	v37 =	vld [tilespmem:s24+$0x20]  }
0x18b: {  	v15 =	vperm.xlane v1, v15;
	v0 =	vmax.f32 v0, v2;
	v2 =	vld [tilespmem:s9+$0x20]  }
0x18c: {  	v30 =	vld [tilespmem:s24+$0xFFFFFF90];
	v18 =	vmul.f32 $2.000000030e-01, v39  }
0x18d: {  	v36 =	vld [tilespmem:s9+$0xFFFFFF90];
	v50 =	vadd.f32 v50, v35;
	v8 =	vmul.f32 v8, v7;
	v1 =	vadd.f32 v1, v15;
	[tilespmem:s25+$0xFFFFFFE0] =	vst v40  }
0x18e: {  	v39 =	vmax.f32 v39, v18;
	v29 =	vadd.f32 v29, v32;
	v14 =	vmul.f32 v16, v3;
	v3 =	vld [tilespmem:$0x1FE60]  }
0x18f: {  	v8 =	vadd.f32 v8, v27;
	v27 =	vmul.f32 $2.000000030e-01, v50;
	v1 =	vmul.f32 $1.442695020e+00, v1  }
0x190: {  	v39 =	vmul.f32 v39, v6;
	v2 =	vadd.f32 v2, v37  }
0x191: {  	(erf) = vpow2.f32 v1;
	v1 =	vmax.f32 v50, v27;
	v27 =	vmul.f32 $2.000000030e-01, v29  }
0x192: {  	v36 =	vadd.f32 v36, v30;
	v38 =	vadd.f32 v39, v19;
	v0 =	vmul.f32 v0, v7;
	[tilespmem:s25+$0xFFFFFFF0] =	vst v48  }
0x193: {  	v21 =	vmovc v16;
	v27 =	vmax.f32 v29, v27;
	[tilespmem:s25+$0x0] =	vst v17;
	v29 =	vmul.f32 v16, v3;
	v16 =	vmul.f32 $2.000000030e-01, v2  }
0x194: {  	v0 =	vadd.f32 v0, v38;
	v1 =	vmul.f32 v1, v9;
	[tilespmem:s25+$0x10] =	vst v52  }
0x195: {  	v18 =	vmul.f32 $2.000000030e-01, v36;
	[tilespmem:s25+$0x20] =	vst v14;
	v2 =	vmax.f32 v2, v16  }
0x196: {  	v0 =	vadd.f32 v1, v0;
	v1 =	vmul.f32 v2, v10;
	v2 =	vld [tilespmem:$0x1FE70]  }
0x197: {  	v49 =	vmax.f32 v36, v18;
	v36 =	vld [tilespmem:s24+$0x30]  }
0x198: {  	v53 =	vld [tilespmem:s9+$0x30];
	_ =	sdelay $0x1  }
0x199: {  	v18 =	vmul.f32 v27, v10;
	v27 =	vpop (erf)  }
0x19a: {  	v2 =	vmul.f32 v27, v2  }
0x19b: {  	[tilespmem:s25+$0x30] =	vst v29  }
0x19c: {  	v41 =	vadd.f32 v53, v36;
	[tilespmem:s23+$0xFFFFFF40] =	vst v2  }
0x19d: {  	v0 =	vadd.f32 v1, v0;
	v1 =	vld [tilespmem:$0x1FE80]  }
0x19e: {  	s26 =	simm.s32 $0x0;
	v29 =	vmul.f32 $2.000000030e-01, v41;
	v3 =	vld [tilespmem:$0x1FE90]  }
0x19f: {  	v15 =	vmov s26;
	_ =	sdelay $0x2  }
0x1a0: {  	v2 =	vmax.f32 v41, v29;
	v29 =	vpop (erf);
	v1 =	vmul.f32 v27, v1  }
0x1a1: {  	v52 =	vpop (erf);
	v4 =	vmul.f32 v27, v3  }
0x1a2: {  	v51 =	vld.idx.msk [tilespmem:v15+s5+$0x0], $0xffff;
	v2 =	vmul.f32 v2, v5;
	v14 =	vmul.f32 v52, v59;
	[tilespmem:s23+$0xFFFFFF50] =	vst v1  }
0x1a3: {  	v15 =	vmul.f32 v52, v60;
	v1 =	vld [tilespmem:$0x1FEA0];
	[tilespmem:s23+$0xFFFFFF60] =	vst v4  }
0x1a4: {  	v0 =	vadd.f32 v2, v0;
	v2 =	vmul.f32 v52, v61;
	[tilespmem:s24+$0x40] =	vst v14  }
0x1a5: {  	v19 =	vld [tilespmem:s9+$0xFFFFFFB0];
	v16 =	vmul.f32 v52, v62;
	[tilespmem:s24+$0x50] =	vst v15  }
0x1a6: {  	v42 =	vld [tilespmem:s24+$0xFFFFFFB0];
	v47 =	vmul.f32 v52, v47;
	[tilespmem:s24+$0x60] =	vst v2  }
0x1a7: {  	v2 =	vmul.f32 v52, v63;
	[tilespmem:s24+$0x70] =	vst v16  }
0x1a8: {  	[tilespmem:s24+$0x90] =	vst v47;
	v1 =	vmul.f32 v27, v1  }
0x1a9: {  	[tilespmem:s24+$0x80] =	vst v2  }
0x1aa: {  	[tilespmem:s23+$0xFFFFFF70] =	vst v1  }
0x1ab: {  	v39 =	vadd.f32 v19, v42;
	v3 =	vld [tilespmem:$0x1FEB0]  }
0x1ac: {  	v45 =	vmul.f32 v49, v9;
	v2 =	vmul.f32 v52, v44  }
0x1ad: {  	v19 =	vmul.f32 $2.000000030e-01, v39;
	v58 =	vmul.f32 v52, v58  }
0x1ae: {  	v8 =	vadd.f32 v45, v8;
	[tilespmem:s24+$0xA0] =	vst v2  }
0x1af: {  	v46 =	vmax.f32 v39, v19;
	v2 =	vld [tilespmem:$0x1FEC0];
	[tilespmem:s24+$0xB0] =	vst v58  }
0x1b0: {  	v8 =	vadd.f32 v18, v8;
	v38 =	vmul.f32 v46, v5;
	v61 =	vmul.f32 v29, v3;
	v3 =	vld [tilespmem:$0x1FED0];
	_ =	sdelay $0x1  }
0x1b1: {  	s16 =	simm.s32 $0x1;
	v8 =	vadd.f32 v38, v8  }
0x1b2: {  	v17 =	vmov s16  }
0x1b3: {  	v1 =	vperm.xlane v8, v12  }
0x1b4: {  	v62 =	vmul.f32 v29, v3;
	v3 =	vld [tilespmem:$0x1FEE0]  }
0x1b5: {  	s30 =	simm.s32 $0x4740;
	v1 =	vadd.f32 v8, v1  }
0x1b6: {  	v43 =	vmul.f32 v27, v54;
	v54 =	vmul.f32 v27, v55;
	v19 =	vld [tilespmem:s30+$0x50]  }
0x1b7: {  	v55 =	vmul.f32 v27, v56;
	s25 =	simm.s32 $0x740;
	v39 =	vld.idx.msk [tilespmem:v17+s5+$0x0], $0xffff;
	v56 =	vperm.xlane v1, v11  }
0x1b8: {  	v45 =	vld [tilespmem:s25+$0xB0]  }
0x1b9: {  	v53 =	vadd.f32 v1, v56;
	v56 =	vmul.f32 v29, v3;
	v3 =	vld [tilespmem:$0x1FEF0]  }
0x1ba: {  	v38 =	vld [tilespmem:s25+$0x40]  }
0x1bb: {  	v17 =	vld [tilespmem:s30+$0x40]  }
0x1bc: {  	s26 =	simm.s32 $0x8;
	v48 =	vld [tilespmem:s25+$0x70];
	v8 =	vperm.xlane v0, v12  }
0x1bd: {  	v18 =	vmov s26;
	v40 =	vld [tilespmem:s25+$0x50];
	[tilespmem:s23+$0xFFFFFF80] =	vst v43  }
0x1be: {  	v0 =	vadd.f32 v0, v8;
	v58 =	vmul.f32 v29, v3;
	v3 =	vld [tilespmem:$0x1FF00]  }
0x1bf: {  	v41 =	vld [tilespmem:s25+$0x60]  }
0x1c0: {  	v50 =	vadd.f32 v17, v38;
	v8 =	vld [tilespmem:s30+$0x60];
	v1 =	vperm.xlane v0, v11  }
0x1c1: {  	v63 =	vmul.f32 v29, v2;
	v2 =	vld [tilespmem:s30+$0x70]  }
0x1c2: {  	s29 =	simm.s32 $0x3;
	v59 =	vmul.f32 v27, v57;
	v47 =	vmul.f32 $2.000000030e-01, v50;
	v1 =	vadd.f32 v0, v1;
	v0 =	vld.idx.msk [tilespmem:v18+s5+$0x0], $0xffff  }
0x1c3: {  	s28 =	simm.s32 $0x9;
	s9 =	simm.s32 $0xC;
	s26 =	simm.s32 $0x6;
	v46 =	vadd.f32 v19, v40;
	v44 =	vperm.xlane v53, v13;
	v43 =	vld [tilespmem:s25+$0x80];
	v60 =	vmul.f32 v29, v3  }
.LBB2_8:
0x1c4: {  	v49 =	vld [tilespmem:s30+$0x80]  }
0x1c5: {  	v20 =	vld [tilespmem:$0x1FFE0]  }
0x1c6: {  	v3 =	vld [tilespmem:$0x1FD90]  }
0x1c7: {  	v4 =	vld [tilespmem:$0x1FF20]  }
0x1c8: {  	v14 =	vld [tilespmem:$0x1FFF0]  }
0x1c9: {  	v7 =	vld [tilespmem:$0x1FF30]  }
0x1ca: {  	v18 =	vld [tilespmem:s30+$0xB0]  }
0x1cb: {  	[tilespmem:s23+$0xFFFFFFA0] =	vst v55;
	v12 =	vld [tilespmem:$0x1FF40]  }
0x1cc: {  	[tilespmem:s23+$0xFFFFFFC0] =	vst v61;
	v13 =	vld [tilespmem:$0x1FF50]  }
0x1cd: {  	v8 =	vadd.f32 v8, v41;
	[tilespmem:s23+$0xFFFFFFD0] =	vst v63;
	v23 =	vld [tilespmem:$0x1FF10]  }
0x1ce: {  	v19 =	vmax.f32 v50, v47;
	v50 =	vld [tilespmem:s25+$0x90];
	[tilespmem:s23+$0xFFFFFFE0] =	vst v62  }
0x1cf: {  	v57 =	vadd.f32 v53, v44;
	v44 =	vmov v31;
	v31 =	vld [tilespmem:s30+$0x90];
	[tilespmem:s23+$0xFFFFFFF0] =	vst v56;
	v15 =	vmul.f32 $2.000000030e-01, v8  }
0x1d0: {  	[tilespmem:s23+$0xFFFFFF90] =	vst v54;
	v56 =	vld [tilespmem:s25+$0xFFFFFFC0]  }
0x1d1: {  	[tilespmem:s23+$0xFFFFFFB0] =	vst v59;
	v8 =	vmax.f32 v8, v15;
	v15 =	vld [tilespmem:$0x1FF60];
	v53 =	vperm.xlane v1, v20  }
0x1d2: {  	v5 =	vmul.f32 $2.000000030e-01, v46;
	v17 =	vadd.f32 v49, v43;
	v49 =	vmov v35;
	v35 =	vld [tilespmem:s30+$0xFFFFFF40]  }
0x1d3: {  	v55 =	vadd.f32 v1, v53;
	v53 =	vld [tilespmem:s25+$0xA0]  }
0x1d4: {  	[tilespmem:s23+$0x0] =	vst v58;
	v2 =	vadd.f32 v2, v48;
	v1 =	vmax.f32 v46, v5;
	v46 =	vmov v33;
	v33 =	vld [tilespmem:s30+$0xA0]  }
0x1d5: {  	v19 =	vmul.f32 v19, v4;
	v54 =	vperm.xlane v57, v14;
	[tilespmem:v0+s11+$0x0] =	vst.idx.add.f32.msk $0x1, v52  }
0x1d6: {  	v16 =	vmul.f32 $2.000000030e-01, v2;
	v31 =	vadd.f32 v31, v50;
	v0 =	vmov v37;
	v37 =	vld [tilespmem:s30+$0xFFFFFFC0]  }
0x1d7: {  	v19 =	vadd.f32 $0.0e+00, v19;
	v62 =	vadd.f32 v57, v54;
	[tilespmem:s23+$0x10] =	vst v60;
	v57 =	vld [tilespmem:s25+$0xFFFFFFD0];
	v1 =	vmul.f32 v1, v7  }
0x1d8: {  	v60 =	vld [tilespmem:s30+$0xFFFFFF60];
	[tilespmem:$0x1FD90] =	vst v0;
	v0 =	vmax.f32 v2, v16;
	v2 =	vmul.f32 $2.000000030e-01, v17  }
0x1d9: {  	v8 =	vmul.f32 v8, v12;
	v58 =	vmul.f32 $2.000000030e-01, v31;
	v16 =	vld [tilespmem:$0x1FF70];
	v1 =	vadd.f32 v1, v19  }
0x1da: {  	v3 =	vmul.f32 v29, v3;
	v61 =	vperm.xlane v55, v14;
	v2 =	vmax.f32 v17, v2;
	v17 =	vld [tilespmem:$0x1FF80]  }
0x1db: {  	v47 =	vmovc v34;
	v5 =	vadd.f32 v18, v45;
	v0 =	vmul.f32 v0, v13;
	v19 =	vld [tilespmem:$0x1FF90];
	v8 =	vadd.f32 v8, v1  }
0x1dc: {  	[tilespmem:s23+$0x20] =	vst v3;
	v34 =	vmul.f32 $1.442695020e+00, v62;
	v61 =	vadd.f32 v55, v61;
	v55 =	vmovc v39;
	v39 =	vld [tilespmem:s30+$0xFFFFFF50];
	v33 =	vadd.f32 v33, v53  }
0x1dd: {  	v3 =	vmax.f32 v31, v58;
	v58 =	vmovc v45;
	v45 =	vld [tilespmem:s30+$0xFFFFFFD0];
	v6 =	vadd.f32 v0, v8;
	v8 =	vmul.f32 v2, v15  }
0x1de: {  	v62 =	vmul.f32 $2.000000030e-01, v5;
	v1 =	vld [tilespmem:s25+$0xFFFFFF40];
	v37 =	vadd.f32 v37, v56;
	v31 =	vmul.f32 $2.000000030e-01, v33  }
0x1df: {  	v3 =	vmul.f32 v3, v16;
	v63 =	vmul.f32 $1.442695020e+00, v61;
	v2 =	vld [tilespmem:s25+$0xFFFFFF50];
	v8 =	vadd.f32 v8, v6  }
0x1e0: {  	(erf) = vpow2.f32 v34;
	v0 =	vmovc v48;
	v61 =	vmul.f32 $2.000000030e-01, v37;
	v48 =	vld [tilespmem:s25+$0xFFFFFF70];
	v31 =	vmax.f32 v33, v31  }
0x1e1: {  	(erf) = vpow2.f32 v63;
	v63 =	vld [tilespmem:$0x1FDA0];
	v31 =	vmul.f32 v31, v17;
	v3 =	vadd.f32 v3, v8  }
0x1e2: {  	v59 =	vmovc v42;
	v5 =	vmax.f32 v5, v62;
	v34 =	vmax.f32 v37, v61;
	v37 =	vld [tilespmem:s30+$0xFFFFFFE0];
	v42 =	vadd.f32 v45, v57  }
0x1e3: {  	v5 =	vmul.f32 v5, v23;
	v35 =	vadd.f32 v35, v1;
	v45 =	vld [tilespmem:s30+$0xFFFFFF70];
	v3 =	vadd.f32 v31, v3  }
0x1e4: {  	v8 =	vld [tilespmem:s25+$0xFFFFFF60];
	v39 =	vadd.f32 v39, v2;
	v18 =	vmul.f32 $2.000000030e-01, v42  }
0x1e5: {  	v62 =	vmul.f32 $2.000000030e-01, v35;
	v31 =	vld [tilespmem:s25+$0xFFFFFFE0];
	v3 =	vadd.f32 v5, v3  }
0x1e6: {  	v34 =	vmul.f32 v34, v4;
	v6 =	vmovc v36;
	v36 =	vmul.f32 $2.000000030e-01, v39;
	v42 =	vmax.f32 v42, v18;
	v18 =	vld [tilespmem:$0x1FFD0]  }
0x1e7: {  	v54 =	vmovc v51;
	v35 =	vmax.f32 v35, v62;
	v5 =	vmul.f32 v29, v63;
	v51 =	vperm.xlane v3, v19  }
0x1e8: {  	v52 =	vmov s29;
	v33 =	vld [tilespmem:s25+$0xFFFFFFF0];
	v35 =	vmul.f32 v35, v4;
	v4 =	vadd.f32 $0.0e+00, v34  }
0x1e9: {  	v63 =	vld [tilespmem:s30+$0xFFFFFF80];
	v61 =	vadd.f32 v60, v8;
	v36 =	vmax.f32 v39, v36;
	[tilespmem:s23+$0x30] =	vst v5;
	v3 =	vadd.f32 v3, v51  }
0x1ea: {  	v45 =	vadd.f32 v45, v48;
	v36 =	vmul.f32 v36, v7;
	v39 =	vld [tilespmem:s30+$0xFFFFFFF0];
	v37 =	vadd.f32 v37, v31  }
0x1eb: {  	s16 =	sadd.s32 $0x1, s29;
	v60 =	vld [tilespmem:s25+$0xFFFFFF80];
	v35 =	vadd.f32 $0.0e+00, v35;
	v51 =	vmul.f32 $2.000000030e-01, v61;
	v62 =	vperm.xlane v3, v18  }
0x1ec: {  	v42 =	vmul.f32 v42, v7;
	v5 =	vmov s16;
	v34 =	vld [tilespmem:s25+$0x0];
	v7 =	vmul.f32 $2.000000030e-01, v37  }
0x1ed: {  	v36 =	vadd.f32 v36, v35;
	v35 =	vmax.f32 v61, v51;
	v51 =	vld [tilespmem:s30+$0x0];
	v3 =	vadd.f32 v3, v62  }
0x1ee: {  	v10 =	vld [tilespmem:s30+$0xFFFFFF90];
	v9 =	vmul.f32 $2.000000030e-01, v45;
	v4 =	vadd.f32 v42, v4;
	v7 =	vmax.f32 v37, v7  }
0x1ef: {  	v62 =	vld [tilespmem:s25+$0xFFFFFF90];
	v37 =	vadd.f32 v39, v33;
	v39 =	vmul.f32 v35, v12;
	v42 =	vperm.xlane v3, v20  }
0x1f0: {  	v9 =	vmax.f32 v45, v9;
	v11 =	vadd.f32 v63, v60;
	v7 =	vmul.f32 v7, v12;
	v35 =	vld [tilespmem:s25+$0x10]  }
0x1f1: {  	v12 =	vmul.f32 $2.000000030e-01, v37;
	v36 =	vadd.f32 v39, v36;
	v39 =	vld [tilespmem:s30+$0x10];
	v3 =	vadd.f32 v3, v42  }
0x1f2: {  	v9 =	vmul.f32 v9, v13;
	v63 =	vld [tilespmem:s25+$0xFFFFFFA0];
	v4 =	vadd.f32 v7, v4;
	v45 =	vadd.f32 v51, v34  }
0x1f3: {  	v51 =	vld [tilespmem:s30+$0xFFFFFFA0];
	v42 =	vmul.f32 $2.000000030e-01, v11;
	v12 =	vmax.f32 v37, v12;
	v7 =	vperm.xlane v3, v14  }
0x1f4: {  	v37 =	vld [tilespmem:s25+$0x20];
	v9 =	vadd.f32 v9, v36;
	v12 =	vmul.f32 v12, v13;
	v13 =	vmul.f32 $2.000000030e-01, v45  }
0x1f5: {  	v10 =	vadd.f32 v10, v62;
	v11 =	vmax.f32 v11, v42;
	v14 =	vld [tilespmem:s30+$0x20];
	v3 =	vadd.f32 v3, v7  }
0x1f6: {  	v42 =	vld [tilespmem:s25+$0xFFFFFFB0];
	v13 =	vmax.f32 v45, v13;
	v39 =	vadd.f32 v39, v35;
	v11 =	vmul.f32 v11, v15  }
0x1f7: {  	v45 =	vld [tilespmem:s30+$0xFFFFFFB0];
	v4 =	vadd.f32 v12, v4;
	v7 =	vmul.f32 $2.000000030e-01, v10;
	v3 =	vmul.f32 $1.442695020e+00, v3  }
0x1f8: {  	[tilespmem:$0x1FDA0] =	vst v6;
	v6 =	vpop (erf);
	v36 =	vld [tilespmem:s25+$0x30];
	v12 =	vadd.f32 v51, v63;
	v13 =	vmul.f32 v13, v15;
	v15 =	vmul.f32 $2.000000030e-01, v39  }
0x1f9: {  	v61 =	vpop (erf);
	v9 =	vadd.f32 v11, v9;
	v7 =	vmax.f32 v10, v7;
	v10 =	vld [tilespmem:s30+$0x30];
	(erf) = vpow2.f32 v3  }
0x1fa: {  	v11 =	vmax.f32 v39, v15;
	v14 =	vadd.f32 v14, v37;
	v3 =	vmul.f32 $2.000000030e-01, v12  }
0x1fb: {  	v4 =	vadd.f32 v13, v4;
	v7 =	vmul.f32 v7, v16;
	v11 =	vmul.f32 v11, v16  }
0x1fc: {  	v51 =	vld.idx.msk [tilespmem:v52+s5+$0x0], $0xffff;
	v16 =	vadd.f32 v45, v42;
	v45 =	vmul.f32 $2.000000030e-01, v14;
	v3 =	vmax.f32 v12, v3  }
0x1fd: {  	v52 =	vld [tilespmem:$0x1FDC0];
	v7 =	vadd.f32 v7, v9;
	v9 =	vmovc v27;
	v4 =	vadd.f32 v11, v4;
	v3 =	vmul.f32 v3, v17  }
0x1fe: {  	[tilespmem:$0x1FDC0] =	vst v9;
	v9 =	vmul.f32 $2.000000030e-01, v16;
	v11 =	vmax.f32 v14, v45;
	v10 =	vadd.f32 v10, v36  }
0x1ff: {  	v3 =	vadd.f32 v3, v7;
	v7 =	vmul.f32 v11, v17  }
0x200: {  	v39 =	vld.idx.msk [tilespmem:v5+s5+$0x0], $0xffff;
	v11 =	vmul.f32 v6, v22;
	v22 =	vmovc v1;
	v1 =	vmax.f32 v16, v9;
	v16 =	vmul.f32 $2.000000030e-01, v10  }
0x201: {  	[tilespmem:v55+s11+$0x0] =	vst.idx.add.f32.msk $0x1, v21;
	v9 =	vmul.f32 v6, v24;
	v1 =	vmul.f32 v1, v23  }
0x202: {  	[tilespmem:v54+s11+$0x0] =	vst.idx.add.f32.msk $0x1, v52;
	v24 =	vmov v2;
	v2 =	vadd.f32 v7, v4;
	v5 =	vmax.f32 v10, v16;
	v52 =	vpop (erf)  }
0x203: {  	s23 =	smov.u32 s24;
	s24 =	smov.u32 s25;
	s25 =	sadd.s32 $0x180, s25;
	v27 =	vmovc v6;
	v1 =	vadd.f32 v1, v3;
	v3 =	vmul.f32 v5, v23;
	v38 =	vmul.f32 v52, v38  }
0x204: {  	v45 =	vld [tilespmem:s25+$0xB0];
	v6 =	vmul.f32 v27, v26;
	[tilespmem:s23+$0xFFFFFF50] =	vst v9;
	v40 =	vmul.f32 v52, v40  }
0x205: {  	v26 =	vmov v48;
	v48 =	vld [tilespmem:s25+$0x70];
	v2 =	vadd.f32 v3, v2;
	v3 =	vmul.f32 v52, v41;
	[tilespmem:s24+$0x40] =	vst v38  }
0x206: {  	s30 =	sadd.s32 $0x180, s30;
	v0 =	vmul.f32 v52, v0;
	v38 =	vld [tilespmem:s25+$0x40];
	[tilespmem:s24+$0x50] =	vst v40  }
0x207: {  	v4 =	vld [tilespmem:s30+$0x40];
	[tilespmem:s24+$0x60] =	vst v3  }
0x208: {  	v7 =	vmul.f32 v27, v28;
	v3 =	vmul.f32 v52, v43;
	v40 =	vld [tilespmem:s25+$0x50];
	[tilespmem:s24+$0x70] =	vst v0  }
0x209: {  	[tilespmem:s23+$0xFFFFFF70] =	vst v6;
	v28 =	vmov v60;
	v60 =	vperm.xlane v2, v19;
	v0 =	vmul.f32 v52, v50;
	v9 =	vld [tilespmem:s30+$0x50]  }
0x20a: {  	[tilespmem:s24+$0x80] =	vst v3;
	v3 =	vld [tilespmem:$0x1FDD0]  }
0x20b: {  	v6 =	vperm.xlane v1, v19;
	v5 =	vadd.f32 v2, v60;
	v2 =	vmul.f32 v52, v53;
	v41 =	vld [tilespmem:s25+$0x60];
	[tilespmem:s24+$0x90] =	vst v0  }
0x20c: {  	s29 =	smov.u32 s26;
	s26 =	smov.u32 s28;
	v17 =	vmul.f32 v27, v25;
	v25 =	vmov v8;
	v8 =	vld [tilespmem:s30+$0x60]  }
0x20d: {  	s16 =	sadd.s32 $0x2, s26;
	v54 =	vmul.f32 v27, v30;
	v1 =	vadd.f32 v1, v6;
	[tilespmem:s24+$0xA0] =	vst v2;
	v2 =	vld [tilespmem:$0x1FDE0]  }
0x20e: {  	v21 =	vmovc v29;
	v29 =	vmovc v61;
	v55 =	vmul.f32 v27, v32;
	v59 =	vmul.f32 v27, v59;
	v6 =	vmov s16  }
0x20f: {  	p1 =	slt.u32 s9, $0x3C;
	v30 =	vmov v62;
	v62 =	vmul.f32 v29, v44;
	[tilespmem:s23+$0xFFFFFF40] =	vst v11;
	v10 =	vperm.xlane v1, v18  }
.Ltmp7:
0x210: {  	v32 =	vmovc v63;
	[tilespmem:s23+$0xFFFFFF60] =	vst v17;
	v0 =	vmul.f32 v52, v58;
	v61 =	vmul.f32 v29, v3;
	v3 =	vmov v56;
	(pc) =	sbr.rel @p1 .LBB2_8-.Ltmp7, $4  }
0x211: {  	[tilespmem:s23+$0xFFFFFF80] =	vst v7;
	v60 =	vmul.f32 v29, v49;
	v53 =	vadd.f32 v1, v10;
	v1 =	vperm.xlane v5, v18  }
0x212: {  	v58 =	vmul.f32 v29, v47;
	v50 =	vadd.f32 v4, v38;
	v63 =	vmul.f32 v29, v2;
	v2 =	vld [tilespmem:s30+$0x70];
	[tilespmem:s24+$0xB0] =	vst v0  }
0x213: {  	v44 =	vperm.xlane v53, v20;
	v1 =	vadd.f32 v5, v1;
	[tilespmem:$0x1FDD0] =	vst v3;
	v0 =	vld.idx.msk [tilespmem:v6+s5+$0x0], $0xffff;
	v3 =	vmov v57  }
0x214: {  	s28 =	smov.u32 s9;
	s9 =	sadd.s32 $0x3, s9;
	v56 =	vmul.f32 v29, v46;
	v47 =	vmul.f32 $2.000000030e-01, v50;
	v46 =	vadd.f32 v9, v40;
	v43 =	vld [tilespmem:s25+$0x80];
	[tilespmem:$0x1FDE0] =	vst v3  }
0x215: {  	v14 =	vld [tilespmem:s25+$0x90];
	_ =	sdelay $0x4  }
0x216: {  	v3 =	vld [tilespmem:s30+$0x80];
	[tilespmem:$0x1FCE0] =	vst v14  }
0x217: {  	v15 =	vld [tilespmem:s25+$0xA0]  }
0x218: {  	v6 =	vadd.f32 v8, v41;
	v8 =	vld [tilespmem:s30+$0x90]  }
0x219: {  	v23 =	vld [tilespmem:$0x1FF20]  }
0x21a: {  	v7 =	vadd.f32 v53, v44;
	v53 =	vld [tilespmem:$0x1FFE0]  }
0x21b: {  	v4 =	vmax.f32 v50, v47;
	v50 =	vld [tilespmem:$0x1FF30]  }
0x21c: {  	v49 =	vld [tilespmem:$0x1FF40];
	[tilespmem:$0x1FCF0] =	vst v15  }
0x21d: {  	v5 =	vmul.f32 $2.000000030e-01, v46;
	v8 =	vadd.f32 v8, v14;
	v14 =	vld [tilespmem:s25+$0xFFFFFFC0]  }
0x21e: {  	v4 =	vmul.f32 v4, v23;
	v11 =	vld [tilespmem:s30+$0xA0]  }
0x21f: {  	v9 =	vmul.f32 $2.000000030e-01, v6;
	v5 =	vmax.f32 v46, v5  }
0x220: {  	v5 =	vmul.f32 v5, v50;
	v4 =	vadd.f32 $0.0e+00, v4  }
0x221: {  	v6 =	vmax.f32 v6, v9;
	v10 =	vperm.xlane v1, v53;
	v12 =	vld [tilespmem:s30+$0xB0]  }
0x222: {  	v4 =	vadd.f32 v5, v4;
	v5 =	vmul.f32 v6, v49;
	v6 =	vld [tilespmem:s30+$0xFFFFFF40];
	[tilespmem:$0x1FD40] =	vst v14  }
0x223: {  	v1 =	vadd.f32 v1, v10;
	v10 =	vadd.f32 v11, v15;
	v15 =	vld [tilespmem:s25+$0xFFFFFF40];
	_ =	sdelay $0x1  }
0x224: {  	v2 =	vadd.f32 v2, v48;
	_ =	sdelay $0x1  }
0x225: {  	v20 =	vld [tilespmem:$0x1FFF0];
	v17 =	vmul.f32 $2.000000030e-01, v2  }
0x226: {  	v4 =	vadd.f32 v5, v4;
	v5 =	vld [tilespmem:s30+$0xFFFFFFC0];
	[tilespmem:$0x1FD00] =	vst v15  }
0x227: {  	v2 =	vmax.f32 v2, v17;
	v17 =	vld [tilespmem:s25+$0xFFFFFF50];
	_ =	sdelay $0x3  }
0x228: {  	v13 =	vperm.xlane v7, v20  }
0x229: {  	[tilespmem:$0x1FD10] =	vst v17  }
0x22a: {  	v3 =	vadd.f32 v3, v43;
	v7 =	vadd.f32 v7, v13;
	v13 =	vld [tilespmem:s25+$0xFFFFFFD0]  }
0x22b: {  	v47 =	vld [tilespmem:$0x1FF50]  }
0x22c: {  	v19 =	vmul.f32 $2.000000030e-01, v3  }
0x22d: {  	v46 =	vld [tilespmem:$0x1FF60]  }
0x22e: {  	v3 =	vmax.f32 v3, v19;
	v57 =	vperm.xlane v1, v20;
	v19 =	vld [tilespmem:$0x1FF70]  }
0x22f: {  	v44 =	vld [tilespmem:s30+$0xFFFFFF50];
	[tilespmem:$0x1FD50] =	vst v13  }
0x230: {  	v2 =	vmul.f32 v2, v47;
	v1 =	vadd.f32 v1, v57;
	v57 =	vld [tilespmem:s25+$0xFFFFFF60]  }
0x231: {  	v18 =	vld [tilespmem:$0x1FF80];
	v9 =	vmul.f32 $2.000000030e-01, v8  }
0x232: {  	v3 =	vmul.f32 v3, v46;
	v2 =	vadd.f32 v2, v4  }
0x233: {  	v4 =	vmax.f32 v8, v9;
	v8 =	vmul.f32 $2.000000030e-01, v10  }
0x234: {  	v2 =	vadd.f32 v3, v2;
	v3 =	vmul.f32 v4, v19  }
0x235: {  	v4 =	vmax.f32 v10, v8;
	v10 =	vld [tilespmem:s30+$0xFFFFFFD0];
	[tilespmem:$0x1FD20] =	vst v57  }
0x236: {  	v2 =	vadd.f32 v3, v2;
	v3 =	vmul.f32 v4, v18;
	v4 =	vadd.f32 v6, v15;
	v15 =	vld [tilespmem:s25+$0xFFFFFFE0]  }
0x237: {  	v9 =	vadd.f32 v12, v45;
	_ =	sdelay $0x1  }
0x238: {  	v8 =	vmul.f32 $2.000000030e-01, v9  }
0x239: {  	v16 =	vld [tilespmem:$0x1FF10]  }
0x23a: {  	v6 =	vmax.f32 v9, v8;
	v8 =	vld [tilespmem:s30+$0xFFFFFF60];
	[tilespmem:$0x1FD60] =	vst v15  }
0x23b: {  	v7 =	vmul.f32 $1.442695020e+00, v7;
	v5 =	vadd.f32 v5, v14;
	v14 =	vld [tilespmem:s25+$0xFFFFFF70];
	_ =	sdelay $0x1  }
0x23c: {  	(erf) = vpow2.f32 v7;
	v7 =	vadd.f32 v44, v17;
	v44 =	vmul.f32 $2.000000030e-01, v5  }
0x23d: {  	v2 =	vadd.f32 v3, v2  }
0x23e: {  	v3 =	vmul.f32 v6, v16;
	v6 =	vmul.f32 $2.000000030e-01, v4;
	v5 =	vmax.f32 v5, v44;
	v44 =	vld [tilespmem:$0x1FF90]  }
0x23f: {  	v9 =	vld [tilespmem:s30+$0xFFFFFFE0];
	[tilespmem:$0x1FD30] =	vst v14  }
0x240: {  	v1 =	vmul.f32 $1.442695020e+00, v1;
	v12 =	vmax.f32 v4, v6;
	v4 =	vadd.f32 v10, v13;
	v13 =	vld [tilespmem:s25+$0xFFFFFFF0];
	_ =	sdelay $0x1  }
0x241: {  	(erf) = vpow2.f32 v1;
	v1 =	vadd.f32 v3, v2  }
0x242: {  	v3 =	vmul.f32 $2.000000030e-01, v7;
	v8 =	vadd.f32 v8, v57;
	v57 =	vld [tilespmem:$0x1FFD0]  }
0x243: {  	v17 =	vperm.xlane v1, v44  }
0x244: {  	v2 =	vmul.f32 v12, v23;
	v3 =	vmax.f32 v7, v3;
	v6 =	vld [tilespmem:s30+$0xFFFFFF70];
	[tilespmem:$0x1FD70] =	vst v13  }
0x245: {  	v12 =	vmul.f32 $2.000000030e-01, v4;
	v1 =	vadd.f32 v1, v17;
	v9 =	vadd.f32 v9, v15;
	v15 =	vld [tilespmem:s25+$0x0]  }
0x246: {  	v2 =	vadd.f32 $0.0e+00, v2;
	v3 =	vmul.f32 v3, v50  }
0x247: {  	v5 =	vmul.f32 v5, v23;
	v4 =	vmax.f32 v4, v12;
	v12 =	vperm.xlane v1, v57  }
0x248: {  	v3 =	vadd.f32 v3, v2;
	v10 =	vmul.f32 $2.000000030e-01, v8;
	v7 =	vld [tilespmem:s30+$0xFFFFFFF0]  }
0x249: {  	v2 =	vadd.f32 $0.0e+00, v5;
	v1 =	vadd.f32 v1, v12;
	v17 =	vld [tilespmem:s25+$0xFFFFFF80]  }
0x24a: {  	v5 =	vadd.f32 v6, v14;
	v6 =	vmax.f32 v8, v10;
	v10 =	vmul.f32 $2.000000030e-01, v9;
	v11 =	vld [tilespmem:s30+$0xFFFFFF80];
	[tilespmem:$0x1FD80] =	vst v15  }
0x24b: {  	v8 =	vld [tilespmem:s25+$0xFFFFFF90]  }
0x24c: {  	v4 =	vmul.f32 v4, v50;
	v9 =	vmax.f32 v9, v10;
	v10 =	vperm.xlane v1, v53;
	v12 =	vld [tilespmem:s30+$0xFFFFFF90]  }
0x24d: {  	v14 =	vmul.f32 $2.000000030e-01, v5;
	v7 =	vadd.f32 v7, v13;
	v13 =	vld [tilespmem:s30+$0x0]  }
0x24e: {  	v4 =	vadd.f32 v4, v2;
	v10 =	vadd.f32 v1, v10;
	v2 =	vld [tilespmem:s25+$0xFFFFFFA0]  }
0x24f: {  	v6 =	vmul.f32 v6, v49;
	v9 =	vmul.f32 v9, v49;
	v5 =	vmax.f32 v5, v14;
	v14 =	vld [tilespmem:s30+$0xFFFFFFA0]  }
0x250: {  	v11 =	vadd.f32 v11, v17;
	[tilespmem:v0+s11+$0x0] =	vst.idx.add.f32.msk $0x1, v52;
	v52 =	vperm.xlane v10, v20  }
0x251: {  	v3 =	vadd.f32 v6, v3;
	v5 =	vmul.f32 v5, v47;
	v1 =	vld [tilespmem:s25+$0xFFFFFFB0];
	v6 =	vmul.f32 $2.000000030e-01, v7  }
0x252: {  	v4 =	vadd.f32 v9, v4;
	v9 =	vmul.f32 $2.000000030e-01, v11;
	v10 =	vadd.f32 v10, v52;
	v52 =	vld [tilespmem:$0x1FDC0]  }
0x253: {  	v0 =	vld [tilespmem:s25+$0x10];
	v6 =	vmax.f32 v7, v6;
	v7 =	vadd.f32 v12, v8  }
0x254: {  	v3 =	vadd.f32 v5, v3;
	v9 =	vmax.f32 v11, v9;
	v12 =	vld [tilespmem:s30+$0xFFFFFFB0]  }
0x255: {  	v5 =	vadd.f32 v13, v15;
	v11 =	vadd.f32 v14, v2;
	v14 =	vld [tilespmem:s30+$0x10];
	v13 =	vmul.f32 $2.000000030e-01, v7  }
0x256: {  	v9 =	vmul.f32 v9, v46;
	v6 =	vmul.f32 v6, v47;
	v15 =	vld [tilespmem:s25+$0x20]  }
0x257: {  	[tilespmem:v51+s11+$0x0] =	vst.idx.add.f32.msk $0x1, v52;
	v51 =	vmul.f32 $2.000000030e-01, v11;
	v7 =	vmax.f32 v7, v13  }
0x258: {  	v3 =	vadd.f32 v9, v3;
	v9 =	vld [tilespmem:s30+$0x20];
	v4 =	vadd.f32 v6, v4;
	v7 =	vmul.f32 v7, v19  }
0x259: {  	v52 =	vld [tilespmem:s30+$0x30];
	v13 =	vmul.f32 $2.000000030e-01, v5;
	v6 =	vmax.f32 v11, v51;
	v12 =	vadd.f32 v12, v1  }
0x25a: {  	[tilespmem:s23+$0xFFFFFF90] =	vst v54;
	v51 =	vld [tilespmem:s25+$0x30];
	v6 =	vmul.f32 v6, v18;
	v3 =	vadd.f32 v7, v3;
	v7 =	vadd.f32 v14, v0  }
0x25b: {  	[tilespmem:s23+$0xFFFFFFA0] =	vst v55;
	v5 =	vmax.f32 v5, v13;
	v11 =	vmul.f32 $2.000000030e-01, v12  }
0x25c: {  	[tilespmem:s23+$0xFFFFFFB0] =	vst v59;
	v5 =	vmul.f32 v5, v46;
	v3 =	vadd.f32 v6, v3;
	v6 =	vmul.f32 $2.000000030e-01, v7  }
0x25d: {  	[tilespmem:s23+$0xFFFFFFC0] =	vst v61;
	v9 =	vadd.f32 v9, v15  }
0x25e: {  	[tilespmem:s23+$0xFFFFFFD0] =	vst v63;
	v11 =	vmax.f32 v12, v11;
	v4 =	vadd.f32 v5, v4;
	v6 =	vmax.f32 v7, v6  }
0x25f: {  	[tilespmem:s23+$0xFFFFFFE0] =	vst v62;
	v7 =	vadd.f32 v52, v51;
	v5 =	vmul.f32 v6, v19;
	v6 =	vmul.f32 $2.000000030e-01, v9  }
0x260: {  	[tilespmem:s23+$0xFFFFFFF0] =	vst v56;
	v11 =	vmul.f32 v11, v16  }
0x261: {  	[tilespmem:s23+$0x0] =	vst v58;
	v4 =	vadd.f32 v5, v4;
	v5 =	vmax.f32 v9, v6;
	v6 =	vmul.f32 $2.000000030e-01, v7  }
0x262: {  	v10 =	vmul.f32 $1.442695020e+00, v10;
	v61 =	vld [tilespmem:$0x1FD90];
	[tilespmem:s23+$0x10] =	vst v60  }
0x263: {  	v3 =	vadd.f32 v11, v3;
	v6 =	vmax.f32 v7, v6;
	v7 =	vld [tilespmem:$0x1FDA0]  }
0x264: {  	(erf) = vpow2.f32 v10  }
0x265: {  	v55 =	vperm.xlane v3, v44  }
0x266: {  	v59 =	vpop (erf)  }
0x267: {  	v62 =	vmul.f32 v59, v22;
	v5 =	vmul.f32 v5, v18;
	v3 =	vadd.f32 v3, v55  }
0x268: {  	v9 =	vmul.f32 v29, v61;
	v7 =	vmul.f32 v29, v7  }
0x269: {  	v4 =	vadd.f32 v5, v4;
	v5 =	vmul.f32 v6, v16;
	v6 =	vperm.xlane v3, v57  }
0x26a: {  	[tilespmem:s23+$0x20] =	vst v9  }
0x26b: {  	v63 =	vmul.f32 v59, v24;
	[tilespmem:s24+$0xFFFFFF40] =	vst v62  }
0x26c: {  	v4 =	vadd.f32 v5, v4;
	v5 =	vmul.f32 v59, v25;
	[tilespmem:s23+$0x30] =	vst v7;
	v7 =	vpop (erf)  }
0x26d: {  	v12 =	vmul.f32 v59, v26;
	[tilespmem:s24+$0xFFFFFF50] =	vst v63;
	v3 =	vadd.f32 v3, v6;
	v6 =	vpop (erf)  }
0x26e: {  	[tilespmem:s24+$0xFFFFFF60] =	vst v5;
	v5 =	vperm.xlane v4, v44;
	v13 =	vmul.f32 v6, v38  }
0x26f: {  	[tilespmem:s24+$0xFFFFFF70] =	vst v12;
	v22 =	vmul.f32 v6, v40  }
0x270: {  	v4 =	vadd.f32 v4, v5;
	v5 =	vmul.f32 v6, v41;
	[tilespmem:s25+$0x40] =	vst v13  }
0x271: {  	v24 =	vmul.f32 v6, v48;
	[tilespmem:s25+$0x50] =	vst v22  }
0x272: {  	v25 =	vmul.f32 v6, v43;
	[tilespmem:s25+$0x60] =	vst v5  }
0x273: {  	v14 =	vperm.xlane v3, v53;
	v5 =	vperm.xlane v4, v57;
	[tilespmem:s25+$0x70] =	vst v24  }
0x274: {  	v9 =	vld [tilespmem:$0x1FCE0];
	[tilespmem:s25+$0x80] =	vst v25  }
0x275: {  	v3 =	vadd.f32 v3, v14;
	v4 =	vadd.f32 v4, v5;
	v5 =	vld [tilespmem:$0x1FCF0];
	_ =	sdelay $0x1  }
0x276: {  	v11 =	vperm.xlane v3, v20  }
0x277: {  	v26 =	vmul.f32 v59, v28;
	v28 =	vmul.f32 v6, v45  }
0x278: {  	v3 =	vadd.f32 v3, v11  }
0x279: {  	[tilespmem:s25+$0xB0] =	vst v28;
	v5 =	vmul.f32 v6, v5  }
0x27a: {  	v30 =	vmul.f32 v59, v30;
	v3 =	vmul.f32 $1.442695020e+00, v3;
	[tilespmem:s24+$0xFFFFFF80] =	vst v26  }
0x27b: {  	v9 =	vmul.f32 v6, v9;
	[tilespmem:s25+$0xA0] =	vst v5;
	v5 =	vperm.xlane v4, v53  }
0x27c: {  	[tilespmem:s24+$0xFFFFFF90] =	vst v30;
	(erf) = vpow2.f32 v3;
	v3 =	vmul.f32 v59, v32  }
0x27d: {  	[tilespmem:s25+$0x90] =	vst v9;
	v4 =	vadd.f32 v4, v5;
	v5 =	vmul.f32 v59, v42  }
0x27e: {  	v9 =	vld [tilespmem:$0x1FDD0];
	[tilespmem:s24+$0xFFFFFFA0] =	vst v3  }
0x27f: {  	[tilespmem:s24+$0xFFFFFFB0] =	vst v5  }
0x280: {  	v5 =	vld [tilespmem:$0x1FDE0];
	_ =	sdelay $0x1  }
0x281: {  	v3 =	vperm.xlane v4, v20  }
0x282: {  	v9 =	vmul.f32 v7, v9  }
0x283: {  	v3 =	vadd.f32 v4, v3;
	v4 =	vmul.f32 v7, v31  }
0x284: {  	[tilespmem:s24+$0xFFFFFFC0] =	vst v9;
	v5 =	vmul.f32 v7, v5  }
0x285: {  	[tilespmem:s24+$0xFFFFFFE0] =	vst v4;
	v4 =	vmul.f32 v7, v34;
	v3 =	vmul.f32 $1.442695020e+00, v3  }
0x286: {  	[tilespmem:s24+$0xFFFFFFD0] =	vst v5;
	v5 =	vmul.f32 v7, v33  }
0x287: {  	[tilespmem:s24+$0x0] =	vst v4;
	(erf) = vpow2.f32 v3;
	v3 =	vmul.f32 v7, v37  }
0x288: {  	[tilespmem:s24+$0xFFFFFFF0] =	vst v5;
	v5 =	vmul.f32 v7, v35  }
0x289: {  	v4 =	vmul.f32 v7, v36;
	[tilespmem:s24+$0x20] =	vst v3  }
0x28a: {  	[tilespmem:s24+$0x10] =	vst v5  }
0x28b: {  	v3 =	vld [tilespmem:$0x1FD00];
	[tilespmem:s24+$0x30] =	vst v4  }
0x28c: {  	v4 =	vld [tilespmem:$0x1FD10];
	_ =	sdelay $0x2  }
0x28d: {  	v5 =	vpop (erf)  }
0x28e: {  	v3 =	vmul.f32 v5, v3  }
0x28f: {  	v4 =	vmul.f32 v5, v4  }
0x290: {  	[tilespmem:s25+$0xFFFFFF40] =	vst v3  }
0x291: {  	v3 =	vld [tilespmem:$0x1FD20];
	[tilespmem:s25+$0xFFFFFF50] =	vst v4  }
0x292: {  	v4 =	vld [tilespmem:$0x1FD30];
	_ =	sdelay $0x2  }
0x293: {  	v2 =	vmul.f32 v5, v2  }
0x294: {  	v3 =	vmul.f32 v5, v3  }
0x295: {  	[tilespmem:s25+$0xFFFFFFA0] =	vst v2;
	v4 =	vmul.f32 v5, v4  }
0x296: {  	[tilespmem:s25+$0xFFFFFF60] =	vst v3;
	v3 =	vmul.f32 v5, v17  }
0x297: {  	[tilespmem:s25+$0xFFFFFF70] =	vst v4;
	v4 =	vmul.f32 v5, v8  }
0x298: {  	v1 =	vmul.f32 v5, v1;
	[tilespmem:s25+$0xFFFFFF80] =	vst v3  }
0x299: {  	[tilespmem:s25+$0xFFFFFF90] =	vst v4  }
0x29a: {  	v8 =	vld [tilespmem:$0x1FD40];
	[tilespmem:s25+$0xFFFFFFB0] =	vst v1  }
0x29b: {  	v9 =	vld [tilespmem:$0x1FD50];
	_ =	sdelay $0x2  }
0x29c: {  	v4 =	vpop (erf)  }
0x29d: {  	v8 =	vmul.f32 v4, v8  }
0x29e: {  	v34 =	vmov s29;
	v9 =	vmul.f32 v4, v9  }
0x29f: {  	s24 =	sadd.s32 $0x1, s29;
	[tilespmem:s25+$0xFFFFFFC0] =	vst v8;
	v8 =	vmov s26  }
0x2a0: {  	s9 =	sadd.s32 $0x2, s28;
	v35 =	vmov s24;
	v10 =	vld [tilespmem:$0x1FD60];
	[tilespmem:s25+$0xFFFFFFD0] =	vst v9  }
0x2a1: {  	s29 =	sadd.s32 $0x1, s26;
	v3 =	vmov s9;
	v37 =	vld [tilespmem:$0x1FD70]  }
0x2a2: {  	v36 =	vmov s29;
	v0 =	vmul.f32 v4, v0;
	v38 =	vld [tilespmem:$0x1FD80]  }
0x2a3: {  	v2 =	vld.idx.msk [tilespmem:v34+s5+$0x0], $0xffff;
	v42 =	vmul.f32 v4, v15  }
0x2a4: {  	s30 =	sadd.s32 $0x1, s28;
	v40 =	vmov s28;
	[tilespmem:s25+$0x10] =	vst v0;
	v43 =	vld.idx.msk [tilespmem:v8+s5+$0x0], $0xffff;
	v8 =	vmul.f32 v4, v51  }
0x2a5: {  	v41 =	vmov s30;
	v1 =	vld.idx.msk [tilespmem:v35+s5+$0x0], $0xffff;
	[tilespmem:s25+$0x20] =	vst v42;
	v10 =	vmul.f32 v4, v10  }
0x2a6: {  	v3 =	vld.idx.msk [tilespmem:v3+s5+$0x0], $0xffff;
	v11 =	vmul.f32 v4, v37;
	[tilespmem:s25+$0x30] =	vst v8  }
0x2a7: {  	v9 =	vld.idx.msk [tilespmem:v36+s5+$0x0], $0xffff;
	v12 =	vmul.f32 v4, v38;
	[tilespmem:s25+$0xFFFFFFE0] =	vst v10  }
0x2a8: {  	[tilespmem:s25+$0xFFFFFFF0] =	vst v11  }
0x2a9: {  	v8 =	vld.idx.msk [tilespmem:v40+s5+$0x0], $0xffff;
	[tilespmem:s25+$0x0] =	vst v12  }
0x2aa: {  	v45 =	vld.idx.msk [tilespmem:v41+s5+$0x0], $0xffff  }
0x2ab: {  	[tilespmem:v39+s11+$0x0] =	vst.idx.add.f32.msk $0x1, v21  }
0x2ac: {  	[tilespmem:v2+s11+$0x0] =	vst.idx.add.f32.msk $0x1, v27  }
0x2ad: {  	[tilespmem:v1+s11+$0x0] =	vst.idx.add.f32.msk $0x1, v29  }
0x2ae: {  	[tilespmem:v3+s11+$0x0] =	vst.idx.add.f32.msk $0x1, v6  }
0x2af: {  	[tilespmem:v9+s11+$0x0] =	vst.idx.add.f32.msk $0x1, v7  }
0x2b0: {  	[tilespmem:v43+s11+$0x0] =	vst.idx.add.f32.msk $0x1, v59  }
0x2b1: {  	[tilespmem:v8+s11+$0x0] =	vst.idx.add.f32.msk $0x1, v5  }
0x2b2: {  	[tilespmem:v45+s11+$0x0] =	vst.idx.add.f32.msk $0x1, v4  }
0x2b3: {  	v0 =	vld [tilespmem:$0x2180]  }
0x2b4: {  	v1 =	vld [tilespmem:$0x6180]  }
0x2b5: {  	v2 =	vld [tilespmem:$0x2190]  }
0x2b6: {  	v3 =	vld [tilespmem:$0x6190]  }
0x2b7: {  	v4 =	vld [tilespmem:$0x21A0]  }
0x2b8: {  	v5 =	vld [tilespmem:$0x61A0]  }
0x2b9: {  	v6 =	vld [tilespmem:$0x21B0];
	v1 =	vadd.f32 v1, v0  }
0x2ba: {  	v7 =	vld [tilespmem:$0x61B0]  }
0x2bb: {  	v9 =	vld [tilespmem:$0x21C0];
	v3 =	vadd.f32 v3, v2;
	v8 =	vmul.f32 $2.000000030e-01, v1  }
0x2bc: {  	v10 =	vld [tilespmem:$0x61C0]  }
0x2bd: {  	v48 =	vld [tilespmem:$0x21D0];
	v5 =	vadd.f32 v5, v4;
	v1 =	vmax.f32 v1, v8;
	v8 =	vmul.f32 $2.000000030e-01, v3  }
0x2be: {  	v12 =	vld [tilespmem:$0x61D0];
	v1 =	vmul.f32 v1, v23  }
0x2bf: {  	v51 =	vld [tilespmem:$0x21E0];
	v7 =	vadd.f32 v7, v6;
	v3 =	vmax.f32 v3, v8;
	v8 =	vmul.f32 $2.000000030e-01, v5  }
0x2c0: {  	v52 =	vld [tilespmem:$0x61E0];
	v1 =	vadd.f32 $0.0e+00, v1;
	v3 =	vmul.f32 v3, v50  }
0x2c1: {  	v54 =	vld [tilespmem:$0x21F0];
	v10 =	vadd.f32 v10, v9;
	v5 =	vmax.f32 v5, v8;
	v8 =	vmul.f32 $2.000000030e-01, v7  }
0x2c2: {  	v1 =	vadd.f32 v3, v1;
	v3 =	vmul.f32 v5, v49;
	v5 =	vld [tilespmem:$0x61F0]  }
0x2c3: {  	v12 =	vadd.f32 v12, v48;
	v7 =	vmax.f32 v7, v8;
	v8 =	vmul.f32 $2.000000030e-01, v10  }
0x2c4: {  	v1 =	vadd.f32 v3, v1;
	v3 =	vmul.f32 v7, v47  }
0x2c5: {  	v55 =	vadd.f32 v52, v51;
	v7 =	vmax.f32 v10, v8;
	v8 =	vmul.f32 $2.000000030e-01, v12  }
0x2c6: {  	v1 =	vadd.f32 v3, v1;
	v3 =	vmul.f32 v7, v46  }
0x2c7: {  	v7 =	vmax.f32 v12, v8;
	v8 =	vmul.f32 $2.000000030e-01, v55;
	v5 =	vadd.f32 v5, v54  }
0x2c8: {  	v1 =	vadd.f32 v3, v1;
	v3 =	vmul.f32 v7, v19  }
0x2c9: {  	v7 =	vmax.f32 v55, v8;
	v8 =	vmul.f32 $2.000000030e-01, v5  }
0x2ca: {  	v1 =	vadd.f32 v3, v1;
	v3 =	vmul.f32 v7, v18  }
0x2cb: {  	v5 =	vmax.f32 v5, v8  }
0x2cc: {  	v1 =	vadd.f32 v3, v1;
	v3 =	vmul.f32 v5, v16;
	_ =	sdelay $0x1  }
0x2cd: {  	v1 =	vadd.f32 v3, v1;
	_ =	sdelay $0x1  }
0x2ce: {  	v3 =	vperm.xlane v1, v44;
	_ =	sdelay $0x1  }
0x2cf: {  	v1 =	vadd.f32 v1, v3;
	v3 =	vld [tilespmem:$0x1FFA0];
	_ =	sdelay $0x4  }
0x2d0: {  	v3 =	vperm.xlane v1, v3;
	_ =	sdelay $0x1  }
0x2d1: {  	v1 =	vadd.f32 v1, v3;
	v3 =	vld [tilespmem:$0x1FFB0];
	_ =	sdelay $0x4  }
0x2d2: {  	v3 =	vperm.xlane v1, v3;
	_ =	sdelay $0x1  }
0x2d3: {  	v1 =	vadd.f32 v1, v3;
	v3 =	vld [tilespmem:$0x1FFC0];
	_ =	sdelay $0x4  }
0x2d4: {  	v3 =	vperm.xlane v1, v3;
	_ =	sdelay $0x1  }
0x2d5: {  	v1 =	vadd.f32 v1, v3;
	_ =	sdelay $0x1  }
0x2d6: {  	v1 =	vmul.f32 $1.442695020e+00, v1;
	_ =	sdelay $0x1  }
0x2d7: {  	(erf) = vpow2.f32 v1;
	_ =	sdelay $0x8  }
0x2d8: {  	v1 =	vpop (erf)  }
0x2d9: {  	v0 =	vmul.f32 v1, v0  }
0x2da: {  	v2 =	vmul.f32 v1, v2  }
0x2db: {  	v56 =	vmul.f32 v1, v4;
	[tilespmem:$0x2180] =	vst v0  }
0x2dc: {  	v58 =	vmul.f32 v1, v6;
	[tilespmem:$0x2190] =	vst v2  }
0x2dd: {  	v59 =	vmul.f32 v1, v9;
	[tilespmem:$0x21A0] =	vst v56  }
0x2de: {  	v63 =	vimm.s32 $0x3F;
	v60 =	vmul.f32 v1, v48;
	[tilespmem:$0x21B0] =	vst v58  }
0x2df: {  	v61 =	vmul.f32 v1, v51;
	[tilespmem:$0x21C0] =	vst v59  }
0x2e0: {  	v62 =	vmul.f32 v1, v54;
	[tilespmem:$0x21D0] =	vst v60  }
0x2e1: {  	[tilespmem:$0x21E0] =	vst v61  }
0x2e2: {  	[tilespmem:$0x21F0] =	vst v62  }
0x2e3: {  	v0 =	vld.idx.msk [tilespmem:v63+s5+$0x0], $0xffff;
	_ =	sdelay $0x7  }
0x2e4: {  	v32 =	vmovc v19;
	v34 =	vmovc v18;
	v35 =	vmov v50;
	v38 =	vmov v57;
	v57 =	vmov v23;
	[tilespmem:v0+s11+$0x0] =	vst.idx.add.f32.msk $0x1, v1  }
0x2e5: {  	v5 =	vmovc v16;
	v51 =	vmovc v20;
	v6 =	vimm.f32 $0.0e+00;
	v59 =	vmov v49;
	v58 =	vmov v47;
	[spmem:s4] =	stream.indirect.scatter.add.f32 [tilespmem:s2], [sflag:$0x3], $0x80, s5, s0, $0xb8;
	[tilespmem:$0x1EA80] =	vst v63  }
.LBB2_10:
0x2e6: {  	p1 =	sge.u32 s21, s31  }
.Ltmp8:
0x2e7: {  	_ = 	snop;
	(pc) =	sbr.rel @p1 .LBB2_14-.Ltmp8, $1  }
0x2e8: {  	_ =	sdelay $0x3  }
0x2e9: {  	s9 =	sadd.s32 $0x2, s21  }
0x2ea: {  	p1 =	sge.u32 s9, s15  }
0x2eb: {  	s16 =	simm.s32 @!p1 $0x3;
	s9 =	sshll.u32 @!p1 s9, $0xB  }
0x2ec: {  	_ =	swait.ge @!p1 [sflag:s16], $0x2000;
	s9 =	sor.u32 @!p1 s18, s9  }
0x2ed: {  	[sflag:s16] =	ssyncset.done @!p1 $0x0;
	s9 =	sshrl.u32 @!p1 s9, $0x3  }
0x2ee: {  	s21 =	simm.s32 @!p1 $0x0;
	[sflag:s16] =	ssyncadd.s32 @!p1 $0xFFFFE000;
	s16 =	sadd.s32 @!p1 s7, s9  }
0x2ef: {  	[tilespmem:s21], [sflag:$0x5] =	stream.linear.gather @!p1 [hbm4b:s16+s21], $0x40, $0x38;
	[tilespmem:$0x1EA80] =	vst v63  }
0x2f0: {  	s16 =	simm.s32 @!p1 $0x5  }
0x2f1: {  	_ =	swait.ge @!p1 [sflag:s16], $0x40  }
0x2f2: {  	[sflag:s16] =	ssyncset.done @!p1 $0x0  }
0x2f3: {  	s23 =	simm.s32 @!p1 $0x100;
	s9 =	sadd.s32 @!p1 s8, s9;
	[sflag:s16] =	ssyncadd.s32 @!p1 $0xFFFFFFC0  }
0x2f4: {  	[tilespmem:s23], [sflag:$0x5] =	stream.linear.gather @!p1 [hbm4b:s9+s21], $0x40, $0x38;
	[tilespmem:$0x1EA80] =	vst v63  }
0x2f5: {  	_ =	swait.ge @!p1 [sflag:s16], $0x40  }
0x2f6: {  	[sflag:s16] =	ssyncset.done @!p1 $0x0  }
0x2f7: {  	s9 =	simm.s32 @!p1 $0x40;
	[sflag:s16] =	ssyncadd.s32 @!p1 $0xFFFFFFC0;
	s16 =	simm.s32 @!p1 $0x200  }
0x2f8: {  	[tilespmem:s16], [sflag:$0x1] =	stream.indirect.gather @!p1 [hbm4b:s1+s9], $0x80, s21, s9, $0xb8;
	[tilespmem:$0x1EA80] =	vst v63  }
0x2f9: {  	s16 =	simm.s32 @!p1 $0x4200  }
0x2fa: {  	[tilespmem:s16], [sflag:$0x1] =	stream.indirect.gather @!p1 [hbm4b:s6+s9], $0x80, s23, s9, $0xb8;
	[tilespmem:$0x1EA80] =	vst v63  }
0x2fb: {  	_ =	swait.ge [sflag:s12], $0x2000  }
0x2fc: {  	[sflag:s12] =	ssyncset.done $0x0  }
0x2fd: {  	[sflag:s12] =	ssyncadd.s32 $0xFFFFE000  }
0x2fe: {  	_ =	swait.ge [sflag:s12], $0x2000  }
0x2ff: {  	[sflag:s12] =	ssyncset.done $0x0  }
0x300: {  	s24 =	simm.s32 $0x22C0;
	[sflag:s12] =	ssyncadd.s32 $0xFFFFE000  }
0x301: {  	v18 =	vld [tilespmem:s24+$0xB0]  }
0x302: {  	s21 =	simm.s32 $0x62C0;
	v27 =	vld [tilespmem:s24+$0x40]  }
0x303: {  	v0 =	vld [tilespmem:s21+$0x40]  }
0x304: {  	v2 =	vld [tilespmem:s24+$0x50]  }
0x305: {  	v3 =	vld [tilespmem:s21+$0x50]  }
0x306: {  	v19 =	vld [tilespmem:s24+$0x60]  }
0x307: {  	v4 =	vld [tilespmem:s21+$0x60]  }
0x308: {  	v1 =	vld [tilespmem:s24+$0x70]  }
0x309: {  	v54 =	vld [tilespmem:s21+$0x70]  }
0x30a: {  	v21 =	vld [tilespmem:s24+$0x80];
	v0 =	vadd.f32 v0, v27  }
0x30b: {  	v7 =	vld [tilespmem:s21+$0x80]  }
0x30c: {  	v29 =	vld [tilespmem:s24+$0x90];
	v3 =	vadd.f32 v3, v2;
	v6 =	vmul.f32 $2.000000030e-01, v0  }
0x30d: {  	v11 =	vld [tilespmem:s24+$0xFFFFFFC0]  }
0x30e: {  	v8 =	vld [tilespmem:s21+$0x90];
	v4 =	vadd.f32 v4, v19;
	v0 =	vmax.f32 v0, v6;
	v6 =	vmul.f32 $2.000000030e-01, v3  }
0x30f: {  	v33 =	vld [tilespmem:s24+$0xA0];
	v0 =	vmul.f32 v0, v57  }
0x310: {  	v40 =	vmovc v5;
	v9 =	vld [tilespmem:s21+$0xA0];
	v5 =	vadd.f32 v54, v1;
	v3 =	vmax.f32 v3, v6;
	v6 =	vmul.f32 $2.000000030e-01, v4  }
0x311: {  	v10 =	vld [tilespmem:s21+$0xB0];
	v0 =	vadd.f32 $0.0e+00, v0;
	v3 =	vmul.f32 v3, v35  }
0x312: {  	v55 =	vld [tilespmem:s21+$0xFFFFFF40];
	v7 =	vadd.f32 v7, v21;
	[tilespmem:$0x1FC30] =	vst v11;
	v4 =	vmax.f32 v4, v6;
	v6 =	vmul.f32 $2.000000030e-01, v5  }
0x313: {  	v12 =	vld [tilespmem:s24+$0xFFFFFFD0];
	v0 =	vadd.f32 v3, v0;
	v3 =	vmul.f32 v4, v59  }
0x314: {  	v8 =	vadd.f32 v8, v29;
	v5 =	vmax.f32 v5, v6;
	v6 =	vmul.f32 $2.000000030e-01, v7  }
0x315: {  	v56 =	vld [tilespmem:s21+$0xFFFFFFC0];
	v0 =	vadd.f32 v3, v0;
	v3 =	vmul.f32 v5, v58  }
0x316: {  	v39 =	vld [tilespmem:s24+$0xFFFFFF40];
	v6 =	vmax.f32 v7, v6;
	v7 =	vmul.f32 $2.000000030e-01, v8  }
0x317: {  	v9 =	vadd.f32 v9, v33;
	v60 =	vld [tilespmem:s24+$0xFFFFFF50];
	v0 =	vadd.f32 v3, v0  }
0x318: {  	v3 =	vmul.f32 v6, v46;
	v6 =	vmax.f32 v8, v7;
	v8 =	vadd.f32 v10, v18;
	v10 =	vld [tilespmem:s21+$0xFFFFFF50];
	[tilespmem:$0x1FC40] =	vst v12  }
0x319: {  	v16 =	vld [tilespmem:s24+$0xFFFFFFE0]  }
0x31a: {  	v7 =	vmul.f32 $2.000000030e-01, v9  }
0x31b: {  	v0 =	vadd.f32 v3, v0  }
0x31c: {  	v3 =	vmul.f32 v6, v32;
	v22 =	vld [tilespmem:s24+$0xFFFFFF60];
	v6 =	vmax.f32 v9, v7;
	v7 =	vmul.f32 $2.000000030e-01, v8  }
0x31d: {  	v9 =	vld [tilespmem:s21+$0xFFFFFFD0]  }
0x31e: {  	v0 =	vadd.f32 v3, v0;
	v3 =	vmul.f32 v6, v34;
	v6 =	vmax.f32 v8, v7;
	v7 =	vld [tilespmem:s21+$0xFFFFFF60];
	[tilespmem:$0x1FC50] =	vst v16  }
0x31f: {  	v17 =	vld [tilespmem:s24+$0xFFFFFFF0]  }
0x320: {  	v4 =	vadd.f32 v55, v39  }
0x321: {  	v15 =	vld [tilespmem:$0x1FF90];
	v5 =	vadd.f32 v56, v11  }
0x322: {  	v0 =	vadd.f32 v3, v0;
	v3 =	vmul.f32 v6, v40;
	v6 =	vmul.f32 $2.000000030e-01, v4;
	v11 =	vld [tilespmem:s21+$0xFFFFFFE0]  }
0x323: {  	v23 =	vld [tilespmem:s24+$0xFFFFFF70]  }
0x324: {  	v0 =	vadd.f32 v3, v0;
	v3 =	vmax.f32 v4, v6;
	v6 =	vld [tilespmem:s21+$0xFFFFFF70];
	[tilespmem:$0x1FC60] =	vst v17  }
0x325: {  	v20 =	vld [tilespmem:s24+$0x0]  }
0x326: {  	v8 =	vmul.f32 $2.000000030e-01, v5;
	v10 =	vadd.f32 v10, v60;
	_ =	sdelay $0x1  }
0x327: {  	v42 =	vmax.f32 v5, v8;
	v8 =	vmul.f32 $2.000000030e-01, v10;
	v13 =	vld [tilespmem:s21+$0xFFFFFFF0]  }
0x328: {  	v43 =	vadd.f32 v9, v12;
	v3 =	vmul.f32 v3, v57;
	v24 =	vld [tilespmem:s24+$0xFFFFFF80]  }
0x329: {  	v9 =	vperm.xlane v0, v15;
	v8 =	vmax.f32 v10, v8;
	v10 =	vadd.f32 v11, v16;
	v11 =	vld [tilespmem:s21+$0xFFFFFF80];
	[tilespmem:$0x1FC70] =	vst v20  }
0x32a: {  	v7 =	vadd.f32 v7, v22;
	v12 =	vmul.f32 $2.000000030e-01, v43;
	v16 =	vld [tilespmem:s24+$0x10]  }
0x32b: {  	v3 =	vadd.f32 $0.0e+00, v3;
	v8 =	vmul.f32 v8, v35;
	v0 =	vadd.f32 v0, v9  }
0x32c: {  	v4 =	vmul.f32 v42, v57;
	v9 =	vmul.f32 $2.000000030e-01, v7  }
0x32d: {  	v5 =	vmax.f32 v43, v12;
	v3 =	vadd.f32 v8, v3;
	v12 =	vperm.xlane v0, v38;
	v8 =	vld [tilespmem:s21+$0x0]  }
0x32e: {  	v6 =	vadd.f32 v6, v23;
	v7 =	vmax.f32 v7, v9;
	v14 =	vmul.f32 $2.000000030e-01, v10;
	v25 =	vld [tilespmem:s24+$0xFFFFFF90]  }
0x32f: {  	v7 =	vmul.f32 v7, v59;
	v0 =	vadd.f32 v0, v12;
	v12 =	vadd.f32 v13, v17;
	v13 =	vld [tilespmem:s21+$0xFFFFFF90];
	[tilespmem:$0x1FC80] =	vst v16  }
0x330: {  	v4 =	vadd.f32 $0.0e+00, v4;
	v9 =	vmul.f32 $2.000000030e-01, v6;
	v17 =	vld [tilespmem:s24+$0x20]  }
0x331: {  	v10 =	vmax.f32 v10, v14;
	v3 =	vadd.f32 v7, v3;
	v14 =	vmul.f32 $2.000000030e-01, v12;
	v7 =	vld [tilespmem:s21+$0x10]  }
0x332: {  	v5 =	vmul.f32 v5, v35;
	v6 =	vmax.f32 v6, v9;
	v8 =	vadd.f32 v8, v20;
	v61 =	vld [tilespmem:s24+$0xFFFFFFA0]  }
0x333: {  	v44 =	vperm.xlane v0, v53;
	v6 =	vmul.f32 v6, v58;
	v9 =	vmax.f32 v12, v14;
	v12 =	vld [tilespmem:s21+$0xFFFFFFA0]  }
0x334: {  	v4 =	vadd.f32 v5, v4;
	v11 =	vadd.f32 v11, v24;
	v26 =	vld [tilespmem:s24+$0xFFFFFFB0];
	v14 =	vmul.f32 $2.000000030e-01, v8  }
0x335: {  	v10 =	vmul.f32 v10, v59;
	v0 =	vadd.f32 v0, v44;
	v3 =	vadd.f32 v6, v3;
	v6 =	vld [tilespmem:s21+$0xFFFFFFB0];
	[tilespmem:$0x1FC90] =	vst v17  }
0x336: {  	v8 =	vmax.f32 v8, v14;
	v14 =	vld [tilespmem:s24+$0x30]  }
0x337: {  	v4 =	vadd.f32 v10, v4;
	v45 =	vmul.f32 $2.000000030e-01, v11;
	v10 =	vperm.xlane v0, v51  }
0x338: {  	v9 =	vmul.f32 v9, v58  }
0x339: {  	v5 =	vmax.f32 v11, v45;
	v0 =	vadd.f32 v0, v10;
	v13 =	vadd.f32 v13, v25  }
0x33a: {  	v5 =	vmul.f32 v5, v46;
	v4 =	vadd.f32 v9, v4;
	v7 =	vadd.f32 v7, v16;
	v11 =	vld [tilespmem:s21+$0x20]  }
0x33b: {  	v0 =	vmul.f32 $1.442695020e+00, v0;
	v10 =	vmul.f32 $2.000000030e-01, v13;
	v9 =	vadd.f32 v12, v61;
	[tilespmem:$0x1FCA0] =	vst v14  }
0x33c: {  	v3 =	vadd.f32 v5, v3;
	v12 =	vmul.f32 $2.000000030e-01, v7;
	v47 =	vld [tilespmem:s21+$0x30]  }
0x33d: {  	(erf) = vpow2.f32 v0;
	v10 =	vmax.f32 v13, v10;
	v13 =	vmul.f32 $2.000000030e-01, v9  }
0x33e: {  	v6 =	vadd.f32 v6, v26;
	v0 =	vmax.f32 v7, v12;
	v7 =	vmul.f32 v10, v32  }
0x33f: {  	v8 =	vmul.f32 v8, v46;
	v9 =	vmax.f32 v9, v13;
	v10 =	vadd.f32 v11, v17  }
0x340: {  	v11 =	vmul.f32 $2.000000030e-01, v6;
	v3 =	vadd.f32 v7, v3;
	v7 =	vmul.f32 v9, v34  }
0x341: {  	v4 =	vadd.f32 v8, v4;
	v8 =	vmul.f32 $2.000000030e-01, v10;
	v5 =	vadd.f32 v47, v14  }
0x342: {  	v0 =	vmul.f32 v0, v32;
	v6 =	vmax.f32 v6, v11;
	v3 =	vadd.f32 v7, v3  }
0x343: {  	s23 =	simm.s32 $0x6440;
	v6 =	vmul.f32 v6, v40;
	v7 =	vmax.f32 v10, v8;
	v8 =	vmul.f32 $2.000000030e-01, v5  }
0x344: {  	s21 =	simm.s32 $0x2440;
	v4 =	vadd.f32 v0, v4;
	v48 =	vld [tilespmem:s23+$0x50];
	v7 =	vmul.f32 v7, v34  }
0x345: {  	v0 =	vld [tilespmem:s21+$0x40];
	v3 =	vadd.f32 v6, v3;
	v5 =	vmax.f32 v5, v8  }
0x346: {  	v4 =	vadd.f32 v7, v4;
	v7 =	vld [tilespmem:s23+$0x40];
	v5 =	vmul.f32 v5, v40  }
0x347: {  	v13 =	vld [tilespmem:s23+$0x80];
	v6 =	vperm.xlane v3, v15  }
0x348: {  	v8 =	vld [tilespmem:s21+$0x50];
	v4 =	vadd.f32 v5, v4  }
0x349: {  	v31 =	vld [tilespmem:s21+$0x60];
	v3 =	vadd.f32 v3, v6  }
0x34a: {  	v50 =	vmov v57;
	v10 =	vld [tilespmem:s23+$0x60];
	v6 =	vperm.xlane v4, v15  }
0x34b: {  	v57 =	vmov v32;
	v42 =	vpop (erf);
	v32 =	vld [tilespmem:s21+$0x70];
	v9 =	vperm.xlane v3, v38;
	v7 =	vadd.f32 v7, v0  }
0x34c: {  	v41 =	vmul.f32 v42, v21;
	v4 =	vadd.f32 v4, v6;
	v6 =	vld [tilespmem:s23+$0x70]  }
0x34d: {  	v28 =	vld [tilespmem:s23+$0xB0];
	v3 =	vadd.f32 v3, v9;
	v9 =	vmul.f32 $2.000000030e-01, v7;
	v5 =	vadd.f32 v48, v8  }
0x34e: {  	v16 =	vmul.f32 v42, v33;
	v33 =	vld [tilespmem:s21+$0x80];
	v11 =	vperm.xlane v4, v38  }
0x34f: {  	v21 =	vmovc v34;
	v34 =	vld [tilespmem:s21+$0x90];
	v10 =	vadd.f32 v10, v31;
	v7 =	vmax.f32 v7, v9;
	v9 =	vmul.f32 $2.000000030e-01, v5  }
0x350: {  	v4 =	vadd.f32 v4, v11;
	v11 =	vld [tilespmem:s23+$0x90]  }
0x351: {  	v63 =	vld [tilespmem:s21+$0xA0];
	v5 =	vmax.f32 v5, v9;
	v9 =	vmul.f32 $2.000000030e-01, v10;
	v6 =	vadd.f32 v6, v32  }
0x352: {  	v14 =	vld [tilespmem:s23+$0xA0]  }
0x353: {  	v20 =	vld [tilespmem:s21+$0xFFFFFFC0];
	v13 =	vadd.f32 v13, v33;
	v9 =	vmax.f32 v10, v9;
	v10 =	vmul.f32 $2.000000030e-01, v6  }
0x354: {  	v30 =	vld [tilespmem:s21+$0xB0];
	v12 =	vperm.xlane v3, v53;
	v7 =	vmul.f32 v7, v50  }
0x355: {  	v6 =	vmax.f32 v6, v10;
	v10 =	vmul.f32 $2.000000030e-01, v13;
	v11 =	vadd.f32 v11, v34  }
0x356: {  	v3 =	vadd.f32 v3, v12;
	v7 =	vadd.f32 $0.0e+00, v7;
	v5 =	vmul.f32 v5, v35  }
0x357: {  	v10 =	vmax.f32 v13, v10;
	v13 =	vadd.f32 v14, v63;
	v14 =	vmul.f32 $2.000000030e-01, v11  }
0x358: {  	v5 =	vadd.f32 v5, v7;
	v7 =	vmul.f32 v9, v59;
	v9 =	vld [tilespmem:s23+$0xFFFFFF40];
	[tilespmem:$0x1FCB0] =	vst v20;
	v12 =	vperm.xlane v4, v53  }
0x359: {  	v11 =	vmax.f32 v11, v14;
	v14 =	vadd.f32 v28, v30;
	v28 =	vld [tilespmem:s21+$0xFFFFFFD0]  }
0x35a: {  	v37 =	vmul.f32 v42, v2;
	v5 =	vadd.f32 v7, v5;
	v7 =	vld [tilespmem:s23+$0xFFFFFFC0];
	v4 =	vadd.f32 v4, v12  }
0x35b: {  	v2 =	vmul.f32 v42, v29;
	v29 =	vperm.xlane v3, v51  }
0x35c: {  	v48 =	vld [tilespmem:s21+$0xFFFFFF40];
	v6 =	vmul.f32 v6, v58;
	v12 =	vperm.xlane v4, v51  }
0x35d: {  	v49 =	vmul.f32 v42, v27;
	v27 =	vmul.f32 v42, v19;
	v3 =	vadd.f32 v3, v29;
	v45 =	vld [tilespmem:s21+$0xFFFFFF50]  }
0x35e: {  	v5 =	vadd.f32 v6, v5;
	v6 =	vmul.f32 v10, v46;
	v4 =	vadd.f32 v4, v12;
	v12 =	vld [tilespmem:s23+$0xFFFFFF50];
	[tilespmem:$0x1FCC0] =	vst v28  }
0x35f: {  	v3 =	vmul.f32 $1.442695020e+00, v3;
	v7 =	vadd.f32 v7, v20;
	v10 =	vmul.f32 $2.000000030e-01, v13;
	v20 =	vld [tilespmem:s21+$0xFFFFFFE0]  }
0x360: {  	v17 =	vmul.f32 v42, v1;
	v5 =	vadd.f32 v6, v5;
	v6 =	vmul.f32 v11, v57  }
0x361: {  	(erf) = vpow2.f32 v3;
	v10 =	vmax.f32 v13, v10;
	v13 =	vmul.f32 $2.000000030e-01, v14;
	v11 =	vld [tilespmem:s23+$0xFFFFFFD0]  }
0x362: {  	v9 =	vadd.f32 v9, v48;
	v5 =	vadd.f32 v6, v5;
	v6 =	vmul.f32 v10, v21;
	v52 =	vld [tilespmem:s21+$0xFFFFFF60]  }
0x363: {  	v3 =	vmul.f32 $2.000000030e-01, v7;
	v13 =	vmax.f32 v14, v13;
	v12 =	vadd.f32 v12, v45;
	v10 =	vld [tilespmem:s23+$0xFFFFFF60]  }
0x364: {  	s25 =	simm.s32 $0x2;
	v5 =	vadd.f32 v6, v5;
	v6 =	vmul.f32 v13, v40;
	v13 =	vmul.f32 $2.000000030e-01, v9;
	[tilespmem:$0x1FCD0] =	vst v20  }
0x365: {  	v1 =	vmov s25;
	v18 =	vmul.f32 v42, v18;
	v3 =	vmax.f32 v7, v3;
	v14 =	vld [tilespmem:s23+$0xFFFFFFE0]  }
0x366: {  	v36 =	vmovc v51;
	v43 =	vmovc v53;
	v7 =	vmul.f32 $2.000000030e-01, v12;
	v51 =	vadd.f32 v6, v5;
	v56 =	vmax.f32 v9, v13;
	v53 =	vld [tilespmem:s21+$0xFFFFFF70]  }
0x367: {  	v4 =	vmul.f32 $1.442695020e+00, v4;
	v5 =	vmul.f32 v56, v50;
	v9 =	vadd.f32 v11, v28;
	v6 =	vld [tilespmem:s23+$0xFFFFFF70]  }
0x368: {  	v19 =	vmovc v46;
	v7 =	vmax.f32 v12, v7;
	v11 =	vperm.xlane v51, v15;
	v10 =	vadd.f32 v10, v52;
	v46 =	vld [tilespmem:s21+$0xFFFFFFF0]  }
0x369: {  	v7 =	vmul.f32 v7, v35;
	v5 =	vadd.f32 $0.0e+00, v5;
	v13 =	vld [tilespmem:s23+$0xFFFFFFF0];
	v28 =	vmul.f32 $2.000000030e-01, v9  }
0x36a: {  	(erf) = vpow2.f32 v4;
	v54 =	vld [tilespmem:s21+$0xFFFFFF80];
	v4 =	vadd.f32 v51, v11;
	v11 =	vmul.f32 $2.000000030e-01, v10  }
0x36b: {  	v3 =	vmul.f32 v3, v50;
	v47 =	vld [tilespmem:s21+$0x0];
	v5 =	vadd.f32 v7, v5;
	v9 =	vmax.f32 v9, v28  }
0x36c: {  	v62 =	vld [tilespmem:s23+$0x0];
	v28 =	vperm.xlane v4, v38;
	v7 =	vmax.f32 v10, v11;
	v12 =	vadd.f32 v14, v20  }
0x36d: {  	v3 =	vadd.f32 $0.0e+00, v3;
	v9 =	vmul.f32 v9, v35;
	v7 =	vmul.f32 v7, v59;
	v14 =	vld [tilespmem:s23+$0xFFFFFF80]  }
0x36e: {  	v55 =	vld [tilespmem:s21+$0xFFFFFF90];
	v6 =	vadd.f32 v6, v53;
	v4 =	vadd.f32 v4, v28;
	v20 =	vpop (erf);
	v29 =	vmul.f32 $2.000000030e-01, v12  }
0x36f: {  	[tilespmem:s24+$0x40] =	vst v49;
	v49 =	vld [tilespmem:s21+$0x10];
	v13 =	vadd.f32 v13, v46;
	v3 =	vadd.f32 v9, v3;
	v51 =	vmul.f32 v20, v39  }
0x370: {  	v10 =	vmul.f32 $2.000000030e-01, v6;
	v9 =	vperm.xlane v4, v43;
	v11 =	vmax.f32 v12, v29;
	v12 =	vld [tilespmem:s23+$0xFFFFFF90]  }
0x371: {  	[tilespmem:s24+$0x60] =	vst v27;
	v56 =	vld [tilespmem:s21+$0xFFFFFFA0];
	v5 =	vadd.f32 v7, v5;
	v39 =	vmul.f32 v20, v25;
	v27 =	vmul.f32 $2.000000030e-01, v13  }
0x372: {  	[tilespmem:s24+$0x70] =	vst v17;
	v17 =	vld [tilespmem:s21+$0x20];
	v6 =	vmax.f32 v6, v10;
	v4 =	vadd.f32 v4, v9;
	v14 =	vadd.f32 v14, v54  }
0x373: {  	[tilespmem:s24+$0x50] =	vst v37;
	v28 =	vld [tilespmem:s23+$0x10];
	v9 =	vadd.f32 v62, v47;
	v11 =	vmul.f32 v11, v59;
	v6 =	vmul.f32 v6, v58  }
0x374: {  	[tilespmem:s24+$0x90] =	vst v2;
	v10 =	vld [tilespmem:s23+$0xFFFFFFA0];
	v13 =	vmax.f32 v13, v27;
	v2 =	vperm.xlane v4, v36;
	v7 =	vmul.f32 $2.000000030e-01, v14  }
0x375: {  	[tilespmem:s24+$0x80] =	vst v41;
	v41 =	vld [tilespmem:s21+$0xFFFFFFB0];
	v3 =	vadd.f32 v11, v3;
	v11 =	vadd.f32 v12, v55;
	v12 =	vmul.f32 $2.000000030e-01, v9  }
0x376: {  	[tilespmem:s24+$0xA0] =	vst v16;
	v27 =	vld [tilespmem:s23+$0x20];
	v29 =	vmul.f32 v20, v61;
	v13 =	vmul.f32 v13, v58;
	v5 =	vadd.f32 v6, v5  }
0x377: {  	[tilespmem:s24+$0xB0] =	vst v18;
	v2 =	vadd.f32 v4, v2;
	v6 =	vmax.f32 v14, v7;
	v7 =	vmax.f32 v9, v12;
	v9 =	vld [tilespmem:s23+$0xFFFFFFB0]  }
0x378: {  	v1 =	vld.idx.msk [tilespmem:v1+s13+$0x0], $0xffff;
	v3 =	vadd.f32 v13, v3;
	v6 =	vmul.f32 v6, v19;
	v12 =	vadd.f32 v28, v49  }
0x379: {  	v10 =	vadd.f32 v10, v56;
	v14 =	vld [tilespmem:s21+$0x30];
	v2 =	vmul.f32 $1.442695020e+00, v2;
	v37 =	vmul.f32 $2.000000030e-01, v11  }
0x37a: {  	v7 =	vmul.f32 v7, v19;
	v5 =	vadd.f32 v6, v5;
	v6 =	vld [tilespmem:s23+$0x30];
	v13 =	vmul.f32 $2.000000030e-01, v12  }
0x37b: {  	(erf) = vpow2.f32 v2;
	v2 =	vmul.f32 $2.000000030e-01, v10;
	v4 =	vmax.f32 v11, v37  }
0x37c: {  	v11 =	vadd.f32 v27, v17;
	v12 =	vmax.f32 v12, v13;
	v9 =	vadd.f32 v9, v41  }
0x37d: {  	v4 =	vmul.f32 v4, v57;
	v3 =	vadd.f32 v7, v3;
	v7 =	vmul.f32 v12, v57  }
0x37e: {  	[tilespmem:$0x1FBD0] =	vst v17;
	v2 =	vmax.f32 v10, v2;
	v12 =	vmul.f32 $2.000000030e-01, v11;
	v44 =	vmul.f32 $2.000000030e-01, v9  }
0x37f: {  	[tilespmem:$0x1FBE0] =	vst v14;
	v2 =	vmul.f32 v2, v21;
	v4 =	vadd.f32 v4, v5;
	v6 =	vadd.f32 v6, v14  }
0x380: {  	s23 =	simm.s32 $0x25C0;
	[tilespmem:v1+s11+$0x0] =	vst.idx.add.f32.msk $0x1, v42;
	v10 =	vmax.f32 v11, v12;
	v5 =	vmax.f32 v9, v44  }
0x381: {  	v18 =	vld [tilespmem:s23+$0x40];
	v1 =	vadd.f32 v2, v4;
	v2 =	vmul.f32 $2.000000030e-01, v6;
	v62 =	vmul.f32 v5, v40  }
0x382: {  	v16 =	vpop (erf);
	v27 =	vmul.f32 v20, v60;
	v60 =	vld [tilespmem:s23+$0x50];
	v3 =	vadd.f32 v7, v3;
	v10 =	vmul.f32 v10, v21  }
0x383: {  	s26 =	simm.s32 $0x65C0;
	v17 =	vmovc v38;
	v38 =	vmul.f32 v20, v22;
	v61 =	vld [tilespmem:s23+$0x60];
	v2 =	vmax.f32 v6, v2;
	v1 =	vadd.f32 v62, v1  }
0x384: {  	v37 =	vmul.f32 v20, v23;
	v3 =	vadd.f32 v10, v3;
	v28 =	vpop (erf);
	v5 =	vld [tilespmem:s26+$0x40];
	v2 =	vmul.f32 v2, v40  }
0x385: {  	v9 =	vld [tilespmem:s26+$0x50];
	v0 =	vmul.f32 v28, v0;
	v4 =	vperm.xlane v1, v15  }
0x386: {  	v42 =	vmul.f32 v20, v24;
	v13 =	vld [tilespmem:s26+$0x60];
	v6 =	vmul.f32 v28, v8;
	v3 =	vadd.f32 v2, v3  }
0x387: {  	v44 =	vld [tilespmem:s23+$0xB0];
	v7 =	vmul.f32 v28, v31;
	v8 =	vmul.f32 v28, v32;
	[tilespmem:s21+$0x40] =	vst v0;
	v4 =	vadd.f32 v1, v4  }
0x388: {  	v11 =	vmul.f32 v28, v33;
	v62 =	vld [tilespmem:s23+$0x70];
	[tilespmem:$0x1FBF0] =	vst v20;
	v10 =	vperm.xlane v3, v15  }
0x389: {  	v5 =	vadd.f32 v5, v18;
	[tilespmem:s21+$0x50] =	vst v6;
	v6 =	vmul.f32 v28, v63;
	v63 =	vld [tilespmem:s23+$0x80];
	v12 =	vperm.xlane v4, v17  }
0x38a: {  	v0 =	vmul.f32 v28, v34;
	v9 =	vadd.f32 v9, v60;
	[tilespmem:s21+$0x60] =	vst v7;
	v3 =	vadd.f32 v3, v10;
	v10 =	vld [tilespmem:s26+$0x70]  }
0x38b: {  	s30 =	simm.s32 $0x5;
	v2 =	vmul.f32 v20, v26;
	[tilespmem:s21+$0x70] =	vst v8;
	v23 =	vld [tilespmem:s26+$0x80];
	v4 =	vadd.f32 v4, v12;
	v12 =	vmul.f32 $2.000000030e-01, v5  }
0x38c: {  	v14 =	vmov s30;
	v7 =	vmul.f32 v28, v30;
	[tilespmem:s21+$0x80] =	vst v11;
	v8 =	vld [tilespmem:s23+$0x90];
	v11 =	vmul.f32 $2.000000030e-01, v9  }
0x38d: {  	v1 =	vld [tilespmem:s23+$0xA0];
	v20 =	vperm.xlane v3, v17;
	v5 =	vmax.f32 v5, v12;
	v12 =	vadd.f32 v13, v61  }
0x38e: {  	[tilespmem:s21+$0xA0] =	vst v6;
	v6 =	vmax.f32 v9, v11;
	v22 =	vperm.xlane v4, v43;
	v13 =	vld [tilespmem:s26+$0x90];
	v5 =	vmul.f32 v5, v50  }
0x38f: {  	v11 =	vld [tilespmem:s26+$0xA0];
	v3 =	vadd.f32 v3, v20;
	v10 =	vadd.f32 v10, v62;
	v9 =	vmul.f32 $2.000000030e-01, v12  }
0x390: {  	v6 =	vmul.f32 v6, v35;
	v4 =	vadd.f32 v4, v22;
	v5 =	vadd.f32 $0.0e+00, v5  }
0x391: {  	v22 =	vadd.f32 v23, v63;
	v9 =	vmax.f32 v12, v9;
	v12 =	vmul.f32 $2.000000030e-01, v10  }
0x392: {  	v26 =	vld [tilespmem:s26+$0xB0];
	[tilespmem:s21+$0xB0] =	vst v7;
	v7 =	vperm.xlane v3, v43;
	v5 =	vadd.f32 v6, v5;
	v6 =	vmul.f32 v9, v59  }
0x393: {  	[tilespmem:s21+$0x90] =	vst v0;
	v0 =	vld [tilespmem:s23+$0xFFFFFFC0];
	v13 =	vadd.f32 v13, v8;
	v10 =	vmax.f32 v10, v12;
	v12 =	vmul.f32 $2.000000030e-01, v22  }
0x394: {  	v24 =	vld [tilespmem:s23+$0xFFFFFF40];
	v11 =	vadd.f32 v11, v1;
	v5 =	vadd.f32 v6, v5;
	v6 =	vmul.f32 v10, v58  }
0x395: {  	v14 =	vld.idx.msk [tilespmem:v14+s13+$0x0], $0xffff;
	v3 =	vadd.f32 v3, v7;
	v10 =	vmax.f32 v22, v12;
	v12 =	vmul.f32 $2.000000030e-01, v13  }
0x396: {  	v20 =	vld [tilespmem:s23+$0xFFFFFFD0];
	v25 =	vperm.xlane v4, v36;
	v5 =	vadd.f32 v6, v5;
	v6 =	vmul.f32 v10, v19  }
0x397: {  	v7 =	vld [tilespmem:s26+$0xFFFFFFC0];
	v10 =	vmax.f32 v13, v12;
	v12 =	vmul.f32 $2.000000030e-01, v11;
	v13 =	vadd.f32 v26, v44  }
0x398: {  	v9 =	vld [tilespmem:s26+$0xFFFFFF40];
	v4 =	vadd.f32 v4, v25;
	v5 =	vadd.f32 v6, v5;
	v6 =	vmul.f32 v10, v57  }
0x399: {  	v23 =	vld [tilespmem:s23+$0xFFFFFF50];
	v22 =	vperm.xlane v3, v36;
	v10 =	vmax.f32 v11, v12;
	v11 =	vmul.f32 $2.000000030e-01, v13  }
0x39a: {  	v26 =	vld [tilespmem:s26+$0xFFFFFF50];
	v5 =	vadd.f32 v6, v5;
	v6 =	vmul.f32 v10, v21  }
0x39b: {  	v4 =	vmul.f32 $1.442695020e+00, v4;
	v3 =	vadd.f32 v3, v22;
	v12 =	vld [tilespmem:s26+$0xFFFFFFD0];
	[tilespmem:$0x1FC00] =	vst v24;
	v10 =	vmax.f32 v13, v11  }
0x39c: {  	v7 =	vadd.f32 v7, v0;
	v25 =	vld [tilespmem:s23+$0xFFFFFF60];
	[tilespmem:$0x1FC10] =	vst v0;
	v5 =	vadd.f32 v6, v5;
	v6 =	vmul.f32 v10, v40  }
0x39d: {  	v9 =	vadd.f32 v9, v24;
	v3 =	vmul.f32 $1.442695020e+00, v3;
	v11 =	vld [tilespmem:s26+$0xFFFFFF60]  }
0x39e: {  	(erf) = vpow2.f32 v4;
	v31 =	vld [tilespmem:s23+$0xFFFFFFE0];
	v13 =	vmul.f32 $2.000000030e-01, v7;
	v5 =	vadd.f32 v6, v5  }
0x39f: {  	v34 =	vmul.f32 $2.000000030e-01, v9;
	(erf) = vpow2.f32 v3;
	v3 =	vld [tilespmem:s26+$0xFFFFFFE0]  }
0x3a0: {  	v10 =	vadd.f32 v26, v23;
	v26 =	vld [tilespmem:s23+$0xFFFFFF70];
	[tilespmem:$0x1FC20] =	vst v20;
	v7 =	vmax.f32 v7, v13;
	v13 =	vperm.xlane v5, v15  }
0x3a1: {  	v4 =	vmax.f32 v9, v34;
	v33 =	vld [tilespmem:s23+$0xFFFFFFF0];
	v9 =	vadd.f32 v12, v20  }
0x3a2: {  	v4 =	vmul.f32 v4, v50;
	[tilespmem:v14+s11+$0x0] =	vst.idx.add.f32.msk $0x1, v28;
	v6 =	vmul.f32 $2.000000030e-01, v10;
	v5 =	vadd.f32 v5, v13  }
0x3a3: {  	v12 =	vld [tilespmem:s26+$0xFFFFFF70];
	v7 =	vmul.f32 v7, v50;
	v30 =	vmul.f32 $2.000000030e-01, v9  }
0x3a4: {  	v28 =	vld [tilespmem:s23+$0xFFFFFF80];
	v11 =	vadd.f32 v11, v25;
	v6 =	vmax.f32 v10, v6;
	v14 =	vperm.xlane v5, v17  }
0x3a5: {  	v0 =	vld [tilespmem:$0x1FC30];
	v3 =	vadd.f32 v3, v31;
	v7 =	vadd.f32 $0.0e+00, v7;
	v9 =	vmax.f32 v9, v30  }
0x3a6: {  	v50 =	vld [tilespmem:s26+$0xFFFFFF80];
	v6 =	vmul.f32 v6, v35;
	v9 =	vmul.f32 v9, v35;
	v5 =	vadd.f32 v5, v14  }
0x3a7: {  	v4 =	vadd.f32 $0.0e+00, v4;
	v10 =	vld [tilespmem:s26+$0xFFFFFFF0];
	v13 =	vmul.f32 $2.000000030e-01, v11;
	v30 =	vmul.f32 $2.000000030e-01, v3  }
0x3a8: {  	v34 =	vld [tilespmem:s23+$0x0];
	v12 =	vadd.f32 v12, v26;
	v7 =	vadd.f32 v9, v7;
	v9 =	vperm.xlane v5, v43  }
0x3a9: {  	[tilespmem:s24+$0xFFFFFF40] =	vst v51;
	v4 =	vadd.f32 v6, v4;
	v6 =	vmax.f32 v11, v13;
	v11 =	vld [tilespmem:s26+$0x0];
	v3 =	vmax.f32 v3, v30  }
0x3aa: {  	v13 =	vmul.f32 $2.000000030e-01, v12;
	v5 =	vadd.f32 v5, v9;
	v9 =	vmul.f32 v16, v0;
	v0 =	vld [tilespmem:$0x1FC40]  }
0x3ab: {  	v32 =	vld [tilespmem:s23+$0xFFFFFFA0];
	v6 =	vmul.f32 v6, v59;
	v3 =	vmul.f32 v3, v59  }
0x3ac: {  	v35 =	vld [tilespmem:s23+$0x10];
	v10 =	vadd.f32 v10, v33;
	v14 =	vadd.f32 v50, v28  }
0x3ad: {  	v30 =	vld [tilespmem:s23+$0xFFFFFF90];
	v4 =	vadd.f32 v6, v4;
	v12 =	vmax.f32 v12, v13;
	v3 =	vadd.f32 v3, v7  }
0x3ae: {  	v6 =	vld [tilespmem:s26+$0xFFFFFF90];
	v12 =	vmul.f32 v12, v58;
	v7 =	vmul.f32 $2.000000030e-01, v14;
	v11 =	vadd.f32 v11, v34  }
0x3af: {  	v13 =	vmul.f32 $2.000000030e-01, v10;
	v50 =	vmul.f32 v16, v0;
	v0 =	vld [tilespmem:$0x1FC50]  }
0x3b0: {  	v4 =	vadd.f32 v12, v4;
	v12 =	vld [tilespmem:s26+$0xFFFFFFA0];
	v7 =	vmax.f32 v14, v7;
	v14 =	vmul.f32 $2.000000030e-01, v11  }
0x3b1: {  	v10 =	vmax.f32 v10, v13;
	v13 =	vld [tilespmem:s26+$0x10];
	[tilespmem:s24+$0xFFFFFF50] =	vst v27  }
0x3b2: {  	v11 =	vmax.f32 v11, v14;
	v14 =	vld [tilespmem:s26+$0x20];
	[tilespmem:s24+$0xFFFFFF60] =	vst v38  }
0x3b3: {  	v10 =	vmul.f32 v10, v58;
	v20 =	vld [tilespmem:$0x1FC70]  }
0x3b4: {  	v6 =	vadd.f32 v6, v30;
	v27 =	vperm.xlane v5, v36;
	v51 =	vmul.f32 v16, v0;
	v0 =	vld [tilespmem:$0x1FC60];
	[tilespmem:s24+$0xFFFFFF70] =	vst v37  }
0x3b5: {  	v3 =	vadd.f32 v10, v3;
	v10 =	vadd.f32 v12, v32;
	v12 =	vld [tilespmem:s26+$0xFFFFFFB0];
	[tilespmem:s24+$0xFFFFFF80] =	vst v42  }
0x3b6: {  	v7 =	vmul.f32 v7, v19;
	v13 =	vadd.f32 v13, v35;
	v36 =	vld [tilespmem:s23+$0x30];
	v5 =	vadd.f32 v5, v27;
	[tilespmem:s24+$0xFFFFFF90] =	vst v39  }
0x3b7: {  	v27 =	vmul.f32 $2.000000030e-01, v6;
	v37 =	vld [tilespmem:s23+$0x20];
	[tilespmem:s24+$0xFFFFFFA0] =	vst v29  }
0x3b8: {  	v4 =	vadd.f32 v7, v4;
	v7 =	vmul.f32 $2.000000030e-01, v13;
	v5 =	vmul.f32 $1.442695020e+00, v5;
	v42 =	vld [tilespmem:s23+$0xFFFFFFB0];
	[tilespmem:s24+$0xFFFFFFB0] =	vst v2  }
0x3b9: {  	v11 =	vmul.f32 v11, v19;
	v2 =	vmax.f32 v6, v27;
	v38 =	vmul.f32 v16, v20;
	v6 =	vld [tilespmem:$0x1FC80]  }
0x3ba: {  	v59 =	vmax.f32 v13, v7;
	v7 =	vld [tilespmem:s26+$0x30];
	(erf) = vpow2.f32 v5;
	[tilespmem:s24+$0xFFFFFFC0] =	vst v9;
	v9 =	vmul.f32 $2.000000030e-01, v10  }
0x3bb: {  	v2 =	vmul.f32 v2, v57;
	v5 =	vmul.f32 v59, v57;
	v27 =	vpop (erf)  }
0x3bc: {  	v3 =	vadd.f32 v11, v3;
	[tilespmem:s24+$0xFFFFFFD0] =	vst v50;
	v39 =	vmul.f32 v27, v48;
	v0 =	vmul.f32 v16, v0  }
0x3bd: {  	v11 =	vld [tilespmem:$0x1FC90];
	[tilespmem:s24+$0xFFFFFFE0] =	vst v51;
	v45 =	vmul.f32 v27, v45;
	v9 =	vmax.f32 v10, v9;
	v13 =	vadd.f32 v14, v37  }
0x3be: {  	v2 =	vadd.f32 v2, v4;
	v14 =	vld [tilespmem:$0x1FCA0];
	v6 =	vmul.f32 v16, v6;
	[tilespmem:s24+$0xFFFFFFF0] =	vst v0;
	v0 =	vadd.f32 v12, v42  }
0x3bf: {  	v7 =	vadd.f32 v7, v36;
	v9 =	vmul.f32 v9, v21;
	[tilespmem:s24+$0x0] =	vst v38;
	v19 =	vmul.f32 $2.000000030e-01, v13  }
0x3c0: {  	v58 =	vmul.f32 v27, v53;
	v3 =	vadd.f32 v5, v3;
	[tilespmem:s24+$0x10] =	vst v6;
	v6 =	vmul.f32 $2.000000030e-01, v0  }
0x3c1: {  	[tilespmem:s21+$0xFFFFFF40] =	vst v39;
	v2 =	vadd.f32 v9, v2;
	v9 =	vmul.f32 $2.000000030e-01, v7;
	v4 =	vmax.f32 v13, v19  }
0x3c2: {  	s25 =	simm.s32 $0x0;
	[tilespmem:s21+$0xFFFFFF50] =	vst v45;
	v11 =	vmul.f32 v16, v11;
	v4 =	vmul.f32 v4, v21;
	v0 =	vmax.f32 v0, v6  }
0x3c3: {  	v29 =	vpop (erf);
	v10 =	vmov s25;
	[tilespmem:s21+$0xFFFFFF70] =	vst v58;
	v14 =	vmul.f32 v16, v14;
	v0 =	vmul.f32 v0, v40  }
0x3c4: {  	v57 =	vmax.f32 v7, v9;
	[tilespmem:s24+$0x20] =	vst v11;
	v6 =	vmul.f32 v27, v52;
	v52 =	vpop (erf);
	v3 =	vadd.f32 v4, v3  }
0x3c5: {  	s26 =	simm.s32 $0x1;
	[tilespmem:s24+$0x30] =	vst v14;
	v59 =	vmul.f32 v52, v18;
	v0 =	vadd.f32 v0, v2;
	v2 =	vmul.f32 v57, v40  }
0x3c6: {  	v12 =	vmov s26;
	[tilespmem:s21+$0xFFFFFF60] =	vst v6;
	v6 =	vmul.f32 v52, v60  }
0x3c7: {  	[tilespmem:s23+$0x40] =	vst v59;
	v2 =	vadd.f32 v2, v3;
	v3 =	vmul.f32 v52, v61  }
0x3c8: {  	[tilespmem:s23+$0x50] =	vst v6;
	v61 =	vmul.f32 v52, v62  }
0x3c9: {  	s29 =	simm.s32 $0x6740;
	v51 =	vld.idx.msk [tilespmem:v10+s13+$0x0], $0xffff;
	[tilespmem:s23+$0x60] =	vst v3;
	v3 =	vmul.f32 v52, v63  }
0x3ca: {  	v10 =	vld [tilespmem:s29+$0x50];
	[tilespmem:s23+$0x70] =	vst v61;
	v63 =	vmul.f32 v52, v8  }
0x3cb: {  	s24 =	simm.s32 $0x2740;
	v1 =	vmul.f32 v52, v1;
	v39 =	vld.idx.msk [tilespmem:v12+s13+$0x0], $0xffff;
	[tilespmem:s23+$0x80] =	vst v3  }
0x3cc: {  	v45 =	vld [tilespmem:s24+$0xB0];
	[tilespmem:s23+$0x90] =	vst v63  }
0x3cd: {  	v5 =	vld [tilespmem:$0x1FCB0];
	[tilespmem:s23+$0xA0] =	vst v1  }
0x3ce: {  	v1 =	vld [tilespmem:$0x1FCC0]  }
0x3cf: {  	v48 =	vld [tilespmem:s24+$0x70];
	v60 =	vperm.xlane v0, v15  }
0x3d0: {  	v38 =	vld [tilespmem:s24+$0x40];
	v3 =	vmul.f32 v52, v44  }
0x3d1: {  	s30 =	simm.s32 $0x8;
	v6 =	vld [tilespmem:s29+$0x40];
	v0 =	vadd.f32 v0, v60;
	v62 =	vperm.xlane v2, v15  }
0x3d2: {  	v58 =	vmul.f32 v29, v47;
	v7 =	vmul.f32 v27, v54;
	v9 =	vmov s30;
	v40 =	vld [tilespmem:s24+$0x50];
	[tilespmem:s23+$0xB0] =	vst v3  }
0x3d3: {  	v4 =	vadd.f32 v2, v62;
	v2 =	vperm.xlane v0, v17;
	v63 =	vmul.f32 v29, v1;
	v1 =	vld [tilespmem:$0x1FCD0]  }
0x3d4: {  	v54 =	vmul.f32 v27, v55;
	v59 =	vmul.f32 v27, v41;
	v41 =	vld [tilespmem:s24+$0x60]  }
0x3d5: {  	v55 =	vmul.f32 v27, v56;
	v56 =	vmul.f32 v29, v46;
	v8 =	vld [tilespmem:s29+$0x60];
	v53 =	vadd.f32 v0, v2  }
0x3d6: {  	v24 =	vmovc v23;
	v60 =	vmul.f32 v29, v49;
	v50 =	vadd.f32 v6, v38;
	v0 =	vperm.xlane v4, v17;
	v2 =	vld [tilespmem:s29+$0x70]  }
0x3d7: {  	s28 =	simm.s32 $0x3;
	v23 =	vmovc v16;
	v46 =	vadd.f32 v10, v40;
	v44 =	vperm.xlane v53, v43;
	v43 =	vld [tilespmem:s24+$0x80];
	v61 =	vmul.f32 v29, v5  }
0x3d8: {  	s9 =	simm.s32 $0xC;
	s25 =	simm.s32 $0x6;
	s26 =	simm.s32 $0x9;
	v47 =	vmul.f32 $2.000000030e-01, v50;
	[tilespmem:s21+$0xFFFFFF80] =	vst v7;
	v62 =	vmul.f32 v29, v1;
	v1 =	vadd.f32 v4, v0;
	v0 =	vld.idx.msk [tilespmem:v9+s13+$0x0], $0xffff  }
.LBB2_12:
0x3d9: {  	v3 =	vld [tilespmem:s29+$0x80]  }
0x3da: {  	v18 =	vld [tilespmem:$0x1FFE0]  }
0x3db: {  	v6 =	vld [tilespmem:$0x1FBD0]  }
0x3dc: {  	v17 =	vld [tilespmem:$0x1FF20]  }
0x3dd: {  	v10 =	vld [tilespmem:s29+$0x90]  }
0x3de: {  	v22 =	vld [tilespmem:$0x1FFF0]  }
0x3df: {  	[tilespmem:s21+$0xFFFFFFC0] =	vst v61;
	v61 =	vld [tilespmem:$0x1FF30]  }
0x3e0: {  	v12 =	vld [tilespmem:s29+$0xA0]  }
0x3e1: {  	v14 =	vld [tilespmem:s29+$0xB0]  }
0x3e2: {  	[tilespmem:s21+$0xFFFFFFD0] =	vst v63;
	v63 =	vld [tilespmem:$0x1FF40]  }
0x3e3: {  	v19 =	vld [tilespmem:$0x1FF60]  }
0x3e4: {  	[tilespmem:s21+$0xFFFFFFA0] =	vst v55;
	v20 =	vld [tilespmem:$0x1FF70]  }
0x3e5: {  	v8 =	vadd.f32 v8, v41;
	v21 =	vld [tilespmem:$0x1FF80];
	[tilespmem:s21+$0xFFFFFF90] =	vst v54  }
0x3e6: {  	v7 =	vmax.f32 v50, v47;
	v9 =	vmul.f32 $2.000000030e-01, v46;
	v50 =	vld [tilespmem:s24+$0x90];
	[tilespmem:s21+$0xFFFFFFB0] =	vst v59;
	v5 =	vperm.xlane v1, v18  }
0x3e7: {  	v4 =	vadd.f32 v53, v44;
	v53 =	vld [tilespmem:s24+$0xA0];
	[tilespmem:s21+$0xFFFFFFE0] =	vst v62;
	v2 =	vadd.f32 v2, v48;
	v7 =	vmul.f32 v7, v17  }
0x3e8: {  	[tilespmem:s21+$0xFFFFFFF0] =	vst v56;
	v59 =	vmovc v42;
	v42 =	vld [tilespmem:$0x1FF50];
	v5 =	vadd.f32 v1, v5;
	v1 =	vmax.f32 v46, v9;
	v9 =	vmul.f32 $2.000000030e-01, v8  }
0x3e9: {  	[tilespmem:s21+$0x0] =	vst v58;
	v56 =	vld [tilespmem:s24+$0xFFFFFFC0];
	v11 =	vperm.xlane v4, v22;
	v7 =	vadd.f32 $0.0e+00, v7;
	v1 =	vmul.f32 v1, v61  }
0x3ea: {  	[tilespmem:v0+s11+$0x0] =	vst.idx.add.f32.msk $0x1, v52;
	v3 =	vadd.f32 v3, v43;
	v8 =	vmax.f32 v8, v9;
	v9 =	vmul.f32 $2.000000030e-01, v2  }
0x3eb: {  	v57 =	vld [tilespmem:s24+$0xFFFFFFD0];
	v0 =	vmovc v37;
	v6 =	vmul.f32 v29, v6;
	v1 =	vadd.f32 v1, v7;
	v7 =	vmul.f32 v8, v63  }
0x3ec: {  	v55 =	vmovc v39;
	v39 =	vld [tilespmem:s29+$0xFFFFFF60];
	[tilespmem:$0x1FBD0] =	vst v0;
	v4 =	vadd.f32 v4, v11;
	v0 =	vmax.f32 v2, v9;
	v2 =	vmul.f32 $2.000000030e-01, v3  }
0x3ed: {  	v8 =	vld [tilespmem:s29+$0xFFFFFF40];
	v9 =	vadd.f32 v10, v50;
	v7 =	vadd.f32 v7, v1;
	v0 =	vmul.f32 v0, v42  }
0x3ee: {  	v11 =	vadd.f32 v12, v53;
	v13 =	vperm.xlane v5, v22;
	v10 =	vld [tilespmem:s29+$0xFFFFFFC0];
	v2 =	vmax.f32 v3, v2  }
0x3ef: {  	v1 =	vld [tilespmem:s24+$0xFFFFFF40];
	v3 =	vmul.f32 $2.000000030e-01, v9;
	v16 =	vadd.f32 v0, v7;
	v7 =	vmul.f32 v2, v19  }
0x3f0: {  	v12 =	vld [tilespmem:s29+$0xFFFFFF50];
	v4 =	vmul.f32 $1.442695020e+00, v4;
	[tilespmem:s21+$0x20] =	vst v6;
	v6 =	vmul.f32 $2.000000030e-01, v11  }
0x3f1: {  	[tilespmem:s21+$0x10] =	vst v60;
	v3 =	vmax.f32 v9, v3;
	v9 =	vadd.f32 v14, v45;
	v7 =	vadd.f32 v7, v16;
	v16 =	vld [tilespmem:$0x1FF10]  }
0x3f2: {  	v5 =	vadd.f32 v5, v13;
	(erf) = vpow2.f32 v4;
	v13 =	vld [tilespmem:s29+$0xFFFFFFD0];
	v3 =	vmul.f32 v3, v20  }
0x3f3: {  	v6 =	vmax.f32 v11, v6;
	v2 =	vld [tilespmem:s24+$0xFFFFFF50];
	v10 =	vadd.f32 v10, v56;
	v11 =	vmul.f32 $2.000000030e-01, v9  }
0x3f4: {  	v44 =	vmovc v31;
	v31 =	vld [tilespmem:s24+$0xFFFFFFE0];
	v6 =	vmul.f32 v6, v21;
	v3 =	vadd.f32 v3, v7;
	v7 =	vadd.f32 v8, v1  }
0x3f5: {  	v5 =	vmul.f32 $1.442695020e+00, v5;
	v0 =	vmovc v48;
	v48 =	vld [tilespmem:s24+$0xFFFFFF70];
	v14 =	vmul.f32 $2.000000030e-01, v10;
	v9 =	vmax.f32 v9, v11  }
0x3f6: {  	v8 =	vld [tilespmem:s24+$0xFFFFFF60];
	v3 =	vadd.f32 v6, v3;
	v6 =	vmul.f32 v9, v16;
	v9 =	vmul.f32 $2.000000030e-01, v7  }
0x3f7: {  	v58 =	vmov v45;
	(erf) = vpow2.f32 v5;
	v45 =	vmax.f32 v10, v14;
	v10 =	vld [tilespmem:s29+$0xFFFFFFE0]  }
0x3f8: {  	v12 =	vadd.f32 v12, v2;
	v3 =	vadd.f32 v6, v3;
	v6 =	vld [tilespmem:$0x1FBE0];
	v7 =	vmax.f32 v7, v9  }
0x3f9: {  	v11 =	vmov v36;
	v5 =	vmul.f32 v45, v17;
	v7 =	vmul.f32 v7, v17;
	v17 =	vld [tilespmem:$0x1FFD0]  }
0x3fa: {  	[tilespmem:$0x1FBE0] =	vst v11;
	v9 =	vmul.f32 $2.000000030e-01, v12;
	v11 =	vadd.f32 v13, v57;
	v13 =	vld [tilespmem:s29+$0xFFFFFF70];
	v14 =	vperm.xlane v3, v15  }
0x3fb: {  	v49 =	vmov v35;
	v35 =	vld [tilespmem:s29+$0xFFFFFF80];
	v4 =	vadd.f32 v39, v8;
	v5 =	vadd.f32 $0.0e+00, v5  }
0x3fc: {  	v54 =	vmovc v51;
	v60 =	vld [tilespmem:s24+$0xFFFFFF80];
	v51 =	vmul.f32 $2.000000030e-01, v11;
	v9 =	vmax.f32 v12, v9;
	v3 =	vadd.f32 v3, v14  }
0x3fd: {  	v46 =	vmovc v33;
	v33 =	vld [tilespmem:s24+$0xFFFFFFF0];
	v10 =	vadd.f32 v10, v31;
	v9 =	vmul.f32 v9, v61;
	v6 =	vmul.f32 v29, v6  }
0x3fe: {  	v36 =	vld [tilespmem:s29+$0xFFFFFF90];
	v7 =	vadd.f32 $0.0e+00, v7;
	v14 =	vmul.f32 $2.000000030e-01, v4;
	v62 =	vperm.xlane v3, v17  }
0x3ff: {  	v15 =	vld [tilespmem:s29+$0xFFFFFFB0];
	v11 =	vmax.f32 v11, v51;
	v51 =	vmul.f32 $2.000000030e-01, v10;
	v13 =	vadd.f32 v13, v48;
	[tilespmem:s21+$0x30] =	vst v6  }
0x400: {  	v11 =	vmul.f32 v11, v61;
	v4 =	vmax.f32 v4, v14;
	v12 =	vld [tilespmem:s29+$0xFFFFFFF0];
	v3 =	vadd.f32 v3, v62  }
0x401: {  	v47 =	vmovc v34;
	v7 =	vadd.f32 v9, v7;
	v14 =	vmul.f32 $2.000000030e-01, v13;
	v4 =	vmul.f32 v4, v63;
	v34 =	vld [tilespmem:s24+$0x0]  }
0x402: {  	v39 =	vadd.f32 v35, v60;
	v5 =	vadd.f32 v11, v5;
	v9 =	vld [tilespmem:s29+$0x0];
	v11 =	vperm.xlane v3, v18  }
0x403: {  	v10 =	vmax.f32 v10, v51;
	v62 =	vld [tilespmem:s24+$0xFFFFFF90];
	v4 =	vadd.f32 v4, v7;
	v7 =	vmax.f32 v13, v14  }
0x404: {  	s16 =	sadd.s32 $0x1, s28;
	v10 =	vmul.f32 v10, v63;
	v35 =	vld [tilespmem:s24+$0x10];
	v7 =	vmul.f32 v7, v42;
	v3 =	vadd.f32 v3, v11  }
0x405: {  	v6 =	vmov s16;
	v13 =	vld [tilespmem:s29+$0x10];
	v11 =	vmul.f32 $2.000000030e-01, v39;
	v12 =	vadd.f32 v12, v33  }
0x406: {  	v63 =	vld [tilespmem:s24+$0xFFFFFFA0];
	v5 =	vadd.f32 v10, v5;
	v4 =	vadd.f32 v7, v4;
	v10 =	vperm.xlane v3, v22  }
0x407: {  	v14 =	vld [tilespmem:s29+$0xFFFFFFA0];
	v9 =	vadd.f32 v9, v34;
	v7 =	vmax.f32 v39, v11;
	v51 =	vmul.f32 $2.000000030e-01, v12  }
0x408: {  	v37 =	vld [tilespmem:s24+$0x20];
	v7 =	vmul.f32 v7, v19;
	v3 =	vadd.f32 v3, v10  }
0x409: {  	v11 =	vld [tilespmem:s29+$0x20];
	v12 =	vmax.f32 v12, v51;
	v51 =	vadd.f32 v36, v62;
	v36 =	vmul.f32 $2.000000030e-01, v9  }
0x40a: {  	v13 =	vadd.f32 v13, v35;
	v39 =	vld.idx.msk [tilespmem:v6+s13+$0x0], $0xffff;
	v4 =	vadd.f32 v7, v4;
	v12 =	vmul.f32 v12, v42  }
0x40b: {  	v42 =	vld [tilespmem:s24+$0xFFFFFFB0];
	v3 =	vmul.f32 $1.442695020e+00, v3;
	v10 =	vmul.f32 $2.000000030e-01, v51;
	v9 =	vmax.f32 v9, v36  }
0x40c: {  	v45 =	vpop (erf);
	v36 =	vld [tilespmem:s24+$0x30];
	v5 =	vadd.f32 v12, v5;
	v12 =	vadd.f32 v14, v63;
	v9 =	vmul.f32 v9, v19  }
0x40d: {  	v61 =	vpop (erf);
	v14 =	vmul.f32 $2.000000030e-01, v13;
	(erf) = vpow2.f32 v3;
	v7 =	vmax.f32 v51, v10;
	v10 =	vld [tilespmem:s29+$0x30]  }
0x40e: {  	v52 =	vmov s28;
	v11 =	vadd.f32 v11, v37;
	[tilespmem:v55+s11+$0x0] =	vst.idx.add.f32.msk $0x1, v23;
	v3 =	vmul.f32 $2.000000030e-01, v12  }
0x40f: {  	v13 =	vmax.f32 v13, v14;
	v14 =	vmul.f32 v7, v20;
	v5 =	vadd.f32 v9, v5  }
0x410: {  	v9 =	vmul.f32 v13, v20;
	v6 =	vadd.f32 v15, v42;
	v13 =	vld [tilespmem:$0x1FBF0];
	v3 =	vmax.f32 v12, v3  }
0x411: {  	v12 =	vmul.f32 $2.000000030e-01, v11;
	v4 =	vadd.f32 v14, v4;
	v7 =	vmovc v27;
	v3 =	vmul.f32 v3, v21  }
0x412: {  	[tilespmem:$0x1FBF0] =	vst v7;
	v7 =	vmul.f32 $2.000000030e-01, v6;
	v10 =	vadd.f32 v10, v36  }
0x413: {  	v51 =	vld.idx.msk [tilespmem:v52+s13+$0x0], $0xffff;
	v5 =	vadd.f32 v9, v5;
	v9 =	vmax.f32 v11, v12;
	v3 =	vadd.f32 v3, v4  }
0x414: {  	v27 =	vmovc v45;
	v11 =	vmovc v1;
	v19 =	vmul.f32 v9, v21;
	v9 =	vld [tilespmem:$0x1FC00];
	v1 =	vmax.f32 v6, v7;
	v6 =	vmul.f32 $2.000000030e-01, v10  }
0x415: {  	v7 =	vmul.f32 v45, v24;
	v24 =	vmov v2;
	[tilespmem:v54+s11+$0x0] =	vst.idx.add.f32.msk $0x1, v13;
	v1 =	vmul.f32 v1, v16  }
0x416: {  	s21 =	smov.u32 s23;
	v2 =	vadd.f32 v19, v5;
	v52 =	vpop (erf);
	v19 =	vmax.f32 v10, v6;
	v6 =	vmul.f32 v27, v26  }
0x417: {  	[tilespmem:s21+$0xFFFFFF50] =	vst v7;
	v38 =	vmul.f32 v52, v38  }
0x418: {  	s23 =	smov.u32 s24;
	s24 =	sadd.s32 $0x180, s24;
	v15 =	vld [tilespmem:$0x1FF90];
	v1 =	vadd.f32 v1, v3;
	v40 =	vmul.f32 v52, v40;
	v3 =	vmul.f32 v19, v16;
	[tilespmem:s21+$0xFFFFFF70] =	vst v6  }
0x419: {  	v26 =	vmov v48;
	v48 =	vld [tilespmem:s24+$0x70];
	v9 =	vmul.f32 v45, v9;
	v45 =	vmul.f32 v27, v25;
	[tilespmem:s23+$0x40] =	vst v38  }
0x41a: {  	v2 =	vadd.f32 v3, v2;
	v3 =	vmul.f32 v52, v41;
	v38 =	vld [tilespmem:s24+$0x40];
	[tilespmem:s23+$0x50] =	vst v40  }
0x41b: {  	s29 =	sadd.s32 $0x180, s29;
	v0 =	vmul.f32 v52, v0;
	[tilespmem:s21+$0xFFFFFF60] =	vst v45;
	v45 =	vld [tilespmem:s24+$0xB0]  }
0x41c: {  	v4 =	vld [tilespmem:s29+$0x40];
	[tilespmem:s23+$0x60] =	vst v3  }
0x41d: {  	v7 =	vmul.f32 v27, v28;
	v3 =	vmul.f32 v52, v43;
	v40 =	vld [tilespmem:s24+$0x50];
	[tilespmem:s23+$0x70] =	vst v0  }
0x41e: {  	v28 =	vmov v60;
	[tilespmem:s21+$0xFFFFFF40] =	vst v9;
	v60 =	vperm.xlane v2, v15;
	v0 =	vmul.f32 v52, v50;
	v9 =	vld [tilespmem:s29+$0x50]  }
0x41f: {  	[tilespmem:s23+$0x80] =	vst v3;
	v3 =	vld [tilespmem:$0x1FC10]  }
0x420: {  	v6 =	vperm.xlane v1, v15;
	v5 =	vadd.f32 v2, v60;
	v2 =	vmul.f32 v52, v53;
	v41 =	vld [tilespmem:s24+$0x60];
	[tilespmem:s23+$0x90] =	vst v0  }
0x421: {  	s28 =	smov.u32 s25;
	s25 =	smov.u32 s26;
	v25 =	vmov v8;
	v8 =	vld [tilespmem:s29+$0x60]  }
0x422: {  	s30 =	sadd.s32 $0x2, s25;
	v55 =	vmul.f32 v27, v32;
	v1 =	vadd.f32 v1, v6;
	[tilespmem:s23+$0xA0] =	vst v2;
	v2 =	vld [tilespmem:$0x1FC20]  }
0x423: {  	v23 =	vmovc v29;
	v29 =	vmovc v61;
	v59 =	vmul.f32 v27, v59;
	v54 =	vmul.f32 v27, v30;
	v6 =	vmov s30  }
0x424: {  	p1 =	slt.u32 s9, $0x3C;
	v30 =	vmov v62;
	v62 =	vmul.f32 v29, v44;
	v10 =	vperm.xlane v1, v17  }
.Ltmp9:
0x425: {  	v32 =	vmovc v63;
	[tilespmem:$0x1FC00] =	vst v11;
	v0 =	vmul.f32 v52, v58;
	v61 =	vmul.f32 v29, v3;
	v3 =	vmov v56;
	(pc) =	sbr.rel @p1 .LBB2_12-.Ltmp9, $4  }
0x426: {  	[tilespmem:s21+$0xFFFFFF80] =	vst v7;
	v60 =	vmul.f32 v29, v49;
	v53 =	vadd.f32 v1, v10;
	v1 =	vperm.xlane v5, v17  }
0x427: {  	v58 =	vmul.f32 v29, v47;
	v50 =	vadd.f32 v4, v38;
	v63 =	vmul.f32 v29, v2;
	v2 =	vld [tilespmem:s29+$0x70];
	[tilespmem:s23+$0xB0] =	vst v0  }
0x428: {  	v44 =	vperm.xlane v53, v18;
	v1 =	vadd.f32 v5, v1;
	[tilespmem:$0x1FC10] =	vst v3;
	v0 =	vld.idx.msk [tilespmem:v6+s13+$0x0], $0xffff;
	v3 =	vmov v57  }
0x429: {  	s26 =	smov.u32 s9;
	s9 =	sadd.s32 $0x3, s9;
	v47 =	vmul.f32 $2.000000030e-01, v50;
	v56 =	vmul.f32 v29, v46;
	v46 =	vadd.f32 v9, v40;
	v43 =	vld [tilespmem:s24+$0x80];
	[tilespmem:$0x1FC20] =	vst v3  }
0x42a: {  	v14 =	vld [tilespmem:s24+$0x90];
	_ =	sdelay $0x4  }
0x42b: {  	v3 =	vld [tilespmem:s29+$0x80];
	[tilespmem:$0x1FB20] =	vst v14  }
0x42c: {  	v17 =	vld [tilespmem:s24+$0xA0]  }
0x42d: {  	v6 =	vadd.f32 v8, v41;
	v8 =	vld [tilespmem:s29+$0x90]  }
0x42e: {  	v57 =	vld [tilespmem:$0x1FF20]  }
0x42f: {  	v5 =	vmul.f32 $2.000000030e-01, v46  }
0x430: {  	v49 =	vld [tilespmem:$0x1FF30]  }
0x431: {  	v5 =	vmax.f32 v46, v5;
	v46 =	vld [tilespmem:$0x1FF40];
	[tilespmem:$0x1FB30] =	vst v17  }
0x432: {  	v4 =	vmax.f32 v50, v47;
	v8 =	vadd.f32 v8, v14;
	v14 =	vld [tilespmem:s24+$0xFFFFFFC0]  }
0x433: {  	v4 =	vmul.f32 v4, v57  }
0x434: {  	v9 =	vmul.f32 $2.000000030e-01, v6  }
0x435: {  	v5 =	vmul.f32 v5, v49;
	v4 =	vadd.f32 $0.0e+00, v4;
	v11 =	vld [tilespmem:s29+$0xA0]  }
0x436: {  	v6 =	vmax.f32 v6, v9;
	v12 =	vld [tilespmem:s29+$0xB0]  }
0x437: {  	v4 =	vadd.f32 v5, v4;
	v5 =	vmul.f32 v6, v46;
	v6 =	vld [tilespmem:s29+$0xFFFFFF40];
	[tilespmem:$0x1FB80] =	vst v14  }
0x438: {  	v21 =	vld [tilespmem:s24+$0xFFFFFF40];
	_ =	sdelay $0x1  }
0x439: {  	v2 =	vadd.f32 v2, v48;
	_ =	sdelay $0x1  }
0x43a: {  	v16 =	vld [tilespmem:$0x1FFF0];
	v22 =	vmul.f32 $2.000000030e-01, v2  }
0x43b: {  	v4 =	vadd.f32 v5, v4;
	v5 =	vld [tilespmem:s29+$0xFFFFFFC0];
	[tilespmem:$0x1FB40] =	vst v21  }
0x43c: {  	v2 =	vmax.f32 v2, v22;
	v22 =	vld [tilespmem:s24+$0xFFFFFF50]  }
0x43d: {  	v50 =	vld [tilespmem:$0x1FFE0]  }
0x43e: {  	v7 =	vadd.f32 v53, v44;
	_ =	sdelay $0x1  }
0x43f: {  	v18 =	vld [tilespmem:$0x1FF50];
	v13 =	vperm.xlane v7, v16  }
0x440: {  	[tilespmem:$0x1FB50] =	vst v22  }
0x441: {  	v3 =	vadd.f32 v3, v43;
	v10 =	vperm.xlane v1, v50;
	v7 =	vadd.f32 v7, v13;
	v13 =	vld [tilespmem:s24+$0xFFFFFFD0];
	_ =	sdelay $0x1  }
0x442: {  	v47 =	vmul.f32 $2.000000030e-01, v3;
	v1 =	vadd.f32 v1, v10  }
0x443: {  	v2 =	vmul.f32 v2, v18;
	v53 =	vmul.f32 $2.000000030e-01, v8;
	v44 =	vadd.f32 v11, v17;
	v17 =	vld [tilespmem:$0x1FF60]  }
0x444: {  	v19 =	vld [tilespmem:$0x1FF70];
	v3 =	vmax.f32 v3, v47;
	v47 =	vperm.xlane v1, v16  }
0x445: {  	v2 =	vadd.f32 v2, v4;
	v4 =	vmax.f32 v8, v53;
	v53 =	vld [tilespmem:s29+$0xFFFFFF50];
	[tilespmem:$0x1FB90] =	vst v13  }
0x446: {  	v1 =	vadd.f32 v1, v47;
	v47 =	vld [tilespmem:s24+$0xFFFFFF60]  }
0x447: {  	v20 =	vld [tilespmem:$0x1FF80]  }
0x448: {  	v3 =	vmul.f32 v3, v17  }
0x449: {  	v8 =	vmul.f32 $2.000000030e-01, v44  }
0x44a: {  	v2 =	vadd.f32 v3, v2;
	v3 =	vmul.f32 v4, v19  }
0x44b: {  	v4 =	vmax.f32 v44, v8;
	v10 =	vld [tilespmem:s29+$0xFFFFFFD0];
	[tilespmem:$0x1FB60] =	vst v47  }
0x44c: {  	v2 =	vadd.f32 v3, v2;
	v3 =	vmul.f32 v4, v20;
	v4 =	vadd.f32 v6, v21;
	v21 =	vld [tilespmem:s24+$0xFFFFFFE0]  }
0x44d: {  	v9 =	vadd.f32 v12, v45;
	_ =	sdelay $0x1  }
0x44e: {  	v8 =	vmul.f32 $2.000000030e-01, v9  }
0x44f: {  	v44 =	vld [tilespmem:$0x1FF10]  }
0x450: {  	v6 =	vmax.f32 v9, v8;
	v8 =	vld [tilespmem:s29+$0xFFFFFF60];
	[tilespmem:$0x1FBA0] =	vst v21  }
0x451: {  	v5 =	vadd.f32 v5, v14;
	v14 =	vld [tilespmem:s24+$0xFFFFFF70];
	_ =	sdelay $0x2  }
0x452: {  	v7 =	vmul.f32 $1.442695020e+00, v7  }
0x453: {  	v2 =	vadd.f32 v3, v2;
	v3 =	vmul.f32 v6, v44;
	v6 =	vmul.f32 $2.000000030e-01, v4  }
0x454: {  	(erf) = vpow2.f32 v7;
	v1 =	vmul.f32 $1.442695020e+00, v1;
	v9 =	vld [tilespmem:s29+$0xFFFFFFE0];
	[tilespmem:$0x1FB70] =	vst v14  }
0x455: {  	v7 =	vadd.f32 v53, v22;
	v22 =	vmax.f32 v4, v6;
	v4 =	vadd.f32 v10, v13;
	v13 =	vld [tilespmem:s24+$0xFFFFFFF0]  }
0x456: {  	(erf) = vpow2.f32 v1  }
0x457: {  	v1 =	vadd.f32 v3, v2;
	v2 =	vmul.f32 v22, v57;
	v22 =	vmul.f32 $2.000000030e-01, v4;
	_ =	sdelay $0x1  }
0x458: {  	v4 =	vmax.f32 v4, v22;
	v22 =	vld [tilespmem:$0x1FFD0]  }
0x459: {  	v53 =	vmul.f32 $2.000000030e-01, v5;
	v6 =	vld [tilespmem:s29+$0xFFFFFF70];
	[tilespmem:$0x1FBB0] =	vst v13  }
0x45a: {  	v3 =	vmul.f32 $2.000000030e-01, v7;
	v9 =	vadd.f32 v9, v21;
	v21 =	vld [tilespmem:s24+$0x0]  }
0x45b: {  	v5 =	vmax.f32 v5, v53;
	v53 =	vperm.xlane v1, v15  }
0x45c: {  	v2 =	vadd.f32 $0.0e+00, v2;
	v3 =	vmax.f32 v7, v3;
	v8 =	vadd.f32 v8, v47  }
0x45d: {  	v5 =	vmul.f32 v5, v57;
	v1 =	vadd.f32 v1, v53;
	v3 =	vmul.f32 v3, v49;
	v7 =	vld [tilespmem:s29+$0xFFFFFFF0]  }
0x45e: {  	v10 =	vmul.f32 $2.000000030e-01, v8;
	v53 =	vld [tilespmem:s24+$0xFFFFFF80]  }
0x45f: {  	v3 =	vadd.f32 v3, v2;
	v2 =	vadd.f32 $0.0e+00, v5;
	v47 =	vperm.xlane v1, v22;
	v11 =	vld [tilespmem:s29+$0xFFFFFF80];
	[tilespmem:$0x1FBC0] =	vst v21  }
0x460: {  	v4 =	vmul.f32 v4, v49;
	v5 =	vadd.f32 v6, v14;
	v6 =	vmax.f32 v8, v10;
	v8 =	vld [tilespmem:s24+$0xFFFFFF90]  }
0x461: {  	v1 =	vadd.f32 v1, v47;
	v47 =	vmul.f32 $2.000000030e-01, v9;
	v12 =	vld [tilespmem:s29+$0xFFFFFF90]  }
0x462: {  	v4 =	vadd.f32 v4, v2;
	v14 =	vmul.f32 $2.000000030e-01, v5;
	v7 =	vadd.f32 v7, v13;
	v13 =	vld [tilespmem:s29+$0x0]  }
0x463: {  	v9 =	vmax.f32 v9, v47;
	v47 =	vperm.xlane v1, v50;
	v6 =	vmul.f32 v6, v46;
	v2 =	vld [tilespmem:s24+$0xFFFFFFA0]  }
0x464: {  	v9 =	vmul.f32 v9, v46;
	v5 =	vmax.f32 v5, v14;
	v11 =	vadd.f32 v11, v53;
	v14 =	vld [tilespmem:s29+$0xFFFFFFA0]  }
0x465: {  	v10 =	vadd.f32 v1, v47;
	v3 =	vadd.f32 v6, v3;
	v5 =	vmul.f32 v5, v18;
	v1 =	vld [tilespmem:s24+$0xFFFFFFB0]  }
0x466: {  	v4 =	vadd.f32 v9, v4;
	[tilespmem:v0+s11+$0x0] =	vst.idx.add.f32.msk $0x1, v52;
	v6 =	vmul.f32 $2.000000030e-01, v7;
	v9 =	vmul.f32 $2.000000030e-01, v11  }
0x467: {  	v3 =	vadd.f32 v5, v3;
	v5 =	vadd.f32 v13, v21;
	v21 =	vld [tilespmem:$0x1FBF0]  }
0x468: {  	v0 =	vld [tilespmem:s24+$0x10];
	v6 =	vmax.f32 v7, v6;
	v9 =	vmax.f32 v11, v9;
	v7 =	vadd.f32 v12, v8  }
0x469: {  	v9 =	vmul.f32 v9, v17;
	v12 =	vld [tilespmem:s29+$0xFFFFFFB0]  }
0x46a: {  	v11 =	vadd.f32 v14, v2;
	v14 =	vld [tilespmem:s29+$0x10];
	v52 =	vmul.f32 $2.000000030e-01, v7  }
0x46b: {  	v6 =	vmul.f32 v6, v18;
	v3 =	vadd.f32 v9, v3;
	v9 =	vld [tilespmem:s29+$0x20]  }
0x46c: {  	v7 =	vmax.f32 v7, v52;
	v52 =	vmul.f32 $2.000000030e-01, v5;
	[tilespmem:v51+s11+$0x0] =	vst.idx.add.f32.msk $0x1, v21;
	v51 =	vmul.f32 $2.000000030e-01, v11  }
0x46d: {  	v4 =	vadd.f32 v6, v4;
	v21 =	vld [tilespmem:s24+$0x20];
	v7 =	vmul.f32 v7, v19  }
0x46e: {  	[tilespmem:s21+$0xFFFFFF90] =	vst v54;
	v12 =	vadd.f32 v12, v1;
	v5 =	vmax.f32 v5, v52;
	v52 =	vld [tilespmem:s29+$0x30];
	v6 =	vmax.f32 v11, v51  }
0x46f: {  	[tilespmem:s21+$0xFFFFFFA0] =	vst v55;
	v51 =	vld [tilespmem:s24+$0x30];
	v3 =	vadd.f32 v7, v3;
	v7 =	vadd.f32 v14, v0;
	v6 =	vmul.f32 v6, v20  }
0x470: {  	[tilespmem:s21+$0xFFFFFFB0] =	vst v59;
	v11 =	vmul.f32 $2.000000030e-01, v12  }
0x471: {  	[tilespmem:s21+$0xFFFFFFC0] =	vst v61;
	v5 =	vmul.f32 v5, v17;
	v3 =	vadd.f32 v6, v3;
	v6 =	vmul.f32 $2.000000030e-01, v7  }
0x472: {  	v47 =	vmov v15;
	v15 =	vperm.xlane v10, v16;
	[tilespmem:s21+$0xFFFFFFD0] =	vst v63;
	v9 =	vadd.f32 v9, v21  }
0x473: {  	[tilespmem:s21+$0xFFFFFFE0] =	vst v62;
	v11 =	vmax.f32 v12, v11;
	v4 =	vadd.f32 v5, v4;
	v6 =	vmax.f32 v7, v6  }
0x474: {  	[tilespmem:s21+$0xFFFFFFF0] =	vst v56;
	v7 =	vadd.f32 v52, v51;
	v5 =	vmul.f32 v6, v19;
	v6 =	vmul.f32 $2.000000030e-01, v9  }
0x475: {  	v10 =	vadd.f32 v10, v15;
	[tilespmem:s21+$0x0] =	vst v58;
	v11 =	vmul.f32 v11, v44  }
0x476: {  	v61 =	vld [tilespmem:$0x1FBD0];
	[tilespmem:s21+$0x10] =	vst v60;
	v4 =	vadd.f32 v5, v4;
	v5 =	vmax.f32 v9, v6;
	v6 =	vmul.f32 $2.000000030e-01, v7  }
0x477: {  	v10 =	vmul.f32 $1.442695020e+00, v10;
	v62 =	vld [tilespmem:$0x1FC00]  }
0x478: {  	v3 =	vadd.f32 v11, v3;
	v6 =	vmax.f32 v7, v6;
	v7 =	vld [tilespmem:$0x1FBE0]  }
0x479: {  	(erf) = vpow2.f32 v10  }
0x47a: {  	v55 =	vperm.xlane v3, v47  }
0x47b: {  	v59 =	vpop (erf)  }
0x47c: {  	v10 =	vmul.f32 v59, v62;
	v3 =	vadd.f32 v3, v55;
	v5 =	vmul.f32 v5, v20  }
0x47d: {  	v9 =	vmul.f32 v29, v61;
	v7 =	vmul.f32 v29, v7  }
0x47e: {  	v4 =	vadd.f32 v5, v4;
	v5 =	vmul.f32 v6, v44;
	v6 =	vperm.xlane v3, v22  }
0x47f: {  	[tilespmem:s21+$0x20] =	vst v9  }
0x480: {  	v63 =	vmul.f32 v59, v24;
	[tilespmem:s23+$0xFFFFFF40] =	vst v10  }
0x481: {  	v4 =	vadd.f32 v5, v4;
	v5 =	vmul.f32 v59, v25;
	[tilespmem:s21+$0x30] =	vst v7;
	v7 =	vpop (erf)  }
0x482: {  	v12 =	vmul.f32 v59, v26;
	[tilespmem:s23+$0xFFFFFF50] =	vst v63;
	v3 =	vadd.f32 v3, v6;
	v6 =	vpop (erf)  }
0x483: {  	[tilespmem:s23+$0xFFFFFF60] =	vst v5;
	v5 =	vperm.xlane v4, v47;
	v13 =	vmul.f32 v6, v38  }
0x484: {  	[tilespmem:s23+$0xFFFFFF70] =	vst v12;
	v15 =	vmul.f32 v6, v40  }
0x485: {  	v4 =	vadd.f32 v4, v5;
	v5 =	vmul.f32 v6, v41;
	[tilespmem:s24+$0x40] =	vst v13  }
0x486: {  	v24 =	vmul.f32 v6, v48;
	[tilespmem:s24+$0x50] =	vst v15  }
0x487: {  	v25 =	vmul.f32 v6, v43;
	[tilespmem:s24+$0x60] =	vst v5  }
0x488: {  	v14 =	vperm.xlane v3, v50;
	v5 =	vperm.xlane v4, v22;
	[tilespmem:s24+$0x70] =	vst v24  }
0x489: {  	v9 =	vld [tilespmem:$0x1FB20];
	[tilespmem:s24+$0x80] =	vst v25  }
0x48a: {  	v3 =	vadd.f32 v3, v14;
	v4 =	vadd.f32 v4, v5;
	v5 =	vld [tilespmem:$0x1FB30];
	_ =	sdelay $0x1  }
0x48b: {  	v11 =	vperm.xlane v3, v16  }
0x48c: {  	v26 =	vmul.f32 v59, v28;
	v28 =	vmul.f32 v6, v45  }
0x48d: {  	v3 =	vadd.f32 v3, v11  }
0x48e: {  	[tilespmem:s24+$0xB0] =	vst v28;
	v5 =	vmul.f32 v6, v5  }
0x48f: {  	v30 =	vmul.f32 v59, v30;
	v3 =	vmul.f32 $1.442695020e+00, v3;
	[tilespmem:s23+$0xFFFFFF80] =	vst v26  }
0x490: {  	v9 =	vmul.f32 v6, v9;
	[tilespmem:s24+$0xA0] =	vst v5;
	v5 =	vperm.xlane v4, v50  }
0x491: {  	(erf) = vpow2.f32 v3;
	v3 =	vmul.f32 v59, v32;
	[tilespmem:s23+$0xFFFFFF90] =	vst v30  }
0x492: {  	[tilespmem:s24+$0x90] =	vst v9;
	v4 =	vadd.f32 v4, v5;
	v5 =	vmul.f32 v59, v42  }
0x493: {  	v9 =	vld [tilespmem:$0x1FC10];
	[tilespmem:s23+$0xFFFFFFA0] =	vst v3  }
0x494: {  	[tilespmem:s23+$0xFFFFFFB0] =	vst v5  }
0x495: {  	v5 =	vld [tilespmem:$0x1FC20];
	_ =	sdelay $0x1  }
0x496: {  	v3 =	vperm.xlane v4, v16  }
0x497: {  	v9 =	vmul.f32 v7, v9  }
0x498: {  	v3 =	vadd.f32 v4, v3;
	v4 =	vmul.f32 v7, v31  }
0x499: {  	[tilespmem:s23+$0xFFFFFFC0] =	vst v9;
	v5 =	vmul.f32 v7, v5  }
0x49a: {  	[tilespmem:s23+$0xFFFFFFE0] =	vst v4;
	v4 =	vmul.f32 v7, v34;
	v3 =	vmul.f32 $1.442695020e+00, v3  }
0x49b: {  	[tilespmem:s23+$0xFFFFFFD0] =	vst v5;
	v5 =	vmul.f32 v7, v33  }
0x49c: {  	[tilespmem:s23+$0x0] =	vst v4;
	(erf) = vpow2.f32 v3;
	v3 =	vmul.f32 v7, v37  }
0x49d: {  	[tilespmem:s23+$0xFFFFFFF0] =	vst v5;
	v5 =	vmul.f32 v7, v35  }
0x49e: {  	v4 =	vmul.f32 v7, v36;
	[tilespmem:s23+$0x20] =	vst v3  }
0x49f: {  	[tilespmem:s23+$0x10] =	vst v5  }
0x4a0: {  	v3 =	vld [tilespmem:$0x1FB40];
	[tilespmem:s23+$0x30] =	vst v4  }
0x4a1: {  	v4 =	vld [tilespmem:$0x1FB50];
	_ =	sdelay $0x2  }
0x4a2: {  	v5 =	vpop (erf)  }
0x4a3: {  	v3 =	vmul.f32 v5, v3  }
0x4a4: {  	v4 =	vmul.f32 v5, v4  }
0x4a5: {  	[tilespmem:s24+$0xFFFFFF40] =	vst v3  }
0x4a6: {  	v3 =	vld [tilespmem:$0x1FB60];
	[tilespmem:s24+$0xFFFFFF50] =	vst v4  }
0x4a7: {  	v4 =	vld [tilespmem:$0x1FB70];
	_ =	sdelay $0x2  }
0x4a8: {  	v2 =	vmul.f32 v5, v2  }
0x4a9: {  	v3 =	vmul.f32 v5, v3  }
0x4aa: {  	[tilespmem:s24+$0xFFFFFFA0] =	vst v2;
	v4 =	vmul.f32 v5, v4  }
0x4ab: {  	[tilespmem:s24+$0xFFFFFF60] =	vst v3;
	v3 =	vmul.f32 v5, v53  }
0x4ac: {  	[tilespmem:s24+$0xFFFFFF70] =	vst v4;
	v4 =	vmul.f32 v5, v8  }
0x4ad: {  	v1 =	vmul.f32 v5, v1;
	[tilespmem:s24+$0xFFFFFF80] =	vst v3  }
0x4ae: {  	[tilespmem:s24+$0xFFFFFF90] =	vst v4  }
0x4af: {  	v8 =	vld [tilespmem:$0x1FB80];
	[tilespmem:s24+$0xFFFFFFB0] =	vst v1  }
0x4b0: {  	v9 =	vld [tilespmem:$0x1FB90];
	_ =	sdelay $0x2  }
0x4b1: {  	v4 =	vpop (erf)  }
0x4b2: {  	v8 =	vmul.f32 v4, v8  }
0x4b3: {  	v35 =	vmov s28;
	v9 =	vmul.f32 v4, v9  }
0x4b4: {  	s28 =	sadd.s32 $0x1, s28;
	[tilespmem:s24+$0xFFFFFFC0] =	vst v8;
	v8 =	vmov s25  }
0x4b5: {  	s9 =	sadd.s32 $0x2, s26;
	v36 =	vmov s28;
	v10 =	vld [tilespmem:$0x1FBA0];
	[tilespmem:s24+$0xFFFFFFD0] =	vst v9  }
0x4b6: {  	s29 =	sadd.s32 $0x1, s25;
	v3 =	vmov s9;
	v38 =	vld [tilespmem:$0x1FBB0]  }
0x4b7: {  	v37 =	vmov s29;
	v0 =	vmul.f32 v4, v0;
	v40 =	vld [tilespmem:$0x1FBC0]  }
0x4b8: {  	v2 =	vld.idx.msk [tilespmem:v35+s13+$0x0], $0xffff;
	v43 =	vmul.f32 v4, v21  }
0x4b9: {  	s30 =	sadd.s32 $0x1, s26;
	v41 =	vmov s26;
	[tilespmem:s24+$0x10] =	vst v0;
	v45 =	vld.idx.msk [tilespmem:v8+s13+$0x0], $0xffff;
	v8 =	vmul.f32 v4, v51  }
0x4ba: {  	v42 =	vmov s30;
	v1 =	vld.idx.msk [tilespmem:v36+s13+$0x0], $0xffff;
	[tilespmem:s24+$0x20] =	vst v43;
	v10 =	vmul.f32 v4, v10  }
0x4bb: {  	v3 =	vld.idx.msk [tilespmem:v3+s13+$0x0], $0xffff;
	v11 =	vmul.f32 v4, v38;
	[tilespmem:s24+$0x30] =	vst v8  }
0x4bc: {  	v9 =	vld.idx.msk [tilespmem:v37+s13+$0x0], $0xffff;
	v12 =	vmul.f32 v4, v40;
	[tilespmem:s24+$0xFFFFFFE0] =	vst v10  }
0x4bd: {  	[tilespmem:s24+$0xFFFFFFF0] =	vst v11  }
0x4be: {  	v8 =	vld.idx.msk [tilespmem:v41+s13+$0x0], $0xffff;
	[tilespmem:s24+$0x0] =	vst v12  }
0x4bf: {  	v48 =	vld.idx.msk [tilespmem:v42+s13+$0x0], $0xffff  }
0x4c0: {  	[tilespmem:v39+s11+$0x0] =	vst.idx.add.f32.msk $0x1, v23  }
0x4c1: {  	[tilespmem:v2+s11+$0x0] =	vst.idx.add.f32.msk $0x1, v27  }
0x4c2: {  	[tilespmem:v1+s11+$0x0] =	vst.idx.add.f32.msk $0x1, v29  }
0x4c3: {  	[tilespmem:v3+s11+$0x0] =	vst.idx.add.f32.msk $0x1, v6  }
0x4c4: {  	[tilespmem:v9+s11+$0x0] =	vst.idx.add.f32.msk $0x1, v7  }
0x4c5: {  	[tilespmem:v45+s11+$0x0] =	vst.idx.add.f32.msk $0x1, v59  }
0x4c6: {  	[tilespmem:v8+s11+$0x0] =	vst.idx.add.f32.msk $0x1, v5  }
0x4c7: {  	[tilespmem:v48+s11+$0x0] =	vst.idx.add.f32.msk $0x1, v4  }
0x4c8: {  	v0 =	vld [tilespmem:$0x4180]  }
0x4c9: {  	v1 =	vld [tilespmem:$0x8180]  }
0x4ca: {  	v2 =	vld [tilespmem:$0x4190]  }
0x4cb: {  	v3 =	vld [tilespmem:$0x8190]  }
0x4cc: {  	v4 =	vld [tilespmem:$0x41A0]  }
0x4cd: {  	v5 =	vld [tilespmem:$0x81A0]  }
0x4ce: {  	v6 =	vld [tilespmem:$0x41B0];
	v1 =	vadd.f32 v1, v0  }
0x4cf: {  	v7 =	vld [tilespmem:$0x81B0]  }
0x4d0: {  	v9 =	vld [tilespmem:$0x41C0];
	v3 =	vadd.f32 v3, v2;
	v8 =	vmul.f32 $2.000000030e-01, v1  }
0x4d1: {  	v10 =	vld [tilespmem:$0x81C0]  }
0x4d2: {  	v51 =	vld [tilespmem:$0x41D0];
	v5 =	vadd.f32 v5, v4;
	v1 =	vmax.f32 v1, v8;
	v8 =	vmul.f32 $2.000000030e-01, v3  }
0x4d3: {  	v12 =	vld [tilespmem:$0x81D0];
	v1 =	vmul.f32 v1, v57  }
0x4d4: {  	v52 =	vld [tilespmem:$0x41E0];
	v7 =	vadd.f32 v7, v6;
	v3 =	vmax.f32 v3, v8;
	v8 =	vmul.f32 $2.000000030e-01, v5  }
0x4d5: {  	v53 =	vld [tilespmem:$0x81E0];
	v1 =	vadd.f32 $0.0e+00, v1;
	v3 =	vmul.f32 v3, v49  }
0x4d6: {  	v54 =	vld [tilespmem:$0x41F0];
	v10 =	vadd.f32 v10, v9;
	v5 =	vmax.f32 v5, v8;
	v8 =	vmul.f32 $2.000000030e-01, v7  }
0x4d7: {  	v1 =	vadd.f32 v3, v1;
	v3 =	vmul.f32 v5, v46;
	v5 =	vld [tilespmem:$0x81F0]  }
0x4d8: {  	v12 =	vadd.f32 v12, v51;
	v7 =	vmax.f32 v7, v8;
	v8 =	vmul.f32 $2.000000030e-01, v10  }
0x4d9: {  	v1 =	vadd.f32 v3, v1;
	v3 =	vmul.f32 v7, v18  }
0x4da: {  	v55 =	vadd.f32 v53, v52;
	v7 =	vmax.f32 v10, v8;
	v8 =	vmul.f32 $2.000000030e-01, v12  }
0x4db: {  	v1 =	vadd.f32 v3, v1;
	v3 =	vmul.f32 v7, v17  }
0x4dc: {  	v7 =	vmax.f32 v12, v8;
	v8 =	vmul.f32 $2.000000030e-01, v55;
	v5 =	vadd.f32 v5, v54  }
0x4dd: {  	v1 =	vadd.f32 v3, v1;
	v3 =	vmul.f32 v7, v19  }
0x4de: {  	v7 =	vmax.f32 v55, v8;
	v8 =	vmul.f32 $2.000000030e-01, v5  }
0x4df: {  	v1 =	vadd.f32 v3, v1;
	v3 =	vmul.f32 v7, v20  }
0x4e0: {  	v5 =	vmax.f32 v5, v8  }
0x4e1: {  	v1 =	vadd.f32 v3, v1;
	v3 =	vmul.f32 v5, v44;
	_ =	sdelay $0x1  }
0x4e2: {  	v1 =	vadd.f32 v3, v1;
	_ =	sdelay $0x1  }
0x4e3: {  	v3 =	vperm.xlane v1, v47;
	_ =	sdelay $0x1  }
0x4e4: {  	v1 =	vadd.f32 v1, v3;
	v3 =	vld [tilespmem:$0x1FFA0];
	_ =	sdelay $0x4  }
0x4e5: {  	v3 =	vperm.xlane v1, v3;
	_ =	sdelay $0x1  }
0x4e6: {  	v1 =	vadd.f32 v1, v3;
	v3 =	vld [tilespmem:$0x1FFB0];
	_ =	sdelay $0x4  }
0x4e7: {  	v3 =	vperm.xlane v1, v3;
	_ =	sdelay $0x1  }
0x4e8: {  	v1 =	vadd.f32 v1, v3;
	v3 =	vld [tilespmem:$0x1FFC0];
	_ =	sdelay $0x4  }
0x4e9: {  	v3 =	vperm.xlane v1, v3;
	_ =	sdelay $0x1  }
0x4ea: {  	v1 =	vadd.f32 v1, v3;
	_ =	sdelay $0x1  }
0x4eb: {  	v1 =	vmul.f32 $1.442695020e+00, v1;
	_ =	sdelay $0x1  }
0x4ec: {  	(erf) = vpow2.f32 v1;
	_ =	sdelay $0x8  }
0x4ed: {  	v1 =	vpop (erf)  }
0x4ee: {  	v0 =	vmul.f32 v1, v0  }
0x4ef: {  	v2 =	vmul.f32 v1, v2  }
0x4f0: {  	v56 =	vmul.f32 v1, v4;
	[tilespmem:$0x4180] =	vst v0  }
0x4f1: {  	v58 =	vmul.f32 v1, v6;
	[tilespmem:$0x4190] =	vst v2  }
0x4f2: {  	v59 =	vmul.f32 v1, v9;
	[tilespmem:$0x41A0] =	vst v56  }
0x4f3: {  	v63 =	vimm.s32 $0x3F;
	v60 =	vmul.f32 v1, v51;
	[tilespmem:$0x41B0] =	vst v58  }
0x4f4: {  	v61 =	vmul.f32 v1, v52;
	[tilespmem:$0x41C0] =	vst v59  }
0x4f5: {  	v62 =	vmul.f32 v1, v54;
	[tilespmem:$0x41D0] =	vst v60  }
0x4f6: {  	[tilespmem:$0x41E0] =	vst v61  }
0x4f7: {  	[tilespmem:$0x41F0] =	vst v62  }
0x4f8: {  	v0 =	vld.idx.msk [tilespmem:v63+s13+$0x0], $0xffff;
	_ =	sdelay $0x4  }
.Ltmp10:
0x4f9: {  	_ = 	snop;
	(pc) =	sbr.rel .LBB2_14-.Ltmp10, $4  }
0x4fa: {  	_ = 	snop  }
0x4fb: {  	v32 =	vmov v19  }
0x4fc: {  	v34 =	vmovc v20;
	v35 =	vmovc v49;
	v38 =	vmov v22;
	v53 =	vmov v50;
	v5 =	vmov v44;
	[tilespmem:v0+s11+$0x0] =	vst.idx.add.f32.msk $0x1, v1  }
0x4fd: {  	v6 =	vimm.f32 $0.0e+00;
	v51 =	vmovc v16;
	v59 =	vmovc v46;
	v58 =	vmov v18;
	v46 =	vmov v17;
	[spmem:s4] =	stream.indirect.scatter.add.f32 [tilespmem:s14], [sflag:$0x4], $0x80, s13, s0, $0xb8;
	[tilespmem:$0x1EA80] =	vst v63  }
.LBB2_16:
0x4fe: {  	_ =	sfence.sel $0x180000  }
0x4ff: {  	[bflag:$0x0] =	sbarrier.arrive $0xFFFF  }
0x500: {  	_ =	strace $0x90000047  }
0x501: {  	s0 =	stileid.u32;
	[bflag:$0x2] =	sbarrier.arrive $0xFFFF  }
0x502: {  	p0 =	sne.s32 s0, $0x0;
	s0 =	rddreg [dreg:$0x4]  }
0x503: {  	s0 =	sadd.s32 @!p0 $0x100000, s0  }
0x504: {  	[sflag:s0] =	ssyncadd.tile.s32 @!p0 $0x1;
	_ =	shalt  }
.Lfunc_end2:
_tile_overlayer_lowered:
.L_overlay_start_2:
0x505: {  	(tag) =	ssettag $0x2  }
0x506: {  	s0 =	rddreg [dreg:$0x0];
	s2 =	stileid.u32  }
0x507: {  	s1 =	rddreg [dreg:$0x1];
	p0 =	sne.s32 s2, $0x0  }
0x508: {  	s3 =	rddreg [dreg:$0x2];
	[bflag:$0x3] =	sbarrier.arrive $0xFFFF;
	s2 =	simm.s32 @!p0 $0x1C05  }
0x509: {  	[timem:s3], [sflag:s2] =	dma.local @!p0 [hbm:s0], s1  }
0x50a: {  	s0 =	simm.s32 @!p0 $0x5  }
0x50b: {  	_ =	swait.ge @!p0 [sflag:s0], s1  }
0x50c: {  	s1 =	ssub.s32 @!p0 $0x0, s1;
	[sflag:s0] =	ssyncset.done @!p0 $0x0  }
0x50d: {  	[sflag:s0] =	ssyncadd.s32 @!p0 s1  }
0x50e: {  	[bflag:$0x3] =	sbarrier.arrive $0xFFFF  }
0x50f: {  	_ =	shalt  }

</sc_bundles>
